<compile_context>
chip_gen: v7x
topology: tpu7x:2x2x1
jax: 0.10.2.dev20260603
libtpu: 0.0.44.dev20260713+nightly
codegen_flags: <defaults>
</compile_context>

<pallas_src>
import functools

import jax
import jax.numpy as jnp
from jax import lax
from jax.experimental import pallas as pl
from jax.experimental.pallas import tpu as pltpu
from jax.experimental.pallas import tpu_sc as plsc

N = 10000
C = 128
H = C // 2
KNN = 32
NW = 32
NP = 10240
QPW = NP // NW
ROWS = NP * KNN
GCH = 64
NSLOT = 8
LEAD = 4
NCHT = ROWS // GCH
NSLICE = 4
EPS = 1e-5
SCALE = 1.0 / (C ** 0.5)


def _pack_bf16(x):
    lo = lax.bitcast_convert_type(x[:, :H], jnp.uint32) + jnp.uint32(0x8000)
    hi = lax.bitcast_convert_type(x[:, H:], jnp.uint32) + jnp.uint32(0x8000)
    return (hi & jnp.uint32(0xFFFF0000)) | (lo >> 16)


def _unpack_lo(w):
    return lax.bitcast_convert_type(w << 16, jnp.float32)


def _unpack_hi(w):
    return lax.bitcast_convert_type(w & jnp.uint32(0xFFFF0000), jnp.float32)


def _proj_body(q_ref, k_ref, v_ref, wq_ref, wk_ref, wv_ref, b_ref,
               qp_ref, kv_ref):
    bq = b_ref[0:1, :]
    bk = b_ref[1:2, :]
    bv = b_ref[2:3, :]
    qp_ref[...] = jnp.dot(q_ref[...], wq_ref[...],
                          preferred_element_type=jnp.float32) + bq
    kp = jnp.dot(k_ref[...], wk_ref[...],
                 preferred_element_type=jnp.float32) + bk
    vp = jnp.dot(v_ref[...], wv_ref[...],
                 preferred_element_type=jnp.float32) + bv
    kv_ref[:, :H] = _pack_bf16(kp)
    kv_ref[:, H:] = _pack_bf16(vp)


def _attn_body(qp_ref, kvg_ref, gb_ref, out_ref, *, bq):
    qb = qp_ref[...]
    kw = kvg_ref[:, :H]
    vw = kvg_ref[:, H:]
    kf = jnp.concatenate([_unpack_lo(kw), _unpack_hi(kw)], axis=1)
    vf = jnp.concatenate([_unpack_lo(vw), _unpack_hi(vw)], axis=1)
    prod = kf.reshape(bq, KNN, C) * qb[:, None, :]
    ones = jnp.full((C, C), SCALE, dtype=jnp.float32)
    srep = jnp.dot(prod.reshape(bq * KNN, C), ones,
                   preferred_element_type=jnp.float32)
    e = jnp.exp(srep.reshape(bq, KNN, C))
    tot = jnp.sum(e, axis=1)
    o = jnp.sum(e * vf.reshape(bq, KNN, C), axis=1)
    x = o / tot + qb
    mu = jnp.mean(x, axis=-1, keepdims=True)
    d = x - mu
    var = jnp.mean(d * d, axis=-1, keepdims=True)
    inv2 = jax.lax.rsqrt(var + EPS)
    gamma = gb_ref[0:1, :]
    beta = gb_ref[1:2, :]
    out_ref[...] = d * inv2 * gamma + beta


def _sc_gather(kv_hbm, idx_hbm, kvg_hbm, idx_t,
               kb0, kb1, kb2, kb3, kb4, kb5, kb6, kb7,
               sg0, sg1, sg2, sg3, sg4, sg5, sg6, sg7,
               sw0, sw1, sw2, sw3, sw4, sw5, sw6, sw7, *, nchw):
    bufs = (kb0, kb1, kb2, kb3, kb4, kb5, kb6, kb7)
    sgs = (sg0, sg1, sg2, sg3, sg4, sg5, sg6, sg7)
    sws = (sw0, sw1, sw2, sw3, sw4, sw5, sw6, sw7)
    wid = lax.axis_index("s") * 2 + lax.axis_index("c")
    chunk_base = wid * nchw

    pltpu.sync_copy(idx_hbm.at[pl.ds(chunk_base, nchw)], idx_t)

    def start_gather(t, s):
        return pltpu.async_copy(kv_hbm.at[idx_t.at[t]], bufs[s], sgs[s])

    def drain_gather(s):
        pltpu.make_async_copy(kv_hbm.at[idx_t.at[0]], bufs[s], sgs[s]).wait()

    def drain_write(s):
        pltpu.make_async_copy(
            bufs[s], kvg_hbm.at[pl.ds(chunk_base * GCH, GCH)], sws[s]).wait()

    for s in range(LEAD):
        start_gather(s, s)

    @pl.loop(0, nchw // NSLOT)
    def _(j):
        c0 = j * NSLOT
        for cc in range(NSLOT):
            c = c0 + cc
            drain_gather(cc)
            pltpu.async_copy(
                bufs[cc],
                kvg_hbm.at[pl.ds((chunk_base + c) * GCH, GCH)], sws[cc])
            t = c + LEAD
            s2 = (cc + LEAD) % NSLOT

            @pl.when(t < nchw)
            def _():
                @pl.when(t >= NSLOT)
                def _():
                    drain_write(s2)
                start_gather(t, s2)

    for s in range(NSLOT):
        drain_write(s)


def kernel(Q, K, V, knn_idx, Wq, bq, Wk, bk, Wv, bv, gamma, beta):
    f32 = jnp.float32
    q2 = jnp.pad(Q[0], ((0, NP - N), (0, 0)))
    k2 = K[0]
    v2 = V[0]
    pad_idx = (jnp.arange((NP - N) * KNN, dtype=jnp.int32) * 37) % N
    idx = jnp.concatenate(
        [knn_idx.astype(jnp.int32).reshape(-1), pad_idx])
    biases = jnp.stack([bq, bk, bv], axis=0)
    gb = jnp.stack([gamma, beta], axis=0)

    pb = 1024
    kb_blk = 1000
    grid = NP // pb
    qp, kv = pl.pallas_call(
        _proj_body,
        grid=(grid,),
        in_specs=[
            pl.BlockSpec((pb, C), lambda i: (i, 0)),
            pl.BlockSpec((kb_blk, C), lambda i: (i, 0)),
            pl.BlockSpec((kb_blk, C), lambda i: (i, 0)),
            pl.BlockSpec((C, C), lambda i: (0, 0)),
            pl.BlockSpec((C, C), lambda i: (0, 0)),
            pl.BlockSpec((C, C), lambda i: (0, 0)),
            pl.BlockSpec((3, C), lambda i: (0, 0)),
        ],
        out_specs=[
            pl.BlockSpec((pb, C), lambda i: (i, 0)),
            pl.BlockSpec((kb_blk, C), lambda i: (i, 0)),
        ],
        out_shape=[jax.ShapeDtypeStruct((NP, C), f32),
                   jax.ShapeDtypeStruct((N, C), jnp.uint32)],
    )(q2, k2, v2, Wq.T, Wk.T, Wv.T, biases)

    mesh = plsc.VectorSubcoreMesh(core_axis_name="c", subcore_axis_name="s")
    qps = NP // NSLICE
    rps = qps * KNN
    cps = rps // GCH
    nchw = cps // NW
    scratch = ([pltpu.VMEM((nchw, GCH), jnp.int32)]
               + [pltpu.VMEM((GCH, C), jnp.uint32)] * NSLOT
               + [pltpu.SemaphoreType.DMA] * (2 * NSLOT))
    gather_fn = functools.partial(
        pl.kernel,
        out_type=jax.ShapeDtypeStruct((rps, C), jnp.uint32),
        mesh=mesh,
        scratch_types=scratch,
    )(functools.partial(_sc_gather, nchw=nchw))
    idx3 = idx.reshape(NSLICE, cps, GCH)

    bq_blk = 256
    grid2 = qps // bq_blk

    def attn_fn(s, kvg_s):
        return pl.pallas_call(
            functools.partial(_attn_body, bq=bq_blk),
            grid=(grid2,),
            in_specs=[
                pl.BlockSpec((bq_blk, C), lambda i: (i + s * grid2, 0)),
                pl.BlockSpec((bq_blk * KNN, C), lambda i: (i, 0)),
                pl.BlockSpec((2, C), lambda i: (0, 0)),
            ],
            out_specs=pl.BlockSpec((bq_blk, C), lambda i: (i, 0)),
            out_shape=jax.ShapeDtypeStruct((qps, C), f32),
        )(qp, kvg_s, gb)

    kvgs = [gather_fn(kv, idx3[s]) for s in range(NSLICE)]
    outs = [attn_fn(s, kvgs[s]) for s in range(NSLICE)]
    out = jnp.concatenate(outs, axis=0)
    return out[:N].reshape(1, N, C)

# --- scband reference (transcript-rebuilt; emitter-appended) ---
"""Pipeline reference for scband-knngraph-cross-attention-9079560864224 (READ-ONLY COPY).

The authoritative reference and input builder live on the scoring server;
editing this copy changes nothing except your own understanding.
"""

import jax, jax.numpy as jnp
import numpy as np

BS, N, C, KNN = 1, 10000, 128, 32


def layer_norm(x, gamma, beta, eps=1e-5):
    mu = jnp.mean(x, axis=-1, keepdims=True)
    var = jnp.mean((x - mu) ** 2, axis=-1, keepdims=True)
    return (x - mu) / jnp.sqrt(var + eps) * gamma + beta


def setup_inputs(seed: int = 0) -> dict:
    key = jax.random.key(seed)
    ks = jax.random.split(key, 12)
    Q = jax.random.normal(ks[0], (BS, N, C), dtype=jnp.float32)
    K = jax.random.normal(ks[1], (BS, N, C), dtype=jnp.float32)
    V = jax.random.normal(ks[2], (BS, N, C), dtype=jnp.float32)
    knn_idx = jax.random.randint(ks[3], (N, KNN), 0, N, dtype=jnp.int32)
    s = 1.0 / np.sqrt(C)
    Wq = jax.random.normal(ks[4], (C, C), dtype=jnp.float32) * s
    bq = jnp.zeros((C,), dtype=jnp.float32)
    Wk = jax.random.normal(ks[5], (C, C), dtype=jnp.float32) * s
    bk = jnp.zeros((C,), dtype=jnp.float32)
    Wv = jax.random.normal(ks[6], (C, C), dtype=jnp.float32) * s
    bv = jnp.zeros((C,), dtype=jnp.float32)
    gamma = jnp.ones((C,), dtype=jnp.float32)
    beta = jnp.zeros((C,), dtype=jnp.float32)
    return {"Q": Q, "K": K, "V": V, "knn_idx": knn_idx, "Wq": Wq, "bq": bq,
            "Wk": Wk, "bk": bk, "Wv": Wv, "bv": bv, "gamma": gamma, "beta": beta}


def reference(Q, K, V, knn_idx, Wq, bq, Wk, bk, Wv, bv, gamma, beta):
    C_dim = Q.shape[-1]
    # Linear projections (torch nn.Linear: x @ W.T + b)
    Qp = jnp.dot(Q, Wq.T) + bq
    Kp = jnp.dot(K, Wk.T) + bk
    Vp = jnp.dot(V, Wv.T) + bv
    # kNN gather: (bs, N, k, C)
    K_knn = Kp[:, knn_idx, :]
    V_knn = Vp[:, knn_idx, :]
    # attention scores over k neighbors
    attn = jnp.sum(Qp[:, :, None, :] * K_knn, axis=-1) / (C_dim ** 0.5)
    attn = jax.nn.softmax(attn, axis=-1)
    out = jnp.sum(attn[..., None] * V_knn, axis=2)
    return layer_norm(out + Qp, gamma, beta)

if __name__ == "__main__":
    import jax
    _d = setup_inputs()
    print(jax.jit(kernel)(*tuple(_d.values())))

</pallas_src>

<mosaic_0001>
#map = affine_map<(d0, d1) -> (0, 0)>
module attributes {stable_mosaic.version = 14 : i64} {
  func.func @_sc_gather(%arg0: i32, %arg1: i32, %arg2: memref<10000x128xi32, #tpu.memory_space<hbm>>, %arg3: memref<1280x64xi32, #tpu.memory_space<hbm>>, %arg4: memref<81920x128xi32, #tpu.memory_space<hbm>>, %arg5: memref<40x64xi32, #tpu.memory_space<vmem>>, %arg6: memref<64x128xi32, #tpu.memory_space<vmem>>, %arg7: memref<64x128xi32, #tpu.memory_space<vmem>>, %arg8: memref<64x128xi32, #tpu.memory_space<vmem>>, %arg9: memref<64x128xi32, #tpu.memory_space<vmem>>, %arg10: memref<64x128xi32, #tpu.memory_space<vmem>>, %arg11: memref<64x128xi32, #tpu.memory_space<vmem>>, %arg12: memref<64x128xi32, #tpu.memory_space<vmem>>, %arg13: memref<64x128xi32, #tpu.memory_space<vmem>>, %arg14: memref<!tpu.dma_semaphore, #tpu.memory_space<semaphore_mem>>, %arg15: memref<!tpu.dma_semaphore, #tpu.memory_space<semaphore_mem>>, %arg16: memref<!tpu.dma_semaphore, #tpu.memory_space<semaphore_mem>>, %arg17: memref<!tpu.dma_semaphore, #tpu.memory_space<semaphore_mem>>, %arg18: memref<!tpu.dma_semaphore, #tpu.memory_space<semaphore_mem>>, %arg19: memref<!tpu.dma_semaphore, #tpu.memory_space<semaphore_mem>>, %arg20: memref<!tpu.dma_semaphore, #tpu.memory_space<semaphore_mem>>, %arg21: memref<!tpu.dma_semaphore, #tpu.memory_space<semaphore_mem>>, %arg22: memref<!tpu.dma_semaphore, #tpu.memory_space<semaphore_mem>>, %arg23: memref<!tpu.dma_semaphore, #tpu.memory_space<semaphore_mem>>, %arg24: memref<!tpu.dma_semaphore, #tpu.memory_space<semaphore_mem>>, %arg25: memref<!tpu.dma_semaphore, #tpu.memory_space<semaphore_mem>>, %arg26: memref<!tpu.dma_semaphore, #tpu.memory_space<semaphore_mem>>, %arg27: memref<!tpu.dma_semaphore, #tpu.memory_space<semaphore_mem>>, %arg28: memref<!tpu.dma_semaphore, #tpu.memory_space<semaphore_mem>>, %arg29: memref<!tpu.dma_semaphore, #tpu.memory_space<semaphore_mem>>) attributes {dimension_semantics = [#tpu.dimension_semantics<core_parallel>, #tpu.dimension_semantics<subcore_parallel>], iteration_bounds = array<i64: 2, 16>, scalar_prefetch = 0 : i64, scratch_operands = 25 : i64, tpu.core_type = #tpu.core_type<sc_vector_subcore>, window_params = [{transform_indices = #map}, {transform_indices = #map}, {transform_indices = #map}]} {
    %mul3A = arith.constant 2 : i32
    %mul3A_0 = arith.muli %arg1, %mul3A : i32
    %add3A = arith.addi %mul3A_0, %arg0 : i32
    %mul3A_1 = arith.constant 40 : i32
    %mul3A_2 = arith.muli %add3A, %mul3A_1 : i32
    "tpu.region"() ({
      %run_scoped3A = tpu.sem_alloc : memref<!tpu.dma_semaphore, #tpu.memory_space<semaphore_mem>>
      %dma_start3A_81 = arith.constant 0 : i32
      %dma_start3A_82 = tpu.memref_slice %arg3[%mul3A_2, %dma_start3A_81] : memref<1280x64xi32, #tpu.memory_space<hbm>> -> memref<40x64xi32, #tpu.memory_space<hbm>>
      %dma_start3A_83 = arith.constant 0 : i32
      %dma_start3A_84 = tpu.memref_slice %arg3[%mul3A_2, %dma_start3A_83] : memref<1280x64xi32, #tpu.memory_space<hbm>> -> memref<40x64xi32, #tpu.memory_space<hbm>>
      tpu.enqueue_dma source(%dma_start3A_84 : memref<40x64xi32, #tpu.memory_space<hbm>>) target(%arg5 : memref<40x64xi32, #tpu.memory_space<vmem>>) target_semaphore(%run_scoped3A : memref<!tpu.dma_semaphore, #tpu.memory_space<semaphore_mem>>)
      %dma_wait3A_85 = arith.constant 0 : i32
      %dma_wait3A_86 = tpu.memref_slice %arg3[%mul3A_2, %dma_wait3A_85] : memref<1280x64xi32, #tpu.memory_space<hbm>> -> memref<40x64xi32, #tpu.memory_space<hbm>>
      %dma_wait3A_87 = arith.constant 0 : i32
      %dma_wait3A_88 = tpu.memref_slice %arg3[%mul3A_2, %dma_wait3A_87] : memref<1280x64xi32, #tpu.memory_space<hbm>> -> memref<40x64xi32, #tpu.memory_space<hbm>>
      tpu.wait_dma2 semaphore(%run_scoped3A : memref<!tpu.dma_semaphore, #tpu.memory_space<semaphore_mem>>) src(%dma_wait3A_88 : memref<40x64xi32, #tpu.memory_space<hbm>>) dst(%arg5 : memref<40x64xi32, #tpu.memory_space<vmem>>)
      tpu.yield
    }) : () -> ()
    %dma_start3A = arith.constant 0 : i32
    %dma_start3A_3 = arith.constant 0 : i32
    %dma_start3A_4 = tpu.memref_slice %arg5[%dma_start3A, %dma_start3A_3] : memref<40x64xi32, #tpu.memory_space<vmem>> -> memref<1x64xi32, #tpu.memory_space<vmem>>
    %dma_start3A_5 = tpu.memref_squeeze %dma_start3A_4 : memref<1x64xi32, #tpu.memory_space<vmem>> -> memref<64xi32, #tpu.memory_space<vmem>>
    %dma_start3A_6 = arith.constant 0 : i32
    %dma_start3A_7 = arith.constant 0 : i32
    %dma_start3A_8 = tpu.memref_slice %arg2[%dma_start3A_6, %dma_start3A_7] : memref<10000x128xi32, #tpu.memory_space<hbm>> -> memref<10000x128xi32, #tpu.memory_space<hbm>>
    tpu.enqueue_indirect_dma source(%dma_start3A_8 : memref<10000x128xi32, #tpu.memory_space<hbm>>) target(%arg6 : memref<64x128xi32, #tpu.memory_space<vmem>>) offsets(%dma_start3A_5 : memref<64xi32, #tpu.memory_space<vmem>>) semaphore(%arg14 : memref<!tpu.dma_semaphore, #tpu.memory_space<semaphore_mem>>)
    %dma_start3A_9 = arith.constant 1 : i32
    %dma_start3A_10 = arith.constant 0 : i32
    %dma_start3A_11 = tpu.memref_slice %arg5[%dma_start3A_9, %dma_start3A_10] : memref<40x64xi32, #tpu.memory_space<vmem>> -> memref<1x64xi32, #tpu.memory_space<vmem>>
    %dma_start3A_12 = tpu.memref_squeeze %dma_start3A_11 : memref<1x64xi32, #tpu.memory_space<vmem>> -> memref<64xi32, #tpu.memory_space<vmem>>
    %dma_start3A_13 = arith.constant 0 : i32
    %dma_start3A_14 = arith.constant 0 : i32
    %dma_start3A_15 = tpu.memref_slice %arg2[%dma_start3A_13, %dma_start3A_14] : memref<10000x128xi32, #tpu.memory_space<hbm>> -> memref<10000x128xi32, #tpu.memory_space<hbm>>
    tpu.enqueue_indirect_dma source(%dma_start3A_15 : memref<10000x128xi32, #tpu.memory_space<hbm>>) target(%arg7 : memref<64x128xi32, #tpu.memory_space<vmem>>) offsets(%dma_start3A_12 : memref<64xi32, #tpu.memory_space<vmem>>) semaphore(%arg15 : memref<!tpu.dma_semaphore, #tpu.memory_space<semaphore_mem>>)
    %dma_start3A_16 = arith.constant 2 : i32
    %dma_start3A_17 = arith.constant 0 : i32
    %dma_start3A_18 = tpu.memref_slice %arg5[%dma_start3A_16, %dma_start3A_17] : memref<40x64xi32, #tpu.memory_space<vmem>> -> memref<1x64xi32, #tpu.memory_space<vmem>>
    %dma_start3A_19 = tpu.memref_squeeze %dma_start3A_18 : memref<1x64xi32, #tpu.memory_space<vmem>> -> memref<64xi32, #tpu.memory_space<vmem>>
    %dma_start3A_20 = arith.constant 0 : i32
    %dma_start3A_21 = arith.constant 0 : i32
    %dma_start3A_22 = tpu.memref_slice %arg2[%dma_start3A_20, %dma_start3A_21] : memref<10000x128xi32, #tpu.memory_space<hbm>> -> memref<10000x128xi32, #tpu.memory_space<hbm>>
    tpu.enqueue_indirect_dma source(%dma_start3A_22 : memref<10000x128xi32, #tpu.memory_space<hbm>>) target(%arg8 : memref<64x128xi32, #tpu.memory_space<vmem>>) offsets(%dma_start3A_19 : memref<64xi32, #tpu.memory_space<vmem>>) semaphore(%arg16 : memref<!tpu.dma_semaphore, #tpu.memory_space<semaphore_mem>>)
    %dma_start3A_23 = arith.constant 3 : i32
    %dma_start3A_24 = arith.constant 0 : i32
    %dma_start3A_25 = tpu.memref_slice %arg5[%dma_start3A_23, %dma_start3A_24] : memref<40x64xi32, #tpu.memory_space<vmem>> -> memref<1x64xi32, #tpu.memory_space<vmem>>
    %dma_start3A_26 = tpu.memref_squeeze %dma_start3A_25 : memref<1x64xi32, #tpu.memory_space<vmem>> -> memref<64xi32, #tpu.memory_space<vmem>>
    %dma_start3A_27 = arith.constant 0 : i32
    %dma_start3A_28 = arith.constant 0 : i32
    %dma_start3A_29 = tpu.memref_slice %arg2[%dma_start3A_27, %dma_start3A_28] : memref<10000x128xi32, #tpu.memory_space<hbm>> -> memref<10000x128xi32, #tpu.memory_space<hbm>>
    tpu.enqueue_indirect_dma source(%dma_start3A_29 : memref<10000x128xi32, #tpu.memory_space<hbm>>) target(%arg9 : memref<64x128xi32, #tpu.memory_space<vmem>>) offsets(%dma_start3A_26 : memref<64xi32, #tpu.memory_space<vmem>>) semaphore(%arg17 : memref<!tpu.dma_semaphore, #tpu.memory_space<semaphore_mem>>)
    %scan3A = arith.constant 0 : i32
    %scan3A_30 = arith.constant 5 : i32
    %scan3A_31 = arith.addi %scan3A, %scan3A_30 : i32
    %scan3A_32 = arith.constant 1 : i32
    scf.for %scan3A_81 = %scan3A to %scan3A_31 step %scan3A_32  : i32 {
      %mul3A_82 = arith.constant 1 : i32
      %mul3A_83 = arith.muli %scan3A_81, %mul3A_82 : i32
      %add3A_84 = arith.constant 0 : i32
      %add3A_85 = arith.addi %add3A_84, %mul3A_83 : i32
      %mul3A_86 = arith.constant 8 : i32
      %mul3A_87 = arith.muli %add3A_85, %mul3A_86 : i32
      %add3A_88 = arith.constant 0 : i32
      %add3A_89 = arith.addi %mul3A_87, %add3A_88 : i32
      %dma_wait3A_90 = arith.constant 0 : i32
      %dma_wait3A_91 = arith.constant 0 : i32
      %dma_wait3A_92 = tpu.memref_slice %arg5[%dma_wait3A_90, %dma_wait3A_91] : memref<40x64xi32, #tpu.memory_space<vmem>> -> memref<1x64xi32, #tpu.memory_space<vmem>>
      %dma_wait3A_93 = tpu.memref_squeeze %dma_wait3A_92 : memref<1x64xi32, #tpu.memory_space<vmem>> -> memref<64xi32, #tpu.memory_space<vmem>>
      %dma_wait3A_94 = arith.constant 0 : i32
      %dma_wait3A_95 = arith.constant 0 : i32
      %dma_wait3A_96 = tpu.memref_slice %arg2[%dma_wait3A_94, %dma_wait3A_95] : memref<10000x128xi32, #tpu.memory_space<hbm>> -> memref<10000x128xi32, #tpu.memory_space<hbm>>
      tpu.wait_indirect_dma semaphore(%arg14 : memref<!tpu.dma_semaphore, #tpu.memory_space<semaphore_mem>>) src(%dma_wait3A_96 : memref<10000x128xi32, #tpu.memory_space<hbm>>) dst(%arg6 : memref<64x128xi32, #tpu.memory_space<vmem>>)
      %add3A_97 = arith.addi %mul3A_2, %add3A_89 : i32
      %mul3A_98 = arith.constant 64 : i32
      %mul3A_99 = arith.muli %add3A_97, %mul3A_98 : i32
      %dma_start3A_100 = arith.constant 0 : i32
      %dma_start3A_101 = tpu.memref_slice %arg4[%mul3A_99, %dma_start3A_100] : memref<81920x128xi32, #tpu.memory_space<hbm>> -> memref<64x128xi32, #tpu.memory_space<hbm>>
      %dma_start3A_102 = arith.constant 0 : i32
      %dma_start3A_103 = tpu.memref_slice %arg4[%mul3A_99, %dma_start3A_102] : memref<81920x128xi32, #tpu.memory_space<hbm>> -> memref<64x128xi32, #tpu.memory_space<hbm>>
      tpu.enqueue_dma source(%arg6 : memref<64x128xi32, #tpu.memory_space<vmem>>) target(%dma_start3A_103 : memref<64x128xi32, #tpu.memory_space<hbm>>) target_semaphore(%arg22 : memref<!tpu.dma_semaphore, #tpu.memory_space<semaphore_mem>>)
      %add3A_104 = arith.constant 4 : i32
      %add3A_105 = arith.addi %add3A_89, %add3A_104 : i32
      %lt3A = arith.constant 40 : i32
      %lt3A_106 = arith.cmpi slt, %add3A_105, %lt3A : i32
      %convert_element_type3A = arith.extui %lt3A_106 : i1 to i32
      %cond3A = arith.constant 0 : i32
      %cond3A_107 = arith.cmpi ne, %convert_element_type3A, %cond3A : i32
      scf.if %cond3A_107 {
        %ge3A = arith.constant 8 : i32
        %ge3A_269 = arith.cmpi sge, %add3A_105, %ge3A : i32
        %convert_element_type3A_270 = arith.extui %ge3A_269 : i1 to i32
        %cond3A_271 = arith.constant 0 : i32
        %cond3A_272 = arith.cmpi ne, %convert_element_type3A_270, %cond3A_271 : i32
        scf.if %cond3A_272 {
          %mul3A_279 = arith.constant 64 : i32
          %mul3A_280 = arith.muli %mul3A_2, %mul3A_279 : i32
          %dma_wait3A_281 = arith.constant 0 : i32
          %dma_wait3A_282 = tpu.memref_slice %arg4[%mul3A_280, %dma_wait3A_281] : memref<81920x128xi32, #tpu.memory_space<hbm>> -> memref<64x128xi32, #tpu.memory_space<hbm>>
          %dma_wait3A_283 = arith.constant 0 : i32
          %dma_wait3A_284 = tpu.memref_slice %arg4[%mul3A_280, %dma_wait3A_283] : memref<81920x128xi32, #tpu.memory_space<hbm>> -> memref<64x128xi32, #tpu.memory_space<hbm>>
          tpu.wait_dma2 semaphore(%arg26 : memref<!tpu.dma_semaphore, #tpu.memory_space<semaphore_mem>>) src(%arg10 : memref<64x128xi32, #tpu.memory_space<vmem>>) dst(%dma_wait3A_284 : memref<64x128xi32, #tpu.memory_space<hbm>>)
        } else {
        }
        %dma_start3A_273 = arith.constant 0 : i32
        %dma_start3A_274 = tpu.memref_slice %arg5[%add3A_105, %dma_start3A_273] : memref<40x64xi32, #tpu.memory_space<vmem>> -> memref<1x64xi32, #tpu.memory_space<vmem>>
        %dma_start3A_275 = tpu.memref_squeeze %dma_start3A_274 : memref<1x64xi32, #tpu.memory_space<vmem>> -> memref<64xi32, #tpu.memory_space<vmem>>
        %dma_start3A_276 = arith.constant 0 : i32
        %dma_start3A_277 = arith.constant 0 : i32
        %dma_start3A_278 = tpu.memref_slice %arg2[%dma_start3A_276, %dma_start3A_277] : memref<10000x128xi32, #tpu.memory_space<hbm>> -> memref<10000x128xi32, #tpu.memory_space<hbm>>
        tpu.enqueue_indirect_dma source(%dma_start3A_278 : memref<10000x128xi32, #tpu.memory_space<hbm>>) target(%arg10 : memref<64x128xi32, #tpu.memory_space<vmem>>) offsets(%dma_start3A_275 : memref<64xi32, #tpu.memory_space<vmem>>) semaphore(%arg18 : memref<!tpu.dma_semaphore, #tpu.memory_space<semaphore_mem>>)
      } else {
      }
      %add3A_108 = arith.constant 1 : i32
      %add3A_109 = arith.addi %mul3A_87, %add3A_108 : i32
      %dma_wait3A_110 = arith.constant 0 : i32
      %dma_wait3A_111 = arith.constant 0 : i32
      %dma_wait3A_112 = tpu.memref_slice %arg5[%dma_wait3A_110, %dma_wait3A_111] : memref<40x64xi32, #tpu.memory_space<vmem>> -> memref<1x64xi32, #tpu.memory_space<vmem>>
      %dma_wait3A_113 = tpu.memref_squeeze %dma_wait3A_112 : memref<1x64xi32, #tpu.memory_space<vmem>> -> memref<64xi32, #tpu.memory_space<vmem>>
      %dma_wait3A_114 = arith.constant 0 : i32
      %dma_wait3A_115 = arith.constant 0 : i32
      %dma_wait3A_116 = tpu.memref_slice %arg2[%dma_wait3A_114, %dma_wait3A_115] : memref<10000x128xi32, #tpu.memory_space<hbm>> -> memref<10000x128xi32, #tpu.memory_space<hbm>>
      tpu.wait_indirect_dma semaphore(%arg15 : memref<!tpu.dma_semaphore, #tpu.memory_space<semaphore_mem>>) src(%dma_wait3A_116 : memref<10000x128xi32, #tpu.memory_space<hbm>>) dst(%arg7 : memref<64x128xi32, #tpu.memory_space<vmem>>)
      %add3A_117 = arith.addi %mul3A_2, %add3A_109 : i32
      %mul3A_118 = arith.constant 64 : i32
      %mul3A_119 = arith.muli %add3A_117, %mul3A_118 : i32
      %dma_start3A_120 = arith.constant 0 : i32
      %dma_start3A_121 = tpu.memref_slice %arg4[%mul3A_119, %dma_start3A_120] : memref<81920x128xi32, #tpu.memory_space<hbm>> -> memref<64x128xi32, #tpu.memory_space<hbm>>
      %dma_start3A_122 = arith.constant 0 : i32
      %dma_start3A_123 = tpu.memref_slice %arg4[%mul3A_119, %dma_start3A_122] : memref<81920x128xi32, #tpu.memory_space<hbm>> -> memref<64x128xi32, #tpu.memory_space<hbm>>
      tpu.enqueue_dma source(%arg7 : memref<64x128xi32, #tpu.memory_space<vmem>>) target(%dma_start3A_123 : memref<64x128xi32, #tpu.memory_space<hbm>>) target_semaphore(%arg23 : memref<!tpu.dma_semaphore, #tpu.memory_space<semaphore_mem>>)
      %add3A_124 = arith.constant 4 : i32
      %add3A_125 = arith.addi %add3A_109, %add3A_124 : i32
      %lt3A_126 = arith.constant 40 : i32
      %lt3A_127 = arith.cmpi slt, %add3A_125, %lt3A_126 : i32
      %convert_element_type3A_128 = arith.extui %lt3A_127 : i1 to i32
      %cond3A_129 = arith.constant 0 : i32
      %cond3A_130 = arith.cmpi ne, %convert_element_type3A_128, %cond3A_129 : i32
      scf.if %cond3A_130 {
        %ge3A = arith.constant 8 : i32
        %ge3A_269 = arith.cmpi sge, %add3A_125, %ge3A : i32
        %convert_element_type3A_270 = arith.extui %ge3A_269 : i1 to i32
        %cond3A_271 = arith.constant 0 : i32
        %cond3A_272 = arith.cmpi ne, %convert_element_type3A_270, %cond3A_271 : i32
        scf.if %cond3A_272 {
          %mul3A_279 = arith.constant 64 : i32
          %mul3A_280 = arith.muli %mul3A_2, %mul3A_279 : i32
          %dma_wait3A_281 = arith.constant 0 : i32
          %dma_wait3A_282 = tpu.memref_slice %arg4[%mul3A_280, %dma_wait3A_281] : memref<81920x128xi32, #tpu.memory_space<hbm>> -> memref<64x128xi32, #tpu.memory_space<hbm>>
          %dma_wait3A_283 = arith.constant 0 : i32
          %dma_wait3A_284 = tpu.memref_slice %arg4[%mul3A_280, %dma_wait3A_283] : memref<81920x128xi32, #tpu.memory_space<hbm>> -> memref<64x128xi32, #tpu.memory_space<hbm>>
          tpu.wait_dma2 semaphore(%arg27 : memref<!tpu.dma_semaphore, #tpu.memory_space<semaphore_mem>>) src(%arg11 : memref<64x128xi32, #tpu.memory_space<vmem>>) dst(%dma_wait3A_284 : memref<64x128xi32, #tpu.memory_space<hbm>>)
        } else {
        }
        %dma_start3A_273 = arith.constant 0 : i32
        %dma_start3A_274 = tpu.memref_slice %arg5[%add3A_125, %dma_start3A_273] : memref<40x64xi32, #tpu.memory_space<vmem>> -> memref<1x64xi32, #tpu.memory_space<vmem>>
        %dma_start3A_275 = tpu.memref_squeeze %dma_start3A_274 : memref<1x64xi32, #tpu.memory_space<vmem>> -> memref<64xi32, #tpu.memory_space<vmem>>
        %dma_start3A_276 = arith.constant 0 : i32
        %dma_start3A_277 = arith.constant 0 : i32
        %dma_start3A_278 = tpu.memref_slice %arg2[%dma_start3A_276, %dma_start3A_277] : memref<10000x128xi32, #tpu.memory_space<hbm>> -> memref<10000x128xi32, #tpu.memory_space<hbm>>
        tpu.enqueue_indirect_dma source(%dma_start3A_278 : memref<10000x128xi32, #tpu.memory_space<hbm>>) target(%arg11 : memref<64x128xi32, #tpu.memory_space<vmem>>) offsets(%dma_start3A_275 : memref<64xi32, #tpu.memory_space<vmem>>) semaphore(%arg19 : memref<!tpu.dma_semaphore, #tpu.memory_space<semaphore_mem>>)
      } else {
      }
      %add3A_131 = arith.constant 2 : i32
      %add3A_132 = arith.addi %mul3A_87, %add3A_131 : i32
      %dma_wait3A_133 = arith.constant 0 : i32
      %dma_wait3A_134 = arith.constant 0 : i32
      %dma_wait3A_135 = tpu.memref_slice %arg5[%dma_wait3A_133, %dma_wait3A_134] : memref<40x64xi32, #tpu.memory_space<vmem>> -> memref<1x64xi32, #tpu.memory_space<vmem>>
      %dma_wait3A_136 = tpu.memref_squeeze %dma_wait3A_135 : memref<1x64xi32, #tpu.memory_space<vmem>> -> memref<64xi32, #tpu.memory_space<vmem>>
      %dma_wait3A_137 = arith.constant 0 : i32
      %dma_wait3A_138 = arith.constant 0 : i32
      %dma_wait3A_139 = tpu.memref_slice %arg2[%dma_wait3A_137, %dma_wait3A_138] : memref<10000x128xi32, #tpu.memory_space<hbm>> -> memref<10000x128xi32, #tpu.memory_space<hbm>>
      tpu.wait_indirect_dma semaphore(%arg16 : memref<!tpu.dma_semaphore, #tpu.memory_space<semaphore_mem>>) src(%dma_wait3A_139 : memref<10000x128xi32, #tpu.memory_space<hbm>>) dst(%arg8 : memref<64x128xi32, #tpu.memory_space<vmem>>)
      %add3A_140 = arith.addi %mul3A_2, %add3A_132 : i32
      %mul3A_141 = arith.constant 64 : i32
      %mul3A_142 = arith.muli %add3A_140, %mul3A_141 : i32
      %dma_start3A_143 = arith.constant 0 : i32
      %dma_start3A_144 = tpu.memref_slice %arg4[%mul3A_142, %dma_start3A_143] : memref<81920x128xi32, #tpu.memory_space<hbm>> -> memref<64x128xi32, #tpu.memory_space<hbm>>
      %dma_start3A_145 = arith.constant 0 : i32
      %dma_start3A_146 = tpu.memref_slice %arg4[%mul3A_142, %dma_start3A_145] : memref<81920x128xi32, #tpu.memory_space<hbm>> -> memref<64x128xi32, #tpu.memory_space<hbm>>
      tpu.enqueue_dma source(%arg8 : memref<64x128xi32, #tpu.memory_space<vmem>>) target(%dma_start3A_146 : memref<64x128xi32, #tpu.memory_space<hbm>>) target_semaphore(%arg24 : memref<!tpu.dma_semaphore, #tpu.memory_space<semaphore_mem>>)
      %add3A_147 = arith.constant 4 : i32
      %add3A_148 = arith.addi %add3A_132, %add3A_147 : i32
      %lt3A_149 = arith.constant 40 : i32
      %lt3A_150 = arith.cmpi slt, %add3A_148, %lt3A_149 : i32
      %convert_element_type3A_151 = arith.extui %lt3A_150 : i1 to i32
      %cond3A_152 = arith.constant 0 : i32
      %cond3A_153 = arith.cmpi ne, %convert_element_type3A_151, %cond3A_152 : i32
      scf.if %cond3A_153 {
        %ge3A = arith.constant 8 : i32
        %ge3A_269 = arith.cmpi sge, %add3A_148, %ge3A : i32
        %convert_element_type3A_270 = arith.extui %ge3A_269 : i1 to i32
        %cond3A_271 = arith.constant 0 : i32
        %cond3A_272 = arith.cmpi ne, %convert_element_type3A_270, %cond3A_271 : i32
        scf.if %cond3A_272 {
          %mul3A_279 = arith.constant 64 : i32
          %mul3A_280 = arith.muli %mul3A_2, %mul3A_279 : i32
          %dma_wait3A_281 = arith.constant 0 : i32
          %dma_wait3A_282 = tpu.memref_slice %arg4[%mul3A_280, %dma_wait3A_281] : memref<81920x128xi32, #tpu.memory_space<hbm>> -> memref<64x128xi32, #tpu.memory_space<hbm>>
          %dma_wait3A_283 = arith.constant 0 : i32
          %dma_wait3A_284 = tpu.memref_slice %arg4[%mul3A_280, %dma_wait3A_283] : memref<81920x128xi32, #tpu.memory_space<hbm>> -> memref<64x128xi32, #tpu.memory_space<hbm>>
          tpu.wait_dma2 semaphore(%arg28 : memref<!tpu.dma_semaphore, #tpu.memory_space<semaphore_mem>>) src(%arg12 : memref<64x128xi32, #tpu.memory_space<vmem>>) dst(%dma_wait3A_284 : memref<64x128xi32, #tpu.memory_space<hbm>>)
        } else {
        }
        %dma_start3A_273 = arith.constant 0 : i32
        %dma_start3A_274 = tpu.memref_slice %arg5[%add3A_148, %dma_start3A_273] : memref<40x64xi32, #tpu.memory_space<vmem>> -> memref<1x64xi32, #tpu.memory_space<vmem>>
        %dma_start3A_275 = tpu.memref_squeeze %dma_start3A_274 : memref<1x64xi32, #tpu.memory_space<vmem>> -> memref<64xi32, #tpu.memory_space<vmem>>
        %dma_start3A_276 = arith.constant 0 : i32
        %dma_start3A_277 = arith.constant 0 : i32
        %dma_start3A_278 = tpu.memref_slice %arg2[%dma_start3A_276, %dma_start3A_277] : memref<10000x128xi32, #tpu.memory_space<hbm>> -> memref<10000x128xi32, #tpu.memory_space<hbm>>
        tpu.enqueue_indirect_dma source(%dma_start3A_278 : memref<10000x128xi32, #tpu.memory_space<hbm>>) target(%arg12 : memref<64x128xi32, #tpu.memory_space<vmem>>) offsets(%dma_start3A_275 : memref<64xi32, #tpu.memory_space<vmem>>) semaphore(%arg20 : memref<!tpu.dma_semaphore, #tpu.memory_space<semaphore_mem>>)
      } else {
      }
      %add3A_154 = arith.constant 3 : i32
      %add3A_155 = arith.addi %mul3A_87, %add3A_154 : i32
      %dma_wait3A_156 = arith.constant 0 : i32
      %dma_wait3A_157 = arith.constant 0 : i32
      %dma_wait3A_158 = tpu.memref_slice %arg5[%dma_wait3A_156, %dma_wait3A_157] : memref<40x64xi32, #tpu.memory_space<vmem>> -> memref<1x64xi32, #tpu.memory_space<vmem>>
      %dma_wait3A_159 = tpu.memref_squeeze %dma_wait3A_158 : memref<1x64xi32, #tpu.memory_space<vmem>> -> memref<64xi32, #tpu.memory_space<vmem>>
      %dma_wait3A_160 = arith.constant 0 : i32
      %dma_wait3A_161 = arith.constant 0 : i32
      %dma_wait3A_162 = tpu.memref_slice %arg2[%dma_wait3A_160, %dma_wait3A_161] : memref<10000x128xi32, #tpu.memory_space<hbm>> -> memref<10000x128xi32, #tpu.memory_space<hbm>>
      tpu.wait_indirect_dma semaphore(%arg17 : memref<!tpu.dma_semaphore, #tpu.memory_space<semaphore_mem>>) src(%dma_wait3A_162 : memref<10000x128xi32, #tpu.memory_space<hbm>>) dst(%arg9 : memref<64x128xi32, #tpu.memory_space<vmem>>)
      %add3A_163 = arith.addi %mul3A_2, %add3A_155 : i32
      %mul3A_164 = arith.constant 64 : i32
      %mul3A_165 = arith.muli %add3A_163, %mul3A_164 : i32
      %dma_start3A_166 = arith.constant 0 : i32
      %dma_start3A_167 = tpu.memref_slice %arg4[%mul3A_165, %dma_start3A_166] : memref<81920x128xi32, #tpu.memory_space<hbm>> -> memref<64x128xi32, #tpu.memory_space<hbm>>
      %dma_start3A_168 = arith.constant 0 : i32
      %dma_start3A_169 = tpu.memref_slice %arg4[%mul3A_165, %dma_start3A_168] : memref<81920x128xi32, #tpu.memory_space<hbm>> -> memref<64x128xi32, #tpu.memory_space<hbm>>
      tpu.enqueue_dma source(%arg9 : memref<64x128xi32, #tpu.memory_space<vmem>>) target(%dma_start3A_169 : memref<64x128xi32, #tpu.memory_space<hbm>>) target_semaphore(%arg25 : memref<!tpu.dma_semaphore, #tpu.memory_space<semaphore_mem>>)
      %add3A_170 = arith.constant 4 : i32
      %add3A_171 = arith.addi %add3A_155, %add3A_170 : i32
      %lt3A_172 = arith.constant 40 : i32
      %lt3A_173 = arith.cmpi slt, %add3A_171, %lt3A_172 : i32
      %convert_element_type3A_174 = arith.extui %lt3A_173 : i1 to i32
      %cond3A_175 = arith.constant 0 : i32
      %cond3A_176 = arith.cmpi ne, %convert_element_type3A_174, %cond3A_175 : i32
      scf.if %cond3A_176 {
        %ge3A = arith.constant 8 : i32
        %ge3A_269 = arith.cmpi sge, %add3A_171, %ge3A : i32
        %convert_element_type3A_270 = arith.extui %ge3A_269 : i1 to i32
        %cond3A_271 = arith.constant 0 : i32
        %cond3A_272 = arith.cmpi ne, %convert_element_type3A_270, %cond3A_271 : i32
        scf.if %cond3A_272 {
          %mul3A_279 = arith.constant 64 : i32
          %mul3A_280 = arith.muli %mul3A_2, %mul3A_279 : i32
          %dma_wait3A_281 = arith.constant 0 : i32
          %dma_wait3A_282 = tpu.memref_slice %arg4[%mul3A_280, %dma_wait3A_281] : memref<81920x128xi32, #tpu.memory_space<hbm>> -> memref<64x128xi32, #tpu.memory_space<hbm>>
          %dma_wait3A_283 = arith.constant 0 : i32
          %dma_wait3A_284 = tpu.memref_slice %arg4[%mul3A_280, %dma_wait3A_283] : memref<81920x128xi32, #tpu.memory_space<hbm>> -> memref<64x128xi32, #tpu.memory_space<hbm>>
          tpu.wait_dma2 semaphore(%arg29 : memref<!tpu.dma_semaphore, #tpu.memory_space<semaphore_mem>>) src(%arg13 : memref<64x128xi32, #tpu.memory_space<vmem>>) dst(%dma_wait3A_284 : memref<64x128xi32, #tpu.memory_space<hbm>>)
        } else {
        }
        %dma_start3A_273 = arith.constant 0 : i32
        %dma_start3A_274 = tpu.memref_slice %arg5[%add3A_171, %dma_start3A_273] : memref<40x64xi32, #tpu.memory_space<vmem>> -> memref<1x64xi32, #tpu.memory_space<vmem>>
        %dma_start3A_275 = tpu.memref_squeeze %dma_start3A_274 : memref<1x64xi32, #tpu.memory_space<vmem>> -> memref<64xi32, #tpu.memory_space<vmem>>
        %dma_start3A_276 = arith.constant 0 : i32
        %dma_start3A_277 = arith.constant 0 : i32
        %dma_start3A_278 = tpu.memref_slice %arg2[%dma_start3A_276, %dma_start3A_277] : memref<10000x128xi32, #tpu.memory_space<hbm>> -> memref<10000x128xi32, #tpu.memory_space<hbm>>
        tpu.enqueue_indirect_dma source(%dma_start3A_278 : memref<10000x128xi32, #tpu.memory_space<hbm>>) target(%arg13 : memref<64x128xi32, #tpu.memory_space<vmem>>) offsets(%dma_start3A_275 : memref<64xi32, #tpu.memory_space<vmem>>) semaphore(%arg21 : memref<!tpu.dma_semaphore, #tpu.memory_space<semaphore_mem>>)
      } else {
      }
      %add3A_177 = arith.constant 4 : i32
      %add3A_178 = arith.addi %mul3A_87, %add3A_177 : i32
      %dma_wait3A_179 = arith.constant 0 : i32
      %dma_wait3A_180 = arith.constant 0 : i32
      %dma_wait3A_181 = tpu.memref_slice %arg5[%dma_wait3A_179, %dma_wait3A_180] : memref<40x64xi32, #tpu.memory_space<vmem>> -> memref<1x64xi32, #tpu.memory_space<vmem>>
      %dma_wait3A_182 = tpu.memref_squeeze %dma_wait3A_181 : memref<1x64xi32, #tpu.memory_space<vmem>> -> memref<64xi32, #tpu.memory_space<vmem>>
      %dma_wait3A_183 = arith.constant 0 : i32
      %dma_wait3A_184 = arith.constant 0 : i32
      %dma_wait3A_185 = tpu.memref_slice %arg2[%dma_wait3A_183, %dma_wait3A_184] : memref<10000x128xi32, #tpu.memory_space<hbm>> -> memref<10000x128xi32, #tpu.memory_space<hbm>>
      tpu.wait_indirect_dma semaphore(%arg18 : memref<!tpu.dma_semaphore, #tpu.memory_space<semaphore_mem>>) src(%dma_wait3A_185 : memref<10000x128xi32, #tpu.memory_space<hbm>>) dst(%arg10 : memref<64x128xi32, #tpu.memory_space<vmem>>)
      %add3A_186 = arith.addi %mul3A_2, %add3A_178 : i32
      %mul3A_187 = arith.constant 64 : i32
      %mul3A_188 = arith.muli %add3A_186, %mul3A_187 : i32
      %dma_start3A_189 = arith.constant 0 : i32
      %dma_start3A_190 = tpu.memref_slice %arg4[%mul3A_188, %dma_start3A_189] : memref<81920x128xi32, #tpu.memory_space<hbm>> -> memref<64x128xi32, #tpu.memory_space<hbm>>
      %dma_start3A_191 = arith.constant 0 : i32
      %dma_start3A_192 = tpu.memref_slice %arg4[%mul3A_188, %dma_start3A_191] : memref<81920x128xi32, #tpu.memory_space<hbm>> -> memref<64x128xi32, #tpu.memory_space<hbm>>
      tpu.enqueue_dma source(%arg10 : memref<64x128xi32, #tpu.memory_space<vmem>>) target(%dma_start3A_192 : memref<64x128xi32, #tpu.memory_space<hbm>>) target_semaphore(%arg26 : memref<!tpu.dma_semaphore, #tpu.memory_space<semaphore_mem>>)
      %add3A_193 = arith.constant 4 : i32
      %add3A_194 = arith.addi %add3A_178, %add3A_193 : i32
      %lt3A_195 = arith.constant 40 : i32
      %lt3A_196 = arith.cmpi slt, %add3A_194, %lt3A_195 : i32
      %convert_element_type3A_197 = arith.extui %lt3A_196 : i1 to i32
      %cond3A_198 = arith.constant 0 : i32
      %cond3A_199 = arith.cmpi ne, %convert_element_type3A_197, %cond3A_198 : i32
      scf.if %cond3A_199 {
        %ge3A = arith.constant 8 : i32
        %ge3A_269 = arith.cmpi sge, %add3A_194, %ge3A : i32
        %convert_element_type3A_270 = arith.extui %ge3A_269 : i1 to i32
        %cond3A_271 = arith.constant 0 : i32
        %cond3A_272 = arith.cmpi ne, %convert_element_type3A_270, %cond3A_271 : i32
        scf.if %cond3A_272 {
          %mul3A_279 = arith.constant 64 : i32
          %mul3A_280 = arith.muli %mul3A_2, %mul3A_279 : i32
          %dma_wait3A_281 = arith.constant 0 : i32
          %dma_wait3A_282 = tpu.memref_slice %arg4[%mul3A_280, %dma_wait3A_281] : memref<81920x128xi32, #tpu.memory_space<hbm>> -> memref<64x128xi32, #tpu.memory_space<hbm>>
          %dma_wait3A_283 = arith.constant 0 : i32
          %dma_wait3A_284 = tpu.memref_slice %arg4[%mul3A_280, %dma_wait3A_283] : memref<81920x128xi32, #tpu.memory_space<hbm>> -> memref<64x128xi32, #tpu.memory_space<hbm>>
          tpu.wait_dma2 semaphore(%arg22 : memref<!tpu.dma_semaphore, #tpu.memory_space<semaphore_mem>>) src(%arg6 : memref<64x128xi32, #tpu.memory_space<vmem>>) dst(%dma_wait3A_284 : memref<64x128xi32, #tpu.memory_space<hbm>>)
        } else {
        }
        %dma_start3A_273 = arith.constant 0 : i32
        %dma_start3A_274 = tpu.memref_slice %arg5[%add3A_194, %dma_start3A_273] : memref<40x64xi32, #tpu.memory_space<vmem>> -> memref<1x64xi32, #tpu.memory_space<vmem>>
        %dma_start3A_275 = tpu.memref_squeeze %dma_start3A_274 : memref<1x64xi32, #tpu.memory_space<vmem>> -> memref<64xi32, #tpu.memory_space<vmem>>
        %dma_start3A_276 = arith.constant 0 : i32
        %dma_start3A_277 = arith.constant 0 : i32
        %dma_start3A_278 = tpu.memref_slice %arg2[%dma_start3A_276, %dma_start3A_277] : memref<10000x128xi32, #tpu.memory_space<hbm>> -> memref<10000x128xi32, #tpu.memory_space<hbm>>
        tpu.enqueue_indirect_dma source(%dma_start3A_278 : memref<10000x128xi32, #tpu.memory_space<hbm>>) target(%arg6 : memref<64x128xi32, #tpu.memory_space<vmem>>) offsets(%dma_start3A_275 : memref<64xi32, #tpu.memory_space<vmem>>) semaphore(%arg14 : memref<!tpu.dma_semaphore, #tpu.memory_space<semaphore_mem>>)
      } else {
      }
      %add3A_200 = arith.constant 5 : i32
      %add3A_201 = arith.addi %mul3A_87, %add3A_200 : i32
      %dma_wait3A_202 = arith.constant 0 : i32
      %dma_wait3A_203 = arith.constant 0 : i32
      %dma_wait3A_204 = tpu.memref_slice %arg5[%dma_wait3A_202, %dma_wait3A_203] : memref<40x64xi32, #tpu.memory_space<vmem>> -> memref<1x64xi32, #tpu.memory_space<vmem>>
      %dma_wait3A_205 = tpu.memref_squeeze %dma_wait3A_204 : memref<1x64xi32, #tpu.memory_space<vmem>> -> memref<64xi32, #tpu.memory_space<vmem>>
      %dma_wait3A_206 = arith.constant 0 : i32
      %dma_wait3A_207 = arith.constant 0 : i32
      %dma_wait3A_208 = tpu.memref_slice %arg2[%dma_wait3A_206, %dma_wait3A_207] : memref<10000x128xi32, #tpu.memory_space<hbm>> -> memref<10000x128xi32, #tpu.memory_space<hbm>>
      tpu.wait_indirect_dma semaphore(%arg19 : memref<!tpu.dma_semaphore, #tpu.memory_space<semaphore_mem>>) src(%dma_wait3A_208 : memref<10000x128xi32, #tpu.memory_space<hbm>>) dst(%arg11 : memref<64x128xi32, #tpu.memory_space<vmem>>)
      %add3A_209 = arith.addi %mul3A_2, %add3A_201 : i32
      %mul3A_210 = arith.constant 64 : i32
      %mul3A_211 = arith.muli %add3A_209, %mul3A_210 : i32
      %dma_start3A_212 = arith.constant 0 : i32
      %dma_start3A_213 = tpu.memref_slice %arg4[%mul3A_211, %dma_start3A_212] : memref<81920x128xi32, #tpu.memory_space<hbm>> -> memref<64x128xi32, #tpu.memory_space<hbm>>
      %dma_start3A_214 = arith.constant 0 : i32
      %dma_start3A_215 = tpu.memref_slice %arg4[%mul3A_211, %dma_start3A_214] : memref<81920x128xi32, #tpu.memory_space<hbm>> -> memref<64x128xi32, #tpu.memory_space<hbm>>
      tpu.enqueue_dma source(%arg11 : memref<64x128xi32, #tpu.memory_space<vmem>>) target(%dma_start3A_215 : memref<64x128xi32, #tpu.memory_space<hbm>>) target_semaphore(%arg27 : memref<!tpu.dma_semaphore, #tpu.memory_space<semaphore_mem>>)
      %add3A_216 = arith.constant 4 : i32
      %add3A_217 = arith.addi %add3A_201, %add3A_216 : i32
      %lt3A_218 = arith.constant 40 : i32
      %lt3A_219 = arith.cmpi slt, %add3A_217, %lt3A_218 : i32
      %convert_element_type3A_220 = arith.extui %lt3A_219 : i1 to i32
      %cond3A_221 = arith.constant 0 : i32
      %cond3A_222 = arith.cmpi ne, %convert_element_type3A_220, %cond3A_221 : i32
      scf.if %cond3A_222 {
        %ge3A = arith.constant 8 : i32
        %ge3A_269 = arith.cmpi sge, %add3A_217, %ge3A : i32
        %convert_element_type3A_270 = arith.extui %ge3A_269 : i1 to i32
        %cond3A_271 = arith.constant 0 : i32
        %cond3A_272 = arith.cmpi ne, %convert_element_type3A_270, %cond3A_271 : i32
        scf.if %cond3A_272 {
          %mul3A_279 = arith.constant 64 : i32
          %mul3A_280 = arith.muli %mul3A_2, %mul3A_279 : i32
          %dma_wait3A_281 = arith.constant 0 : i32
          %dma_wait3A_282 = tpu.memref_slice %arg4[%mul3A_280, %dma_wait3A_281] : memref<81920x128xi32, #tpu.memory_space<hbm>> -> memref<64x128xi32, #tpu.memory_space<hbm>>
          %dma_wait3A_283 = arith.constant 0 : i32
          %dma_wait3A_284 = tpu.memref_slice %arg4[%mul3A_280, %dma_wait3A_283] : memref<81920x128xi32, #tpu.memory_space<hbm>> -> memref<64x128xi32, #tpu.memory_space<hbm>>
          tpu.wait_dma2 semaphore(%arg23 : memref<!tpu.dma_semaphore, #tpu.memory_space<semaphore_mem>>) src(%arg7 : memref<64x128xi32, #tpu.memory_space<vmem>>) dst(%dma_wait3A_284 : memref<64x128xi32, #tpu.memory_space<hbm>>)
        } else {
        }
        %dma_start3A_273 = arith.constant 0 : i32
        %dma_start3A_274 = tpu.memref_slice %arg5[%add3A_217, %dma_start3A_273] : memref<40x64xi32, #tpu.memory_space<vmem>> -> memref<1x64xi32, #tpu.memory_space<vmem>>
        %dma_start3A_275 = tpu.memref_squeeze %dma_start3A_274 : memref<1x64xi32, #tpu.memory_space<vmem>> -> memref<64xi32, #tpu.memory_space<vmem>>
        %dma_start3A_276 = arith.constant 0 : i32
        %dma_start3A_277 = arith.constant 0 : i32
        %dma_start3A_278 = tpu.memref_slice %arg2[%dma_start3A_276, %dma_start3A_277] : memref<10000x128xi32, #tpu.memory_space<hbm>> -> memref<10000x128xi32, #tpu.memory_space<hbm>>
        tpu.enqueue_indirect_dma source(%dma_start3A_278 : memref<10000x128xi32, #tpu.memory_space<hbm>>) target(%arg7 : memref<64x128xi32, #tpu.memory_space<vmem>>) offsets(%dma_start3A_275 : memref<64xi32, #tpu.memory_space<vmem>>) semaphore(%arg15 : memref<!tpu.dma_semaphore, #tpu.memory_space<semaphore_mem>>)
      } else {
      }
      %add3A_223 = arith.constant 6 : i32
      %add3A_224 = arith.addi %mul3A_87, %add3A_223 : i32
      %dma_wait3A_225 = arith.constant 0 : i32
      %dma_wait3A_226 = arith.constant 0 : i32
      %dma_wait3A_227 = tpu.memref_slice %arg5[%dma_wait3A_225, %dma_wait3A_226] : memref<40x64xi32, #tpu.memory_space<vmem>> -> memref<1x64xi32, #tpu.memory_space<vmem>>
      %dma_wait3A_228 = tpu.memref_squeeze %dma_wait3A_227 : memref<1x64xi32, #tpu.memory_space<vmem>> -> memref<64xi32, #tpu.memory_space<vmem>>
      %dma_wait3A_229 = arith.constant 0 : i32
      %dma_wait3A_230 = arith.constant 0 : i32
      %dma_wait3A_231 = tpu.memref_slice %arg2[%dma_wait3A_229, %dma_wait3A_230] : memref<10000x128xi32, #tpu.memory_space<hbm>> -> memref<10000x128xi32, #tpu.memory_space<hbm>>
      tpu.wait_indirect_dma semaphore(%arg20 : memref<!tpu.dma_semaphore, #tpu.memory_space<semaphore_mem>>) src(%dma_wait3A_231 : memref<10000x128xi32, #tpu.memory_space<hbm>>) dst(%arg12 : memref<64x128xi32, #tpu.memory_space<vmem>>)
      %add3A_232 = arith.addi %mul3A_2, %add3A_224 : i32
      %mul3A_233 = arith.constant 64 : i32
      %mul3A_234 = arith.muli %add3A_232, %mul3A_233 : i32
      %dma_start3A_235 = arith.constant 0 : i32
      %dma_start3A_236 = tpu.memref_slice %arg4[%mul3A_234, %dma_start3A_235] : memref<81920x128xi32, #tpu.memory_space<hbm>> -> memref<64x128xi32, #tpu.memory_space<hbm>>
      %dma_start3A_237 = arith.constant 0 : i32
      %dma_start3A_238 = tpu.memref_slice %arg4[%mul3A_234, %dma_start3A_237] : memref<81920x128xi32, #tpu.memory_space<hbm>> -> memref<64x128xi32, #tpu.memory_space<hbm>>
      tpu.enqueue_dma source(%arg12 : memref<64x128xi32, #tpu.memory_space<vmem>>) target(%dma_start3A_238 : memref<64x128xi32, #tpu.memory_space<hbm>>) target_semaphore(%arg28 : memref<!tpu.dma_semaphore, #tpu.memory_space<semaphore_mem>>)
      %add3A_239 = arith.constant 4 : i32
      %add3A_240 = arith.addi %add3A_224, %add3A_239 : i32
      %lt3A_241 = arith.constant 40 : i32
      %lt3A_242 = arith.cmpi slt, %add3A_240, %lt3A_241 : i32
      %convert_element_type3A_243 = arith.extui %lt3A_242 : i1 to i32
      %cond3A_244 = arith.constant 0 : i32
      %cond3A_245 = arith.cmpi ne, %convert_element_type3A_243, %cond3A_244 : i32
      scf.if %cond3A_245 {
        %ge3A = arith.constant 8 : i32
        %ge3A_269 = arith.cmpi sge, %add3A_240, %ge3A : i32
        %convert_element_type3A_270 = arith.extui %ge3A_269 : i1 to i32
        %cond3A_271 = arith.constant 0 : i32
        %cond3A_272 = arith.cmpi ne, %convert_element_type3A_270, %cond3A_271 : i32
        scf.if %cond3A_272 {
          %mul3A_279 = arith.constant 64 : i32
          %mul3A_280 = arith.muli %mul3A_2, %mul3A_279 : i32
          %dma_wait3A_281 = arith.constant 0 : i32
          %dma_wait3A_282 = tpu.memref_slice %arg4[%mul3A_280, %dma_wait3A_281] : memref<81920x128xi32, #tpu.memory_space<hbm>> -> memref<64x128xi32, #tpu.memory_space<hbm>>
          %dma_wait3A_283 = arith.constant 0 : i32
          %dma_wait3A_284 = tpu.memref_slice %arg4[%mul3A_280, %dma_wait3A_283] : memref<81920x128xi32, #tpu.memory_space<hbm>> -> memref<64x128xi32, #tpu.memory_space<hbm>>
          tpu.wait_dma2 semaphore(%arg24 : memref<!tpu.dma_semaphore, #tpu.memory_space<semaphore_mem>>) src(%arg8 : memref<64x128xi32, #tpu.memory_space<vmem>>) dst(%dma_wait3A_284 : memref<64x128xi32, #tpu.memory_space<hbm>>)
        } else {
        }
        %dma_start3A_273 = arith.constant 0 : i32
        %dma_start3A_274 = tpu.memref_slice %arg5[%add3A_240, %dma_start3A_273] : memref<40x64xi32, #tpu.memory_space<vmem>> -> memref<1x64xi32, #tpu.memory_space<vmem>>
        %dma_start3A_275 = tpu.memref_squeeze %dma_start3A_274 : memref<1x64xi32, #tpu.memory_space<vmem>> -> memref<64xi32, #tpu.memory_space<vmem>>
        %dma_start3A_276 = arith.constant 0 : i32
        %dma_start3A_277 = arith.constant 0 : i32
        %dma_start3A_278 = tpu.memref_slice %arg2[%dma_start3A_276, %dma_start3A_277] : memref<10000x128xi32, #tpu.memory_space<hbm>> -> memref<10000x128xi32, #tpu.memory_space<hbm>>
        tpu.enqueue_indirect_dma source(%dma_start3A_278 : memref<10000x128xi32, #tpu.memory_space<hbm>>) target(%arg8 : memref<64x128xi32, #tpu.memory_space<vmem>>) offsets(%dma_start3A_275 : memref<64xi32, #tpu.memory_space<vmem>>) semaphore(%arg16 : memref<!tpu.dma_semaphore, #tpu.memory_space<semaphore_mem>>)
      } else {
      }
      %add3A_246 = arith.constant 7 : i32
      %add3A_247 = arith.addi %mul3A_87, %add3A_246 : i32
      %dma_wait3A_248 = arith.constant 0 : i32
      %dma_wait3A_249 = arith.constant 0 : i32
      %dma_wait3A_250 = tpu.memref_slice %arg5[%dma_wait3A_248, %dma_wait3A_249] : memref<40x64xi32, #tpu.memory_space<vmem>> -> memref<1x64xi32, #tpu.memory_space<vmem>>
      %dma_wait3A_251 = tpu.memref_squeeze %dma_wait3A_250 : memref<1x64xi32, #tpu.memory_space<vmem>> -> memref<64xi32, #tpu.memory_space<vmem>>
      %dma_wait3A_252 = arith.constant 0 : i32
      %dma_wait3A_253 = arith.constant 0 : i32
      %dma_wait3A_254 = tpu.memref_slice %arg2[%dma_wait3A_252, %dma_wait3A_253] : memref<10000x128xi32, #tpu.memory_space<hbm>> -> memref<10000x128xi32, #tpu.memory_space<hbm>>
      tpu.wait_indirect_dma semaphore(%arg21 : memref<!tpu.dma_semaphore, #tpu.memory_space<semaphore_mem>>) src(%dma_wait3A_254 : memref<10000x128xi32, #tpu.memory_space<hbm>>) dst(%arg13 : memref<64x128xi32, #tpu.memory_space<vmem>>)
      %add3A_255 = arith.addi %mul3A_2, %add3A_247 : i32
      %mul3A_256 = arith.constant 64 : i32
      %mul3A_257 = arith.muli %add3A_255, %mul3A_256 : i32
      %dma_start3A_258 = arith.constant 0 : i32
      %dma_start3A_259 = tpu.memref_slice %arg4[%mul3A_257, %dma_start3A_258] : memref<81920x128xi32, #tpu.memory_space<hbm>> -> memref<64x128xi32, #tpu.memory_space<hbm>>
      %dma_start3A_260 = arith.constant 0 : i32
      %dma_start3A_261 = tpu.memref_slice %arg4[%mul3A_257, %dma_start3A_260] : memref<81920x128xi32, #tpu.memory_space<hbm>> -> memref<64x128xi32, #tpu.memory_space<hbm>>
      tpu.enqueue_dma source(%arg13 : memref<64x128xi32, #tpu.memory_space<vmem>>) target(%dma_start3A_261 : memref<64x128xi32, #tpu.memory_space<hbm>>) target_semaphore(%arg29 : memref<!tpu.dma_semaphore, #tpu.memory_space<semaphore_mem>>)
      %add3A_262 = arith.constant 4 : i32
      %add3A_263 = arith.addi %add3A_247, %add3A_262 : i32
      %lt3A_264 = arith.constant 40 : i32
      %lt3A_265 = arith.cmpi slt, %add3A_263, %lt3A_264 : i32
      %convert_element_type3A_266 = arith.extui %lt3A_265 : i1 to i32
      %cond3A_267 = arith.constant 0 : i32
      %cond3A_268 = arith.cmpi ne, %convert_element_type3A_266, %cond3A_267 : i32
      scf.if %cond3A_268 {
        %ge3A = arith.constant 8 : i32
        %ge3A_269 = arith.cmpi sge, %add3A_263, %ge3A : i32
        %convert_element_type3A_270 = arith.extui %ge3A_269 : i1 to i32
        %cond3A_271 = arith.constant 0 : i32
        %cond3A_272 = arith.cmpi ne, %convert_element_type3A_270, %cond3A_271 : i32
        scf.if %cond3A_272 {
          %mul3A_279 = arith.constant 64 : i32
          %mul3A_280 = arith.muli %mul3A_2, %mul3A_279 : i32
          %dma_wait3A_281 = arith.constant 0 : i32
          %dma_wait3A_282 = tpu.memref_slice %arg4[%mul3A_280, %dma_wait3A_281] : memref<81920x128xi32, #tpu.memory_space<hbm>> -> memref<64x128xi32, #tpu.memory_space<hbm>>
          %dma_wait3A_283 = arith.constant 0 : i32
          %dma_wait3A_284 = tpu.memref_slice %arg4[%mul3A_280, %dma_wait3A_283] : memref<81920x128xi32, #tpu.memory_space<hbm>> -> memref<64x128xi32, #tpu.memory_space<hbm>>
          tpu.wait_dma2 semaphore(%arg25 : memref<!tpu.dma_semaphore, #tpu.memory_space<semaphore_mem>>) src(%arg9 : memref<64x128xi32, #tpu.memory_space<vmem>>) dst(%dma_wait3A_284 : memref<64x128xi32, #tpu.memory_space<hbm>>)
        } else {
        }
        %dma_start3A_273 = arith.constant 0 : i32
        %dma_start3A_274 = tpu.memref_slice %arg5[%add3A_263, %dma_start3A_273] : memref<40x64xi32, #tpu.memory_space<vmem>> -> memref<1x64xi32, #tpu.memory_space<vmem>>
        %dma_start3A_275 = tpu.memref_squeeze %dma_start3A_274 : memref<1x64xi32, #tpu.memory_space<vmem>> -> memref<64xi32, #tpu.memory_space<vmem>>
        %dma_start3A_276 = arith.constant 0 : i32
        %dma_start3A_277 = arith.constant 0 : i32
        %dma_start3A_278 = tpu.memref_slice %arg2[%dma_start3A_276, %dma_start3A_277] : memref<10000x128xi32, #tpu.memory_space<hbm>> -> memref<10000x128xi32, #tpu.memory_space<hbm>>
        tpu.enqueue_indirect_dma source(%dma_start3A_278 : memref<10000x128xi32, #tpu.memory_space<hbm>>) target(%arg9 : memref<64x128xi32, #tpu.memory_space<vmem>>) offsets(%dma_start3A_275 : memref<64xi32, #tpu.memory_space<vmem>>) semaphore(%arg17 : memref<!tpu.dma_semaphore, #tpu.memory_space<semaphore_mem>>)
      } else {
      }
    }
    %scan3A_33 = arith.constant 5 : i32
    %mul3A_34 = arith.constant 64 : i32
    %mul3A_35 = arith.muli %mul3A_2, %mul3A_34 : i32
    %dma_wait3A = arith.constant 0 : i32
    %dma_wait3A_36 = tpu.memref_slice %arg4[%mul3A_35, %dma_wait3A] : memref<81920x128xi32, #tpu.memory_space<hbm>> -> memref<64x128xi32, #tpu.memory_space<hbm>>
    %dma_wait3A_37 = arith.constant 0 : i32
    %dma_wait3A_38 = tpu.memref_slice %arg4[%mul3A_35, %dma_wait3A_37] : memref<81920x128xi32, #tpu.memory_space<hbm>> -> memref<64x128xi32, #tpu.memory_space<hbm>>
    tpu.wait_dma2 semaphore(%arg22 : memref<!tpu.dma_semaphore, #tpu.memory_space<semaphore_mem>>) src(%arg6 : memref<64x128xi32, #tpu.memory_space<vmem>>) dst(%dma_wait3A_38 : memref<64x128xi32, #tpu.memory_space<hbm>>)
    %mul3A_39 = arith.constant 64 : i32
    %mul3A_40 = arith.muli %mul3A_2, %mul3A_39 : i32
    %dma_wait3A_41 = arith.constant 0 : i32
    %dma_wait3A_42 = tpu.memref_slice %arg4[%mul3A_40, %dma_wait3A_41] : memref<81920x128xi32, #tpu.memory_space<hbm>> -> memref<64x128xi32, #tpu.memory_space<hbm>>
    %dma_wait3A_43 = arith.constant 0 : i32
    %dma_wait3A_44 = tpu.memref_slice %arg4[%mul3A_40, %dma_wait3A_43] : memref<81920x128xi32, #tpu.memory_space<hbm>> -> memref<64x128xi32, #tpu.memory_space<hbm>>
    tpu.wait_dma2 semaphore(%arg23 : memref<!tpu.dma_semaphore, #tpu.memory_space<semaphore_mem>>) src(%arg7 : memref<64x128xi32, #tpu.memory_space<vmem>>) dst(%dma_wait3A_44 : memref<64x128xi32, #tpu.memory_space<hbm>>)
    %mul3A_45 = arith.constant 64 : i32
    %mul3A_46 = arith.muli %mul3A_2, %mul3A_45 : i32
    %dma_wait3A_47 = arith.constant 0 : i32
    %dma_wait3A_48 = tpu.memref_slice %arg4[%mul3A_46, %dma_wait3A_47] : memref<81920x128xi32, #tpu.memory_space<hbm>> -> memref<64x128xi32, #tpu.memory_space<hbm>>
    %dma_wait3A_49 = arith.constant 0 : i32
    %dma_wait3A_50 = tpu.memref_slice %arg4[%mul3A_46, %dma_wait3A_49] : memref<81920x128xi32, #tpu.memory_space<hbm>> -> memref<64x128xi32, #tpu.memory_space<hbm>>
    tpu.wait_dma2 semaphore(%arg24 : memref<!tpu.dma_semaphore, #tpu.memory_space<semaphore_mem>>) src(%arg8 : memref<64x128xi32, #tpu.memory_space<vmem>>) dst(%dma_wait3A_50 : memref<64x128xi32, #tpu.memory_space<hbm>>)
    %mul3A_51 = arith.constant 64 : i32
    %mul3A_52 = arith.muli %mul3A_2, %mul3A_51 : i32
    %dma_wait3A_53 = arith.constant 0 : i32
    %dma_wait3A_54 = tpu.memref_slice %arg4[%mul3A_52, %dma_wait3A_53] : memref<81920x128xi32, #tpu.memory_space<hbm>> -> memref<64x128xi32, #tpu.memory_space<hbm>>
    %dma_wait3A_55 = arith.constant 0 : i32
    %dma_wait3A_56 = tpu.memref_slice %arg4[%mul3A_52, %dma_wait3A_55] : memref<81920x128xi32, #tpu.memory_space<hbm>> -> memref<64x128xi32, #tpu.memory_space<hbm>>
    tpu.wait_dma2 semaphore(%arg25 : memref<!tpu.dma_semaphore, #tpu.memory_space<semaphore_mem>>) src(%arg9 : memref<64x128xi32, #tpu.memory_space<vmem>>) dst(%dma_wait3A_56 : memref<64x128xi32, #tpu.memory_space<hbm>>)
    %mul3A_57 = arith.constant 64 : i32
    %mul3A_58 = arith.muli %mul3A_2, %mul3A_57 : i32
    %dma_wait3A_59 = arith.constant 0 : i32
    %dma_wait3A_60 = tpu.memref_slice %arg4[%mul3A_58, %dma_wait3A_59] : memref<81920x128xi32, #tpu.memory_space<hbm>> -> memref<64x128xi32, #tpu.memory_space<hbm>>
    %dma_wait3A_61 = arith.constant 0 : i32
    %dma_wait3A_62 = tpu.memref_slice %arg4[%mul3A_58, %dma_wait3A_61] : memref<81920x128xi32, #tpu.memory_space<hbm>> -> memref<64x128xi32, #tpu.memory_space<hbm>>
    tpu.wait_dma2 semaphore(%arg26 : memref<!tpu.dma_semaphore, #tpu.memory_space<semaphore_mem>>) src(%arg10 : memref<64x128xi32, #tpu.memory_space<vmem>>) dst(%dma_wait3A_62 : memref<64x128xi32, #tpu.memory_space<hbm>>)
    %mul3A_63 = arith.constant 64 : i32
    %mul3A_64 = arith.muli %mul3A_2, %mul3A_63 : i32
    %dma_wait3A_65 = arith.constant 0 : i32
    %dma_wait3A_66 = tpu.memref_slice %arg4[%mul3A_64, %dma_wait3A_65] : memref<81920x128xi32, #tpu.memory_space<hbm>> -> memref<64x128xi32, #tpu.memory_space<hbm>>
    %dma_wait3A_67 = arith.constant 0 : i32
    %dma_wait3A_68 = tpu.memref_slice %arg4[%mul3A_64, %dma_wait3A_67] : memref<81920x128xi32, #tpu.memory_space<hbm>> -> memref<64x128xi32, #tpu.memory_space<hbm>>
    tpu.wait_dma2 semaphore(%arg27 : memref<!tpu.dma_semaphore, #tpu.memory_space<semaphore_mem>>) src(%arg11 : memref<64x128xi32, #tpu.memory_space<vmem>>) dst(%dma_wait3A_68 : memref<64x128xi32, #tpu.memory_space<hbm>>)
    %mul3A_69 = arith.constant 64 : i32
    %mul3A_70 = arith.muli %mul3A_2, %mul3A_69 : i32
    %dma_wait3A_71 = arith.constant 0 : i32
    %dma_wait3A_72 = tpu.memref_slice %arg4[%mul3A_70, %dma_wait3A_71] : memref<81920x128xi32, #tpu.memory_space<hbm>> -> memref<64x128xi32, #tpu.memory_space<hbm>>
    %dma_wait3A_73 = arith.constant 0 : i32
    %dma_wait3A_74 = tpu.memref_slice %arg4[%mul3A_70, %dma_wait3A_73] : memref<81920x128xi32, #tpu.memory_space<hbm>> -> memref<64x128xi32, #tpu.memory_space<hbm>>
    tpu.wait_dma2 semaphore(%arg28 : memref<!tpu.dma_semaphore, #tpu.memory_space<semaphore_mem>>) src(%arg12 : memref<64x128xi32, #tpu.memory_space<vmem>>) dst(%dma_wait3A_74 : memref<64x128xi32, #tpu.memory_space<hbm>>)
    %mul3A_75 = arith.constant 64 : i32
    %mul3A_76 = arith.muli %mul3A_2, %mul3A_75 : i32
    %dma_wait3A_77 = arith.constant 0 : i32
    %dma_wait3A_78 = tpu.memref_slice %arg4[%mul3A_76, %dma_wait3A_77] : memref<81920x128xi32, #tpu.memory_space<hbm>> -> memref<64x128xi32, #tpu.memory_space<hbm>>
    %dma_wait3A_79 = arith.constant 0 : i32
    %dma_wait3A_80 = tpu.memref_slice %arg4[%mul3A_76, %dma_wait3A_79] : memref<81920x128xi32, #tpu.memory_space<hbm>> -> memref<64x128xi32, #tpu.memory_space<hbm>>
    tpu.wait_dma2 semaphore(%arg29 : memref<!tpu.dma_semaphore, #tpu.memory_space<semaphore_mem>>) src(%arg13 : memref<64x128xi32, #tpu.memory_space<vmem>>) dst(%dma_wait3A_80 : memref<64x128xi32, #tpu.memory_space<hbm>>)
    return
  }
}

#map = affine_map<(d0, d1) -> (0, 0)>
module attributes {stable_mosaic.version = 14 : i64} {
  func.func @_sc_gather(%arg0: i32, %arg1: i32, %arg2: memref<10000x128xi32, #tpu.memory_space<hbm>>, %arg3: memref<1280x64xi32, #tpu.memory_space<hbm>>, %arg4: memref<81920x128xi32, #tpu.memory_space<hbm>>, %arg5: memref<40x64xi32, #tpu.memory_space<vmem>>, %arg6: memref<64x128xi32, #tpu.memory_space<vmem>>, %arg7: memref<64x128xi32, #tpu.memory_space<vmem>>, %arg8: memref<64x128xi32, #tpu.memory_space<vmem>>, %arg9: memref<64x128xi32, #tpu.memory_space<vmem>>, %arg10: memref<64x128xi32, #tpu.memory_space<vmem>>, %arg11: memref<64x128xi32, #tpu.memory_space<vmem>>, %arg12: memref<64x128xi32, #tpu.memory_space<vmem>>, %arg13: memref<64x128xi32, #tpu.memory_space<vmem>>, %arg14: memref<!tpu.dma_semaphore, #tpu.memory_space<semaphore_mem>>, %arg15: memref<!tpu.dma_semaphore, #tpu.memory_space<semaphore_mem>>, %arg16: memref<!tpu.dma_semaphore, #tpu.memory_space<semaphore_mem>>, %arg17: memref<!tpu.dma_semaphore, #tpu.memory_space<semaphore_mem>>, %arg18: memref<!tpu.dma_semaphore, #tpu.memory_space<semaphore_mem>>, %arg19: memref<!tpu.dma_semaphore, #tpu.memory_space<semaphore_mem>>, %arg20: memref<!tpu.dma_semaphore, #tpu.memory_space<semaphore_mem>>, %arg21: memref<!tpu.dma_semaphore, #tpu.memory_space<semaphore_mem>>, %arg22: memref<!tpu.dma_semaphore, #tpu.memory_space<semaphore_mem>>, %arg23: memref<!tpu.dma_semaphore, #tpu.memory_space<semaphore_mem>>, %arg24: memref<!tpu.dma_semaphore, #tpu.memory_space<semaphore_mem>>, %arg25: memref<!tpu.dma_semaphore, #tpu.memory_space<semaphore_mem>>, %arg26: memref<!tpu.dma_semaphore, #tpu.memory_space<semaphore_mem>>, %arg27: memref<!tpu.dma_semaphore, #tpu.memory_space<semaphore_mem>>, %arg28: memref<!tpu.dma_semaphore, #tpu.memory_space<semaphore_mem>>, %arg29: memref<!tpu.dma_semaphore, #tpu.memory_space<semaphore_mem>>) attributes {dimension_semantics = [#tpu.dimension_semantics<core_parallel>, #tpu.dimension_semantics<subcore_parallel>], iteration_bounds = array<i64: 2, 16>, scalar_prefetch = 0 : i64, scratch_operands = 25 : i64, tpu.core_type = #tpu.core_type<sc_vector_subcore>, window_params = [{transform_indices = #map}, {transform_indices = #map}, {transform_indices = #map}]} {
    %mul3A = arith.constant 2 : i32
    %mul3A_0 = arith.muli %arg1, %mul3A : i32
    %add3A = arith.addi %mul3A_0, %arg0 : i32
    %mul3A_1 = arith.constant 40 : i32
    %mul3A_2 = arith.muli %add3A, %mul3A_1 : i32
    "tpu.region"() ({
      %run_scoped3A = tpu.sem_alloc : memref<!tpu.dma_semaphore, #tpu.memory_space<semaphore_mem>>
      %dma_start3A_81 = arith.constant 0 : i32
      %dma_start3A_82 = tpu.memref_slice %arg3[%mul3A_2, %dma_start3A_81] : memref<1280x64xi32, #tpu.memory_space<hbm>> -> memref<40x64xi32, #tpu.memory_space<hbm>>
      %dma_start3A_83 = arith.constant 0 : i32
      %dma_start3A_84 = tpu.memref_slice %arg3[%mul3A_2, %dma_start3A_83] : memref<1280x64xi32, #tpu.memory_space<hbm>> -> memref<40x64xi32, #tpu.memory_space<hbm>>
      tpu.enqueue_dma source(%dma_start3A_84 : memref<40x64xi32, #tpu.memory_space<hbm>>) target(%arg5 : memref<40x64xi32, #tpu.memory_space<vmem>>) target_semaphore(%run_scoped3A : memref<!tpu.dma_semaphore, #tpu.memory_space<semaphore_mem>>)
      %dma_wait3A_85 = arith.constant 0 : i32
      %dma_wait3A_86 = tpu.memref_slice %arg3[%mul3A_2, %dma_wait3A_85] : memref<1280x64xi32, #tpu.memory_space<hbm>> -> memref<40x64xi32, #tpu.memory_space<hbm>>
      %dma_wait3A_87 = arith.constant 0 : i32
      %dma_wait3A_88 = tpu.memref_slice %arg3[%mul3A_2, %dma_wait3A_87] : memref<1280x64xi32, #tpu.memory_space<hbm>> -> memref<40x64xi32, #tpu.memory_space<hbm>>
      tpu.wait_dma2 semaphore(%run_scoped3A : memref<!tpu.dma_semaphore, #tpu.memory_space<semaphore_mem>>) src(%dma_wait3A_88 : memref<40x64xi32, #tpu.memory_space<hbm>>) dst(%arg5 : memref<40x64xi32, #tpu.memory_space<vmem>>)
      tpu.yield
    }) : () -> ()
    %dma_start3A = arith.constant 0 : i32
    %dma_start3A_3 = arith.constant 0 : i32
    %dma_start3A_4 = tpu.memref_slice %arg5[%dma_start3A, %dma_start3A_3] : memref<40x64xi32, #tpu.memory_space<vmem>> -> memref<1x64xi32, #tpu.memory_space<vmem>>
    %dma_start3A_5 = tpu.memref_squeeze %dma_start3A_4 : memref<1x64xi32, #tpu.memory_space<vmem>> -> memref<64xi32, #tpu.memory_space<vmem>>
    %dma_start3A_6 = arith.constant 0 : i32
    %dma_start3A_7 = arith.constant 0 : i32
    %dma_start3A_8 = tpu.memref_slice %arg2[%dma_start3A_6, %dma_start3A_7] : memref<10000x128xi32, #tpu.memory_space<hbm>> -> memref<10000x128xi32, #tpu.memory_space<hbm>>
    tpu.enqueue_indirect_dma source(%dma_start3A_8 : memref<10000x128xi32, #tpu.memory_space<hbm>>) target(%arg6 : memref<64x128xi32, #tpu.memory_space<vmem>>) offsets(%dma_start3A_5 : memref<64xi32, #tpu.memory_space<vmem>>) semaphore(%arg14 : memref<!tpu.dma_semaphore, #tpu.memory_space<semaphore_mem>>)
    %dma_start3A_9 = arith.constant 1 : i32
    %dma_start3A_10 = arith.constant 0 : i32
    %dma_start3A_11 = tpu.memref_slice %arg5[%dma_start3A_9, %dma_start3A_10] : memref<40x64xi32, #tpu.memory_space<vmem>> -> memref<1x64xi32, #tpu.memory_space<vmem>>
    %dma_start3A_12 = tpu.memref_squeeze %dma_start3A_11 : memref<1x64xi32, #tpu.memory_space<vmem>> -> memref<64xi32, #tpu.memory_space<vmem>>
    %dma_start3A_13 = arith.constant 0 : i32
    %dma_start3A_14 = arith.constant 0 : i32
    %dma_start3A_15 = tpu.memref_slice %arg2[%dma_start3A_13, %dma_start3A_14] : memref<10000x128xi32, #tpu.memory_space<hbm>> -> memref<10000x128xi32, #tpu.memory_space<hbm>>
    tpu.enqueue_indirect_dma source(%dma_start3A_15 : memref<10000x128xi32, #tpu.memory_space<hbm>>) target(%arg7 : memref<64x128xi32, #tpu.memory_space<vmem>>) offsets(%dma_start3A_12 : memref<64xi32, #tpu.memory_space<vmem>>) semaphore(%arg15 : memref<!tpu.dma_semaphore, #tpu.memory_space<semaphore_mem>>)
    %dma_start3A_16 = arith.constant 2 : i32
    %dma_start3A_17 = arith.constant 0 : i32
    %dma_start3A_18 = tpu.memref_slice %arg5[%dma_start3A_16, %dma_start3A_17] : memref<40x64xi32, #tpu.memory_space<vmem>> -> memref<1x64xi32, #tpu.memory_space<vmem>>
    %dma_start3A_19 = tpu.memref_squeeze %dma_start3A_18 : memref<1x64xi32, #tpu.memory_space<vmem>> -> memref<64xi32, #tpu.memory_space<vmem>>
    %dma_start3A_20 = arith.constant 0 : i32
    %dma_start3A_21 = arith.constant 0 : i32
    %dma_start3A_22 = tpu.memref_slice %arg2[%dma_start3A_20, %dma_start3A_21] : memref<10000x128xi32, #tpu.memory_space<hbm>> -> memref<10000x128xi32, #tpu.memory_space<hbm>>
    tpu.enqueue_indirect_dma source(%dma_start3A_22 : memref<10000x128xi32, #tpu.memory_space<hbm>>) target(%arg8 : memref<64x128xi32, #tpu.memory_space<vmem>>) offsets(%dma_start3A_19 : memref<64xi32, #tpu.memory_space<vmem>>) semaphore(%arg16 : memref<!tpu.dma_semaphore, #tpu.memory_space<semaphore_mem>>)
    %dma_start3A_23 = arith.constant 3 : i32
    %dma_start3A_24 = arith.constant 0 : i32
    %dma_start3A_25 = tpu.memref_slice %arg5[%dma_start3A_23, %dma_start3A_24] : memref<40x64xi32, #tpu.memory_space<vmem>> -> memref<1x64xi32, #tpu.memory_space<vmem>>
    %dma_start3A_26 = tpu.memref_squeeze %dma_start3A_25 : memref<1x64xi32, #tpu.memory_space<vmem>> -> memref<64xi32, #tpu.memory_space<vmem>>
    %dma_start3A_27 = arith.constant 0 : i32
    %dma_start3A_28 = arith.constant 0 : i32
    %dma_start3A_29 = tpu.memref_slice %arg2[%dma_start3A_27, %dma_start3A_28] : memref<10000x128xi32, #tpu.memory_space<hbm>> -> memref<10000x128xi32, #tpu.memory_space<hbm>>
    tpu.enqueue_indirect_dma source(%dma_start3A_29 : memref<10000x128xi32, #tpu.memory_space<hbm>>) target(%arg9 : memref<64x128xi32, #tpu.memory_space<vmem>>) offsets(%dma_start3A_26 : memref<64xi32, #tpu.memory_space<vmem>>) semaphore(%arg17 : memref<!tpu.dma_semaphore, #tpu.memory_space<semaphore_mem>>)
    %scan3A = arith.constant 0 : i32
    %scan3A_30 = arith.constant 5 : i32
    %scan3A_31 = arith.addi %scan3A, %scan3A_30 : i32
    %scan3A_32 = arith.constant 1 : i32
    scf.for %scan3A_81 = %scan3A to %scan3A_31 step %scan3A_32  : i32 {
      %mul3A_82 = arith.constant 1 : i32
      %mul3A_83 = arith.muli %scan3A_81, %mul3A_82 : i32
      %add3A_84 = arith.constant 0 : i32
      %add3A_85 = arith.addi %add3A_84, %mul3A_83 : i32
      %mul3A_86 = arith.constant 8 : i32
      %mul3A_87 = arith.muli %add3A_85, %mul3A_86 : i32
      %add3A_88 = arith.constant 0 : i32
      %add3A_89 = arith.addi %mul3A_87, %add3A_88 : i32
      %dma_wait3A_90 = arith.constant 0 : i32
      %dma_wait3A_91 = arith.constant 0 : i32
      %dma_wait3A_92 = tpu.memref_slice %arg5[%dma_wait3A_90, %dma_wait3A_91] : memref<40x64xi32, #tpu.memory_space<vmem>> -> memref<1x64xi32, #tpu.memory_space<vmem>>
      %dma_wait3A_93 = tpu.memref_squeeze %dma_wait3A_92 : memref<1x64xi32, #tpu.memory_space<vmem>> -> memref<64xi32, #tpu.memory_space<vmem>>
      %dma_wait3A_94 = arith.constant 0 : i32
      %dma_wait3A_95 = arith.constant 0 : i32
      %dma_wait3A_96 = tpu.memref_slice %arg2[%dma_wait3A_94, %dma_wait3A_95] : memref<10000x128xi32, #tpu.memory_space<hbm>> -> memref<10000x128xi32, #tpu.memory_space<hbm>>
      tpu.wait_indirect_dma semaphore(%arg14 : memref<!tpu.dma_semaphore, #tpu.memory_space<semaphore_mem>>) src(%dma_wait3A_96 : memref<10000x128xi32, #tpu.memory_space<hbm>>) dst(%arg6 : memref<64x128xi32, #tpu.memory_space<vmem>>)
      %add3A_97 = arith.addi %mul3A_2, %add3A_89 : i32
      %mul3A_98 = arith.constant 64 : i32
      %mul3A_99 = arith.muli %add3A_97, %mul3A_98 : i32
      %dma_start3A_100 = arith.constant 0 : i32
      %dma_start3A_101 = tpu.memref_slice %arg4[%mul3A_99, %dma_start3A_100] : memref<81920x128xi32, #tpu.memory_space<hbm>> -> memref<64x128xi32, #tpu.memory_space<hbm>>
      %dma_start3A_102 = arith.constant 0 : i32
      %dma_start3A_103 = tpu.memref_slice %arg4[%mul3A_99, %dma_start3A_102] : memref<81920x128xi32, #tpu.memory_space<hbm>> -> memref<64x128xi32, #tpu.memory_space<hbm>>
      tpu.enqueue_dma source(%arg6 : memref<64x128xi32, #tpu.memory_space<vmem>>) target(%dma_start3A_103 : memref<64x128xi32, #tpu.memory_space<hbm>>) target_semaphore(%arg22 : memref<!tpu.dma_semaphore, #tpu.memory_space<semaphore_mem>>)
      %add3A_104 = arith.constant 4 : i32
      %add3A_105 = arith.addi %add3A_89, %add3A_104 : i32
      %lt3A = arith.constant 40 : i32
      %lt3A_106 = arith.cmpi slt, %add3A_105, %lt3A : i32
      %convert_element_type3A = arith.extui %lt3A_106 : i1 to i32
      %cond3A = arith.constant 0 : i32
      %cond3A_107 = arith.cmpi ne, %convert_element_type3A, %cond3A : i32
      scf.if %cond3A_107 {
        %ge3A = arith.constant 8 : i32
        %ge3A_269 = arith.cmpi sge, %add3A_105, %ge3A : i32
        %convert_element_type3A_270 = arith.extui %ge3A_269 : i1 to i32
        %cond3A_271 = arith.constant 0 : i32
        %cond3A_272 = arith.cmpi ne, %convert_element_type3A_270, %cond3A_271 : i32
        scf.if %cond3A_272 {
          %mul3A_279 = arith.constant 64 : i32
          %mul3A_280 = arith.muli %mul3A_2, %mul3A_279 : i32
          %dma_wait3A_281 = arith.constant 0 : i32
          %dma_wait3A_282 = tpu.memref_slice %arg4[%mul3A_280, %dma_wait3A_281] : memref<81920x128xi32, #tpu.memory_space<hbm>> -> memref<64x128xi32, #tpu.memory_space<hbm>>
          %dma_wait3A_283 = arith.constant 0 : i32
          %dma_wait3A_284 = tpu.memref_slice %arg4[%mul3A_280, %dma_wait3A_283] : memref<81920x128xi32, #tpu.memory_space<hbm>> -> memref<64x128xi32, #tpu.memory_space<hbm>>
          tpu.wait_dma2 semaphore(%arg26 : memref<!tpu.dma_semaphore, #tpu.memory_space<semaphore_mem>>) src(%arg10 : memref<64x128xi32, #tpu.memory_space<vmem>>) dst(%dma_wait3A_284 : memref<64x128xi32, #tpu.memory_space<hbm>>)
        } else {
        }
        %dma_start3A_273 = arith.constant 0 : i32
        %dma_start3A_274 = tpu.memref_slice %arg5[%add3A_105, %dma_start3A_273] : memref<40x64xi32, #tpu.memory_space<vmem>> -> memref<1x64xi32, #tpu.memory_space<vmem>>
        %dma_start3A_275 = tpu.memref_squeeze %dma_start3A_274 : memref<1x64xi32, #tpu.memory_space<vmem>> -> memref<64xi32, #tpu.memory_space<vmem>>
        %dma_start3A_276 = arith.constant 0 : i32
        %dma_start3A_277 = arith.constant 0 : i32
        %dma_start3A_278 = tpu.memref_slice %arg2[%dma_start3A_276, %dma_start3A_277] : memref<10000x128xi32, #tpu.memory_space<hbm>> -> memref<10000x128xi32, #tpu.memory_space<hbm>>
        tpu.enqueue_indirect_dma source(%dma_start3A_278 : memref<10000x128xi32, #tpu.memory_space<hbm>>) target(%arg10 : memref<64x128xi32, #tpu.memory_space<vmem>>) offsets(%dma_start3A_275 : memref<64xi32, #tpu.memory_space<vmem>>) semaphore(%arg18 : memref<!tpu.dma_semaphore, #tpu.memory_space<semaphore_mem>>)
      } else {
      }
      %add3A_108 = arith.constant 1 : i32
      %add3A_109 = arith.addi %mul3A_87, %add3A_108 : i32
      %dma_wait3A_110 = arith.constant 0 : i32
      %dma_wait3A_111 = arith.constant 0 : i32
      %dma_wait3A_112 = tpu.memref_slice %arg5[%dma_wait3A_110, %dma_wait3A_111] : memref<40x64xi32, #tpu.memory_space<vmem>> -> memref<1x64xi32, #tpu.memory_space<vmem>>
      %dma_wait3A_113 = tpu.memref_squeeze %dma_wait3A_112 : memref<1x64xi32, #tpu.memory_space<vmem>> -> memref<64xi32, #tpu.memory_space<vmem>>
      %dma_wait3A_114 = arith.constant 0 : i32
      %dma_wait3A_115 = arith.constant 0 : i32
      %dma_wait3A_116 = tpu.memref_slice %arg2[%dma_wait3A_114, %dma_wait3A_115] : memref<10000x128xi32, #tpu.memory_space<hbm>> -> memref<10000x128xi32, #tpu.memory_space<hbm>>
      tpu.wait_indirect_dma semaphore(%arg15 : memref<!tpu.dma_semaphore, #tpu.memory_space<semaphore_mem>>) src(%dma_wait3A_116 : memref<10000x128xi32, #tpu.memory_space<hbm>>) dst(%arg7 : memref<64x128xi32, #tpu.memory_space<vmem>>)
      %add3A_117 = arith.addi %mul3A_2, %add3A_109 : i32
      %mul3A_118 = arith.constant 64 : i32
      %mul3A_119 = arith.muli %add3A_117, %mul3A_118 : i32
      %dma_start3A_120 = arith.constant 0 : i32
      %dma_start3A_121 = tpu.memref_slice %arg4[%mul3A_119, %dma_start3A_120] : memref<81920x128xi32, #tpu.memory_space<hbm>> -> memref<64x128xi32, #tpu.memory_space<hbm>>
      %dma_start3A_122 = arith.constant 0 : i32
      %dma_start3A_123 = tpu.memref_slice %arg4[%mul3A_119, %dma_start3A_122] : memref<81920x128xi32, #tpu.memory_space<hbm>> -> memref<64x128xi32, #tpu.memory_space<hbm>>
      tpu.enqueue_dma source(%arg7 : memref<64x128xi32, #tpu.memory_space<vmem>>) target(%dma_start3A_123 : memref<64x128xi32, #tpu.memory_space<hbm>>) target_semaphore(%arg23 : memref<!tpu.dma_semaphore, #tpu.memory_space<semaphore_mem>>)
      %add3A_124 = arith.constant 4 : i32
      %add3A_125 = arith.addi %add3A_109, %add3A_124 : i32
      %lt3A_126 = arith.constant 40 : i32
      %lt3A_127 = arith.cmpi slt, %add3A_125, %lt3A_126 : i32
      %convert_element_type3A_128 = arith.extui %lt3A_127 : i1 to i32
      %cond3A_129 = arith.constant 0 : i32
      %cond3A_130 = arith.cmpi ne, %convert_element_type3A_128, %cond3A_129 : i32
      scf.if %cond3A_130 {
        %ge3A = arith.constant 8 : i32
        %ge3A_269 = arith.cmpi sge, %add3A_125, %ge3A : i32
        %convert_element_type3A_270 = arith.extui %ge3A_269 : i1 to i32
        %cond3A_271 = arith.constant 0 : i32
        %cond3A_272 = arith.cmpi ne, %convert_element_type3A_270, %cond3A_271 : i32
        scf.if %cond3A_272 {
          %mul3A_279 = arith.constant 64 : i32
          %mul3A_280 = arith.muli %mul3A_2, %mul3A_279 : i32
          %dma_wait3A_281 = arith.constant 0 : i32
          %dma_wait3A_282 = tpu.memref_slice %arg4[%mul3A_280, %dma_wait3A_281] : memref<81920x128xi32, #tpu.memory_space<hbm>> -> memref<64x128xi32, #tpu.memory_space<hbm>>
          %dma_wait3A_283 = arith.constant 0 : i32
          %dma_wait3A_284 = tpu.memref_slice %arg4[%mul3A_280, %dma_wait3A_283] : memref<81920x128xi32, #tpu.memory_space<hbm>> -> memref<64x128xi32, #tpu.memory_space<hbm>>
          tpu.wait_dma2 semaphore(%arg27 : memref<!tpu.dma_semaphore, #tpu.memory_space<semaphore_mem>>) src(%arg11 : memref<64x128xi32, #tpu.memory_space<vmem>>) dst(%dma_wait3A_284 : memref<64x128xi32, #tpu.memory_space<hbm>>)
        } else {
        }
        %dma_start3A_273 = arith.constant 0 : i32
        %dma_start3A_274 = tpu.memref_slice %arg5[%add3A_125, %dma_start3A_273] : memref<40x64xi32, #tpu.memory_space<vmem>> -> memref<1x64xi32, #tpu.memory_space<vmem>>
        %dma_start3A_275 = tpu.memref_squeeze %dma_start3A_274 : memref<1x64xi32, #tpu.memory_space<vmem>> -> memref<64xi32, #tpu.memory_space<vmem>>
        %dma_start3A_276 = arith.constant 0 : i32
        %dma_start3A_277 = arith.constant 0 : i32
        %dma_start3A_278 = tpu.memref_slice %arg2[%dma_start3A_276, %dma_start3A_277] : memref<10000x128xi32, #tpu.memory_space<hbm>> -> memref<10000x128xi32, #tpu.memory_space<hbm>>
        tpu.enqueue_indirect_dma source(%dma_start3A_278 : memref<10000x128xi32, #tpu.memory_space<hbm>>) target(%arg11 : memref<64x128xi32, #tpu.memory_space<vmem>>) offsets(%dma_start3A_275 : memref<64xi32, #tpu.memory_space<vmem>>) semaphore(%arg19 : memref<!tpu.dma_semaphore, #tpu.memory_space<semaphore_mem>>)
      } else {
      }
      %add3A_131 = arith.constant 2 : i32
      %add3A_132 = arith.addi %mul3A_87, %add3A_131 : i32
      %dma_wait3A_133 = arith.constant 0 : i32
      %dma_wait3A_134 = arith.constant 0 : i32
      %dma_wait3A_135 = tpu.memref_slice %arg5[%dma_wait3A_133, %dma_wait3A_134] : memref<40x64xi32, #tpu.memory_space<vmem>> -> memref<1x64xi32, #tpu.memory_space<vmem>>
      %dma_wait3A_136 = tpu.memref_squeeze %dma_wait3A_135 : memref<1x64xi32, #tpu.memory_space<vmem>> -> memref<64xi32, #tpu.memory_space<vmem>>
      %dma_wait3A_137 = arith.constant 0 : i32
      %dma_wait3A_138 = arith.constant 0 : i32
      %dma_wait3A_139 = tpu.memref_slice %arg2[%dma_wait3A_137, %dma_wait3A_138] : memref<10000x128xi32, #tpu.memory_space<hbm>> -> memref<10000x128xi32, #tpu.memory_space<hbm>>
      tpu.wait_indirect_dma semaphore(%arg16 : memref<!tpu.dma_semaphore, #tpu.memory_space<semaphore_mem>>) src(%dma_wait3A_139 : memref<10000x128xi32, #tpu.memory_space<hbm>>) dst(%arg8 : memref<64x128xi32, #tpu.memory_space<vmem>>)
      %add3A_140 = arith.addi %mul3A_2, %add3A_132 : i32
      %mul3A_141 = arith.constant 64 : i32
      %mul3A_142 = arith.muli %add3A_140, %mul3A_141 : i32
      %dma_start3A_143 = arith.constant 0 : i32
      %dma_start3A_144 = tpu.memref_slice %arg4[%mul3A_142, %dma_start3A_143] : memref<81920x128xi32, #tpu.memory_space<hbm>> -> memref<64x128xi32, #tpu.memory_space<hbm>>
      %dma_start3A_145 = arith.constant 0 : i32
      %dma_start3A_146 = tpu.memref_slice %arg4[%mul3A_142, %dma_start3A_145] : memref<81920x128xi32, #tpu.memory_space<hbm>> -> memref<64x128xi32, #tpu.memory_space<hbm>>
      tpu.enqueue_dma source(%arg8 : memref<64x128xi32, #tpu.memory_space<vmem>>) target(%dma_start3A_146 : memref<64x128xi32, #tpu.memory_space<hbm>>) target_semaphore(%arg24 : memref<!tpu.dma_semaphore, #tpu.memory_space<semaphore_mem>>)
      %add3A_147 = arith.constant 4 : i32
      %add3A_148 = arith.addi %add3A_132, %add3A_147 : i32
      %lt3A_149 = arith.constant 40 : i32
      %lt3A_150 = arith.cmpi slt, %add3A_148, %lt3A_149 : i32
      %convert_element_type3A_151 = arith.extui %lt3A_150 : i1 to i32
      %cond3A_152 = arith.constant 0 : i32
      %cond3A_153 = arith.cmpi ne, %convert_element_type3A_151, %cond3A_152 : i32
      scf.if %cond3A_153 {
        %ge3A = arith.constant 8 : i32
        %ge3A_269 = arith.cmpi sge, %add3A_148, %ge3A : i32
        %convert_element_type3A_270 = arith.extui %ge3A_269 : i1 to i32
        %cond3A_271 = arith.constant 0 : i32
        %cond3A_272 = arith.cmpi ne, %convert_element_type3A_270, %cond3A_271 : i32
        scf.if %cond3A_272 {
          %mul3A_279 = arith.constant 64 : i32
          %mul3A_280 = arith.muli %mul3A_2, %mul3A_279 : i32
          %dma_wait3A_281 = arith.constant 0 : i32
          %dma_wait3A_282 = tpu.memref_slice %arg4[%mul3A_280, %dma_wait3A_281] : memref<81920x128xi32, #tpu.memory_space<hbm>> -> memref<64x128xi32, #tpu.memory_space<hbm>>
          %dma_wait3A_283 = arith.constant 0 : i32
          %dma_wait3A_284 = tpu.memref_slice %arg4[%mul3A_280, %dma_wait3A_283] : memref<81920x128xi32, #tpu.memory_space<hbm>> -> memref<64x128xi32, #tpu.memory_space<hbm>>
          tpu.wait_dma2 semaphore(%arg28 : memref<!tpu.dma_semaphore, #tpu.memory_space<semaphore_mem>>) src(%arg12 : memref<64x128xi32, #tpu.memory_space<vmem>>) dst(%dma_wait3A_284 : memref<64x128xi32, #tpu.memory_space<hbm>>)
        } else {
        }
        %dma_start3A_273 = arith.constant 0 : i32
        %dma_start3A_274 = tpu.memref_slice %arg5[%add3A_148, %dma_start3A_273] : memref<40x64xi32, #tpu.memory_space<vmem>> -> memref<1x64xi32, #tpu.memory_space<vmem>>
        %dma_start3A_275 = tpu.memref_squeeze %dma_start3A_274 : memref<1x64xi32, #tpu.memory_space<vmem>> -> memref<64xi32, #tpu.memory_space<vmem>>
        %dma_start3A_276 = arith.constant 0 : i32
        %dma_start3A_277 = arith.constant 0 : i32
        %dma_start3A_278 = tpu.memref_slice %arg2[%dma_start3A_276, %dma_start3A_277] : memref<10000x128xi32, #tpu.memory_space<hbm>> -> memref<10000x128xi32, #tpu.memory_space<hbm>>
        tpu.enqueue_indirect_dma source(%dma_start3A_278 : memref<10000x128xi32, #tpu.memory_space<hbm>>) target(%arg12 : memref<64x128xi32, #tpu.memory_space<vmem>>) offsets(%dma_start3A_275 : memref<64xi32, #tpu.memory_space<vmem>>) semaphore(%arg20 : memref<!tpu.dma_semaphore, #tpu.memory_space<semaphore_mem>>)
      } else {
      }
      %add3A_154 = arith.constant 3 : i32
      %add3A_155 = arith.addi %mul3A_87, %add3A_154 : i32
      %dma_wait3A_156 = arith.constant 0 : i32
      %dma_wait3A_157 = arith.constant 0 : i32
      %dma_wait3A_158 = tpu.memref_slice %arg5[%dma_wait3A_156, %dma_wait3A_157] : memref<40x64xi32, #tpu.memory_space<vmem>> -> memref<1x64xi32, #tpu.memory_space<vmem>>
      %dma_wait3A_159 = tpu.memref_squeeze %dma_wait3A_158 : memref<1x64xi32, #tpu.memory_space<vmem>> -> memref<64xi32, #tpu.memory_space<vmem>>
      %dma_wait3A_160 = arith.constant 0 : i32
      %dma_wait3A_161 = arith.constant 0 : i32
      %dma_wait3A_162 = tpu.memref_slice %arg2[%dma_wait3A_160, %dma_wait3A_161] : memref<10000x128xi32, #tpu.memory_space<hbm>> -> memref<10000x128xi32, #tpu.memory_space<hbm>>
      tpu.wait_indirect_dma semaphore(%arg17 : memref<!tpu.dma_semaphore, #tpu.memory_space<semaphore_mem>>) src(%dma_wait3A_162 : memref<10000x128xi32, #tpu.memory_space<hbm>>) dst(%arg9 : memref<64x128xi32, #tpu.memory_space<vmem>>)
      %add3A_163 = arith.addi %mul3A_2, %add3A_155 : i32
      %mul3A_164 = arith.constant 64 : i32
      %mul3A_165 = arith.muli %add3A_163, %mul3A_164 : i32
      %dma_start3A_166 = arith.constant 0 : i32
      %dma_start3A_167 = tpu.memref_slice %arg4[%mul3A_165, %dma_start3A_166] : memref<81920x128xi32, #tpu.memory_space<hbm>> -> memref<64x128xi32, #tpu.memory_space<hbm>>
      %dma_start3A_168 = arith.constant 0 : i32
      %dma_start3A_169 = tpu.memref_slice %arg4[%mul3A_165, %dma_start3A_168] : memref<81920x128xi32, #tpu.memory_space<hbm>> -> memref<64x128xi32, #tpu.memory_space<hbm>>
      tpu.enqueue_dma source(%arg9 : memref<64x128xi32, #tpu.memory_space<vmem>>) target(%dma_start3A_169 : memref<64x128xi32, #tpu.memory_space<hbm>>) target_semaphore(%arg25 : memref<!tpu.dma_semaphore, #tpu.memory_space<semaphore_mem>>)
      %add3A_170 = arith.constant 4 : i32
      %add3A_171 = arith.addi %add3A_155, %add3A_170 : i32
      %lt3A_172 = arith.constant 40 : i32
      %lt3A_173 = arith.cmpi slt, %add3A_171, %lt3A_172 : i32
      %convert_element_type3A_174 = arith.extui %lt3A_173 : i1 to i32
      %cond3A_175 = arith.constant 0 : i32
      %cond3A_176 = arith.cmpi ne, %convert_element_type3A_174, %cond3A_175 : i32
      scf.if %cond3A_176 {
        %ge3A = arith.constant 8 : i32
        %ge3A_269 = arith.cmpi sge, %add3A_171, %ge3A : i32
        %convert_element_type3A_270 = arith.extui %ge3A_269 : i1 to i32
        %cond3A_271 = arith.constant 0 : i32
        %cond3A_272 = arith.cmpi ne, %convert_element_type3A_270, %cond3A_271 : i32
        scf.if %cond3A_272 {
          %mul3A_279 = arith.constant 64 : i32
          %mul3A_280 = arith.muli %mul3A_2, %mul3A_279 : i32
          %dma_wait3A_281 = arith.constant 0 : i32
          %dma_wait3A_282 = tpu.memref_slice %arg4[%mul3A_280, %dma_wait3A_281] : memref<81920x128xi32, #tpu.memory_space<hbm>> -> memref<64x128xi32, #tpu.memory_space<hbm>>
          %dma_wait3A_283 = arith.constant 0 : i32
          %dma_wait3A_284 = tpu.memref_slice %arg4[%mul3A_280, %dma_wait3A_283] : memref<81920x128xi32, #tpu.memory_space<hbm>> -> memref<64x128xi32, #tpu.memory_space<hbm>>
          tpu.wait_dma2 semaphore(%arg29 : memref<!tpu.dma_semaphore, #tpu.memory_space<semaphore_mem>>) src(%arg13 : memref<64x128xi32, #tpu.memory_space<vmem>>) dst(%dma_wait3A_284 : memref<64x128xi32, #tpu.memory_space<hbm>>)
        } else {
        }
        %dma_start3A_273 = arith.constant 0 : i32
        %dma_start3A_274 = tpu.memref_slice %arg5[%add3A_171, %dma_start3A_273] : memref<40x64xi32, #tpu.memory_space<vmem>> -> memref<1x64xi32, #tpu.memory_space<vmem>>
        %dma_start3A_275 = tpu.memref_squeeze %dma_start3A_274 : memref<1x64xi32, #tpu.memory_space<vmem>> -> memref<64xi32, #tpu.memory_space<vmem>>
        %dma_start3A_276 = arith.constant 0 : i32
        %dma_start3A_277 = arith.constant 0 : i32
        %dma_start3A_278 = tpu.memref_slice %arg2[%dma_start3A_276, %dma_start3A_277] : memref<10000x128xi32, #tpu.memory_space<hbm>> -> memref<10000x128xi32, #tpu.memory_space<hbm>>
        tpu.enqueue_indirect_dma source(%dma_start3A_278 : memref<10000x128xi32, #tpu.memory_space<hbm>>) target(%arg13 : memref<64x128xi32, #tpu.memory_space<vmem>>) offsets(%dma_start3A_275 : memref<64xi32, #tpu.memory_space<vmem>>) semaphore(%arg21 : memref<!tpu.dma_semaphore, #tpu.memory_space<semaphore_mem>>)
      } else {
      }
      %add3A_177 = arith.constant 4 : i32
      %add3A_178 = arith.addi %mul3A_87, %add3A_177 : i32
      %dma_wait3A_179 = arith.constant 0 : i32
      %dma_wait3A_180 = arith.constant 0 : i32
      %dma_wait3A_181 = tpu.memref_slice %arg5[%dma_wait3A_179, %dma_wait3A_180] : memref<40x64xi32, #tpu.memory_space<vmem>> -> memref<1x64xi32, #tpu.memory_space<vmem>>
      %dma_wait3A_182 = tpu.memref_squeeze %dma_wait3A_181 : memref<1x64xi32, #tpu.memory_space<vmem>> -> memref<64xi32, #tpu.memory_space<vmem>>
      %dma_wait3A_183 = arith.constant 0 : i32
      %dma_wait3A_184 = arith.constant 0 : i32
      %dma_wait3A_185 = tpu.memref_slice %arg2[%dma_wait3A_183, %dma_wait3A_184] : memref<10000x128xi32, #tpu.memory_space<hbm>> -> memref<10000x128xi32, #tpu.memory_space<hbm>>
      tpu.wait_indirect_dma semaphore(%arg18 : memref<!tpu.dma_semaphore, #tpu.memory_space<semaphore_mem>>) src(%dma_wait3A_185 : memref<10000x128xi32, #tpu.memory_space<hbm>>) dst(%arg10 : memref<64x128xi32, #tpu.memory_space<vmem>>)
      %add3A_186 = arith.addi %mul3A_2, %add3A_178 : i32
      %mul3A_187 = arith.constant 64 : i32
      %mul3A_188 = arith.muli %add3A_186, %mul3A_187 : i32
      %dma_start3A_189 = arith.constant 0 : i32
      %dma_start3A_190 = tpu.memref_slice %arg4[%mul3A_188, %dma_start3A_189] : memref<81920x128xi32, #tpu.memory_space<hbm>> -> memref<64x128xi32, #tpu.memory_space<hbm>>
      %dma_start3A_191 = arith.constant 0 : i32
      %dma_start3A_192 = tpu.memref_slice %arg4[%mul3A_188, %dma_start3A_191] : memref<81920x128xi32, #tpu.memory_space<hbm>> -> memref<64x128xi32, #tpu.memory_space<hbm>>
      tpu.enqueue_dma source(%arg10 : memref<64x128xi32, #tpu.memory_space<vmem>>) target(%dma_start3A_192 : memref<64x128xi32, #tpu.memory_space<hbm>>) target_semaphore(%arg26 : memref<!tpu.dma_semaphore, #tpu.memory_space<semaphore_mem>>)
      %add3A_193 = arith.constant 4 : i32
      %add3A_194 = arith.addi %add3A_178, %add3A_193 : i32
      %lt3A_195 = arith.constant 40 : i32
      %lt3A_196 = arith.cmpi slt, %add3A_194, %lt3A_195 : i32
      %convert_element_type3A_197 = arith.extui %lt3A_196 : i1 to i32
      %cond3A_198 = arith.constant 0 : i32
      %cond3A_199 = arith.cmpi ne, %convert_element_type3A_197, %cond3A_198 : i32
      scf.if %cond3A_199 {
        %ge3A = arith.constant 8 : i32
        %ge3A_269 = arith.cmpi sge, %add3A_194, %ge3A : i32
        %convert_element_type3A_270 = arith.extui %ge3A_269 : i1 to i32
        %cond3A_271 = arith.constant 0 : i32
        %cond3A_272 = arith.cmpi ne, %convert_element_type3A_270, %cond3A_271 : i32
        scf.if %cond3A_272 {
          %mul3A_279 = arith.constant 64 : i32
          %mul3A_280 = arith.muli %mul3A_2, %mul3A_279 : i32
          %dma_wait3A_281 = arith.constant 0 : i32
          %dma_wait3A_282 = tpu.memref_slice %arg4[%mul3A_280, %dma_wait3A_281] : memref<81920x128xi32, #tpu.memory_space<hbm>> -> memref<64x128xi32, #tpu.memory_space<hbm>>
          %dma_wait3A_283 = arith.constant 0 : i32
          %dma_wait3A_284 = tpu.memref_slice %arg4[%mul3A_280, %dma_wait3A_283] : memref<81920x128xi32, #tpu.memory_space<hbm>> -> memref<64x128xi32, #tpu.memory_space<hbm>>
          tpu.wait_dma2 semaphore(%arg22 : memref<!tpu.dma_semaphore, #tpu.memory_space<semaphore_mem>>) src(%arg6 : memref<64x128xi32, #tpu.memory_space<vmem>>) dst(%dma_wait3A_284 : memref<64x128xi32, #tpu.memory_space<hbm>>)
        } else {
        }
        %dma_start3A_273 = arith.constant 0 : i32
        %dma_start3A_274 = tpu.memref_slice %arg5[%add3A_194, %dma_start3A_273] : memref<40x64xi32, #tpu.memory_space<vmem>> -> memref<1x64xi32, #tpu.memory_space<vmem>>
        %dma_start3A_275 = tpu.memref_squeeze %dma_start3A_274 : memref<1x64xi32, #tpu.memory_space<vmem>> -> memref<64xi32, #tpu.memory_space<vmem>>
        %dma_start3A_276 = arith.constant 0 : i32
        %dma_start3A_277 = arith.constant 0 : i32
        %dma_start3A_278 = tpu.memref_slice %arg2[%dma_start3A_276, %dma_start3A_277] : memref<10000x128xi32, #tpu.memory_space<hbm>> -> memref<10000x128xi32, #tpu.memory_space<hbm>>
        tpu.enqueue_indirect_dma source(%dma_start3A_278 : memref<10000x128xi32, #tpu.memory_space<hbm>>) target(%arg6 : memref<64x128xi32, #tpu.memory_space<vmem>>) offsets(%dma_start3A_275 : memref<64xi32, #tpu.memory_space<vmem>>) semaphore(%arg14 : memref<!tpu.dma_semaphore, #tpu.memory_space<semaphore_mem>>)
      } else {
      }
      %add3A_200 = arith.constant 5 : i32
      %add3A_201 = arith.addi %mul3A_87, %add3A_200 : i32
      %dma_wait3A_202 = arith.constant 0 : i32
      %dma_wait3A_203 = arith.constant 0 : i32
      %dma_wait3A_204 = tpu.memref_slice %arg5[%dma_wait3A_202, %dma_wait3A_203] : memref<40x64xi32, #tpu.memory_space<vmem>> -> memref<1x64xi32, #tpu.memory_space<vmem>>
      %dma_wait3A_205 = tpu.memref_squeeze %dma_wait3A_204 : memref<1x64xi32, #tpu.memory_space<vmem>> -> memref<64xi32, #tpu.memory_space<vmem>>
      %dma_wait3A_206 = arith.constant 0 : i32
      %dma_wait3A_207 = arith.constant 0 : i32
      %dma_wait3A_208 = tpu.memref_slice %arg2[%dma_wait3A_206, %dma_wait3A_207] : memref<10000x128xi32, #tpu.memory_space<hbm>> -> memref<10000x128xi32, #tpu.memory_space<hbm>>
      tpu.wait_indirect_dma semaphore(%arg19 : memref<!tpu.dma_semaphore, #tpu.memory_space<semaphore_mem>>) src(%dma_wait3A_208 : memref<10000x128xi32, #tpu.memory_space<hbm>>) dst(%arg11 : memref<64x128xi32, #tpu.memory_space<vmem>>)
      %add3A_209 = arith.addi %mul3A_2, %add3A_201 : i32
      %mul3A_210 = arith.constant 64 : i32
      %mul3A_211 = arith.muli %add3A_209, %mul3A_210 : i32
      %dma_start3A_212 = arith.constant 0 : i32
      %dma_start3A_213 = tpu.memref_slice %arg4[%mul3A_211, %dma_start3A_212] : memref<81920x128xi32, #tpu.memory_space<hbm>> -> memref<64x128xi32, #tpu.memory_space<hbm>>
      %dma_start3A_214 = arith.constant 0 : i32
      %dma_start3A_215 = tpu.memref_slice %arg4[%mul3A_211, %dma_start3A_214] : memref<81920x128xi32, #tpu.memory_space<hbm>> -> memref<64x128xi32, #tpu.memory_space<hbm>>
      tpu.enqueue_dma source(%arg11 : memref<64x128xi32, #tpu.memory_space<vmem>>) target(%dma_start3A_215 : memref<64x128xi32, #tpu.memory_space<hbm>>) target_semaphore(%arg27 : memref<!tpu.dma_semaphore, #tpu.memory_space<semaphore_mem>>)
      %add3A_216 = arith.constant 4 : i32
      %add3A_217 = arith.addi %add3A_201, %add3A_216 : i32
      %lt3A_218 = arith.constant 40 : i32
      %lt3A_219 = arith.cmpi slt, %add3A_217, %lt3A_218 : i32
      %convert_element_type3A_220 = arith.extui %lt3A_219 : i1 to i32
      %cond3A_221 = arith.constant 0 : i32
      %cond3A_222 = arith.cmpi ne, %convert_element_type3A_220, %cond3A_221 : i32
      scf.if %cond3A_222 {
        %ge3A = arith.constant 8 : i32
        %ge3A_269 = arith.cmpi sge, %add3A_217, %ge3A : i32
        %convert_element_type3A_270 = arith.extui %ge3A_269 : i1 to i32
        %cond3A_271 = arith.constant 0 : i32
        %cond3A_272 = arith.cmpi ne, %convert_element_type3A_270, %cond3A_271 : i32
        scf.if %cond3A_272 {
          %mul3A_279 = arith.constant 64 : i32
          %mul3A_280 = arith.muli %mul3A_2, %mul3A_279 : i32
          %dma_wait3A_281 = arith.constant 0 : i32
          %dma_wait3A_282 = tpu.memref_slice %arg4[%mul3A_280, %dma_wait3A_281] : memref<81920x128xi32, #tpu.memory_space<hbm>> -> memref<64x128xi32, #tpu.memory_space<hbm>>
          %dma_wait3A_283 = arith.constant 0 : i32
          %dma_wait3A_284 = tpu.memref_slice %arg4[%mul3A_280, %dma_wait3A_283] : memref<81920x128xi32, #tpu.memory_space<hbm>> -> memref<64x128xi32, #tpu.memory_space<hbm>>
          tpu.wait_dma2 semaphore(%arg23 : memref<!tpu.dma_semaphore, #tpu.memory_space<semaphore_mem>>) src(%arg7 : memref<64x128xi32, #tpu.memory_space<vmem>>) dst(%dma_wait3A_284 : memref<64x128xi32, #tpu.memory_space<hbm>>)
        } else {
        }
        %dma_start3A_273 = arith.constant 0 : i32
        %dma_start3A_274 = tpu.memref_slice %arg5[%add3A_217, %dma_start3A_273] : memref<40x64xi32, #tpu.memory_space<vmem>> -> memref<1x64xi32, #tpu.memory_space<vmem>>
        %dma_start3A_275 = tpu.memref_squeeze %dma_start3A_274 : memref<1x64xi32, #tpu.memory_space<vmem>> -> memref<64xi32, #tpu.memory_space<vmem>>
        %dma_start3A_276 = arith.constant 0 : i32
        %dma_start3A_277 = arith.constant 0 : i32
        %dma_start3A_278 = tpu.memref_slice %arg2[%dma_start3A_276, %dma_start3A_277] : memref<10000x128xi32, #tpu.memory_space<hbm>> -> memref<10000x128xi32, #tpu.memory_space<hbm>>
        tpu.enqueue_indirect_dma source(%dma_start3A_278 : memref<10000x128xi32, #tpu.memory_space<hbm>>) target(%arg7 : memref<64x128xi32, #tpu.memory_space<vmem>>) offsets(%dma_start3A_275 : memref<64xi32, #tpu.memory_space<vmem>>) semaphore(%arg15 : memref<!tpu.dma_semaphore, #tpu.memory_space<semaphore_mem>>)
      } else {
      }
      %add3A_223 = arith.constant 6 : i32
      %add3A_224 = arith.addi %mul3A_87, %add3A_223 : i32
      %dma_wait3A_225 = arith.constant 0 : i32
      %dma_wait3A_226 = arith.constant 0 : i32
      %dma_wait3A_227 = tpu.memref_slice %arg5[%dma_wait3A_225, %dma_wait3A_226] : memref<40x64xi32, #tpu.memory_space<vmem>> -> memref<1x64xi32, #tpu.memory_space<vmem>>
      %dma_wait3A_228 = tpu.memref_squeeze %dma_wait3A_227 : memref<1x64xi32, #tpu.memory_space<vmem>> -> memref<64xi32, #tpu.memory_space<vmem>>
      %dma_wait3A_229 = arith.constant 0 : i32
      %dma_wait3A_230 = arith.constant 0 : i32
      %dma_wait3A_231 = tpu.memref_slice %arg2[%dma_wait3A_229, %dma_wait3A_230] : memref<10000x128xi32, #tpu.memory_space<hbm>> -> memref<10000x128xi32, #tpu.memory_space<hbm>>
      tpu.wait_indirect_dma semaphore(%arg20 : memref<!tpu.dma_semaphore, #tpu.memory_space<semaphore_mem>>) src(%dma_wait3A_231 : memref<10000x128xi32, #tpu.memory_space<hbm>>) dst(%arg12 : memref<64x128xi32, #tpu.memory_space<vmem>>)
      %add3A_232 = arith.addi %mul3A_2, %add3A_224 : i32
      %mul3A_233 = arith.constant 64 : i32
      %mul3A_234 = arith.muli %add3A_232, %mul3A_233 : i32
      %dma_start3A_235 = arith.constant 0 : i32
      %dma_start3A_236 = tpu.memref_slice %arg4[%mul3A_234, %dma_start3A_235] : memref<81920x128xi32, #tpu.memory_space<hbm>> -> memref<64x128xi32, #tpu.memory_space<hbm>>
      %dma_start3A_237 = arith.constant 0 : i32
      %dma_start3A_238 = tpu.memref_slice %arg4[%mul3A_234, %dma_start3A_237] : memref<81920x128xi32, #tpu.memory_space<hbm>> -> memref<64x128xi32, #tpu.memory_space<hbm>>
      tpu.enqueue_dma source(%arg12 : memref<64x128xi32, #tpu.memory_space<vmem>>) target(%dma_start3A_238 : memref<64x128xi32, #tpu.memory_space<hbm>>) target_semaphore(%arg28 : memref<!tpu.dma_semaphore, #tpu.memory_space<semaphore_mem>>)
      %add3A_239 = arith.constant 4 : i32
      %add3A_240 = arith.addi %add3A_224, %add3A_239 : i32
      %lt3A_241 = arith.constant 40 : i32
      %lt3A_242 = arith.cmpi slt, %add3A_240, %lt3A_241 : i32
      %convert_element_type3A_243 = arith.extui %lt3A_242 : i1 to i32
      %cond3A_244 = arith.constant 0 : i32
      %cond3A_245 = arith.cmpi ne, %convert_element_type3A_243, %cond3A_244 : i32
      scf.if %cond3A_245 {
        %ge3A = arith.constant 8 : i32
        %ge3A_269 = arith.cmpi sge, %add3A_240, %ge3A : i32
        %convert_element_type3A_270 = arith.extui %ge3A_269 : i1 to i32
        %cond3A_271 = arith.constant 0 : i32
        %cond3A_272 = arith.cmpi ne, %convert_element_type3A_270, %cond3A_271 : i32
        scf.if %cond3A_272 {
          %mul3A_279 = arith.constant 64 : i32
          %mul3A_280 = arith.muli %mul3A_2, %mul3A_279 : i32
          %dma_wait3A_281 = arith.constant 0 : i32
          %dma_wait3A_282 = tpu.memref_slice %arg4[%mul3A_280, %dma_wait3A_281] : memref<81920x128xi32, #tpu.memory_space<hbm>> -> memref<64x128xi32, #tpu.memory_space<hbm>>
          %dma_wait3A_283 = arith.constant 0 : i32
          %dma_wait3A_284 = tpu.memref_slice %arg4[%mul3A_280, %dma_wait3A_283] : memref<81920x128xi32, #tpu.memory_space<hbm>> -> memref<64x128xi32, #tpu.memory_space<hbm>>
          tpu.wait_dma2 semaphore(%arg24 : memref<!tpu.dma_semaphore, #tpu.memory_space<semaphore_mem>>) src(%arg8 : memref<64x128xi32, #tpu.memory_space<vmem>>) dst(%dma_wait3A_284 : memref<64x128xi32, #tpu.memory_space<hbm>>)
        } else {
        }
        %dma_start3A_273 = arith.constant 0 : i32
        %dma_start3A_274 = tpu.memref_slice %arg5[%add3A_240, %dma_start3A_273] : memref<40x64xi32, #tpu.memory_space<vmem>> -> memref<1x64xi32, #tpu.memory_space<vmem>>
        %dma_start3A_275 = tpu.memref_squeeze %dma_start3A_274 : memref<1x64xi32, #tpu.memory_space<vmem>> -> memref<64xi32, #tpu.memory_space<vmem>>
        %dma_start3A_276 = arith.constant 0 : i32
        %dma_start3A_277 = arith.constant 0 : i32
        %dma_start3A_278 = tpu.memref_slice %arg2[%dma_start3A_276, %dma_start3A_277] : memref<10000x128xi32, #tpu.memory_space<hbm>> -> memref<10000x128xi32, #tpu.memory_space<hbm>>
        tpu.enqueue_indirect_dma source(%dma_start3A_278 : memref<10000x128xi32, #tpu.memory_space<hbm>>) target(%arg8 : memref<64x128xi32, #tpu.memory_space<vmem>>) offsets(%dma_start3A_275 : memref<64xi32, #tpu.memory_space<vmem>>) semaphore(%arg16 : memref<!tpu.dma_semaphore, #tpu.memory_space<semaphore_mem>>)
      } else {
      }
      %add3A_246 = arith.constant 7 : i32
      %add3A_247 = arith.addi %mul3A_87, %add3A_246 : i32
      %dma_wait3A_248 = arith.constant 0 : i32
      %dma_wait3A_249 = arith.constant 0 : i32
      %dma_wait3A_250 = tpu.memref_slice %arg5[%dma_wait3A_248, %dma_wait3A_249] : memref<40x64xi32, #tpu.memory_space<vmem>> -> memref<1x64xi32, #tpu.memory_space<vmem>>
      %dma_wait3A_251 = tpu.memref_squeeze %dma_wait3A_250 : memref<1x64xi32, #tpu.memory_space<vmem>> -> memref<64xi32, #tpu.memory_space<vmem>>
      %dma_wait3A_252 = arith.constant 0 : i32
      %dma_wait3A_253 = arith.constant 0 : i32
      %dma_wait3A_254 = tpu.memref_slice %arg2[%dma_wait3A_252, %dma_wait3A_253] : memref<10000x128xi32, #tpu.memory_space<hbm>> -> memref<10000x128xi32, #tpu.memory_space<hbm>>
      tpu.wait_indirect_dma semaphore(%arg21 : memref<!tpu.dma_semaphore, #tpu.memory_space<semaphore_mem>>) src(%dma_wait3A_254 : memref<10000x128xi32, #tpu.memory_space<hbm>>) dst(%arg13 : memref<64x128xi32, #tpu.memory_space<vmem>>)
      %add3A_255 = arith.addi %mul3A_2, %add3A_247 : i32
      %mul3A_256 = arith.constant 64 : i32
      %mul3A_257 = arith.muli %add3A_255, %mul3A_256 : i32
      %dma_start3A_258 = arith.constant 0 : i32
      %dma_start3A_259 = tpu.memref_slice %arg4[%mul3A_257, %dma_start3A_258] : memref<81920x128xi32, #tpu.memory_space<hbm>> -> memref<64x128xi32, #tpu.memory_space<hbm>>
      %dma_start3A_260 = arith.constant 0 : i32
      %dma_start3A_261 = tpu.memref_slice %arg4[%mul3A_257, %dma_start3A_260] : memref<81920x128xi32, #tpu.memory_space<hbm>> -> memref<64x128xi32, #tpu.memory_space<hbm>>
      tpu.enqueue_dma source(%arg13 : memref<64x128xi32, #tpu.memory_space<vmem>>) target(%dma_start3A_261 : memref<64x128xi32, #tpu.memory_space<hbm>>) target_semaphore(%arg29 : memref<!tpu.dma_semaphore, #tpu.memory_space<semaphore_mem>>)
      %add3A_262 = arith.constant 4 : i32
      %add3A_263 = arith.addi %add3A_247, %add3A_262 : i32
      %lt3A_264 = arith.constant 40 : i32
      %lt3A_265 = arith.cmpi slt, %add3A_263, %lt3A_264 : i32
      %convert_element_type3A_266 = arith.extui %lt3A_265 : i1 to i32
      %cond3A_267 = arith.constant 0 : i32
      %cond3A_268 = arith.cmpi ne, %convert_element_type3A_266, %cond3A_267 : i32
      scf.if %cond3A_268 {
        %ge3A = arith.constant 8 : i32
        %ge3A_269 = arith.cmpi sge, %add3A_263, %ge3A : i32
        %convert_element_type3A_270 = arith.extui %ge3A_269 : i1 to i32
        %cond3A_271 = arith.constant 0 : i32
        %cond3A_272 = arith.cmpi ne, %convert_element_type3A_270, %cond3A_271 : i32
        scf.if %cond3A_272 {
          %mul3A_279 = arith.constant 64 : i32
          %mul3A_280 = arith.muli %mul3A_2, %mul3A_279 : i32
          %dma_wait3A_281 = arith.constant 0 : i32
          %dma_wait3A_282 = tpu.memref_slice %arg4[%mul3A_280, %dma_wait3A_281] : memref<81920x128xi32, #tpu.memory_space<hbm>> -> memref<64x128xi32, #tpu.memory_space<hbm>>
          %dma_wait3A_283 = arith.constant 0 : i32
          %dma_wait3A_284 = tpu.memref_slice %arg4[%mul3A_280, %dma_wait3A_283] : memref<81920x128xi32, #tpu.memory_space<hbm>> -> memref<64x128xi32, #tpu.memory_space<hbm>>
          tpu.wait_dma2 semaphore(%arg25 : memref<!tpu.dma_semaphore, #tpu.memory_space<semaphore_mem>>) src(%arg9 : memref<64x128xi32, #tpu.memory_space<vmem>>) dst(%dma_wait3A_284 : memref<64x128xi32, #tpu.memory_space<hbm>>)
        } else {
        }
        %dma_start3A_273 = arith.constant 0 : i32
        %dma_start3A_274 = tpu.memref_slice %arg5[%add3A_263, %dma_start3A_273] : memref<40x64xi32, #tpu.memory_space<vmem>> -> memref<1x64xi32, #tpu.memory_space<vmem>>
        %dma_start3A_275 = tpu.memref_squeeze %dma_start3A_274 : memref<1x64xi32, #tpu.memory_space<vmem>> -> memref<64xi32, #tpu.memory_space<vmem>>
        %dma_start3A_276 = arith.constant 0 : i32
        %dma_start3A_277 = arith.constant 0 : i32
        %dma_start3A_278 = tpu.memref_slice %arg2[%dma_start3A_276, %dma_start3A_277] : memref<10000x128xi32, #tpu.memory_space<hbm>> -> memref<10000x128xi32, #tpu.memory_space<hbm>>
        tpu.enqueue_indirect_dma source(%dma_start3A_278 : memref<10000x128xi32, #tpu.memory_space<hbm>>) target(%arg9 : memref<64x128xi32, #tpu.memory_space<vmem>>) offsets(%dma_start3A_275 : memref<64xi32, #tpu.memory_space<vmem>>) semaphore(%arg17 : memref<!tpu.dma_semaphore, #tpu.memory_space<semaphore_mem>>)
      } else {
      }
    }
    %scan3A_33 = arith.constant 5 : i32
    %mul3A_34 = arith.constant 64 : i32
    %mul3A_35 = arith.muli %mul3A_2, %mul3A_34 : i32
    %dma_wait3A = arith.constant 0 : i32
    %dma_wait3A_36 = tpu.memref_slice %arg4[%mul3A_35, %dma_wait3A] : memref<81920x128xi32, #tpu.memory_space<hbm>> -> memref<64x128xi32, #tpu.memory_space<hbm>>
    %dma_wait3A_37 = arith.constant 0 : i32
    %dma_wait3A_38 = tpu.memref_slice %arg4[%mul3A_35, %dma_wait3A_37] : memref<81920x128xi32, #tpu.memory_space<hbm>> -> memref<64x128xi32, #tpu.memory_space<hbm>>
    tpu.wait_dma2 semaphore(%arg22 : memref<!tpu.dma_semaphore, #tpu.memory_space<semaphore_mem>>) src(%arg6 : memref<64x128xi32, #tpu.memory_space<vmem>>) dst(%dma_wait3A_38 : memref<64x128xi32, #tpu.memory_space<hbm>>)
    %mul3A_39 = arith.constant 64 : i32
    %mul3A_40 = arith.muli %mul3A_2, %mul3A_39 : i32
    %dma_wait3A_41 = arith.constant 0 : i32
    %dma_wait3A_42 = tpu.memref_slice %arg4[%mul3A_40, %dma_wait3A_41] : memref<81920x128xi32, #tpu.memory_space<hbm>> -> memref<64x128xi32, #tpu.memory_space<hbm>>
    %dma_wait3A_43 = arith.constant 0 : i32
    %dma_wait3A_44 = tpu.memref_slice %arg4[%mul3A_40, %dma_wait3A_43] : memref<81920x128xi32, #tpu.memory_space<hbm>> -> memref<64x128xi32, #tpu.memory_space<hbm>>
    tpu.wait_dma2 semaphore(%arg23 : memref<!tpu.dma_semaphore, #tpu.memory_space<semaphore_mem>>) src(%arg7 : memref<64x128xi32, #tpu.memory_space<vmem>>) dst(%dma_wait3A_44 : memref<64x128xi32, #tpu.memory_space<hbm>>)
    %mul3A_45 = arith.constant 64 : i32
    %mul3A_46 = arith.muli %mul3A_2, %mul3A_45 : i32
    %dma_wait3A_47 = arith.constant 0 : i32
    %dma_wait3A_48 = tpu.memref_slice %arg4[%mul3A_46, %dma_wait3A_47] : memref<81920x128xi32, #tpu.memory_space<hbm>> -> memref<64x128xi32, #tpu.memory_space<hbm>>
    %dma_wait3A_49 = arith.constant 0 : i32
    %dma_wait3A_50 = tpu.memref_slice %arg4[%mul3A_46, %dma_wait3A_49] : memref<81920x128xi32, #tpu.memory_space<hbm>> -> memref<64x128xi32, #tpu.memory_space<hbm>>
    tpu.wait_dma2 semaphore(%arg24 : memref<!tpu.dma_semaphore, #tpu.memory_space<semaphore_mem>>) src(%arg8 : memref<64x128xi32, #tpu.memory_space<vmem>>) dst(%dma_wait3A_50 : memref<64x128xi32, #tpu.memory_space<hbm>>)
    %mul3A_51 = arith.constant 64 : i32
    %mul3A_52 = arith.muli %mul3A_2, %mul3A_51 : i32
    %dma_wait3A_53 = arith.constant 0 : i32
    %dma_wait3A_54 = tpu.memref_slice %arg4[%mul3A_52, %dma_wait3A_53] : memref<81920x128xi32, #tpu.memory_space<hbm>> -> memref<64x128xi32, #tpu.memory_space<hbm>>
    %dma_wait3A_55 = arith.constant 0 : i32
    %dma_wait3A_56 = tpu.memref_slice %arg4[%mul3A_52, %dma_wait3A_55] : memref<81920x128xi32, #tpu.memory_space<hbm>> -> memref<64x128xi32, #tpu.memory_space<hbm>>
    tpu.wait_dma2 semaphore(%arg25 : memref<!tpu.dma_semaphore, #tpu.memory_space<semaphore_mem>>) src(%arg9 : memref<64x128xi32, #tpu.memory_space<vmem>>) dst(%dma_wait3A_56 : memref<64x128xi32, #tpu.memory_space<hbm>>)
    %mul3A_57 = arith.constant 64 : i32
    %mul3A_58 = arith.muli %mul3A_2, %mul3A_57 : i32
    %dma_wait3A_59 = arith.constant 0 : i32
    %dma_wait3A_60 = tpu.memref_slice %arg4[%mul3A_58, %dma_wait3A_59] : memref<81920x128xi32, #tpu.memory_space<hbm>> -> memref<64x128xi32, #tpu.memory_space<hbm>>
    %dma_wait3A_61 = arith.constant 0 : i32
    %dma_wait3A_62 = tpu.memref_slice %arg4[%mul3A_58, %dma_wait3A_61] : memref<81920x128xi32, #tpu.memory_space<hbm>> -> memref<64x128xi32, #tpu.memory_space<hbm>>
    tpu.wait_dma2 semaphore(%arg26 : memref<!tpu.dma_semaphore, #tpu.memory_space<semaphore_mem>>) src(%arg10 : memref<64x128xi32, #tpu.memory_space<vmem>>) dst(%dma_wait3A_62 : memref<64x128xi32, #tpu.memory_space<hbm>>)
    %mul3A_63 = arith.constant 64 : i32
    %mul3A_64 = arith.muli %mul3A_2, %mul3A_63 : i32
    %dma_wait3A_65 = arith.constant 0 : i32
    %dma_wait3A_66 = tpu.memref_slice %arg4[%mul3A_64, %dma_wait3A_65] : memref<81920x128xi32, #tpu.memory_space<hbm>> -> memref<64x128xi32, #tpu.memory_space<hbm>>
    %dma_wait3A_67 = arith.constant 0 : i32
    %dma_wait3A_68 = tpu.memref_slice %arg4[%mul3A_64, %dma_wait3A_67] : memref<81920x128xi32, #tpu.memory_space<hbm>> -> memref<64x128xi32, #tpu.memory_space<hbm>>
    tpu.wait_dma2 semaphore(%arg27 : memref<!tpu.dma_semaphore, #tpu.memory_space<semaphore_mem>>) src(%arg11 : memref<64x128xi32, #tpu.memory_space<vmem>>) dst(%dma_wait3A_68 : memref<64x128xi32, #tpu.memory_space<hbm>>)
    %mul3A_69 = arith.constant 64 : i32
    %mul3A_70 = arith.muli %mul3A_2, %mul3A_69 : i32
    %dma_wait3A_71 = arith.constant 0 : i32
    %dma_wait3A_72 = tpu.memref_slice %arg4[%mul3A_70, %dma_wait3A_71] : memref<81920x128xi32, #tpu.memory_space<hbm>> -> memref<64x128xi32, #tpu.memory_space<hbm>>
    %dma_wait3A_73 = arith.constant 0 : i32
    %dma_wait3A_74 = tpu.memref_slice %arg4[%mul3A_70, %dma_wait3A_73] : memref<81920x128xi32, #tpu.memory_space<hbm>> -> memref<64x128xi32, #tpu.memory_space<hbm>>
    tpu.wait_dma2 semaphore(%arg28 : memref<!tpu.dma_semaphore, #tpu.memory_space<semaphore_mem>>) src(%arg12 : memref<64x128xi32, #tpu.memory_space<vmem>>) dst(%dma_wait3A_74 : memref<64x128xi32, #tpu.memory_space<hbm>>)
    %mul3A_75 = arith.constant 64 : i32
    %mul3A_76 = arith.muli %mul3A_2, %mul3A_75 : i32
    %dma_wait3A_77 = arith.constant 0 : i32
    %dma_wait3A_78 = tpu.memref_slice %arg4[%mul3A_76, %dma_wait3A_77] : memref<81920x128xi32, #tpu.memory_space<hbm>> -> memref<64x128xi32, #tpu.memory_space<hbm>>
    %dma_wait3A_79 = arith.constant 0 : i32
    %dma_wait3A_80 = tpu.memref_slice %arg4[%mul3A_76, %dma_wait3A_79] : memref<81920x128xi32, #tpu.memory_space<hbm>> -> memref<64x128xi32, #tpu.memory_space<hbm>>
    tpu.wait_dma2 semaphore(%arg29 : memref<!tpu.dma_semaphore, #tpu.memory_space<semaphore_mem>>) src(%arg13 : memref<64x128xi32, #tpu.memory_space<vmem>>) dst(%dma_wait3A_80 : memref<64x128xi32, #tpu.memory_space<hbm>>)
    return
  }
}

#map = affine_map<(d0, d1) -> (0, 0)>
module attributes {stable_mosaic.version = 14 : i64} {
  func.func @_sc_gather(%arg0: i32, %arg1: i32, %arg2: memref<10000x128xi32, #tpu.memory_space<hbm>>, %arg3: memref<1280x64xi32, #tpu.memory_space<hbm>>, %arg4: memref<81920x128xi32, #tpu.memory_space<hbm>>, %arg5: memref<40x64xi32, #tpu.memory_space<vmem>>, %arg6: memref<64x128xi32, #tpu.memory_space<vmem>>, %arg7: memref<64x128xi32, #tpu.memory_space<vmem>>, %arg8: memref<64x128xi32, #tpu.memory_space<vmem>>, %arg9: memref<64x128xi32, #tpu.memory_space<vmem>>, %arg10: memref<64x128xi32, #tpu.memory_space<vmem>>, %arg11: memref<64x128xi32, #tpu.memory_space<vmem>>, %arg12: memref<64x128xi32, #tpu.memory_space<vmem>>, %arg13: memref<64x128xi32, #tpu.memory_space<vmem>>, %arg14: memref<!tpu.dma_semaphore, #tpu.memory_space<semaphore_mem>>, %arg15: memref<!tpu.dma_semaphore, #tpu.memory_space<semaphore_mem>>, %arg16: memref<!tpu.dma_semaphore, #tpu.memory_space<semaphore_mem>>, %arg17: memref<!tpu.dma_semaphore, #tpu.memory_space<semaphore_mem>>, %arg18: memref<!tpu.dma_semaphore, #tpu.memory_space<semaphore_mem>>, %arg19: memref<!tpu.dma_semaphore, #tpu.memory_space<semaphore_mem>>, %arg20: memref<!tpu.dma_semaphore, #tpu.memory_space<semaphore_mem>>, %arg21: memref<!tpu.dma_semaphore, #tpu.memory_space<semaphore_mem>>, %arg22: memref<!tpu.dma_semaphore, #tpu.memory_space<semaphore_mem>>, %arg23: memref<!tpu.dma_semaphore, #tpu.memory_space<semaphore_mem>>, %arg24: memref<!tpu.dma_semaphore, #tpu.memory_space<semaphore_mem>>, %arg25: memref<!tpu.dma_semaphore, #tpu.memory_space<semaphore_mem>>, %arg26: memref<!tpu.dma_semaphore, #tpu.memory_space<semaphore_mem>>, %arg27: memref<!tpu.dma_semaphore, #tpu.memory_space<semaphore_mem>>, %arg28: memref<!tpu.dma_semaphore, #tpu.memory_space<semaphore_mem>>, %arg29: memref<!tpu.dma_semaphore, #tpu.memory_space<semaphore_mem>>) attributes {dimension_semantics = [#tpu.dimension_semantics<core_parallel>, #tpu.dimension_semantics<subcore_parallel>], iteration_bounds = array<i64: 2, 16>, scalar_prefetch = 0 : i64, scratch_operands = 25 : i64, tpu.core_type = #tpu.core_type<sc_vector_subcore>, window_params = [{transform_indices = #map}, {transform_indices = #map}, {transform_indices = #map}]} {
    %mul3A = arith.constant 2 : i32
    %mul3A_0 = arith.muli %arg1, %mul3A : i32
    %add3A = arith.addi %mul3A_0, %arg0 : i32
    %mul3A_1 = arith.constant 40 : i32
    %mul3A_2 = arith.muli %add3A, %mul3A_1 : i32
    "tpu.region"() ({
      %run_scoped3A = tpu.sem_alloc : memref<!tpu.dma_semaphore, #tpu.memory_space<semaphore_mem>>
      %dma_start3A_81 = arith.constant 0 : i32
      %dma_start3A_82 = tpu.memref_slice %arg3[%mul3A_2, %dma_start3A_81] : memref<1280x64xi32, #tpu.memory_space<hbm>> -> memref<40x64xi32, #tpu.memory_space<hbm>>
      %dma_start3A_83 = arith.constant 0 : i32
      %dma_start3A_84 = tpu.memref_slice %arg3[%mul3A_2, %dma_start3A_83] : memref<1280x64xi32, #tpu.memory_space<hbm>> -> memref<40x64xi32, #tpu.memory_space<hbm>>
      tpu.enqueue_dma source(%dma_start3A_84 : memref<40x64xi32, #tpu.memory_space<hbm>>) target(%arg5 : memref<40x64xi32, #tpu.memory_space<vmem>>) target_semaphore(%run_scoped3A : memref<!tpu.dma_semaphore, #tpu.memory_space<semaphore_mem>>)
      %dma_wait3A_85 = arith.constant 0 : i32
      %dma_wait3A_86 = tpu.memref_slice %arg3[%mul3A_2, %dma_wait3A_85] : memref<1280x64xi32, #tpu.memory_space<hbm>> -> memref<40x64xi32, #tpu.memory_space<hbm>>
      %dma_wait3A_87 = arith.constant 0 : i32
      %dma_wait3A_88 = tpu.memref_slice %arg3[%mul3A_2, %dma_wait3A_87] : memref<1280x64xi32, #tpu.memory_space<hbm>> -> memref<40x64xi32, #tpu.memory_space<hbm>>
      tpu.wait_dma2 semaphore(%run_scoped3A : memref<!tpu.dma_semaphore, #tpu.memory_space<semaphore_mem>>) src(%dma_wait3A_88 : memref<40x64xi32, #tpu.memory_space<hbm>>) dst(%arg5 : memref<40x64xi32, #tpu.memory_space<vmem>>)
      tpu.yield
    }) : () -> ()
    %dma_start3A = arith.constant 0 : i32
    %dma_start3A_3 = arith.constant 0 : i32
    %dma_start3A_4 = tpu.memref_slice %arg5[%dma_start3A, %dma_start3A_3] : memref<40x64xi32, #tpu.memory_space<vmem>> -> memref<1x64xi32, #tpu.memory_space<vmem>>
    %dma_start3A_5 = tpu.memref_squeeze %dma_start3A_4 : memref<1x64xi32, #tpu.memory_space<vmem>> -> memref<64xi32, #tpu.memory_space<vmem>>
    %dma_start3A_6 = arith.constant 0 : i32
    %dma_start3A_7 = arith.constant 0 : i32
    %dma_start3A_8 = tpu.memref_slice %arg2[%dma_start3A_6, %dma_start3A_7] : memref<10000x128xi32, #tpu.memory_space<hbm>> -> memref<10000x128xi32, #tpu.memory_space<hbm>>
    tpu.enqueue_indirect_dma source(%dma_start3A_8 : memref<10000x128xi32, #tpu.memory_space<hbm>>) target(%arg6 : memref<64x128xi32, #tpu.memory_space<vmem>>) offsets(%dma_start3A_5 : memref<64xi32, #tpu.memory_space<vmem>>) semaphore(%arg14 : memref<!tpu.dma_semaphore, #tpu.memory_space<semaphore_mem>>)
    %dma_start3A_9 = arith.constant 1 : i32
    %dma_start3A_10 = arith.constant 0 : i32
    %dma_start3A_11 = tpu.memref_slice %arg5[%dma_start3A_9, %dma_start3A_10] : memref<40x64xi32, #tpu.memory_space<vmem>> -> memref<1x64xi32, #tpu.memory_space<vmem>>
    %dma_start3A_12 = tpu.memref_squeeze %dma_start3A_11 : memref<1x64xi32, #tpu.memory_space<vmem>> -> memref<64xi32, #tpu.memory_space<vmem>>
    %dma_start3A_13 = arith.constant 0 : i32
    %dma_start3A_14 = arith.constant 0 : i32
    %dma_start3A_15 = tpu.memref_slice %arg2[%dma_start3A_13, %dma_start3A_14] : memref<10000x128xi32, #tpu.memory_space<hbm>> -> memref<10000x128xi32, #tpu.memory_space<hbm>>
    tpu.enqueue_indirect_dma source(%dma_start3A_15 : memref<10000x128xi32, #tpu.memory_space<hbm>>) target(%arg7 : memref<64x128xi32, #tpu.memory_space<vmem>>) offsets(%dma_start3A_12 : memref<64xi32, #tpu.memory_space<vmem>>) semaphore(%arg15 : memref<!tpu.dma_semaphore, #tpu.memory_space<semaphore_mem>>)
    %dma_start3A_16 = arith.constant 2 : i32
    %dma_start3A_17 = arith.constant 0 : i32
    %dma_start3A_18 = tpu.memref_slice %arg5[%dma_start3A_16, %dma_start3A_17] : memref<40x64xi32, #tpu.memory_space<vmem>> -> memref<1x64xi32, #tpu.memory_space<vmem>>
    %dma_start3A_19 = tpu.memref_squeeze %dma_start3A_18 : memref<1x64xi32, #tpu.memory_space<vmem>> -> memref<64xi32, #tpu.memory_space<vmem>>
    %dma_start3A_20 = arith.constant 0 : i32
    %dma_start3A_21 = arith.constant 0 : i32
    %dma_start3A_22 = tpu.memref_slice %arg2[%dma_start3A_20, %dma_start3A_21] : memref<10000x128xi32, #tpu.memory_space<hbm>> -> memref<10000x128xi32, #tpu.memory_space<hbm>>
    tpu.enqueue_indirect_dma source(%dma_start3A_22 : memref<10000x128xi32, #tpu.memory_space<hbm>>) target(%arg8 : memref<64x128xi32, #tpu.memory_space<vmem>>) offsets(%dma_start3A_19 : memref<64xi32, #tpu.memory_space<vmem>>) semaphore(%arg16 : memref<!tpu.dma_semaphore, #tpu.memory_space<semaphore_mem>>)
    %dma_start3A_23 = arith.constant 3 : i32
    %dma_start3A_24 = arith.constant 0 : i32
    %dma_start3A_25 = tpu.memref_slice %arg5[%dma_start3A_23, %dma_start3A_24] : memref<40x64xi32, #tpu.memory_space<vmem>> -> memref<1x64xi32, #tpu.memory_space<vmem>>
    %dma_start3A_26 = tpu.memref_squeeze %dma_start3A_25 : memref<1x64xi32, #tpu.memory_space<vmem>> -> memref<64xi32, #tpu.memory_space<vmem>>
    %dma_start3A_27 = arith.constant 0 : i32
    %dma_start3A_28 = arith.constant 0 : i32
    %dma_start3A_29 = tpu.memref_slice %arg2[%dma_start3A_27, %dma_start3A_28] : memref<10000x128xi32, #tpu.memory_space<hbm>> -> memref<10000x128xi32, #tpu.memory_space<hbm>>
    tpu.enqueue_indirect_dma source(%dma_start3A_29 : memref<10000x128xi32, #tpu.memory_space<hbm>>) target(%arg9 : memref<64x128xi32, #tpu.memory_space<vmem>>) offsets(%dma_start3A_26 : memref<64xi32, #tpu.memory_space<vmem>>) semaphore(%arg17 : memref<!tpu.dma_semaphore, #tpu.memory_space<semaphore_mem>>)
    %scan3A = arith.constant 0 : i32
    %scan3A_30 = arith.constant 5 : i32
    %scan3A_31 = arith.addi %scan3A, %scan3A_30 : i32
    %scan3A_32 = arith.constant 1 : i32
    scf.for %scan3A_81 = %scan3A to %scan3A_31 step %scan3A_32  : i32 {
      %mul3A_82 = arith.constant 1 : i32
      %mul3A_83 = arith.muli %scan3A_81, %mul3A_82 : i32
      %add3A_84 = arith.constant 0 : i32
      %add3A_85 = arith.addi %add3A_84, %mul3A_83 : i32
      %mul3A_86 = arith.constant 8 : i32
      %mul3A_87 = arith.muli %add3A_85, %mul3A_86 : i32
      %add3A_88 = arith.constant 0 : i32
      %add3A_89 = arith.addi %mul3A_87, %add3A_88 : i32
      %dma_wait3A_90 = arith.constant 0 : i32
      %dma_wait3A_91 = arith.constant 0 : i32
      %dma_wait3A_92 = tpu.memref_slice %arg5[%dma_wait3A_90, %dma_wait3A_91] : memref<40x64xi32, #tpu.memory_space<vmem>> -> memref<1x64xi32, #tpu.memory_space<vmem>>
      %dma_wait3A_93 = tpu.memref_squeeze %dma_wait3A_92 : memref<1x64xi32, #tpu.memory_space<vmem>> -> memref<64xi32, #tpu.memory_space<vmem>>
      %dma_wait3A_94 = arith.constant 0 : i32
      %dma_wait3A_95 = arith.constant 0 : i32
      %dma_wait3A_96 = tpu.memref_slice %arg2[%dma_wait3A_94, %dma_wait3A_95] : memref<10000x128xi32, #tpu.memory_space<hbm>> -> memref<10000x128xi32, #tpu.memory_space<hbm>>
      tpu.wait_indirect_dma semaphore(%arg14 : memref<!tpu.dma_semaphore, #tpu.memory_space<semaphore_mem>>) src(%dma_wait3A_96 : memref<10000x128xi32, #tpu.memory_space<hbm>>) dst(%arg6 : memref<64x128xi32, #tpu.memory_space<vmem>>)
      %add3A_97 = arith.addi %mul3A_2, %add3A_89 : i32
      %mul3A_98 = arith.constant 64 : i32
      %mul3A_99 = arith.muli %add3A_97, %mul3A_98 : i32
      %dma_start3A_100 = arith.constant 0 : i32
      %dma_start3A_101 = tpu.memref_slice %arg4[%mul3A_99, %dma_start3A_100] : memref<81920x128xi32, #tpu.memory_space<hbm>> -> memref<64x128xi32, #tpu.memory_space<hbm>>
      %dma_start3A_102 = arith.constant 0 : i32
      %dma_start3A_103 = tpu.memref_slice %arg4[%mul3A_99, %dma_start3A_102] : memref<81920x128xi32, #tpu.memory_space<hbm>> -> memref<64x128xi32, #tpu.memory_space<hbm>>
      tpu.enqueue_dma source(%arg6 : memref<64x128xi32, #tpu.memory_space<vmem>>) target(%dma_start3A_103 : memref<64x128xi32, #tpu.memory_space<hbm>>) target_semaphore(%arg22 : memref<!tpu.dma_semaphore, #tpu.memory_space<semaphore_mem>>)
      %add3A_104 = arith.constant 4 : i32
      %add3A_105 = arith.addi %add3A_89, %add3A_104 : i32
      %lt3A = arith.constant 40 : i32
      %lt3A_106 = arith.cmpi slt, %add3A_105, %lt3A : i32
      %convert_element_type3A = arith.extui %lt3A_106 : i1 to i32
      %cond3A = arith.constant 0 : i32
      %cond3A_107 = arith.cmpi ne, %convert_element_type3A, %cond3A : i32
      scf.if %cond3A_107 {
        %ge3A = arith.constant 8 : i32
        %ge3A_269 = arith.cmpi sge, %add3A_105, %ge3A : i32
        %convert_element_type3A_270 = arith.extui %ge3A_269 : i1 to i32
        %cond3A_271 = arith.constant 0 : i32
        %cond3A_272 = arith.cmpi ne, %convert_element_type3A_270, %cond3A_271 : i32
        scf.if %cond3A_272 {
          %mul3A_279 = arith.constant 64 : i32
          %mul3A_280 = arith.muli %mul3A_2, %mul3A_279 : i32
          %dma_wait3A_281 = arith.constant 0 : i32
          %dma_wait3A_282 = tpu.memref_slice %arg4[%mul3A_280, %dma_wait3A_281] : memref<81920x128xi32, #tpu.memory_space<hbm>> -> memref<64x128xi32, #tpu.memory_space<hbm>>
          %dma_wait3A_283 = arith.constant 0 : i32
          %dma_wait3A_284 = tpu.memref_slice %arg4[%mul3A_280, %dma_wait3A_283] : memref<81920x128xi32, #tpu.memory_space<hbm>> -> memref<64x128xi32, #tpu.memory_space<hbm>>
          tpu.wait_dma2 semaphore(%arg26 : memref<!tpu.dma_semaphore, #tpu.memory_space<semaphore_mem>>) src(%arg10 : memref<64x128xi32, #tpu.memory_space<vmem>>) dst(%dma_wait3A_284 : memref<64x128xi32, #tpu.memory_space<hbm>>)
        } else {
        }
        %dma_start3A_273 = arith.constant 0 : i32
        %dma_start3A_274 = tpu.memref_slice %arg5[%add3A_105, %dma_start3A_273] : memref<40x64xi32, #tpu.memory_space<vmem>> -> memref<1x64xi32, #tpu.memory_space<vmem>>
        %dma_start3A_275 = tpu.memref_squeeze %dma_start3A_274 : memref<1x64xi32, #tpu.memory_space<vmem>> -> memref<64xi32, #tpu.memory_space<vmem>>
        %dma_start3A_276 = arith.constant 0 : i32
        %dma_start3A_277 = arith.constant 0 : i32
        %dma_start3A_278 = tpu.memref_slice %arg2[%dma_start3A_276, %dma_start3A_277] : memref<10000x128xi32, #tpu.memory_space<hbm>> -> memref<10000x128xi32, #tpu.memory_space<hbm>>
        tpu.enqueue_indirect_dma source(%dma_start3A_278 : memref<10000x128xi32, #tpu.memory_space<hbm>>) target(%arg10 : memref<64x128xi32, #tpu.memory_space<vmem>>) offsets(%dma_start3A_275 : memref<64xi32, #tpu.memory_space<vmem>>) semaphore(%arg18 : memref<!tpu.dma_semaphore, #tpu.memory_space<semaphore_mem>>)
      } else {
      }
      %add3A_108 = arith.constant 1 : i32
      %add3A_109 = arith.addi %mul3A_87, %add3A_108 : i32
      %dma_wait3A_110 = arith.constant 0 : i32
      %dma_wait3A_111 = arith.constant 0 : i32
      %dma_wait3A_112 = tpu.memref_slice %arg5[%dma_wait3A_110, %dma_wait3A_111] : memref<40x64xi32, #tpu.memory_space<vmem>> -> memref<1x64xi32, #tpu.memory_space<vmem>>
      %dma_wait3A_113 = tpu.memref_squeeze %dma_wait3A_112 : memref<1x64xi32, #tpu.memory_space<vmem>> -> memref<64xi32, #tpu.memory_space<vmem>>
      %dma_wait3A_114 = arith.constant 0 : i32
      %dma_wait3A_115 = arith.constant 0 : i32
      %dma_wait3A_116 = tpu.memref_slice %arg2[%dma_wait3A_114, %dma_wait3A_115] : memref<10000x128xi32, #tpu.memory_space<hbm>> -> memref<10000x128xi32, #tpu.memory_space<hbm>>
      tpu.wait_indirect_dma semaphore(%arg15 : memref<!tpu.dma_semaphore, #tpu.memory_space<semaphore_mem>>) src(%dma_wait3A_116 : memref<10000x128xi32, #tpu.memory_space<hbm>>) dst(%arg7 : memref<64x128xi32, #tpu.memory_space<vmem>>)
      %add3A_117 = arith.addi %mul3A_2, %add3A_109 : i32
      %mul3A_118 = arith.constant 64 : i32
      %mul3A_119 = arith.muli %add3A_117, %mul3A_118 : i32
      %dma_start3A_120 = arith.constant 0 : i32
      %dma_start3A_121 = tpu.memref_slice %arg4[%mul3A_119, %dma_start3A_120] : memref<81920x128xi32, #tpu.memory_space<hbm>> -> memref<64x128xi32, #tpu.memory_space<hbm>>
      %dma_start3A_122 = arith.constant 0 : i32
      %dma_start3A_123 = tpu.memref_slice %arg4[%mul3A_119, %dma_start3A_122] : memref<81920x128xi32, #tpu.memory_space<hbm>> -> memref<64x128xi32, #tpu.memory_space<hbm>>
      tpu.enqueue_dma source(%arg7 : memref<64x128xi32, #tpu.memory_space<vmem>>) target(%dma_start3A_123 : memref<64x128xi32, #tpu.memory_space<hbm>>) target_semaphore(%arg23 : memref<!tpu.dma_semaphore, #tpu.memory_space<semaphore_mem>>)
      %add3A_124 = arith.constant 4 : i32
      %add3A_125 = arith.addi %add3A_109, %add3A_124 : i32
      %lt3A_126 = arith.constant 40 : i32
      %lt3A_127 = arith.cmpi slt, %add3A_125, %lt3A_126 : i32
      %convert_element_type3A_128 = arith.extui %lt3A_127 : i1 to i32
      %cond3A_129 = arith.constant 0 : i32
      %cond3A_130 = arith.cmpi ne, %convert_element_type3A_128, %cond3A_129 : i32
      scf.if %cond3A_130 {
        %ge3A = arith.constant 8 : i32
        %ge3A_269 = arith.cmpi sge, %add3A_125, %ge3A : i32
        %convert_element_type3A_270 = arith.extui %ge3A_269 : i1 to i32
        %cond3A_271 = arith.constant 0 : i32
        %cond3A_272 = arith.cmpi ne, %convert_element_type3A_270, %cond3A_271 : i32
        scf.if %cond3A_272 {
          %mul3A_279 = arith.constant 64 : i32
          %mul3A_280 = arith.muli %mul3A_2, %mul3A_279 : i32
          %dma_wait3A_281 = arith.constant 0 : i32
          %dma_wait3A_282 = tpu.memref_slice %arg4[%mul3A_280, %dma_wait3A_281] : memref<81920x128xi32, #tpu.memory_space<hbm>> -> memref<64x128xi32, #tpu.memory_space<hbm>>
          %dma_wait3A_283 = arith.constant 0 : i32
          %dma_wait3A_284 = tpu.memref_slice %arg4[%mul3A_280, %dma_wait3A_283] : memref<81920x128xi32, #tpu.memory_space<hbm>> -> memref<64x128xi32, #tpu.memory_space<hbm>>
          tpu.wait_dma2 semaphore(%arg27 : memref<!tpu.dma_semaphore, #tpu.memory_space<semaphore_mem>>) src(%arg11 : memref<64x128xi32, #tpu.memory_space<vmem>>) dst(%dma_wait3A_284 : memref<64x128xi32, #tpu.memory_space<hbm>>)
        } else {
        }
        %dma_start3A_273 = arith.constant 0 : i32
        %dma_start3A_274 = tpu.memref_slice %arg5[%add3A_125, %dma_start3A_273] : memref<40x64xi32, #tpu.memory_space<vmem>> -> memref<1x64xi32, #tpu.memory_space<vmem>>
        %dma_start3A_275 = tpu.memref_squeeze %dma_start3A_274 : memref<1x64xi32, #tpu.memory_space<vmem>> -> memref<64xi32, #tpu.memory_space<vmem>>
        %dma_start3A_276 = arith.constant 0 : i32
        %dma_start3A_277 = arith.constant 0 : i32
        %dma_start3A_278 = tpu.memref_slice %arg2[%dma_start3A_276, %dma_start3A_277] : memref<10000x128xi32, #tpu.memory_space<hbm>> -> memref<10000x128xi32, #tpu.memory_space<hbm>>
        tpu.enqueue_indirect_dma source(%dma_start3A_278 : memref<10000x128xi32, #tpu.memory_space<hbm>>) target(%arg11 : memref<64x128xi32, #tpu.memory_space<vmem>>) offsets(%dma_start3A_275 : memref<64xi32, #tpu.memory_space<vmem>>) semaphore(%arg19 : memref<!tpu.dma_semaphore, #tpu.memory_space<semaphore_mem>>)
      } else {
      }
      %add3A_131 = arith.constant 2 : i32
      %add3A_132 = arith.addi %mul3A_87, %add3A_131 : i32
      %dma_wait3A_133 = arith.constant 0 : i32
      %dma_wait3A_134 = arith.constant 0 : i32
      %dma_wait3A_135 = tpu.memref_slice %arg5[%dma_wait3A_133, %dma_wait3A_134] : memref<40x64xi32, #tpu.memory_space<vmem>> -> memref<1x64xi32, #tpu.memory_space<vmem>>
      %dma_wait3A_136 = tpu.memref_squeeze %dma_wait3A_135 : memref<1x64xi32, #tpu.memory_space<vmem>> -> memref<64xi32, #tpu.memory_space<vmem>>
      %dma_wait3A_137 = arith.constant 0 : i32
      %dma_wait3A_138 = arith.constant 0 : i32
      %dma_wait3A_139 = tpu.memref_slice %arg2[%dma_wait3A_137, %dma_wait3A_138] : memref<10000x128xi32, #tpu.memory_space<hbm>> -> memref<10000x128xi32, #tpu.memory_space<hbm>>
      tpu.wait_indirect_dma semaphore(%arg16 : memref<!tpu.dma_semaphore, #tpu.memory_space<semaphore_mem>>) src(%dma_wait3A_139 : memref<10000x128xi32, #tpu.memory_space<hbm>>) dst(%arg8 : memref<64x128xi32, #tpu.memory_space<vmem>>)
      %add3A_140 = arith.addi %mul3A_2, %add3A_132 : i32
      %mul3A_141 = arith.constant 64 : i32
      %mul3A_142 = arith.muli %add3A_140, %mul3A_141 : i32
      %dma_start3A_143 = arith.constant 0 : i32
      %dma_start3A_144 = tpu.memref_slice %arg4[%mul3A_142, %dma_start3A_143] : memref<81920x128xi32, #tpu.memory_space<hbm>> -> memref<64x128xi32, #tpu.memory_space<hbm>>
      %dma_start3A_145 = arith.constant 0 : i32
      %dma_start3A_146 = tpu.memref_slice %arg4[%mul3A_142, %dma_start3A_145] : memref<81920x128xi32, #tpu.memory_space<hbm>> -> memref<64x128xi32, #tpu.memory_space<hbm>>
      tpu.enqueue_dma source(%arg8 : memref<64x128xi32, #tpu.memory_space<vmem>>) target(%dma_start3A_146 : memref<64x128xi32, #tpu.memory_space<hbm>>) target_semaphore(%arg24 : memref<!tpu.dma_semaphore, #tpu.memory_space<semaphore_mem>>)
      %add3A_147 = arith.constant 4 : i32
      %add3A_148 = arith.addi %add3A_132, %add3A_147 : i32
      %lt3A_149 = arith.constant 40 : i32
      %lt3A_150 = arith.cmpi slt, %add3A_148, %lt3A_149 : i32
      %convert_element_type3A_151 = arith.extui %lt3A_150 : i1 to i32
      %cond3A_152 = arith.constant 0 : i32
      %cond3A_153 = arith.cmpi ne, %convert_element_type3A_151, %cond3A_152 : i32
      scf.if %cond3A_153 {
        %ge3A = arith.constant 8 : i32
        %ge3A_269 = arith.cmpi sge, %add3A_148, %ge3A : i32
        %convert_element_type3A_270 = arith.extui %ge3A_269 : i1 to i32
        %cond3A_271 = arith.constant 0 : i32
        %cond3A_272 = arith.cmpi ne, %convert_element_type3A_270, %cond3A_271 : i32
        scf.if %cond3A_272 {
          %mul3A_279 = arith.constant 64 : i32
          %mul3A_280 = arith.muli %mul3A_2, %mul3A_279 : i32
          %dma_wait3A_281 = arith.constant 0 : i32
          %dma_wait3A_282 = tpu.memref_slice %arg4[%mul3A_280, %dma_wait3A_281] : memref<81920x128xi32, #tpu.memory_space<hbm>> -> memref<64x128xi32, #tpu.memory_space<hbm>>
          %dma_wait3A_283 = arith.constant 0 : i32
          %dma_wait3A_284 = tpu.memref_slice %arg4[%mul3A_280, %dma_wait3A_283] : memref<81920x128xi32, #tpu.memory_space<hbm>> -> memref<64x128xi32, #tpu.memory_space<hbm>>
          tpu.wait_dma2 semaphore(%arg28 : memref<!tpu.dma_semaphore, #tpu.memory_space<semaphore_mem>>) src(%arg12 : memref<64x128xi32, #tpu.memory_space<vmem>>) dst(%dma_wait3A_284 : memref<64x128xi32, #tpu.memory_space<hbm>>)
        } else {
        }
        %dma_start3A_273 = arith.constant 0 : i32
        %dma_start3A_274 = tpu.memref_slice %arg5[%add3A_148, %dma_start3A_273] : memref<40x64xi32, #tpu.memory_space<vmem>> -> memref<1x64xi32, #tpu.memory_space<vmem>>
        %dma_start3A_275 = tpu.memref_squeeze %dma_start3A_274 : memref<1x64xi32, #tpu.memory_space<vmem>> -> memref<64xi32, #tpu.memory_space<vmem>>
        %dma_start3A_276 = arith.constant 0 : i32
        %dma_start3A_277 = arith.constant 0 : i32
        %dma_start3A_278 = tpu.memref_slice %arg2[%dma_start3A_276, %dma_start3A_277] : memref<10000x128xi32, #tpu.memory_space<hbm>> -> memref<10000x128xi32, #tpu.memory_space<hbm>>
        tpu.enqueue_indirect_dma source(%dma_start3A_278 : memref<10000x128xi32, #tpu.memory_space<hbm>>) target(%arg12 : memref<64x128xi32, #tpu.memory_space<vmem>>) offsets(%dma_start3A_275 : memref<64xi32, #tpu.memory_space<vmem>>) semaphore(%arg20 : memref<!tpu.dma_semaphore, #tpu.memory_space<semaphore_mem>>)
      } else {
      }
      %add3A_154 = arith.constant 3 : i32
      %add3A_155 = arith.addi %mul3A_87, %add3A_154 : i32
      %dma_wait3A_156 = arith.constant 0 : i32
      %dma_wait3A_157 = arith.constant 0 : i32
      %dma_wait3A_158 = tpu.memref_slice %arg5[%dma_wait3A_156, %dma_wait3A_157] : memref<40x64xi32, #tpu.memory_space<vmem>> -> memref<1x64xi32, #tpu.memory_space<vmem>>
      %dma_wait3A_159 = tpu.memref_squeeze %dma_wait3A_158 : memref<1x64xi32, #tpu.memory_space<vmem>> -> memref<64xi32, #tpu.memory_space<vmem>>
      %dma_wait3A_160 = arith.constant 0 : i32
      %dma_wait3A_161 = arith.constant 0 : i32
      %dma_wait3A_162 = tpu.memref_slice %arg2[%dma_wait3A_160, %dma_wait3A_161] : memref<10000x128xi32, #tpu.memory_space<hbm>> -> memref<10000x128xi32, #tpu.memory_space<hbm>>
      tpu.wait_indirect_dma semaphore(%arg17 : memref<!tpu.dma_semaphore, #tpu.memory_space<semaphore_mem>>) src(%dma_wait3A_162 : memref<10000x128xi32, #tpu.memory_space<hbm>>) dst(%arg9 : memref<64x128xi32, #tpu.memory_space<vmem>>)
      %add3A_163 = arith.addi %mul3A_2, %add3A_155 : i32
      %mul3A_164 = arith.constant 64 : i32
      %mul3A_165 = arith.muli %add3A_163, %mul3A_164 : i32
      %dma_start3A_166 = arith.constant 0 : i32
      %dma_start3A_167 = tpu.memref_slice %arg4[%mul3A_165, %dma_start3A_166] : memref<81920x128xi32, #tpu.memory_space<hbm>> -> memref<64x128xi32, #tpu.memory_space<hbm>>
      %dma_start3A_168 = arith.constant 0 : i32
      %dma_start3A_169 = tpu.memref_slice %arg4[%mul3A_165, %dma_start3A_168] : memref<81920x128xi32, #tpu.memory_space<hbm>> -> memref<64x128xi32, #tpu.memory_space<hbm>>
      tpu.enqueue_dma source(%arg9 : memref<64x128xi32, #tpu.memory_space<vmem>>) target(%dma_start3A_169 : memref<64x128xi32, #tpu.memory_space<hbm>>) target_semaphore(%arg25 : memref<!tpu.dma_semaphore, #tpu.memory_space<semaphore_mem>>)
      %add3A_170 = arith.constant 4 : i32
      %add3A_171 = arith.addi %add3A_155, %add3A_170 : i32
      %lt3A_172 = arith.constant 40 : i32
      %lt3A_173 = arith.cmpi slt, %add3A_171, %lt3A_172 : i32
      %convert_element_type3A_174 = arith.extui %lt3A_173 : i1 to i32
      %cond3A_175 = arith.constant 0 : i32
      %cond3A_176 = arith.cmpi ne, %convert_element_type3A_174, %cond3A_175 : i32
      scf.if %cond3A_176 {
        %ge3A = arith.constant 8 : i32
        %ge3A_269 = arith.cmpi sge, %add3A_171, %ge3A : i32
        %convert_element_type3A_270 = arith.extui %ge3A_269 : i1 to i32
        %cond3A_271 = arith.constant 0 : i32
        %cond3A_272 = arith.cmpi ne, %convert_element_type3A_270, %cond3A_271 : i32
        scf.if %cond3A_272 {
          %mul3A_279 = arith.constant 64 : i32
          %mul3A_280 = arith.muli %mul3A_2, %mul3A_279 : i32
          %dma_wait3A_281 = arith.constant 0 : i32
          %dma_wait3A_282 = tpu.memref_slice %arg4[%mul3A_280, %dma_wait3A_281] : memref<81920x128xi32, #tpu.memory_space<hbm>> -> memref<64x128xi32, #tpu.memory_space<hbm>>
          %dma_wait3A_283 = arith.constant 0 : i32
          %dma_wait3A_284 = tpu.memref_slice %arg4[%mul3A_280, %dma_wait3A_283] : memref<81920x128xi32, #tpu.memory_space<hbm>> -> memref<64x128xi32, #tpu.memory_space<hbm>>
          tpu.wait_dma2 semaphore(%arg29 : memref<!tpu.dma_semaphore, #tpu.memory_space<semaphore_mem>>) src(%arg13 : memref<64x128xi32, #tpu.memory_space<vmem>>) dst(%dma_wait3A_284 : memref<64x128xi32, #tpu.memory_space<hbm>>)
        } else {
        }
        %dma_start3A_273 = arith.constant 0 : i32
        %dma_start3A_274 = tpu.memref_slice %arg5[%add3A_171, %dma_start3A_273] : memref<40x64xi32, #tpu.memory_space<vmem>> -> memref<1x64xi32, #tpu.memory_space<vmem>>
        %dma_start3A_275 = tpu.memref_squeeze %dma_start3A_274 : memref<1x64xi32, #tpu.memory_space<vmem>> -> memref<64xi32, #tpu.memory_space<vmem>>
        %dma_start3A_276 = arith.constant 0 : i32
        %dma_start3A_277 = arith.constant 0 : i32
        %dma_start3A_278 = tpu.memref_slice %arg2[%dma_start3A_276, %dma_start3A_277] : memref<10000x128xi32, #tpu.memory_space<hbm>> -> memref<10000x128xi32, #tpu.memory_space<hbm>>
        tpu.enqueue_indirect_dma source(%dma_start3A_278 : memref<10000x128xi32, #tpu.memory_space<hbm>>) target(%arg13 : memref<64x128xi32, #tpu.memory_space<vmem>>) offsets(%dma_start3A_275 : memref<64xi32, #tpu.memory_space<vmem>>) semaphore(%arg21 : memref<!tpu.dma_semaphore, #tpu.memory_space<semaphore_mem>>)
      } else {
      }
      %add3A_177 = arith.constant 4 : i32
      %add3A_178 = arith.addi %mul3A_87, %add3A_177 : i32
      %dma_wait3A_179 = arith.constant 0 : i32
      %dma_wait3A_180 = arith.constant 0 : i32
      %dma_wait3A_181 = tpu.memref_slice %arg5[%dma_wait3A_179, %dma_wait3A_180] : memref<40x64xi32, #tpu.memory_space<vmem>> -> memref<1x64xi32, #tpu.memory_space<vmem>>
      %dma_wait3A_182 = tpu.memref_squeeze %dma_wait3A_181 : memref<1x64xi32, #tpu.memory_space<vmem>> -> memref<64xi32, #tpu.memory_space<vmem>>
      %dma_wait3A_183 = arith.constant 0 : i32
      %dma_wait3A_184 = arith.constant 0 : i32
      %dma_wait3A_185 = tpu.memref_slice %arg2[%dma_wait3A_183, %dma_wait3A_184] : memref<10000x128xi32, #tpu.memory_space<hbm>> -> memref<10000x128xi32, #tpu.memory_space<hbm>>
      tpu.wait_indirect_dma semaphore(%arg18 : memref<!tpu.dma_semaphore, #tpu.memory_space<semaphore_mem>>) src(%dma_wait3A_185 : memref<10000x128xi32, #tpu.memory_space<hbm>>) dst(%arg10 : memref<64x128xi32, #tpu.memory_space<vmem>>)
      %add3A_186 = arith.addi %mul3A_2, %add3A_178 : i32
      %mul3A_187 = arith.constant 64 : i32
      %mul3A_188 = arith.muli %add3A_186, %mul3A_187 : i32
      %dma_start3A_189 = arith.constant 0 : i32
      %dma_start3A_190 = tpu.memref_slice %arg4[%mul3A_188, %dma_start3A_189] : memref<81920x128xi32, #tpu.memory_space<hbm>> -> memref<64x128xi32, #tpu.memory_space<hbm>>
      %dma_start3A_191 = arith.constant 0 : i32
      %dma_start3A_192 = tpu.memref_slice %arg4[%mul3A_188, %dma_start3A_191] : memref<81920x128xi32, #tpu.memory_space<hbm>> -> memref<64x128xi32, #tpu.memory_space<hbm>>
      tpu.enqueue_dma source(%arg10 : memref<64x128xi32, #tpu.memory_space<vmem>>) target(%dma_start3A_192 : memref<64x128xi32, #tpu.memory_space<hbm>>) target_semaphore(%arg26 : memref<!tpu.dma_semaphore, #tpu.memory_space<semaphore_mem>>)
      %add3A_193 = arith.constant 4 : i32
      %add3A_194 = arith.addi %add3A_178, %add3A_193 : i32
      %lt3A_195 = arith.constant 40 : i32
      %lt3A_196 = arith.cmpi slt, %add3A_194, %lt3A_195 : i32
      %convert_element_type3A_197 = arith.extui %lt3A_196 : i1 to i32
      %cond3A_198 = arith.constant 0 : i32
      %cond3A_199 = arith.cmpi ne, %convert_element_type3A_197, %cond3A_198 : i32
      scf.if %cond3A_199 {
        %ge3A = arith.constant 8 : i32
        %ge3A_269 = arith.cmpi sge, %add3A_194, %ge3A : i32
        %convert_element_type3A_270 = arith.extui %ge3A_269 : i1 to i32
        %cond3A_271 = arith.constant 0 : i32
        %cond3A_272 = arith.cmpi ne, %convert_element_type3A_270, %cond3A_271 : i32
        scf.if %cond3A_272 {
          %mul3A_279 = arith.constant 64 : i32
          %mul3A_280 = arith.muli %mul3A_2, %mul3A_279 : i32
          %dma_wait3A_281 = arith.constant 0 : i32
          %dma_wait3A_282 = tpu.memref_slice %arg4[%mul3A_280, %dma_wait3A_281] : memref<81920x128xi32, #tpu.memory_space<hbm>> -> memref<64x128xi32, #tpu.memory_space<hbm>>
          %dma_wait3A_283 = arith.constant 0 : i32
          %dma_wait3A_284 = tpu.memref_slice %arg4[%mul3A_280, %dma_wait3A_283] : memref<81920x128xi32, #tpu.memory_space<hbm>> -> memref<64x128xi32, #tpu.memory_space<hbm>>
          tpu.wait_dma2 semaphore(%arg22 : memref<!tpu.dma_semaphore, #tpu.memory_space<semaphore_mem>>) src(%arg6 : memref<64x128xi32, #tpu.memory_space<vmem>>) dst(%dma_wait3A_284 : memref<64x128xi32, #tpu.memory_space<hbm>>)
        } else {
        }
        %dma_start3A_273 = arith.constant 0 : i32
        %dma_start3A_274 = tpu.memref_slice %arg5[%add3A_194, %dma_start3A_273] : memref<40x64xi32, #tpu.memory_space<vmem>> -> memref<1x64xi32, #tpu.memory_space<vmem>>
        %dma_start3A_275 = tpu.memref_squeeze %dma_start3A_274 : memref<1x64xi32, #tpu.memory_space<vmem>> -> memref<64xi32, #tpu.memory_space<vmem>>
        %dma_start3A_276 = arith.constant 0 : i32
        %dma_start3A_277 = arith.constant 0 : i32
        %dma_start3A_278 = tpu.memref_slice %arg2[%dma_start3A_276, %dma_start3A_277] : memref<10000x128xi32, #tpu.memory_space<hbm>> -> memref<10000x128xi32, #tpu.memory_space<hbm>>
        tpu.enqueue_indirect_dma source(%dma_start3A_278 : memref<10000x128xi32, #tpu.memory_space<hbm>>) target(%arg6 : memref<64x128xi32, #tpu.memory_space<vmem>>) offsets(%dma_start3A_275 : memref<64xi32, #tpu.memory_space<vmem>>) semaphore(%arg14 : memref<!tpu.dma_semaphore, #tpu.memory_space<semaphore_mem>>)
      } else {
      }
      %add3A_200 = arith.constant 5 : i32
      %add3A_201 = arith.addi %mul3A_87, %add3A_200 : i32
      %dma_wait3A_202 = arith.constant 0 : i32
      %dma_wait3A_203 = arith.constant 0 : i32
      %dma_wait3A_204 = tpu.memref_slice %arg5[%dma_wait3A_202, %dma_wait3A_203] : memref<40x64xi32, #tpu.memory_space<vmem>> -> memref<1x64xi32, #tpu.memory_space<vmem>>
      %dma_wait3A_205 = tpu.memref_squeeze %dma_wait3A_204 : memref<1x64xi32, #tpu.memory_space<vmem>> -> memref<64xi32, #tpu.memory_space<vmem>>
      %dma_wait3A_206 = arith.constant 0 : i32
      %dma_wait3A_207 = arith.constant 0 : i32
      %dma_wait3A_208 = tpu.memref_slice %arg2[%dma_wait3A_206, %dma_wait3A_207] : memref<10000x128xi32, #tpu.memory_space<hbm>> -> memref<10000x128xi32, #tpu.memory_space<hbm>>
      tpu.wait_indirect_dma semaphore(%arg19 : memref<!tpu.dma_semaphore, #tpu.memory_space<semaphore_mem>>) src(%dma_wait3A_208 : memref<10000x128xi32, #tpu.memory_space<hbm>>) dst(%arg11 : memref<64x128xi32, #tpu.memory_space<vmem>>)
      %add3A_209 = arith.addi %mul3A_2, %add3A_201 : i32
      %mul3A_210 = arith.constant 64 : i32
      %mul3A_211 = arith.muli %add3A_209, %mul3A_210 : i32
      %dma_start3A_212 = arith.constant 0 : i32
      %dma_start3A_213 = tpu.memref_slice %arg4[%mul3A_211, %dma_start3A_212] : memref<81920x128xi32, #tpu.memory_space<hbm>> -> memref<64x128xi32, #tpu.memory_space<hbm>>
      %dma_start3A_214 = arith.constant 0 : i32
      %dma_start3A_215 = tpu.memref_slice %arg4[%mul3A_211, %dma_start3A_214] : memref<81920x128xi32, #tpu.memory_space<hbm>> -> memref<64x128xi32, #tpu.memory_space<hbm>>
      tpu.enqueue_dma source(%arg11 : memref<64x128xi32, #tpu.memory_space<vmem>>) target(%dma_start3A_215 : memref<64x128xi32, #tpu.memory_space<hbm>>) target_semaphore(%arg27 : memref<!tpu.dma_semaphore, #tpu.memory_space<semaphore_mem>>)
      %add3A_216 = arith.constant 4 : i32
      %add3A_217 = arith.addi %add3A_201, %add3A_216 : i32
      %lt3A_218 = arith.constant 40 : i32
      %lt3A_219 = arith.cmpi slt, %add3A_217, %lt3A_218 : i32
      %convert_element_type3A_220 = arith.extui %lt3A_219 : i1 to i32
      %cond3A_221 = arith.constant 0 : i32
      %cond3A_222 = arith.cmpi ne, %convert_element_type3A_220, %cond3A_221 : i32
      scf.if %cond3A_222 {
        %ge3A = arith.constant 8 : i32
        %ge3A_269 = arith.cmpi sge, %add3A_217, %ge3A : i32
        %convert_element_type3A_270 = arith.extui %ge3A_269 : i1 to i32
        %cond3A_271 = arith.constant 0 : i32
        %cond3A_272 = arith.cmpi ne, %convert_element_type3A_270, %cond3A_271 : i32
        scf.if %cond3A_272 {
          %mul3A_279 = arith.constant 64 : i32
          %mul3A_280 = arith.muli %mul3A_2, %mul3A_279 : i32
          %dma_wait3A_281 = arith.constant 0 : i32
          %dma_wait3A_282 = tpu.memref_slice %arg4[%mul3A_280, %dma_wait3A_281] : memref<81920x128xi32, #tpu.memory_space<hbm>> -> memref<64x128xi32, #tpu.memory_space<hbm>>
          %dma_wait3A_283 = arith.constant 0 : i32
          %dma_wait3A_284 = tpu.memref_slice %arg4[%mul3A_280, %dma_wait3A_283] : memref<81920x128xi32, #tpu.memory_space<hbm>> -> memref<64x128xi32, #tpu.memory_space<hbm>>
          tpu.wait_dma2 semaphore(%arg23 : memref<!tpu.dma_semaphore, #tpu.memory_space<semaphore_mem>>) src(%arg7 : memref<64x128xi32, #tpu.memory_space<vmem>>) dst(%dma_wait3A_284 : memref<64x128xi32, #tpu.memory_space<hbm>>)
        } else {
        }
        %dma_start3A_273 = arith.constant 0 : i32
        %dma_start3A_274 = tpu.memref_slice %arg5[%add3A_217, %dma_start3A_273] : memref<40x64xi32, #tpu.memory_space<vmem>> -> memref<1x64xi32, #tpu.memory_space<vmem>>
        %dma_start3A_275 = tpu.memref_squeeze %dma_start3A_274 : memref<1x64xi32, #tpu.memory_space<vmem>> -> memref<64xi32, #tpu.memory_space<vmem>>
        %dma_start3A_276 = arith.constant 0 : i32
        %dma_start3A_277 = arith.constant 0 : i32
        %dma_start3A_278 = tpu.memref_slice %arg2[%dma_start3A_276, %dma_start3A_277] : memref<10000x128xi32, #tpu.memory_space<hbm>> -> memref<10000x128xi32, #tpu.memory_space<hbm>>
        tpu.enqueue_indirect_dma source(%dma_start3A_278 : memref<10000x128xi32, #tpu.memory_space<hbm>>) target(%arg7 : memref<64x128xi32, #tpu.memory_space<vmem>>) offsets(%dma_start3A_275 : memref<64xi32, #tpu.memory_space<vmem>>) semaphore(%arg15 : memref<!tpu.dma_semaphore, #tpu.memory_space<semaphore_mem>>)
      } else {
      }
      %add3A_223 = arith.constant 6 : i32
      %add3A_224 = arith.addi %mul3A_87, %add3A_223 : i32
      %dma_wait3A_225 = arith.constant 0 : i32
      %dma_wait3A_226 = arith.constant 0 : i32
      %dma_wait3A_227 = tpu.memref_slice %arg5[%dma_wait3A_225, %dma_wait3A_226] : memref<40x64xi32, #tpu.memory_space<vmem>> -> memref<1x64xi32, #tpu.memory_space<vmem>>
      %dma_wait3A_228 = tpu.memref_squeeze %dma_wait3A_227 : memref<1x64xi32, #tpu.memory_space<vmem>> -> memref<64xi32, #tpu.memory_space<vmem>>
      %dma_wait3A_229 = arith.constant 0 : i32
      %dma_wait3A_230 = arith.constant 0 : i32
      %dma_wait3A_231 = tpu.memref_slice %arg2[%dma_wait3A_229, %dma_wait3A_230] : memref<10000x128xi32, #tpu.memory_space<hbm>> -> memref<10000x128xi32, #tpu.memory_space<hbm>>
      tpu.wait_indirect_dma semaphore(%arg20 : memref<!tpu.dma_semaphore, #tpu.memory_space<semaphore_mem>>) src(%dma_wait3A_231 : memref<10000x128xi32, #tpu.memory_space<hbm>>) dst(%arg12 : memref<64x128xi32, #tpu.memory_space<vmem>>)
      %add3A_232 = arith.addi %mul3A_2, %add3A_224 : i32
      %mul3A_233 = arith.constant 64 : i32
      %mul3A_234 = arith.muli %add3A_232, %mul3A_233 : i32
      %dma_start3A_235 = arith.constant 0 : i32
      %dma_start3A_236 = tpu.memref_slice %arg4[%mul3A_234, %dma_start3A_235] : memref<81920x128xi32, #tpu.memory_space<hbm>> -> memref<64x128xi32, #tpu.memory_space<hbm>>
      %dma_start3A_237 = arith.constant 0 : i32
      %dma_start3A_238 = tpu.memref_slice %arg4[%mul3A_234, %dma_start3A_237] : memref<81920x128xi32, #tpu.memory_space<hbm>> -> memref<64x128xi32, #tpu.memory_space<hbm>>
      tpu.enqueue_dma source(%arg12 : memref<64x128xi32, #tpu.memory_space<vmem>>) target(%dma_start3A_238 : memref<64x128xi32, #tpu.memory_space<hbm>>) target_semaphore(%arg28 : memref<!tpu.dma_semaphore, #tpu.memory_space<semaphore_mem>>)
      %add3A_239 = arith.constant 4 : i32
      %add3A_240 = arith.addi %add3A_224, %add3A_239 : i32
      %lt3A_241 = arith.constant 40 : i32
      %lt3A_242 = arith.cmpi slt, %add3A_240, %lt3A_241 : i32
      %convert_element_type3A_243 = arith.extui %lt3A_242 : i1 to i32
      %cond3A_244 = arith.constant 0 : i32
      %cond3A_245 = arith.cmpi ne, %convert_element_type3A_243, %cond3A_244 : i32
      scf.if %cond3A_245 {
        %ge3A = arith.constant 8 : i32
        %ge3A_269 = arith.cmpi sge, %add3A_240, %ge3A : i32
        %convert_element_type3A_270 = arith.extui %ge3A_269 : i1 to i32
        %cond3A_271 = arith.constant 0 : i32
        %cond3A_272 = arith.cmpi ne, %convert_element_type3A_270, %cond3A_271 : i32
        scf.if %cond3A_272 {
          %mul3A_279 = arith.constant 64 : i32
          %mul3A_280 = arith.muli %mul3A_2, %mul3A_279 : i32
          %dma_wait3A_281 = arith.constant 0 : i32
          %dma_wait3A_282 = tpu.memref_slice %arg4[%mul3A_280, %dma_wait3A_281] : memref<81920x128xi32, #tpu.memory_space<hbm>> -> memref<64x128xi32, #tpu.memory_space<hbm>>
          %dma_wait3A_283 = arith.constant 0 : i32
          %dma_wait3A_284 = tpu.memref_slice %arg4[%mul3A_280, %dma_wait3A_283] : memref<81920x128xi32, #tpu.memory_space<hbm>> -> memref<64x128xi32, #tpu.memory_space<hbm>>
          tpu.wait_dma2 semaphore(%arg24 : memref<!tpu.dma_semaphore, #tpu.memory_space<semaphore_mem>>) src(%arg8 : memref<64x128xi32, #tpu.memory_space<vmem>>) dst(%dma_wait3A_284 : memref<64x128xi32, #tpu.memory_space<hbm>>)
        } else {
        }
        %dma_start3A_273 = arith.constant 0 : i32
        %dma_start3A_274 = tpu.memref_slice %arg5[%add3A_240, %dma_start3A_273] : memref<40x64xi32, #tpu.memory_space<vmem>> -> memref<1x64xi32, #tpu.memory_space<vmem>>
        %dma_start3A_275 = tpu.memref_squeeze %dma_start3A_274 : memref<1x64xi32, #tpu.memory_space<vmem>> -> memref<64xi32, #tpu.memory_space<vmem>>
        %dma_start3A_276 = arith.constant 0 : i32
        %dma_start3A_277 = arith.constant 0 : i32
        %dma_start3A_278 = tpu.memref_slice %arg2[%dma_start3A_276, %dma_start3A_277] : memref<10000x128xi32, #tpu.memory_space<hbm>> -> memref<10000x128xi32, #tpu.memory_space<hbm>>
        tpu.enqueue_indirect_dma source(%dma_start3A_278 : memref<10000x128xi32, #tpu.memory_space<hbm>>) target(%arg8 : memref<64x128xi32, #tpu.memory_space<vmem>>) offsets(%dma_start3A_275 : memref<64xi32, #tpu.memory_space<vmem>>) semaphore(%arg16 : memref<!tpu.dma_semaphore, #tpu.memory_space<semaphore_mem>>)
      } else {
      }
      %add3A_246 = arith.constant 7 : i32
      %add3A_247 = arith.addi %mul3A_87, %add3A_246 : i32
      %dma_wait3A_248 = arith.constant 0 : i32
      %dma_wait3A_249 = arith.constant 0 : i32
      %dma_wait3A_250 = tpu.memref_slice %arg5[%dma_wait3A_248, %dma_wait3A_249] : memref<40x64xi32, #tpu.memory_space<vmem>> -> memref<1x64xi32, #tpu.memory_space<vmem>>
      %dma_wait3A_251 = tpu.memref_squeeze %dma_wait3A_250 : memref<1x64xi32, #tpu.memory_space<vmem>> -> memref<64xi32, #tpu.memory_space<vmem>>
      %dma_wait3A_252 = arith.constant 0 : i32
      %dma_wait3A_253 = arith.constant 0 : i32
      %dma_wait3A_254 = tpu.memref_slice %arg2[%dma_wait3A_252, %dma_wait3A_253] : memref<10000x128xi32, #tpu.memory_space<hbm>> -> memref<10000x128xi32, #tpu.memory_space<hbm>>
      tpu.wait_indirect_dma semaphore(%arg21 : memref<!tpu.dma_semaphore, #tpu.memory_space<semaphore_mem>>) src(%dma_wait3A_254 : memref<10000x128xi32, #tpu.memory_space<hbm>>) dst(%arg13 : memref<64x128xi32, #tpu.memory_space<vmem>>)
      %add3A_255 = arith.addi %mul3A_2, %add3A_247 : i32
      %mul3A_256 = arith.constant 64 : i32
      %mul3A_257 = arith.muli %add3A_255, %mul3A_256 : i32
      %dma_start3A_258 = arith.constant 0 : i32
      %dma_start3A_259 = tpu.memref_slice %arg4[%mul3A_257, %dma_start3A_258] : memref<81920x128xi32, #tpu.memory_space<hbm>> -> memref<64x128xi32, #tpu.memory_space<hbm>>
      %dma_start3A_260 = arith.constant 0 : i32
      %dma_start3A_261 = tpu.memref_slice %arg4[%mul3A_257, %dma_start3A_260] : memref<81920x128xi32, #tpu.memory_space<hbm>> -> memref<64x128xi32, #tpu.memory_space<hbm>>
      tpu.enqueue_dma source(%arg13 : memref<64x128xi32, #tpu.memory_space<vmem>>) target(%dma_start3A_261 : memref<64x128xi32, #tpu.memory_space<hbm>>) target_semaphore(%arg29 : memref<!tpu.dma_semaphore, #tpu.memory_space<semaphore_mem>>)
      %add3A_262 = arith.constant 4 : i32
      %add3A_263 = arith.addi %add3A_247, %add3A_262 : i32
      %lt3A_264 = arith.constant 40 : i32
      %lt3A_265 = arith.cmpi slt, %add3A_263, %lt3A_264 : i32
      %convert_element_type3A_266 = arith.extui %lt3A_265 : i1 to i32
      %cond3A_267 = arith.constant 0 : i32
      %cond3A_268 = arith.cmpi ne, %convert_element_type3A_266, %cond3A_267 : i32
      scf.if %cond3A_268 {
        %ge3A = arith.constant 8 : i32
        %ge3A_269 = arith.cmpi sge, %add3A_263, %ge3A : i32
        %convert_element_type3A_270 = arith.extui %ge3A_269 : i1 to i32
        %cond3A_271 = arith.constant 0 : i32
        %cond3A_272 = arith.cmpi ne, %convert_element_type3A_270, %cond3A_271 : i32
        scf.if %cond3A_272 {
          %mul3A_279 = arith.constant 64 : i32
          %mul3A_280 = arith.muli %mul3A_2, %mul3A_279 : i32
          %dma_wait3A_281 = arith.constant 0 : i32
          %dma_wait3A_282 = tpu.memref_slice %arg4[%mul3A_280, %dma_wait3A_281] : memref<81920x128xi32, #tpu.memory_space<hbm>> -> memref<64x128xi32, #tpu.memory_space<hbm>>
          %dma_wait3A_283 = arith.constant 0 : i32
          %dma_wait3A_284 = tpu.memref_slice %arg4[%mul3A_280, %dma_wait3A_283] : memref<81920x128xi32, #tpu.memory_space<hbm>> -> memref<64x128xi32, #tpu.memory_space<hbm>>
          tpu.wait_dma2 semaphore(%arg25 : memref<!tpu.dma_semaphore, #tpu.memory_space<semaphore_mem>>) src(%arg9 : memref<64x128xi32, #tpu.memory_space<vmem>>) dst(%dma_wait3A_284 : memref<64x128xi32, #tpu.memory_space<hbm>>)
        } else {
        }
        %dma_start3A_273 = arith.constant 0 : i32
        %dma_start3A_274 = tpu.memref_slice %arg5[%add3A_263, %dma_start3A_273] : memref<40x64xi32, #tpu.memory_space<vmem>> -> memref<1x64xi32, #tpu.memory_space<vmem>>
        %dma_start3A_275 = tpu.memref_squeeze %dma_start3A_274 : memref<1x64xi32, #tpu.memory_space<vmem>> -> memref<64xi32, #tpu.memory_space<vmem>>
        %dma_start3A_276 = arith.constant 0 : i32
        %dma_start3A_277 = arith.constant 0 : i32
        %dma_start3A_278 = tpu.memref_slice %arg2[%dma_start3A_276, %dma_start3A_277] : memref<10000x128xi32, #tpu.memory_space<hbm>> -> memref<10000x128xi32, #tpu.memory_space<hbm>>
        tpu.enqueue_indirect_dma source(%dma_start3A_278 : memref<10000x128xi32, #tpu.memory_space<hbm>>) target(%arg9 : memref<64x128xi32, #tpu.memory_space<vmem>>) offsets(%dma_start3A_275 : memref<64xi32, #tpu.memory_space<vmem>>) semaphore(%arg17 : memref<!tpu.dma_semaphore, #tpu.memory_space<semaphore_mem>>)
      } else {
      }
    }
    %scan3A_33 = arith.constant 5 : i32
    %mul3A_34 = arith.constant 64 : i32
    %mul3A_35 = arith.muli %mul3A_2, %mul3A_34 : i32
    %dma_wait3A = arith.constant 0 : i32
    %dma_wait3A_36 = tpu.memref_slice %arg4[%mul3A_35, %dma_wait3A] : memref<81920x128xi32, #tpu.memory_space<hbm>> -> memref<64x128xi32, #tpu.memory_space<hbm>>
    %dma_wait3A_37 = arith.constant 0 : i32
    %dma_wait3A_38 = tpu.memref_slice %arg4[%mul3A_35, %dma_wait3A_37] : memref<81920x128xi32, #tpu.memory_space<hbm>> -> memref<64x128xi32, #tpu.memory_space<hbm>>
    tpu.wait_dma2 semaphore(%arg22 : memref<!tpu.dma_semaphore, #tpu.memory_space<semaphore_mem>>) src(%arg6 : memref<64x128xi32, #tpu.memory_space<vmem>>) dst(%dma_wait3A_38 : memref<64x128xi32, #tpu.memory_space<hbm>>)
    %mul3A_39 = arith.constant 64 : i32
    %mul3A_40 = arith.muli %mul3A_2, %mul3A_39 : i32
    %dma_wait3A_41 = arith.constant 0 : i32
    %dma_wait3A_42 = tpu.memref_slice %arg4[%mul3A_40, %dma_wait3A_41] : memref<81920x128xi32, #tpu.memory_space<hbm>> -> memref<64x128xi32, #tpu.memory_space<hbm>>
    %dma_wait3A_43 = arith.constant 0 : i32
    %dma_wait3A_44 = tpu.memref_slice %arg4[%mul3A_40, %dma_wait3A_43] : memref<81920x128xi32, #tpu.memory_space<hbm>> -> memref<64x128xi32, #tpu.memory_space<hbm>>
    tpu.wait_dma2 semaphore(%arg23 : memref<!tpu.dma_semaphore, #tpu.memory_space<semaphore_mem>>) src(%arg7 : memref<64x128xi32, #tpu.memory_space<vmem>>) dst(%dma_wait3A_44 : memref<64x128xi32, #tpu.memory_space<hbm>>)
    %mul3A_45 = arith.constant 64 : i32
    %mul3A_46 = arith.muli %mul3A_2, %mul3A_45 : i32
    %dma_wait3A_47 = arith.constant 0 : i32
    %dma_wait3A_48 = tpu.memref_slice %arg4[%mul3A_46, %dma_wait3A_47] : memref<81920x128xi32, #tpu.memory_space<hbm>> -> memref<64x128xi32, #tpu.memory_space<hbm>>
    %dma_wait3A_49 = arith.constant 0 : i32
    %dma_wait3A_50 = tpu.memref_slice %arg4[%mul3A_46, %dma_wait3A_49] : memref<81920x128xi32, #tpu.memory_space<hbm>> -> memref<64x128xi32, #tpu.memory_space<hbm>>
    tpu.wait_dma2 semaphore(%arg24 : memref<!tpu.dma_semaphore, #tpu.memory_space<semaphore_mem>>) src(%arg8 : memref<64x128xi32, #tpu.memory_space<vmem>>) dst(%dma_wait3A_50 : memref<64x128xi32, #tpu.memory_space<hbm>>)
    %mul3A_51 = arith.constant 64 : i32
    %mul3A_52 = arith.muli %mul3A_2, %mul3A_51 : i32
    %dma_wait3A_53 = arith.constant 0 : i32
    %dma_wait3A_54 = tpu.memref_slice %arg4[%mul3A_52, %dma_wait3A_53] : memref<81920x128xi32, #tpu.memory_space<hbm>> -> memref<64x128xi32, #tpu.memory_space<hbm>>
    %dma_wait3A_55 = arith.constant 0 : i32
    %dma_wait3A_56 = tpu.memref_slice %arg4[%mul3A_52, %dma_wait3A_55] : memref<81920x128xi32, #tpu.memory_space<hbm>> -> memref<64x128xi32, #tpu.memory_space<hbm>>
    tpu.wait_dma2 semaphore(%arg25 : memref<!tpu.dma_semaphore, #tpu.memory_space<semaphore_mem>>) src(%arg9 : memref<64x128xi32, #tpu.memory_space<vmem>>) dst(%dma_wait3A_56 : memref<64x128xi32, #tpu.memory_space<hbm>>)
    %mul3A_57 = arith.constant 64 : i32
    %mul3A_58 = arith.muli %mul3A_2, %mul3A_57 : i32
    %dma_wait3A_59 = arith.constant 0 : i32
    %dma_wait3A_60 = tpu.memref_slice %arg4[%mul3A_58, %dma_wait3A_59] : memref<81920x128xi32, #tpu.memory_space<hbm>> -> memref<64x128xi32, #tpu.memory_space<hbm>>
    %dma_wait3A_61 = arith.constant 0 : i32
    %dma_wait3A_62 = tpu.memref_slice %arg4[%mul3A_58, %dma_wait3A_61] : memref<81920x128xi32, #tpu.memory_space<hbm>> -> memref<64x128xi32, #tpu.memory_space<hbm>>
    tpu.wait_dma2 semaphore(%arg26 : memref<!tpu.dma_semaphore, #tpu.memory_space<semaphore_mem>>) src(%arg10 : memref<64x128xi32, #tpu.memory_space<vmem>>) dst(%dma_wait3A_62 : memref<64x128xi32, #tpu.memory_space<hbm>>)
    %mul3A_63 = arith.constant 64 : i32
    %mul3A_64 = arith.muli %mul3A_2, %mul3A_63 : i32
    %dma_wait3A_65 = arith.constant 0 : i32
    %dma_wait3A_66 = tpu.memref_slice %arg4[%mul3A_64, %dma_wait3A_65] : memref<81920x128xi32, #tpu.memory_space<hbm>> -> memref<64x128xi32, #tpu.memory_space<hbm>>
    %dma_wait3A_67 = arith.constant 0 : i32
    %dma_wait3A_68 = tpu.memref_slice %arg4[%mul3A_64, %dma_wait3A_67] : memref<81920x128xi32, #tpu.memory_space<hbm>> -> memref<64x128xi32, #tpu.memory_space<hbm>>
    tpu.wait_dma2 semaphore(%arg27 : memref<!tpu.dma_semaphore, #tpu.memory_space<semaphore_mem>>) src(%arg11 : memref<64x128xi32, #tpu.memory_space<vmem>>) dst(%dma_wait3A_68 : memref<64x128xi32, #tpu.memory_space<hbm>>)
    %mul3A_69 = arith.constant 64 : i32
    %mul3A_70 = arith.muli %mul3A_2, %mul3A_69 : i32
    %dma_wait3A_71 = arith.constant 0 : i32
    %dma_wait3A_72 = tpu.memref_slice %arg4[%mul3A_70, %dma_wait3A_71] : memref<81920x128xi32, #tpu.memory_space<hbm>> -> memref<64x128xi32, #tpu.memory_space<hbm>>
    %dma_wait3A_73 = arith.constant 0 : i32
    %dma_wait3A_74 = tpu.memref_slice %arg4[%mul3A_70, %dma_wait3A_73] : memref<81920x128xi32, #tpu.memory_space<hbm>> -> memref<64x128xi32, #tpu.memory_space<hbm>>
    tpu.wait_dma2 semaphore(%arg28 : memref<!tpu.dma_semaphore, #tpu.memory_space<semaphore_mem>>) src(%arg12 : memref<64x128xi32, #tpu.memory_space<vmem>>) dst(%dma_wait3A_74 : memref<64x128xi32, #tpu.memory_space<hbm>>)
    %mul3A_75 = arith.constant 64 : i32
    %mul3A_76 = arith.muli %mul3A_2, %mul3A_75 : i32
    %dma_wait3A_77 = arith.constant 0 : i32
    %dma_wait3A_78 = tpu.memref_slice %arg4[%mul3A_76, %dma_wait3A_77] : memref<81920x128xi32, #tpu.memory_space<hbm>> -> memref<64x128xi32, #tpu.memory_space<hbm>>
    %dma_wait3A_79 = arith.constant 0 : i32
    %dma_wait3A_80 = tpu.memref_slice %arg4[%mul3A_76, %dma_wait3A_79] : memref<81920x128xi32, #tpu.memory_space<hbm>> -> memref<64x128xi32, #tpu.memory_space<hbm>>
    tpu.wait_dma2 semaphore(%arg29 : memref<!tpu.dma_semaphore, #tpu.memory_space<semaphore_mem>>) src(%arg13 : memref<64x128xi32, #tpu.memory_space<vmem>>) dst(%dma_wait3A_80 : memref<64x128xi32, #tpu.memory_space<hbm>>)
    return
  }
}

#map = affine_map<(d0, d1) -> (0, 0)>
module attributes {stable_mosaic.version = 14 : i64} {
  func.func @_sc_gather(%arg0: i32, %arg1: i32, %arg2: memref<10000x128xi32, #tpu.memory_space<hbm>>, %arg3: memref<1280x64xi32, #tpu.memory_space<hbm>>, %arg4: memref<81920x128xi32, #tpu.memory_space<hbm>>, %arg5: memref<40x64xi32, #tpu.memory_space<vmem>>, %arg6: memref<64x128xi32, #tpu.memory_space<vmem>>, %arg7: memref<64x128xi32, #tpu.memory_space<vmem>>, %arg8: memref<64x128xi32, #tpu.memory_space<vmem>>, %arg9: memref<64x128xi32, #tpu.memory_space<vmem>>, %arg10: memref<64x128xi32, #tpu.memory_space<vmem>>, %arg11: memref<64x128xi32, #tpu.memory_space<vmem>>, %arg12: memref<64x128xi32, #tpu.memory_space<vmem>>, %arg13: memref<64x128xi32, #tpu.memory_space<vmem>>, %arg14: memref<!tpu.dma_semaphore, #tpu.memory_space<semaphore_mem>>, %arg15: memref<!tpu.dma_semaphore, #tpu.memory_space<semaphore_mem>>, %arg16: memref<!tpu.dma_semaphore, #tpu.memory_space<semaphore_mem>>, %arg17: memref<!tpu.dma_semaphore, #tpu.memory_space<semaphore_mem>>, %arg18: memref<!tpu.dma_semaphore, #tpu.memory_space<semaphore_mem>>, %arg19: memref<!tpu.dma_semaphore, #tpu.memory_space<semaphore_mem>>, %arg20: memref<!tpu.dma_semaphore, #tpu.memory_space<semaphore_mem>>, %arg21: memref<!tpu.dma_semaphore, #tpu.memory_space<semaphore_mem>>, %arg22: memref<!tpu.dma_semaphore, #tpu.memory_space<semaphore_mem>>, %arg23: memref<!tpu.dma_semaphore, #tpu.memory_space<semaphore_mem>>, %arg24: memref<!tpu.dma_semaphore, #tpu.memory_space<semaphore_mem>>, %arg25: memref<!tpu.dma_semaphore, #tpu.memory_space<semaphore_mem>>, %arg26: memref<!tpu.dma_semaphore, #tpu.memory_space<semaphore_mem>>, %arg27: memref<!tpu.dma_semaphore, #tpu.memory_space<semaphore_mem>>, %arg28: memref<!tpu.dma_semaphore, #tpu.memory_space<semaphore_mem>>, %arg29: memref<!tpu.dma_semaphore, #tpu.memory_space<semaphore_mem>>) attributes {dimension_semantics = [#tpu.dimension_semantics<core_parallel>, #tpu.dimension_semantics<subcore_parallel>], iteration_bounds = array<i64: 2, 16>, scalar_prefetch = 0 : i64, scratch_operands = 25 : i64, tpu.core_type = #tpu.core_type<sc_vector_subcore>, window_params = [{transform_indices = #map}, {transform_indices = #map}, {transform_indices = #map}]} {
    %mul3A = arith.constant 2 : i32
    %mul3A_0 = arith.muli %arg1, %mul3A : i32
    %add3A = arith.addi %mul3A_0, %arg0 : i32
    %mul3A_1 = arith.constant 40 : i32
    %mul3A_2 = arith.muli %add3A, %mul3A_1 : i32
    "tpu.region"() ({
      %run_scoped3A = tpu.sem_alloc : memref<!tpu.dma_semaphore, #tpu.memory_space<semaphore_mem>>
      %dma_start3A_81 = arith.constant 0 : i32
      %dma_start3A_82 = tpu.memref_slice %arg3[%mul3A_2, %dma_start3A_81] : memref<1280x64xi32, #tpu.memory_space<hbm>> -> memref<40x64xi32, #tpu.memory_space<hbm>>
      %dma_start3A_83 = arith.constant 0 : i32
      %dma_start3A_84 = tpu.memref_slice %arg3[%mul3A_2, %dma_start3A_83] : memref<1280x64xi32, #tpu.memory_space<hbm>> -> memref<40x64xi32, #tpu.memory_space<hbm>>
      tpu.enqueue_dma source(%dma_start3A_84 : memref<40x64xi32, #tpu.memory_space<hbm>>) target(%arg5 : memref<40x64xi32, #tpu.memory_space<vmem>>) target_semaphore(%run_scoped3A : memref<!tpu.dma_semaphore, #tpu.memory_space<semaphore_mem>>)
      %dma_wait3A_85 = arith.constant 0 : i32
      %dma_wait3A_86 = tpu.memref_slice %arg3[%mul3A_2, %dma_wait3A_85] : memref<1280x64xi32, #tpu.memory_space<hbm>> -> memref<40x64xi32, #tpu.memory_space<hbm>>
      %dma_wait3A_87 = arith.constant 0 : i32
      %dma_wait3A_88 = tpu.memref_slice %arg3[%mul3A_2, %dma_wait3A_87] : memref<1280x64xi32, #tpu.memory_space<hbm>> -> memref<40x64xi32, #tpu.memory_space<hbm>>
      tpu.wait_dma2 semaphore(%run_scoped3A : memref<!tpu.dma_semaphore, #tpu.memory_space<semaphore_mem>>) src(%dma_wait3A_88 : memref<40x64xi32, #tpu.memory_space<hbm>>) dst(%arg5 : memref<40x64xi32, #tpu.memory_space<vmem>>)
      tpu.yield
    }) : () -> ()
    %dma_start3A = arith.constant 0 : i32
    %dma_start3A_3 = arith.constant 0 : i32
    %dma_start3A_4 = tpu.memref_slice %arg5[%dma_start3A, %dma_start3A_3] : memref<40x64xi32, #tpu.memory_space<vmem>> -> memref<1x64xi32, #tpu.memory_space<vmem>>
    %dma_start3A_5 = tpu.memref_squeeze %dma_start3A_4 : memref<1x64xi32, #tpu.memory_space<vmem>> -> memref<64xi32, #tpu.memory_space<vmem>>
    %dma_start3A_6 = arith.constant 0 : i32
    %dma_start3A_7 = arith.constant 0 : i32
    %dma_start3A_8 = tpu.memref_slice %arg2[%dma_start3A_6, %dma_start3A_7] : memref<10000x128xi32, #tpu.memory_space<hbm>> -> memref<10000x128xi32, #tpu.memory_space<hbm>>
    tpu.enqueue_indirect_dma source(%dma_start3A_8 : memref<10000x128xi32, #tpu.memory_space<hbm>>) target(%arg6 : memref<64x128xi32, #tpu.memory_space<vmem>>) offsets(%dma_start3A_5 : memref<64xi32, #tpu.memory_space<vmem>>) semaphore(%arg14 : memref<!tpu.dma_semaphore, #tpu.memory_space<semaphore_mem>>)
    %dma_start3A_9 = arith.constant 1 : i32
    %dma_start3A_10 = arith.constant 0 : i32
    %dma_start3A_11 = tpu.memref_slice %arg5[%dma_start3A_9, %dma_start3A_10] : memref<40x64xi32, #tpu.memory_space<vmem>> -> memref<1x64xi32, #tpu.memory_space<vmem>>
    %dma_start3A_12 = tpu.memref_squeeze %dma_start3A_11 : memref<1x64xi32, #tpu.memory_space<vmem>> -> memref<64xi32, #tpu.memory_space<vmem>>
    %dma_start3A_13 = arith.constant 0 : i32
    %dma_start3A_14 = arith.constant 0 : i32
    %dma_start3A_15 = tpu.memref_slice %arg2[%dma_start3A_13, %dma_start3A_14] : memref<10000x128xi32, #tpu.memory_space<hbm>> -> memref<10000x128xi32, #tpu.memory_space<hbm>>
    tpu.enqueue_indirect_dma source(%dma_start3A_15 : memref<10000x128xi32, #tpu.memory_space<hbm>>) target(%arg7 : memref<64x128xi32, #tpu.memory_space<vmem>>) offsets(%dma_start3A_12 : memref<64xi32, #tpu.memory_space<vmem>>) semaphore(%arg15 : memref<!tpu.dma_semaphore, #tpu.memory_space<semaphore_mem>>)
    %dma_start3A_16 = arith.constant 2 : i32
    %dma_start3A_17 = arith.constant 0 : i32
    %dma_start3A_18 = tpu.memref_slice %arg5[%dma_start3A_16, %dma_start3A_17] : memref<40x64xi32, #tpu.memory_space<vmem>> -> memref<1x64xi32, #tpu.memory_space<vmem>>
    %dma_start3A_19 = tpu.memref_squeeze %dma_start3A_18 : memref<1x64xi32, #tpu.memory_space<vmem>> -> memref<64xi32, #tpu.memory_space<vmem>>
    %dma_start3A_20 = arith.constant 0 : i32
    %dma_start3A_21 = arith.constant 0 : i32
    %dma_start3A_22 = tpu.memref_slice %arg2[%dma_start3A_20, %dma_start3A_21] : memref<10000x128xi32, #tpu.memory_space<hbm>> -> memref<10000x128xi32, #tpu.memory_space<hbm>>
    tpu.enqueue_indirect_dma source(%dma_start3A_22 : memref<10000x128xi32, #tpu.memory_space<hbm>>) target(%arg8 : memref<64x128xi32, #tpu.memory_space<vmem>>) offsets(%dma_start3A_19 : memref<64xi32, #tpu.memory_space<vmem>>) semaphore(%arg16 : memref<!tpu.dma_semaphore, #tpu.memory_space<semaphore_mem>>)
    %dma_start3A_23 = arith.constant 3 : i32
    %dma_start3A_24 = arith.constant 0 : i32
    %dma_start3A_25 = tpu.memref_slice %arg5[%dma_start3A_23, %dma_start3A_24] : memref<40x64xi32, #tpu.memory_space<vmem>> -> memref<1x64xi32, #tpu.memory_space<vmem>>
    %dma_start3A_26 = tpu.memref_squeeze %dma_start3A_25 : memref<1x64xi32, #tpu.memory_space<vmem>> -> memref<64xi32, #tpu.memory_space<vmem>>
    %dma_start3A_27 = arith.constant 0 : i32
    %dma_start3A_28 = arith.constant 0 : i32
    %dma_start3A_29 = tpu.memref_slice %arg2[%dma_start3A_27, %dma_start3A_28] : memref<10000x128xi32, #tpu.memory_space<hbm>> -> memref<10000x128xi32, #tpu.memory_space<hbm>>
    tpu.enqueue_indirect_dma source(%dma_start3A_29 : memref<10000x128xi32, #tpu.memory_space<hbm>>) target(%arg9 : memref<64x128xi32, #tpu.memory_space<vmem>>) offsets(%dma_start3A_26 : memref<64xi32, #tpu.memory_space<vmem>>) semaphore(%arg17 : memref<!tpu.dma_semaphore, #tpu.memory_space<semaphore_mem>>)
    %scan3A = arith.constant 0 : i32
    %scan3A_30 = arith.constant 5 : i32
    %scan3A_31 = arith.addi %scan3A, %scan3A_30 : i32
    %scan3A_32 = arith.constant 1 : i32
    scf.for %scan3A_81 = %scan3A to %scan3A_31 step %scan3A_32  : i32 {
      %mul3A_82 = arith.constant 1 : i32
      %mul3A_83 = arith.muli %scan3A_81, %mul3A_82 : i32
      %add3A_84 = arith.constant 0 : i32
      %add3A_85 = arith.addi %add3A_84, %mul3A_83 : i32
      %mul3A_86 = arith.constant 8 : i32
      %mul3A_87 = arith.muli %add3A_85, %mul3A_86 : i32
      %add3A_88 = arith.constant 0 : i32
      %add3A_89 = arith.addi %mul3A_87, %add3A_88 : i32
      %dma_wait3A_90 = arith.constant 0 : i32
      %dma_wait3A_91 = arith.constant 0 : i32
      %dma_wait3A_92 = tpu.memref_slice %arg5[%dma_wait3A_90, %dma_wait3A_91] : memref<40x64xi32, #tpu.memory_space<vmem>> -> memref<1x64xi32, #tpu.memory_space<vmem>>
      %dma_wait3A_93 = tpu.memref_squeeze %dma_wait3A_92 : memref<1x64xi32, #tpu.memory_space<vmem>> -> memref<64xi32, #tpu.memory_space<vmem>>
      %dma_wait3A_94 = arith.constant 0 : i32
      %dma_wait3A_95 = arith.constant 0 : i32
      %dma_wait3A_96 = tpu.memref_slice %arg2[%dma_wait3A_94, %dma_wait3A_95] : memref<10000x128xi32, #tpu.memory_space<hbm>> -> memref<10000x128xi32, #tpu.memory_space<hbm>>
      tpu.wait_indirect_dma semaphore(%arg14 : memref<!tpu.dma_semaphore, #tpu.memory_space<semaphore_mem>>) src(%dma_wait3A_96 : memref<10000x128xi32, #tpu.memory_space<hbm>>) dst(%arg6 : memref<64x128xi32, #tpu.memory_space<vmem>>)
      %add3A_97 = arith.addi %mul3A_2, %add3A_89 : i32
      %mul3A_98 = arith.constant 64 : i32
      %mul3A_99 = arith.muli %add3A_97, %mul3A_98 : i32
      %dma_start3A_100 = arith.constant 0 : i32
      %dma_start3A_101 = tpu.memref_slice %arg4[%mul3A_99, %dma_start3A_100] : memref<81920x128xi32, #tpu.memory_space<hbm>> -> memref<64x128xi32, #tpu.memory_space<hbm>>
      %dma_start3A_102 = arith.constant 0 : i32
      %dma_start3A_103 = tpu.memref_slice %arg4[%mul3A_99, %dma_start3A_102] : memref<81920x128xi32, #tpu.memory_space<hbm>> -> memref<64x128xi32, #tpu.memory_space<hbm>>
      tpu.enqueue_dma source(%arg6 : memref<64x128xi32, #tpu.memory_space<vmem>>) target(%dma_start3A_103 : memref<64x128xi32, #tpu.memory_space<hbm>>) target_semaphore(%arg22 : memref<!tpu.dma_semaphore, #tpu.memory_space<semaphore_mem>>)
      %add3A_104 = arith.constant 4 : i32
      %add3A_105 = arith.addi %add3A_89, %add3A_104 : i32
      %lt3A = arith.constant 40 : i32
      %lt3A_106 = arith.cmpi slt, %add3A_105, %lt3A : i32
      %convert_element_type3A = arith.extui %lt3A_106 : i1 to i32
      %cond3A = arith.constant 0 : i32
      %cond3A_107 = arith.cmpi ne, %convert_element_type3A, %cond3A : i32
      scf.if %cond3A_107 {
        %ge3A = arith.constant 8 : i32
        %ge3A_269 = arith.cmpi sge, %add3A_105, %ge3A : i32
        %convert_element_type3A_270 = arith.extui %ge3A_269 : i1 to i32
        %cond3A_271 = arith.constant 0 : i32
        %cond3A_272 = arith.cmpi ne, %convert_element_type3A_270, %cond3A_271 : i32
        scf.if %cond3A_272 {
          %mul3A_279 = arith.constant 64 : i32
          %mul3A_280 = arith.muli %mul3A_2, %mul3A_279 : i32
          %dma_wait3A_281 = arith.constant 0 : i32
          %dma_wait3A_282 = tpu.memref_slice %arg4[%mul3A_280, %dma_wait3A_281] : memref<81920x128xi32, #tpu.memory_space<hbm>> -> memref<64x128xi32, #tpu.memory_space<hbm>>
          %dma_wait3A_283 = arith.constant 0 : i32
          %dma_wait3A_284 = tpu.memref_slice %arg4[%mul3A_280, %dma_wait3A_283] : memref<81920x128xi32, #tpu.memory_space<hbm>> -> memref<64x128xi32, #tpu.memory_space<hbm>>
          tpu.wait_dma2 semaphore(%arg26 : memref<!tpu.dma_semaphore, #tpu.memory_space<semaphore_mem>>) src(%arg10 : memref<64x128xi32, #tpu.memory_space<vmem>>) dst(%dma_wait3A_284 : memref<64x128xi32, #tpu.memory_space<hbm>>)
        } else {
        }
        %dma_start3A_273 = arith.constant 0 : i32
        %dma_start3A_274 = tpu.memref_slice %arg5[%add3A_105, %dma_start3A_273] : memref<40x64xi32, #tpu.memory_space<vmem>> -> memref<1x64xi32, #tpu.memory_space<vmem>>
        %dma_start3A_275 = tpu.memref_squeeze %dma_start3A_274 : memref<1x64xi32, #tpu.memory_space<vmem>> -> memref<64xi32, #tpu.memory_space<vmem>>
        %dma_start3A_276 = arith.constant 0 : i32
        %dma_start3A_277 = arith.constant 0 : i32
        %dma_start3A_278 = tpu.memref_slice %arg2[%dma_start3A_276, %dma_start3A_277] : memref<10000x128xi32, #tpu.memory_space<hbm>> -> memref<10000x128xi32, #tpu.memory_space<hbm>>
        tpu.enqueue_indirect_dma source(%dma_start3A_278 : memref<10000x128xi32, #tpu.memory_space<hbm>>) target(%arg10 : memref<64x128xi32, #tpu.memory_space<vmem>>) offsets(%dma_start3A_275 : memref<64xi32, #tpu.memory_space<vmem>>) semaphore(%arg18 : memref<!tpu.dma_semaphore, #tpu.memory_space<semaphore_mem>>)
      } else {
      }
      %add3A_108 = arith.constant 1 : i32
      %add3A_109 = arith.addi %mul3A_87, %add3A_108 : i32
      %dma_wait3A_110 = arith.constant 0 : i32
      %dma_wait3A_111 = arith.constant 0 : i32
      %dma_wait3A_112 = tpu.memref_slice %arg5[%dma_wait3A_110, %dma_wait3A_111] : memref<40x64xi32, #tpu.memory_space<vmem>> -> memref<1x64xi32, #tpu.memory_space<vmem>>
      %dma_wait3A_113 = tpu.memref_squeeze %dma_wait3A_112 : memref<1x64xi32, #tpu.memory_space<vmem>> -> memref<64xi32, #tpu.memory_space<vmem>>
      %dma_wait3A_114 = arith.constant 0 : i32
      %dma_wait3A_115 = arith.constant 0 : i32
      %dma_wait3A_116 = tpu.memref_slice %arg2[%dma_wait3A_114, %dma_wait3A_115] : memref<10000x128xi32, #tpu.memory_space<hbm>> -> memref<10000x128xi32, #tpu.memory_space<hbm>>
      tpu.wait_indirect_dma semaphore(%arg15 : memref<!tpu.dma_semaphore, #tpu.memory_space<semaphore_mem>>) src(%dma_wait3A_116 : memref<10000x128xi32, #tpu.memory_space<hbm>>) dst(%arg7 : memref<64x128xi32, #tpu.memory_space<vmem>>)
      %add3A_117 = arith.addi %mul3A_2, %add3A_109 : i32
      %mul3A_118 = arith.constant 64 : i32
      %mul3A_119 = arith.muli %add3A_117, %mul3A_118 : i32
      %dma_start3A_120 = arith.constant 0 : i32
      %dma_start3A_121 = tpu.memref_slice %arg4[%mul3A_119, %dma_start3A_120] : memref<81920x128xi32, #tpu.memory_space<hbm>> -> memref<64x128xi32, #tpu.memory_space<hbm>>
      %dma_start3A_122 = arith.constant 0 : i32
      %dma_start3A_123 = tpu.memref_slice %arg4[%mul3A_119, %dma_start3A_122] : memref<81920x128xi32, #tpu.memory_space<hbm>> -> memref<64x128xi32, #tpu.memory_space<hbm>>
      tpu.enqueue_dma source(%arg7 : memref<64x128xi32, #tpu.memory_space<vmem>>) target(%dma_start3A_123 : memref<64x128xi32, #tpu.memory_space<hbm>>) target_semaphore(%arg23 : memref<!tpu.dma_semaphore, #tpu.memory_space<semaphore_mem>>)
      %add3A_124 = arith.constant 4 : i32
      %add3A_125 = arith.addi %add3A_109, %add3A_124 : i32
      %lt3A_126 = arith.constant 40 : i32
      %lt3A_127 = arith.cmpi slt, %add3A_125, %lt3A_126 : i32
      %convert_element_type3A_128 = arith.extui %lt3A_127 : i1 to i32
      %cond3A_129 = arith.constant 0 : i32
      %cond3A_130 = arith.cmpi ne, %convert_element_type3A_128, %cond3A_129 : i32
      scf.if %cond3A_130 {
        %ge3A = arith.constant 8 : i32
        %ge3A_269 = arith.cmpi sge, %add3A_125, %ge3A : i32
        %convert_element_type3A_270 = arith.extui %ge3A_269 : i1 to i32
        %cond3A_271 = arith.constant 0 : i32
        %cond3A_272 = arith.cmpi ne, %convert_element_type3A_270, %cond3A_271 : i32
        scf.if %cond3A_272 {
          %mul3A_279 = arith.constant 64 : i32
          %mul3A_280 = arith.muli %mul3A_2, %mul3A_279 : i32
          %dma_wait3A_281 = arith.constant 0 : i32
          %dma_wait3A_282 = tpu.memref_slice %arg4[%mul3A_280, %dma_wait3A_281] : memref<81920x128xi32, #tpu.memory_space<hbm>> -> memref<64x128xi32, #tpu.memory_space<hbm>>
          %dma_wait3A_283 = arith.constant 0 : i32
          %dma_wait3A_284 = tpu.memref_slice %arg4[%mul3A_280, %dma_wait3A_283] : memref<81920x128xi32, #tpu.memory_space<hbm>> -> memref<64x128xi32, #tpu.memory_space<hbm>>
          tpu.wait_dma2 semaphore(%arg27 : memref<!tpu.dma_semaphore, #tpu.memory_space<semaphore_mem>>) src(%arg11 : memref<64x128xi32, #tpu.memory_space<vmem>>) dst(%dma_wait3A_284 : memref<64x128xi32, #tpu.memory_space<hbm>>)
        } else {
        }
        %dma_start3A_273 = arith.constant 0 : i32
        %dma_start3A_274 = tpu.memref_slice %arg5[%add3A_125, %dma_start3A_273] : memref<40x64xi32, #tpu.memory_space<vmem>> -> memref<1x64xi32, #tpu.memory_space<vmem>>
        %dma_start3A_275 = tpu.memref_squeeze %dma_start3A_274 : memref<1x64xi32, #tpu.memory_space<vmem>> -> memref<64xi32, #tpu.memory_space<vmem>>
        %dma_start3A_276 = arith.constant 0 : i32
        %dma_start3A_277 = arith.constant 0 : i32
        %dma_start3A_278 = tpu.memref_slice %arg2[%dma_start3A_276, %dma_start3A_277] : memref<10000x128xi32, #tpu.memory_space<hbm>> -> memref<10000x128xi32, #tpu.memory_space<hbm>>
        tpu.enqueue_indirect_dma source(%dma_start3A_278 : memref<10000x128xi32, #tpu.memory_space<hbm>>) target(%arg11 : memref<64x128xi32, #tpu.memory_space<vmem>>) offsets(%dma_start3A_275 : memref<64xi32, #tpu.memory_space<vmem>>) semaphore(%arg19 : memref<!tpu.dma_semaphore, #tpu.memory_space<semaphore_mem>>)
      } else {
      }
      %add3A_131 = arith.constant 2 : i32
      %add3A_132 = arith.addi %mul3A_87, %add3A_131 : i32
      %dma_wait3A_133 = arith.constant 0 : i32
      %dma_wait3A_134 = arith.constant 0 : i32
      %dma_wait3A_135 = tpu.memref_slice %arg5[%dma_wait3A_133, %dma_wait3A_134] : memref<40x64xi32, #tpu.memory_space<vmem>> -> memref<1x64xi32, #tpu.memory_space<vmem>>
      %dma_wait3A_136 = tpu.memref_squeeze %dma_wait3A_135 : memref<1x64xi32, #tpu.memory_space<vmem>> -> memref<64xi32, #tpu.memory_space<vmem>>
      %dma_wait3A_137 = arith.constant 0 : i32
      %dma_wait3A_138 = arith.constant 0 : i32
      %dma_wait3A_139 = tpu.memref_slice %arg2[%dma_wait3A_137, %dma_wait3A_138] : memref<10000x128xi32, #tpu.memory_space<hbm>> -> memref<10000x128xi32, #tpu.memory_space<hbm>>
      tpu.wait_indirect_dma semaphore(%arg16 : memref<!tpu.dma_semaphore, #tpu.memory_space<semaphore_mem>>) src(%dma_wait3A_139 : memref<10000x128xi32, #tpu.memory_space<hbm>>) dst(%arg8 : memref<64x128xi32, #tpu.memory_space<vmem>>)
      %add3A_140 = arith.addi %mul3A_2, %add3A_132 : i32
      %mul3A_141 = arith.constant 64 : i32
      %mul3A_142 = arith.muli %add3A_140, %mul3A_141 : i32
      %dma_start3A_143 = arith.constant 0 : i32
      %dma_start3A_144 = tpu.memref_slice %arg4[%mul3A_142, %dma_start3A_143] : memref<81920x128xi32, #tpu.memory_space<hbm>> -> memref<64x128xi32, #tpu.memory_space<hbm>>
      %dma_start3A_145 = arith.constant 0 : i32
      %dma_start3A_146 = tpu.memref_slice %arg4[%mul3A_142, %dma_start3A_145] : memref<81920x128xi32, #tpu.memory_space<hbm>> -> memref<64x128xi32, #tpu.memory_space<hbm>>
      tpu.enqueue_dma source(%arg8 : memref<64x128xi32, #tpu.memory_space<vmem>>) target(%dma_start3A_146 : memref<64x128xi32, #tpu.memory_space<hbm>>) target_semaphore(%arg24 : memref<!tpu.dma_semaphore, #tpu.memory_space<semaphore_mem>>)
      %add3A_147 = arith.constant 4 : i32
      %add3A_148 = arith.addi %add3A_132, %add3A_147 : i32
      %lt3A_149 = arith.constant 40 : i32
      %lt3A_150 = arith.cmpi slt, %add3A_148, %lt3A_149 : i32
      %convert_element_type3A_151 = arith.extui %lt3A_150 : i1 to i32
      %cond3A_152 = arith.constant 0 : i32
      %cond3A_153 = arith.cmpi ne, %convert_element_type3A_151, %cond3A_152 : i32
      scf.if %cond3A_153 {
        %ge3A = arith.constant 8 : i32
        %ge3A_269 = arith.cmpi sge, %add3A_148, %ge3A : i32
        %convert_element_type3A_270 = arith.extui %ge3A_269 : i1 to i32
        %cond3A_271 = arith.constant 0 : i32
        %cond3A_272 = arith.cmpi ne, %convert_element_type3A_270, %cond3A_271 : i32
        scf.if %cond3A_272 {
          %mul3A_279 = arith.constant 64 : i32
          %mul3A_280 = arith.muli %mul3A_2, %mul3A_279 : i32
          %dma_wait3A_281 = arith.constant 0 : i32
          %dma_wait3A_282 = tpu.memref_slice %arg4[%mul3A_280, %dma_wait3A_281] : memref<81920x128xi32, #tpu.memory_space<hbm>> -> memref<64x128xi32, #tpu.memory_space<hbm>>
          %dma_wait3A_283 = arith.constant 0 : i32
          %dma_wait3A_284 = tpu.memref_slice %arg4[%mul3A_280, %dma_wait3A_283] : memref<81920x128xi32, #tpu.memory_space<hbm>> -> memref<64x128xi32, #tpu.memory_space<hbm>>
          tpu.wait_dma2 semaphore(%arg28 : memref<!tpu.dma_semaphore, #tpu.memory_space<semaphore_mem>>) src(%arg12 : memref<64x128xi32, #tpu.memory_space<vmem>>) dst(%dma_wait3A_284 : memref<64x128xi32, #tpu.memory_space<hbm>>)
        } else {
        }
        %dma_start3A_273 = arith.constant 0 : i32
        %dma_start3A_274 = tpu.memref_slice %arg5[%add3A_148, %dma_start3A_273] : memref<40x64xi32, #tpu.memory_space<vmem>> -> memref<1x64xi32, #tpu.memory_space<vmem>>
        %dma_start3A_275 = tpu.memref_squeeze %dma_start3A_274 : memref<1x64xi32, #tpu.memory_space<vmem>> -> memref<64xi32, #tpu.memory_space<vmem>>
        %dma_start3A_276 = arith.constant 0 : i32
        %dma_start3A_277 = arith.constant 0 : i32
        %dma_start3A_278 = tpu.memref_slice %arg2[%dma_start3A_276, %dma_start3A_277] : memref<10000x128xi32, #tpu.memory_space<hbm>> -> memref<10000x128xi32, #tpu.memory_space<hbm>>
        tpu.enqueue_indirect_dma source(%dma_start3A_278 : memref<10000x128xi32, #tpu.memory_space<hbm>>) target(%arg12 : memref<64x128xi32, #tpu.memory_space<vmem>>) offsets(%dma_start3A_275 : memref<64xi32, #tpu.memory_space<vmem>>) semaphore(%arg20 : memref<!tpu.dma_semaphore, #tpu.memory_space<semaphore_mem>>)
      } else {
      }
      %add3A_154 = arith.constant 3 : i32
      %add3A_155 = arith.addi %mul3A_87, %add3A_154 : i32
      %dma_wait3A_156 = arith.constant 0 : i32
      %dma_wait3A_157 = arith.constant 0 : i32
      %dma_wait3A_158 = tpu.memref_slice %arg5[%dma_wait3A_156, %dma_wait3A_157] : memref<40x64xi32, #tpu.memory_space<vmem>> -> memref<1x64xi32, #tpu.memory_space<vmem>>
      %dma_wait3A_159 = tpu.memref_squeeze %dma_wait3A_158 : memref<1x64xi32, #tpu.memory_space<vmem>> -> memref<64xi32, #tpu.memory_space<vmem>>
      %dma_wait3A_160 = arith.constant 0 : i32
      %dma_wait3A_161 = arith.constant 0 : i32
      %dma_wait3A_162 = tpu.memref_slice %arg2[%dma_wait3A_160, %dma_wait3A_161] : memref<10000x128xi32, #tpu.memory_space<hbm>> -> memref<10000x128xi32, #tpu.memory_space<hbm>>
      tpu.wait_indirect_dma semaphore(%arg17 : memref<!tpu.dma_semaphore, #tpu.memory_space<semaphore_mem>>) src(%dma_wait3A_162 : memref<10000x128xi32, #tpu.memory_space<hbm>>) dst(%arg9 : memref<64x128xi32, #tpu.memory_space<vmem>>)
      %add3A_163 = arith.addi %mul3A_2, %add3A_155 : i32
      %mul3A_164 = arith.constant 64 : i32
      %mul3A_165 = arith.muli %add3A_163, %mul3A_164 : i32
      %dma_start3A_166 = arith.constant 0 : i32
      %dma_start3A_167 = tpu.memref_slice %arg4[%mul3A_165, %dma_start3A_166] : memref<81920x128xi32, #tpu.memory_space<hbm>> -> memref<64x128xi32, #tpu.memory_space<hbm>>
      %dma_start3A_168 = arith.constant 0 : i32
      %dma_start3A_169 = tpu.memref_slice %arg4[%mul3A_165, %dma_start3A_168] : memref<81920x128xi32, #tpu.memory_space<hbm>> -> memref<64x128xi32, #tpu.memory_space<hbm>>
      tpu.enqueue_dma source(%arg9 : memref<64x128xi32, #tpu.memory_space<vmem>>) target(%dma_start3A_169 : memref<64x128xi32, #tpu.memory_space<hbm>>) target_semaphore(%arg25 : memref<!tpu.dma_semaphore, #tpu.memory_space<semaphore_mem>>)
      %add3A_170 = arith.constant 4 : i32
      %add3A_171 = arith.addi %add3A_155, %add3A_170 : i32
      %lt3A_172 = arith.constant 40 : i32
      %lt3A_173 = arith.cmpi slt, %add3A_171, %lt3A_172 : i32
      %convert_element_type3A_174 = arith.extui %lt3A_173 : i1 to i32
      %cond3A_175 = arith.constant 0 : i32
      %cond3A_176 = arith.cmpi ne, %convert_element_type3A_174, %cond3A_175 : i32
      scf.if %cond3A_176 {
        %ge3A = arith.constant 8 : i32
        %ge3A_269 = arith.cmpi sge, %add3A_171, %ge3A : i32
        %convert_element_type3A_270 = arith.extui %ge3A_269 : i1 to i32
        %cond3A_271 = arith.constant 0 : i32
        %cond3A_272 = arith.cmpi ne, %convert_element_type3A_270, %cond3A_271 : i32
        scf.if %cond3A_272 {
          %mul3A_279 = arith.constant 64 : i32
          %mul3A_280 = arith.muli %mul3A_2, %mul3A_279 : i32
          %dma_wait3A_281 = arith.constant 0 : i32
          %dma_wait3A_282 = tpu.memref_slice %arg4[%mul3A_280, %dma_wait3A_281] : memref<81920x128xi32, #tpu.memory_space<hbm>> -> memref<64x128xi32, #tpu.memory_space<hbm>>
          %dma_wait3A_283 = arith.constant 0 : i32
          %dma_wait3A_284 = tpu.memref_slice %arg4[%mul3A_280, %dma_wait3A_283] : memref<81920x128xi32, #tpu.memory_space<hbm>> -> memref<64x128xi32, #tpu.memory_space<hbm>>
          tpu.wait_dma2 semaphore(%arg29 : memref<!tpu.dma_semaphore, #tpu.memory_space<semaphore_mem>>) src(%arg13 : memref<64x128xi32, #tpu.memory_space<vmem>>) dst(%dma_wait3A_284 : memref<64x128xi32, #tpu.memory_space<hbm>>)
        } else {
        }
        %dma_start3A_273 = arith.constant 0 : i32
        %dma_start3A_274 = tpu.memref_slice %arg5[%add3A_171, %dma_start3A_273] : memref<40x64xi32, #tpu.memory_space<vmem>> -> memref<1x64xi32, #tpu.memory_space<vmem>>
        %dma_start3A_275 = tpu.memref_squeeze %dma_start3A_274 : memref<1x64xi32, #tpu.memory_space<vmem>> -> memref<64xi32, #tpu.memory_space<vmem>>
        %dma_start3A_276 = arith.constant 0 : i32
        %dma_start3A_277 = arith.constant 0 : i32
        %dma_start3A_278 = tpu.memref_slice %arg2[%dma_start3A_276, %dma_start3A_277] : memref<10000x128xi32, #tpu.memory_space<hbm>> -> memref<10000x128xi32, #tpu.memory_space<hbm>>
        tpu.enqueue_indirect_dma source(%dma_start3A_278 : memref<10000x128xi32, #tpu.memory_space<hbm>>) target(%arg13 : memref<64x128xi32, #tpu.memory_space<vmem>>) offsets(%dma_start3A_275 : memref<64xi32, #tpu.memory_space<vmem>>) semaphore(%arg21 : memref<!tpu.dma_semaphore, #tpu.memory_space<semaphore_mem>>)
      } else {
      }
      %add3A_177 = arith.constant 4 : i32
      %add3A_178 = arith.addi %mul3A_87, %add3A_177 : i32
      %dma_wait3A_179 = arith.constant 0 : i32
      %dma_wait3A_180 = arith.constant 0 : i32
      %dma_wait3A_181 = tpu.memref_slice %arg5[%dma_wait3A_179, %dma_wait3A_180] : memref<40x64xi32, #tpu.memory_space<vmem>> -> memref<1x64xi32, #tpu.memory_space<vmem>>
      %dma_wait3A_182 = tpu.memref_squeeze %dma_wait3A_181 : memref<1x64xi32, #tpu.memory_space<vmem>> -> memref<64xi32, #tpu.memory_space<vmem>>
      %dma_wait3A_183 = arith.constant 0 : i32
      %dma_wait3A_184 = arith.constant 0 : i32
      %dma_wait3A_185 = tpu.memref_slice %arg2[%dma_wait3A_183, %dma_wait3A_184] : memref<10000x128xi32, #tpu.memory_space<hbm>> -> memref<10000x128xi32, #tpu.memory_space<hbm>>
      tpu.wait_indirect_dma semaphore(%arg18 : memref<!tpu.dma_semaphore, #tpu.memory_space<semaphore_mem>>) src(%dma_wait3A_185 : memref<10000x128xi32, #tpu.memory_space<hbm>>) dst(%arg10 : memref<64x128xi32, #tpu.memory_space<vmem>>)
      %add3A_186 = arith.addi %mul3A_2, %add3A_178 : i32
      %mul3A_187 = arith.constant 64 : i32
      %mul3A_188 = arith.muli %add3A_186, %mul3A_187 : i32
      %dma_start3A_189 = arith.constant 0 : i32
      %dma_start3A_190 = tpu.memref_slice %arg4[%mul3A_188, %dma_start3A_189] : memref<81920x128xi32, #tpu.memory_space<hbm>> -> memref<64x128xi32, #tpu.memory_space<hbm>>
      %dma_start3A_191 = arith.constant 0 : i32
      %dma_start3A_192 = tpu.memref_slice %arg4[%mul3A_188, %dma_start3A_191] : memref<81920x128xi32, #tpu.memory_space<hbm>> -> memref<64x128xi32, #tpu.memory_space<hbm>>
      tpu.enqueue_dma source(%arg10 : memref<64x128xi32, #tpu.memory_space<vmem>>) target(%dma_start3A_192 : memref<64x128xi32, #tpu.memory_space<hbm>>) target_semaphore(%arg26 : memref<!tpu.dma_semaphore, #tpu.memory_space<semaphore_mem>>)
      %add3A_193 = arith.constant 4 : i32
      %add3A_194 = arith.addi %add3A_178, %add3A_193 : i32
      %lt3A_195 = arith.constant 40 : i32
      %lt3A_196 = arith.cmpi slt, %add3A_194, %lt3A_195 : i32
      %convert_element_type3A_197 = arith.extui %lt3A_196 : i1 to i32
      %cond3A_198 = arith.constant 0 : i32
      %cond3A_199 = arith.cmpi ne, %convert_element_type3A_197, %cond3A_198 : i32
      scf.if %cond3A_199 {
        %ge3A = arith.constant 8 : i32
        %ge3A_269 = arith.cmpi sge, %add3A_194, %ge3A : i32
        %convert_element_type3A_270 = arith.extui %ge3A_269 : i1 to i32
        %cond3A_271 = arith.constant 0 : i32
        %cond3A_272 = arith.cmpi ne, %convert_element_type3A_270, %cond3A_271 : i32
        scf.if %cond3A_272 {
          %mul3A_279 = arith.constant 64 : i32
          %mul3A_280 = arith.muli %mul3A_2, %mul3A_279 : i32
          %dma_wait3A_281 = arith.constant 0 : i32
          %dma_wait3A_282 = tpu.memref_slice %arg4[%mul3A_280, %dma_wait3A_281] : memref<81920x128xi32, #tpu.memory_space<hbm>> -> memref<64x128xi32, #tpu.memory_space<hbm>>
          %dma_wait3A_283 = arith.constant 0 : i32
          %dma_wait3A_284 = tpu.memref_slice %arg4[%mul3A_280, %dma_wait3A_283] : memref<81920x128xi32, #tpu.memory_space<hbm>> -> memref<64x128xi32, #tpu.memory_space<hbm>>
          tpu.wait_dma2 semaphore(%arg22 : memref<!tpu.dma_semaphore, #tpu.memory_space<semaphore_mem>>) src(%arg6 : memref<64x128xi32, #tpu.memory_space<vmem>>) dst(%dma_wait3A_284 : memref<64x128xi32, #tpu.memory_space<hbm>>)
        } else {
        }
        %dma_start3A_273 = arith.constant 0 : i32
        %dma_start3A_274 = tpu.memref_slice %arg5[%add3A_194, %dma_start3A_273] : memref<40x64xi32, #tpu.memory_space<vmem>> -> memref<1x64xi32, #tpu.memory_space<vmem>>
        %dma_start3A_275 = tpu.memref_squeeze %dma_start3A_274 : memref<1x64xi32, #tpu.memory_space<vmem>> -> memref<64xi32, #tpu.memory_space<vmem>>
        %dma_start3A_276 = arith.constant 0 : i32
        %dma_start3A_277 = arith.constant 0 : i32
        %dma_start3A_278 = tpu.memref_slice %arg2[%dma_start3A_276, %dma_start3A_277] : memref<10000x128xi32, #tpu.memory_space<hbm>> -> memref<10000x128xi32, #tpu.memory_space<hbm>>
        tpu.enqueue_indirect_dma source(%dma_start3A_278 : memref<10000x128xi32, #tpu.memory_space<hbm>>) target(%arg6 : memref<64x128xi32, #tpu.memory_space<vmem>>) offsets(%dma_start3A_275 : memref<64xi32, #tpu.memory_space<vmem>>) semaphore(%arg14 : memref<!tpu.dma_semaphore, #tpu.memory_space<semaphore_mem>>)
      } else {
      }
      %add3A_200 = arith.constant 5 : i32
      %add3A_201 = arith.addi %mul3A_87, %add3A_200 : i32
      %dma_wait3A_202 = arith.constant 0 : i32
      %dma_wait3A_203 = arith.constant 0 : i32
      %dma_wait3A_204 = tpu.memref_slice %arg5[%dma_wait3A_202, %dma_wait3A_203] : memref<40x64xi32, #tpu.memory_space<vmem>> -> memref<1x64xi32, #tpu.memory_space<vmem>>
      %dma_wait3A_205 = tpu.memref_squeeze %dma_wait3A_204 : memref<1x64xi32, #tpu.memory_space<vmem>> -> memref<64xi32, #tpu.memory_space<vmem>>
      %dma_wait3A_206 = arith.constant 0 : i32
      %dma_wait3A_207 = arith.constant 0 : i32
      %dma_wait3A_208 = tpu.memref_slice %arg2[%dma_wait3A_206, %dma_wait3A_207] : memref<10000x128xi32, #tpu.memory_space<hbm>> -> memref<10000x128xi32, #tpu.memory_space<hbm>>
      tpu.wait_indirect_dma semaphore(%arg19 : memref<!tpu.dma_semaphore, #tpu.memory_space<semaphore_mem>>) src(%dma_wait3A_208 : memref<10000x128xi32, #tpu.memory_space<hbm>>) dst(%arg11 : memref<64x128xi32, #tpu.memory_space<vmem>>)
      %add3A_209 = arith.addi %mul3A_2, %add3A_201 : i32
      %mul3A_210 = arith.constant 64 : i32
      %mul3A_211 = arith.muli %add3A_209, %mul3A_210 : i32
      %dma_start3A_212 = arith.constant 0 : i32
      %dma_start3A_213 = tpu.memref_slice %arg4[%mul3A_211, %dma_start3A_212] : memref<81920x128xi32, #tpu.memory_space<hbm>> -> memref<64x128xi32, #tpu.memory_space<hbm>>
      %dma_start3A_214 = arith.constant 0 : i32
      %dma_start3A_215 = tpu.memref_slice %arg4[%mul3A_211, %dma_start3A_214] : memref<81920x128xi32, #tpu.memory_space<hbm>> -> memref<64x128xi32, #tpu.memory_space<hbm>>
      tpu.enqueue_dma source(%arg11 : memref<64x128xi32, #tpu.memory_space<vmem>>) target(%dma_start3A_215 : memref<64x128xi32, #tpu.memory_space<hbm>>) target_semaphore(%arg27 : memref<!tpu.dma_semaphore, #tpu.memory_space<semaphore_mem>>)
      %add3A_216 = arith.constant 4 : i32
      %add3A_217 = arith.addi %add3A_201, %add3A_216 : i32
      %lt3A_218 = arith.constant 40 : i32
      %lt3A_219 = arith.cmpi slt, %add3A_217, %lt3A_218 : i32
      %convert_element_type3A_220 = arith.extui %lt3A_219 : i1 to i32
      %cond3A_221 = arith.constant 0 : i32
      %cond3A_222 = arith.cmpi ne, %convert_element_type3A_220, %cond3A_221 : i32
      scf.if %cond3A_222 {
        %ge3A = arith.constant 8 : i32
        %ge3A_269 = arith.cmpi sge, %add3A_217, %ge3A : i32
        %convert_element_type3A_270 = arith.extui %ge3A_269 : i1 to i32
        %cond3A_271 = arith.constant 0 : i32
        %cond3A_272 = arith.cmpi ne, %convert_element_type3A_270, %cond3A_271 : i32
        scf.if %cond3A_272 {
          %mul3A_279 = arith.constant 64 : i32
          %mul3A_280 = arith.muli %mul3A_2, %mul3A_279 : i32
          %dma_wait3A_281 = arith.constant 0 : i32
          %dma_wait3A_282 = tpu.memref_slice %arg4[%mul3A_280, %dma_wait3A_281] : memref<81920x128xi32, #tpu.memory_space<hbm>> -> memref<64x128xi32, #tpu.memory_space<hbm>>
          %dma_wait3A_283 = arith.constant 0 : i32
          %dma_wait3A_284 = tpu.memref_slice %arg4[%mul3A_280, %dma_wait3A_283] : memref<81920x128xi32, #tpu.memory_space<hbm>> -> memref<64x128xi32, #tpu.memory_space<hbm>>
          tpu.wait_dma2 semaphore(%arg23 : memref<!tpu.dma_semaphore, #tpu.memory_space<semaphore_mem>>) src(%arg7 : memref<64x128xi32, #tpu.memory_space<vmem>>) dst(%dma_wait3A_284 : memref<64x128xi32, #tpu.memory_space<hbm>>)
        } else {
        }
        %dma_start3A_273 = arith.constant 0 : i32
        %dma_start3A_274 = tpu.memref_slice %arg5[%add3A_217, %dma_start3A_273] : memref<40x64xi32, #tpu.memory_space<vmem>> -> memref<1x64xi32, #tpu.memory_space<vmem>>
        %dma_start3A_275 = tpu.memref_squeeze %dma_start3A_274 : memref<1x64xi32, #tpu.memory_space<vmem>> -> memref<64xi32, #tpu.memory_space<vmem>>
        %dma_start3A_276 = arith.constant 0 : i32
        %dma_start3A_277 = arith.constant 0 : i32
        %dma_start3A_278 = tpu.memref_slice %arg2[%dma_start3A_276, %dma_start3A_277] : memref<10000x128xi32, #tpu.memory_space<hbm>> -> memref<10000x128xi32, #tpu.memory_space<hbm>>
        tpu.enqueue_indirect_dma source(%dma_start3A_278 : memref<10000x128xi32, #tpu.memory_space<hbm>>) target(%arg7 : memref<64x128xi32, #tpu.memory_space<vmem>>) offsets(%dma_start3A_275 : memref<64xi32, #tpu.memory_space<vmem>>) semaphore(%arg15 : memref<!tpu.dma_semaphore, #tpu.memory_space<semaphore_mem>>)
      } else {
      }
      %add3A_223 = arith.constant 6 : i32
      %add3A_224 = arith.addi %mul3A_87, %add3A_223 : i32
      %dma_wait3A_225 = arith.constant 0 : i32
      %dma_wait3A_226 = arith.constant 0 : i32
      %dma_wait3A_227 = tpu.memref_slice %arg5[%dma_wait3A_225, %dma_wait3A_226] : memref<40x64xi32, #tpu.memory_space<vmem>> -> memref<1x64xi32, #tpu.memory_space<vmem>>
      %dma_wait3A_228 = tpu.memref_squeeze %dma_wait3A_227 : memref<1x64xi32, #tpu.memory_space<vmem>> -> memref<64xi32, #tpu.memory_space<vmem>>
      %dma_wait3A_229 = arith.constant 0 : i32
      %dma_wait3A_230 = arith.constant 0 : i32
      %dma_wait3A_231 = tpu.memref_slice %arg2[%dma_wait3A_229, %dma_wait3A_230] : memref<10000x128xi32, #tpu.memory_space<hbm>> -> memref<10000x128xi32, #tpu.memory_space<hbm>>
      tpu.wait_indirect_dma semaphore(%arg20 : memref<!tpu.dma_semaphore, #tpu.memory_space<semaphore_mem>>) src(%dma_wait3A_231 : memref<10000x128xi32, #tpu.memory_space<hbm>>) dst(%arg12 : memref<64x128xi32, #tpu.memory_space<vmem>>)
      %add3A_232 = arith.addi %mul3A_2, %add3A_224 : i32
      %mul3A_233 = arith.constant 64 : i32
      %mul3A_234 = arith.muli %add3A_232, %mul3A_233 : i32
      %dma_start3A_235 = arith.constant 0 : i32
      %dma_start3A_236 = tpu.memref_slice %arg4[%mul3A_234, %dma_start3A_235] : memref<81920x128xi32, #tpu.memory_space<hbm>> -> memref<64x128xi32, #tpu.memory_space<hbm>>
      %dma_start3A_237 = arith.constant 0 : i32
      %dma_start3A_238 = tpu.memref_slice %arg4[%mul3A_234, %dma_start3A_237] : memref<81920x128xi32, #tpu.memory_space<hbm>> -> memref<64x128xi32, #tpu.memory_space<hbm>>
      tpu.enqueue_dma source(%arg12 : memref<64x128xi32, #tpu.memory_space<vmem>>) target(%dma_start3A_238 : memref<64x128xi32, #tpu.memory_space<hbm>>) target_semaphore(%arg28 : memref<!tpu.dma_semaphore, #tpu.memory_space<semaphore_mem>>)
      %add3A_239 = arith.constant 4 : i32
      %add3A_240 = arith.addi %add3A_224, %add3A_239 : i32
      %lt3A_241 = arith.constant 40 : i32
      %lt3A_242 = arith.cmpi slt, %add3A_240, %lt3A_241 : i32
      %convert_element_type3A_243 = arith.extui %lt3A_242 : i1 to i32
      %cond3A_244 = arith.constant 0 : i32
      %cond3A_245 = arith.cmpi ne, %convert_element_type3A_243, %cond3A_244 : i32
      scf.if %cond3A_245 {
        %ge3A = arith.constant 8 : i32
        %ge3A_269 = arith.cmpi sge, %add3A_240, %ge3A : i32
        %convert_element_type3A_270 = arith.extui %ge3A_269 : i1 to i32
        %cond3A_271 = arith.constant 0 : i32
        %cond3A_272 = arith.cmpi ne, %convert_element_type3A_270, %cond3A_271 : i32
        scf.if %cond3A_272 {
          %mul3A_279 = arith.constant 64 : i32
          %mul3A_280 = arith.muli %mul3A_2, %mul3A_279 : i32
          %dma_wait3A_281 = arith.constant 0 : i32
          %dma_wait3A_282 = tpu.memref_slice %arg4[%mul3A_280, %dma_wait3A_281] : memref<81920x128xi32, #tpu.memory_space<hbm>> -> memref<64x128xi32, #tpu.memory_space<hbm>>
          %dma_wait3A_283 = arith.constant 0 : i32
          %dma_wait3A_284 = tpu.memref_slice %arg4[%mul3A_280, %dma_wait3A_283] : memref<81920x128xi32, #tpu.memory_space<hbm>> -> memref<64x128xi32, #tpu.memory_space<hbm>>
          tpu.wait_dma2 semaphore(%arg24 : memref<!tpu.dma_semaphore, #tpu.memory_space<semaphore_mem>>) src(%arg8 : memref<64x128xi32, #tpu.memory_space<vmem>>) dst(%dma_wait3A_284 : memref<64x128xi32, #tpu.memory_space<hbm>>)
        } else {
        }
        %dma_start3A_273 = arith.constant 0 : i32
        %dma_start3A_274 = tpu.memref_slice %arg5[%add3A_240, %dma_start3A_273] : memref<40x64xi32, #tpu.memory_space<vmem>> -> memref<1x64xi32, #tpu.memory_space<vmem>>
        %dma_start3A_275 = tpu.memref_squeeze %dma_start3A_274 : memref<1x64xi32, #tpu.memory_space<vmem>> -> memref<64xi32, #tpu.memory_space<vmem>>
        %dma_start3A_276 = arith.constant 0 : i32
        %dma_start3A_277 = arith.constant 0 : i32
        %dma_start3A_278 = tpu.memref_slice %arg2[%dma_start3A_276, %dma_start3A_277] : memref<10000x128xi32, #tpu.memory_space<hbm>> -> memref<10000x128xi32, #tpu.memory_space<hbm>>
        tpu.enqueue_indirect_dma source(%dma_start3A_278 : memref<10000x128xi32, #tpu.memory_space<hbm>>) target(%arg8 : memref<64x128xi32, #tpu.memory_space<vmem>>) offsets(%dma_start3A_275 : memref<64xi32, #tpu.memory_space<vmem>>) semaphore(%arg16 : memref<!tpu.dma_semaphore, #tpu.memory_space<semaphore_mem>>)
      } else {
      }
      %add3A_246 = arith.constant 7 : i32
      %add3A_247 = arith.addi %mul3A_87, %add3A_246 : i32
      %dma_wait3A_248 = arith.constant 0 : i32
      %dma_wait3A_249 = arith.constant 0 : i32
      %dma_wait3A_250 = tpu.memref_slice %arg5[%dma_wait3A_248, %dma_wait3A_249] : memref<40x64xi32, #tpu.memory_space<vmem>> -> memref<1x64xi32, #tpu.memory_space<vmem>>
      %dma_wait3A_251 = tpu.memref_squeeze %dma_wait3A_250 : memref<1x64xi32, #tpu.memory_space<vmem>> -> memref<64xi32, #tpu.memory_space<vmem>>
      %dma_wait3A_252 = arith.constant 0 : i32
      %dma_wait3A_253 = arith.constant 0 : i32
      %dma_wait3A_254 = tpu.memref_slice %arg2[%dma_wait3A_252, %dma_wait3A_253] : memref<10000x128xi32, #tpu.memory_space<hbm>> -> memref<10000x128xi32, #tpu.memory_space<hbm>>
      tpu.wait_indirect_dma semaphore(%arg21 : memref<!tpu.dma_semaphore, #tpu.memory_space<semaphore_mem>>) src(%dma_wait3A_254 : memref<10000x128xi32, #tpu.memory_space<hbm>>) dst(%arg13 : memref<64x128xi32, #tpu.memory_space<vmem>>)
      %add3A_255 = arith.addi %mul3A_2, %add3A_247 : i32
      %mul3A_256 = arith.constant 64 : i32
      %mul3A_257 = arith.muli %add3A_255, %mul3A_256 : i32
      %dma_start3A_258 = arith.constant 0 : i32
      %dma_start3A_259 = tpu.memref_slice %arg4[%mul3A_257, %dma_start3A_258] : memref<81920x128xi32, #tpu.memory_space<hbm>> -> memref<64x128xi32, #tpu.memory_space<hbm>>
      %dma_start3A_260 = arith.constant 0 : i32
      %dma_start3A_261 = tpu.memref_slice %arg4[%mul3A_257, %dma_start3A_260] : memref<81920x128xi32, #tpu.memory_space<hbm>> -> memref<64x128xi32, #tpu.memory_space<hbm>>
      tpu.enqueue_dma source(%arg13 : memref<64x128xi32, #tpu.memory_space<vmem>>) target(%dma_start3A_261 : memref<64x128xi32, #tpu.memory_space<hbm>>) target_semaphore(%arg29 : memref<!tpu.dma_semaphore, #tpu.memory_space<semaphore_mem>>)
      %add3A_262 = arith.constant 4 : i32
      %add3A_263 = arith.addi %add3A_247, %add3A_262 : i32
      %lt3A_264 = arith.constant 40 : i32
      %lt3A_265 = arith.cmpi slt, %add3A_263, %lt3A_264 : i32
      %convert_element_type3A_266 = arith.extui %lt3A_265 : i1 to i32
      %cond3A_267 = arith.constant 0 : i32
      %cond3A_268 = arith.cmpi ne, %convert_element_type3A_266, %cond3A_267 : i32
      scf.if %cond3A_268 {
        %ge3A = arith.constant 8 : i32
        %ge3A_269 = arith.cmpi sge, %add3A_263, %ge3A : i32
        %convert_element_type3A_270 = arith.extui %ge3A_269 : i1 to i32
        %cond3A_271 = arith.constant 0 : i32
        %cond3A_272 = arith.cmpi ne, %convert_element_type3A_270, %cond3A_271 : i32
        scf.if %cond3A_272 {
          %mul3A_279 = arith.constant 64 : i32
          %mul3A_280 = arith.muli %mul3A_2, %mul3A_279 : i32
          %dma_wait3A_281 = arith.constant 0 : i32
          %dma_wait3A_282 = tpu.memref_slice %arg4[%mul3A_280, %dma_wait3A_281] : memref<81920x128xi32, #tpu.memory_space<hbm>> -> memref<64x128xi32, #tpu.memory_space<hbm>>
          %dma_wait3A_283 = arith.constant 0 : i32
          %dma_wait3A_284 = tpu.memref_slice %arg4[%mul3A_280, %dma_wait3A_283] : memref<81920x128xi32, #tpu.memory_space<hbm>> -> memref<64x128xi32, #tpu.memory_space<hbm>>
          tpu.wait_dma2 semaphore(%arg25 : memref<!tpu.dma_semaphore, #tpu.memory_space<semaphore_mem>>) src(%arg9 : memref<64x128xi32, #tpu.memory_space<vmem>>) dst(%dma_wait3A_284 : memref<64x128xi32, #tpu.memory_space<hbm>>)
        } else {
        }
        %dma_start3A_273 = arith.constant 0 : i32
        %dma_start3A_274 = tpu.memref_slice %arg5[%add3A_263, %dma_start3A_273] : memref<40x64xi32, #tpu.memory_space<vmem>> -> memref<1x64xi32, #tpu.memory_space<vmem>>
        %dma_start3A_275 = tpu.memref_squeeze %dma_start3A_274 : memref<1x64xi32, #tpu.memory_space<vmem>> -> memref<64xi32, #tpu.memory_space<vmem>>
        %dma_start3A_276 = arith.constant 0 : i32
        %dma_start3A_277 = arith.constant 0 : i32
        %dma_start3A_278 = tpu.memref_slice %arg2[%dma_start3A_276, %dma_start3A_277] : memref<10000x128xi32, #tpu.memory_space<hbm>> -> memref<10000x128xi32, #tpu.memory_space<hbm>>
        tpu.enqueue_indirect_dma source(%dma_start3A_278 : memref<10000x128xi32, #tpu.memory_space<hbm>>) target(%arg9 : memref<64x128xi32, #tpu.memory_space<vmem>>) offsets(%dma_start3A_275 : memref<64xi32, #tpu.memory_space<vmem>>) semaphore(%arg17 : memref<!tpu.dma_semaphore, #tpu.memory_space<semaphore_mem>>)
      } else {
      }
    }
    %scan3A_33 = arith.constant 5 : i32
    %mul3A_34 = arith.constant 64 : i32
    %mul3A_35 = arith.muli %mul3A_2, %mul3A_34 : i32
    %dma_wait3A = arith.constant 0 : i32
    %dma_wait3A_36 = tpu.memref_slice %arg4[%mul3A_35, %dma_wait3A] : memref<81920x128xi32, #tpu.memory_space<hbm>> -> memref<64x128xi32, #tpu.memory_space<hbm>>
    %dma_wait3A_37 = arith.constant 0 : i32
    %dma_wait3A_38 = tpu.memref_slice %arg4[%mul3A_35, %dma_wait3A_37] : memref<81920x128xi32, #tpu.memory_space<hbm>> -> memref<64x128xi32, #tpu.memory_space<hbm>>
    tpu.wait_dma2 semaphore(%arg22 : memref<!tpu.dma_semaphore, #tpu.memory_space<semaphore_mem>>) src(%arg6 : memref<64x128xi32, #tpu.memory_space<vmem>>) dst(%dma_wait3A_38 : memref<64x128xi32, #tpu.memory_space<hbm>>)
    %mul3A_39 = arith.constant 64 : i32
    %mul3A_40 = arith.muli %mul3A_2, %mul3A_39 : i32
    %dma_wait3A_41 = arith.constant 0 : i32
    %dma_wait3A_42 = tpu.memref_slice %arg4[%mul3A_40, %dma_wait3A_41] : memref<81920x128xi32, #tpu.memory_space<hbm>> -> memref<64x128xi32, #tpu.memory_space<hbm>>
    %dma_wait3A_43 = arith.constant 0 : i32
    %dma_wait3A_44 = tpu.memref_slice %arg4[%mul3A_40, %dma_wait3A_43] : memref<81920x128xi32, #tpu.memory_space<hbm>> -> memref<64x128xi32, #tpu.memory_space<hbm>>
    tpu.wait_dma2 semaphore(%arg23 : memref<!tpu.dma_semaphore, #tpu.memory_space<semaphore_mem>>) src(%arg7 : memref<64x128xi32, #tpu.memory_space<vmem>>) dst(%dma_wait3A_44 : memref<64x128xi32, #tpu.memory_space<hbm>>)
    %mul3A_45 = arith.constant 64 : i32
    %mul3A_46 = arith.muli %mul3A_2, %mul3A_45 : i32
    %dma_wait3A_47 = arith.constant 0 : i32
    %dma_wait3A_48 = tpu.memref_slice %arg4[%mul3A_46, %dma_wait3A_47] : memref<81920x128xi32, #tpu.memory_space<hbm>> -> memref<64x128xi32, #tpu.memory_space<hbm>>
    %dma_wait3A_49 = arith.constant 0 : i32
    %dma_wait3A_50 = tpu.memref_slice %arg4[%mul3A_46, %dma_wait3A_49] : memref<81920x128xi32, #tpu.memory_space<hbm>> -> memref<64x128xi32, #tpu.memory_space<hbm>>
    tpu.wait_dma2 semaphore(%arg24 : memref<!tpu.dma_semaphore, #tpu.memory_space<semaphore_mem>>) src(%arg8 : memref<64x128xi32, #tpu.memory_space<vmem>>) dst(%dma_wait3A_50 : memref<64x128xi32, #tpu.memory_space<hbm>>)
    %mul3A_51 = arith.constant 64 : i32
    %mul3A_52 = arith.muli %mul3A_2, %mul3A_51 : i32
    %dma_wait3A_53 = arith.constant 0 : i32
    %dma_wait3A_54 = tpu.memref_slice %arg4[%mul3A_52, %dma_wait3A_53] : memref<81920x128xi32, #tpu.memory_space<hbm>> -> memref<64x128xi32, #tpu.memory_space<hbm>>
    %dma_wait3A_55 = arith.constant 0 : i32
    %dma_wait3A_56 = tpu.memref_slice %arg4[%mul3A_52, %dma_wait3A_55] : memref<81920x128xi32, #tpu.memory_space<hbm>> -> memref<64x128xi32, #tpu.memory_space<hbm>>
    tpu.wait_dma2 semaphore(%arg25 : memref<!tpu.dma_semaphore, #tpu.memory_space<semaphore_mem>>) src(%arg9 : memref<64x128xi32, #tpu.memory_space<vmem>>) dst(%dma_wait3A_56 : memref<64x128xi32, #tpu.memory_space<hbm>>)
    %mul3A_57 = arith.constant 64 : i32
    %mul3A_58 = arith.muli %mul3A_2, %mul3A_57 : i32
    %dma_wait3A_59 = arith.constant 0 : i32
    %dma_wait3A_60 = tpu.memref_slice %arg4[%mul3A_58, %dma_wait3A_59] : memref<81920x128xi32, #tpu.memory_space<hbm>> -> memref<64x128xi32, #tpu.memory_space<hbm>>
    %dma_wait3A_61 = arith.constant 0 : i32
    %dma_wait3A_62 = tpu.memref_slice %arg4[%mul3A_58, %dma_wait3A_61] : memref<81920x128xi32, #tpu.memory_space<hbm>> -> memref<64x128xi32, #tpu.memory_space<hbm>>
    tpu.wait_dma2 semaphore(%arg26 : memref<!tpu.dma_semaphore, #tpu.memory_space<semaphore_mem>>) src(%arg10 : memref<64x128xi32, #tpu.memory_space<vmem>>) dst(%dma_wait3A_62 : memref<64x128xi32, #tpu.memory_space<hbm>>)
    %mul3A_63 = arith.constant 64 : i32
    %mul3A_64 = arith.muli %mul3A_2, %mul3A_63 : i32
    %dma_wait3A_65 = arith.constant 0 : i32
    %dma_wait3A_66 = tpu.memref_slice %arg4[%mul3A_64, %dma_wait3A_65] : memref<81920x128xi32, #tpu.memory_space<hbm>> -> memref<64x128xi32, #tpu.memory_space<hbm>>
    %dma_wait3A_67 = arith.constant 0 : i32
    %dma_wait3A_68 = tpu.memref_slice %arg4[%mul3A_64, %dma_wait3A_67] : memref<81920x128xi32, #tpu.memory_space<hbm>> -> memref<64x128xi32, #tpu.memory_space<hbm>>
    tpu.wait_dma2 semaphore(%arg27 : memref<!tpu.dma_semaphore, #tpu.memory_space<semaphore_mem>>) src(%arg11 : memref<64x128xi32, #tpu.memory_space<vmem>>) dst(%dma_wait3A_68 : memref<64x128xi32, #tpu.memory_space<hbm>>)
    %mul3A_69 = arith.constant 64 : i32
    %mul3A_70 = arith.muli %mul3A_2, %mul3A_69 : i32
    %dma_wait3A_71 = arith.constant 0 : i32
    %dma_wait3A_72 = tpu.memref_slice %arg4[%mul3A_70, %dma_wait3A_71] : memref<81920x128xi32, #tpu.memory_space<hbm>> -> memref<64x128xi32, #tpu.memory_space<hbm>>
    %dma_wait3A_73 = arith.constant 0 : i32
    %dma_wait3A_74 = tpu.memref_slice %arg4[%mul3A_70, %dma_wait3A_73] : memref<81920x128xi32, #tpu.memory_space<hbm>> -> memref<64x128xi32, #tpu.memory_space<hbm>>
    tpu.wait_dma2 semaphore(%arg28 : memref<!tpu.dma_semaphore, #tpu.memory_space<semaphore_mem>>) src(%arg12 : memref<64x128xi32, #tpu.memory_space<vmem>>) dst(%dma_wait3A_74 : memref<64x128xi32, #tpu.memory_space<hbm>>)
    %mul3A_75 = arith.constant 64 : i32
    %mul3A_76 = arith.muli %mul3A_2, %mul3A_75 : i32
    %dma_wait3A_77 = arith.constant 0 : i32
    %dma_wait3A_78 = tpu.memref_slice %arg4[%mul3A_76, %dma_wait3A_77] : memref<81920x128xi32, #tpu.memory_space<hbm>> -> memref<64x128xi32, #tpu.memory_space<hbm>>
    %dma_wait3A_79 = arith.constant 0 : i32
    %dma_wait3A_80 = tpu.memref_slice %arg4[%mul3A_76, %dma_wait3A_79] : memref<81920x128xi32, #tpu.memory_space<hbm>> -> memref<64x128xi32, #tpu.memory_space<hbm>>
    tpu.wait_dma2 semaphore(%arg29 : memref<!tpu.dma_semaphore, #tpu.memory_space<semaphore_mem>>) src(%arg13 : memref<64x128xi32, #tpu.memory_space<vmem>>) dst(%dma_wait3A_80 : memref<64x128xi32, #tpu.memory_space<hbm>>)
    return
  }
}

module attributes {stable_mosaic.version = 14 : i64} {
  func.func @_proj_body(%arg0: i32, %arg1: memref<1024x128xf32, #tpu.memory_space<vmem>>, %arg2: memref<1000x128xf32, #tpu.memory_space<vmem>>, %arg3: memref<1000x128xf32, #tpu.memory_space<vmem>>, %arg4: memref<128x128xf32, #tpu.memory_space<vmem>>, %arg5: memref<128x128xf32, #tpu.memory_space<vmem>>, %arg6: memref<128x128xf32, #tpu.memory_space<vmem>>, %arg7: memref<3x128xf32, #tpu.memory_space<vmem>>, %arg8: memref<1024x128xf32, #tpu.memory_space<vmem>>, %arg9: memref<1000x128xi32, #tpu.memory_space<vmem>>) attributes {dimension_semantics = [#tpu.dimension_semantics<arbitrary>], iteration_bounds = array<i64: 10>, scalar_prefetch = 0 : i64, scratch_operands = 0 : i64, tpu.core_type = #tpu.core_type<tc>, window_params = [{transform_indices = @transform_0, window_bounds = array<i64: 1024, 128>}, {transform_indices = @transform_1, window_bounds = array<i64: 1000, 128>}, {transform_indices = @transform_2, window_bounds = array<i64: 1000, 128>}, {pipeline_mode = #tpu.pipeline_mode<synchronous>, transform_indices = @transform_3, window_bounds = array<i64: 128, 128>}, {pipeline_mode = #tpu.pipeline_mode<synchronous>, transform_indices = @transform_4, window_bounds = array<i64: 128, 128>}, {pipeline_mode = #tpu.pipeline_mode<synchronous>, transform_indices = @transform_5, window_bounds = array<i64: 128, 128>}, {pipeline_mode = #tpu.pipeline_mode<synchronous>, transform_indices = @transform_6, window_bounds = array<i64: 3, 128>}, {transform_indices = @transform_7, window_bounds = array<i64: 1024, 128>}, {transform_indices = @transform_8, window_bounds = array<i64: 1000, 128>}]} {
    %get3A = arith.constant 0 : index
    %get3A_0 = arith.constant 0 : index
    %get3A_1 = vector.load %arg7[%get3A, %get3A_0] : memref<3x128xf32, #tpu.memory_space<vmem>>, vector<1x128xf32>
    %get3A_2 = arith.constant 1 : index
    %get3A_3 = arith.constant 0 : index
    %get3A_4 = vector.load %arg7[%get3A_2, %get3A_3] : memref<3x128xf32, #tpu.memory_space<vmem>>, vector<1x128xf32>
    %get3A_5 = arith.constant 2 : index
    %get3A_6 = arith.constant 0 : index
    %get3A_7 = vector.load %arg7[%get3A_5, %get3A_6] : memref<3x128xf32, #tpu.memory_space<vmem>>, vector<1x128xf32>
    %get3A_8 = arith.constant 0 : index
    %get3A_9 = arith.constant 0 : index
    %get3A_10 = vector.load %arg1[%get3A_8, %get3A_9] : memref<1024x128xf32, #tpu.memory_space<vmem>>, vector<1024x128xf32>
    %get3A_11 = arith.constant 0 : index
    %get3A_12 = arith.constant 0 : index
    %get3A_13 = vector.load %arg4[%get3A_11, %get3A_12] : memref<128x128xf32, #tpu.memory_space<vmem>>, vector<128x128xf32>
    %dot_general3A = arith.constant dense<0.000000e+00> : vector<1024x128xf32>
    %dot_general3A_14 = tpu.matmul %get3A_10, %get3A_13, %dot_general3A {dimension_numbers = #tpu.dot_dimension_numbers<[1], [0], [0], [1], [0, 0, 1, 1], [], []>, transpose_lhs_hint = false} : vector<1024x128xf32>, vector<128x128xf32>, vector<1024x128xf32> -> vector<1024x128xf32>
    %add3A = vector.broadcast %get3A_1 : vector<1x128xf32> to vector<1024x128xf32>
    %add3A_15 = arith.addf %dot_general3A_14, %add3A : vector<1024x128xf32>
    %swap3A = arith.constant 0 : index
    %swap3A_16 = arith.constant 0 : index
    %swap3A_17 = vector.load %arg8[%swap3A, %swap3A_16] : memref<1024x128xf32, #tpu.memory_space<vmem>>, vector<1024x128xf32>
    tpu.vector_store %arg8[%swap3A, %swap3A_16], %add3A_15 {strides = array<i32>} : memref<1024x128xf32, #tpu.memory_space<vmem>>, vector<1024x128xf32>,
    %get3A_18 = arith.constant 0 : index
    %get3A_19 = arith.constant 0 : index
    %get3A_20 = vector.load %arg2[%get3A_18, %get3A_19] : memref<1000x128xf32, #tpu.memory_space<vmem>>, vector<1000x128xf32>
    %get3A_21 = arith.constant 0 : index
    %get3A_22 = arith.constant 0 : index
    %get3A_23 = vector.load %arg5[%get3A_21, %get3A_22] : memref<128x128xf32, #tpu.memory_space<vmem>>, vector<128x128xf32>
    %dot_general3A_24 = arith.constant dense<0.000000e+00> : vector<1000x128xf32>
    %dot_general3A_25 = tpu.matmul %get3A_20, %get3A_23, %dot_general3A_24 {dimension_numbers = #tpu.dot_dimension_numbers<[1], [0], [0], [1], [0, 0, 1, 1], [], []>, transpose_lhs_hint = false} : vector<1000x128xf32>, vector<128x128xf32>, vector<1000x128xf32> -> vector<1000x128xf32>
    %add3A_26 = vector.broadcast %get3A_4 : vector<1x128xf32> to vector<1000x128xf32>
    %add3A_27 = arith.addf %dot_general3A_25, %add3A_26 : vector<1000x128xf32>
    %get3A_28 = arith.constant 0 : index
    %get3A_29 = arith.constant 0 : index
    %get3A_30 = vector.load %arg3[%get3A_28, %get3A_29] : memref<1000x128xf32, #tpu.memory_space<vmem>>, vector<1000x128xf32>
    %get3A_31 = arith.constant 0 : index
    %get3A_32 = arith.constant 0 : index
    %get3A_33 = vector.load %arg6[%get3A_31, %get3A_32] : memref<128x128xf32, #tpu.memory_space<vmem>>, vector<128x128xf32>
    %dot_general3A_34 = arith.constant dense<0.000000e+00> : vector<1000x128xf32>
    %dot_general3A_35 = tpu.matmul %get3A_30, %get3A_33, %dot_general3A_34 {dimension_numbers = #tpu.dot_dimension_numbers<[1], [0], [0], [1], [0, 0, 1, 1], [], []>, transpose_lhs_hint = false} : vector<1000x128xf32>, vector<128x128xf32>, vector<1000x128xf32> -> vector<1000x128xf32>
    %add3A_36 = vector.broadcast %get3A_7 : vector<1x128xf32> to vector<1000x128xf32>
    %add3A_37 = arith.addf %dot_general3A_35, %add3A_36 : vector<1000x128xf32>
    %slice3A = vector.extract_strided_slice %add3A_27 {offsets = [0, 0], sizes = [1000, 64], strides = [1, 1]} : vector<1000x128xf32> to vector<1000x64xf32>
    %bitcast_convert_type3A = tpu.bitcast %slice3A : vector<1000x64xf32> -> vector<1000x64xi32>
    %add3A_38 = arith.constant 32768 : i32
    %add3A_39 = vector.broadcast %add3A_38 : i32 to vector<1000x64xi32>
    %add3A_40 = arith.addi %bitcast_convert_type3A, %add3A_39 : vector<1000x64xi32>
    %slice3A_41 = vector.extract_strided_slice %add3A_27 {offsets = [0, 64], sizes = [1000, 64], strides = [1, 1]} : vector<1000x128xf32> to vector<1000x64xf32>
    %bitcast_convert_type3A_42 = tpu.bitcast %slice3A_41 : vector<1000x64xf32> -> vector<1000x64xi32>
    %add3A_43 = arith.constant 32768 : i32
    %add3A_44 = vector.broadcast %add3A_43 : i32 to vector<1000x64xi32>
    %add3A_45 = arith.addi %bitcast_convert_type3A_42, %add3A_44 : vector<1000x64xi32>
    %and3A = arith.constant -65536 : i32
    %and3A_46 = vector.broadcast %and3A : i32 to vector<1000x64xi32>
    %and3A_47 = arith.andi %add3A_45, %and3A_46 : vector<1000x64xi32>
    %shift_right_logical3A = arith.constant 16 : i32
    %shift_right_logical3A_48 = vector.broadcast %shift_right_logical3A : i32 to vector<1000x64xi32>
    %shift_right_logical3A_49 = arith.shrui %add3A_40, %shift_right_logical3A_48 : vector<1000x64xi32>
    %or3A = arith.ori %and3A_47, %shift_right_logical3A_49 : vector<1000x64xi32>
    %swap3A_50 = arith.constant 0 : index
    %swap3A_51 = arith.constant 0 : index
    %swap3A_52 = vector.load %arg9[%swap3A_50, %swap3A_51] : memref<1000x128xi32, #tpu.memory_space<vmem>>, vector<1000x64xi32>
    tpu.vector_store %arg9[%swap3A_50, %swap3A_51], %or3A {strides = array<i32>} : memref<1000x128xi32, #tpu.memory_space<vmem>>, vector<1000x64xi32>,
    %slice3A_53 = vector.extract_strided_slice %add3A_37 {offsets = [0, 0], sizes = [1000, 64], strides = [1, 1]} : vector<1000x128xf32> to vector<1000x64xf32>
    %bitcast_convert_type3A_54 = tpu.bitcast %slice3A_53 : vector<1000x64xf32> -> vector<1000x64xi32>
    %add3A_55 = arith.constant 32768 : i32
    %add3A_56 = vector.broadcast %add3A_55 : i32 to vector<1000x64xi32>
    %add3A_57 = arith.addi %bitcast_convert_type3A_54, %add3A_56 : vector<1000x64xi32>
    %slice3A_58 = vector.extract_strided_slice %add3A_37 {offsets = [0, 64], sizes = [1000, 64], strides = [1, 1]} : vector<1000x128xf32> to vector<1000x64xf32>
    %bitcast_convert_type3A_59 = tpu.bitcast %slice3A_58 : vector<1000x64xf32> -> vector<1000x64xi32>
    %add3A_60 = arith.constant 32768 : i32
    %add3A_61 = vector.broadcast %add3A_60 : i32 to vector<1000x64xi32>
    %add3A_62 = arith.addi %bitcast_convert_type3A_59, %add3A_61 : vector<1000x64xi32>
    %and3A_63 = arith.constant -65536 : i32
    %and3A_64 = vector.broadcast %and3A_63 : i32 to vector<1000x64xi32>
    %and3A_65 = arith.andi %add3A_62, %and3A_64 : vector<1000x64xi32>
    %shift_right_logical3A_66 = arith.constant 16 : i32
    %shift_right_logical3A_67 = vector.broadcast %shift_right_logical3A_66 : i32 to vector<1000x64xi32>
    %shift_right_logical3A_68 = arith.shrui %add3A_57, %shift_right_logical3A_67 : vector<1000x64xi32>
    %or3A_69 = arith.ori %and3A_65, %shift_right_logical3A_68 : vector<1000x64xi32>
    %swap3A_70 = arith.constant 0 : index
    %swap3A_71 = arith.constant 64 : index
    %swap3A_72 = vector.load %arg9[%swap3A_70, %swap3A_71] : memref<1000x128xi32, #tpu.memory_space<vmem>>, vector<1000x64xi32>
    tpu.vector_store %arg9[%swap3A_70, %swap3A_71], %or3A_69 {strides = array<i32>} : memref<1000x128xi32, #tpu.memory_space<vmem>>, vector<1000x64xi32>,
    return
  }
  func.func @transform_0(%arg0: i32) -> (i32, i32) {
    %c0_i32 = arith.constant 0 : i32
    %c0_i32_0 = arith.constant 0 : i32
    return %arg0, %c0_i32 : i32, i32
  }
  func.func @transform_1(%arg0: i32) -> (i32, i32) {
    %c0_i32 = arith.constant 0 : i32
    %c0_i32_0 = arith.constant 0 : i32
    return %arg0, %c0_i32 : i32, i32
  }
  func.func @transform_2(%arg0: i32) -> (i32, i32) {
    %c0_i32 = arith.constant 0 : i32
    %c0_i32_0 = arith.constant 0 : i32
    return %arg0, %c0_i32 : i32, i32
  }
  func.func @transform_3(%arg0: i32) -> (i32, i32) {
    %c0_i32 = arith.constant 0 : i32
    %c0_i32_0 = arith.constant 0 : i32
    %c0_i32_1 = arith.constant 0 : i32
    return %c0_i32, %c0_i32_0 : i32, i32
  }
  func.func @transform_4(%arg0: i32) -> (i32, i32) {
    %c0_i32 = arith.constant 0 : i32
    %c0_i32_0 = arith.constant 0 : i32
    %c0_i32_1 = arith.constant 0 : i32
    return %c0_i32, %c0_i32_0 : i32, i32
  }
  func.func @transform_5(%arg0: i32) -> (i32, i32) {
    %c0_i32 = arith.constant 0 : i32
    %c0_i32_0 = arith.constant 0 : i32
    %c0_i32_1 = arith.constant 0 : i32
    return %c0_i32, %c0_i32_0 : i32, i32
  }
  func.func @transform_6(%arg0: i32) -> (i32, i32) {
    %c0_i32 = arith.constant 0 : i32
    %c0_i32_0 = arith.constant 0 : i32
    %c0_i32_1 = arith.constant 0 : i32
    return %c0_i32, %c0_i32_0 : i32, i32
  }
  func.func @transform_7(%arg0: i32) -> (i32, i32) {
    %c0_i32 = arith.constant 0 : i32
    %c0_i32_0 = arith.constant 0 : i32
    return %arg0, %c0_i32 : i32, i32
  }
  func.func @transform_8(%arg0: i32) -> (i32, i32) {
    %c0_i32 = arith.constant 0 : i32
    %c0_i32_0 = arith.constant 0 : i32
    return %arg0, %c0_i32 : i32, i32
  }
}

module attributes {stable_mosaic.version = 14 : i64} {
  func.func @_attn_body(%arg0: i32, %arg1: memref<256x128xf32, #tpu.memory_space<vmem>>, %arg2: memref<8192x128xi32, #tpu.memory_space<vmem>>, %arg3: memref<2x128xf32, #tpu.memory_space<vmem>>, %arg4: memref<256x128xf32, #tpu.memory_space<vmem>>) attributes {dimension_semantics = [#tpu.dimension_semantics<arbitrary>], iteration_bounds = array<i64: 10>, scalar_prefetch = 0 : i64, scratch_operands = 0 : i64, tpu.core_type = #tpu.core_type<tc>, window_params = [{transform_indices = @transform_0, window_bounds = array<i64: 256, 128>}, {transform_indices = @transform_1, window_bounds = array<i64: 8192, 128>}, {pipeline_mode = #tpu.pipeline_mode<synchronous>, transform_indices = @transform_2, window_bounds = array<i64: 2, 128>}, {transform_indices = @transform_3, window_bounds = array<i64: 256, 128>}]} {
    %get3A = arith.constant 0 : index
    %get3A_0 = arith.constant 0 : index
    %get3A_1 = vector.load %arg1[%get3A, %get3A_0] : memref<256x128xf32, #tpu.memory_space<vmem>>, vector<256x128xf32>
    %get3A_2 = arith.constant 0 : index
    %get3A_3 = arith.constant 0 : index
    %get3A_4 = vector.load %arg2[%get3A_2, %get3A_3] : memref<8192x128xi32, #tpu.memory_space<vmem>>, vector<8192x64xi32>
    %get3A_5 = arith.constant 0 : index
    %get3A_6 = arith.constant 64 : index
    %get3A_7 = vector.load %arg2[%get3A_5, %get3A_6] : memref<8192x128xi32, #tpu.memory_space<vmem>>, vector<8192x64xi32>
    %shift_left3A = arith.constant 16 : i32
    %shift_left3A_8 = vector.broadcast %shift_left3A : i32 to vector<8192x64xi32>
    %shift_left3A_9 = arith.shli %get3A_4, %shift_left3A_8 : vector<8192x64xi32>
    %bitcast_convert_type3A = tpu.bitcast %shift_left3A_9 : vector<8192x64xi32> -> vector<8192x64xf32>
    %and3A = arith.constant -65536 : i32
    %and3A_10 = vector.broadcast %and3A : i32 to vector<8192x64xi32>
    %and3A_11 = arith.andi %get3A_4, %and3A_10 : vector<8192x64xi32>
    %bitcast_convert_type3A_12 = tpu.bitcast %and3A_11 : vector<8192x64xi32> -> vector<8192x64xf32>
    %concatenate3A = tpu.concatenate %bitcast_convert_type3A, %bitcast_convert_type3A_12 in 1 : vector<8192x64xf32>, vector<8192x64xf32> -> vector<8192x128xf32>
    %shift_left3A_13 = arith.constant 16 : i32
    %shift_left3A_14 = vector.broadcast %shift_left3A_13 : i32 to vector<8192x64xi32>
    %shift_left3A_15 = arith.shli %get3A_7, %shift_left3A_14 : vector<8192x64xi32>
    %bitcast_convert_type3A_16 = tpu.bitcast %shift_left3A_15 : vector<8192x64xi32> -> vector<8192x64xf32>
    %and3A_17 = arith.constant -65536 : i32
    %and3A_18 = vector.broadcast %and3A_17 : i32 to vector<8192x64xi32>
    %and3A_19 = arith.andi %get3A_7, %and3A_18 : vector<8192x64xi32>
    %bitcast_convert_type3A_20 = tpu.bitcast %and3A_19 : vector<8192x64xi32> -> vector<8192x64xf32>
    %concatenate3A_21 = tpu.concatenate %bitcast_convert_type3A_16, %bitcast_convert_type3A_20 in 1 : vector<8192x64xf32>, vector<8192x64xf32> -> vector<8192x128xf32>
    %reshape3A = vector.shape_cast %concatenate3A : vector<8192x128xf32> to vector<256x32x128xf32>
    %broadcast_in_dim3A = vector.shape_cast %get3A_1 : vector<256x128xf32> to vector<256x1x128xf32>
    %mul3A = vector.broadcast %broadcast_in_dim3A : vector<256x1x128xf32> to vector<256x32x128xf32>
    %mul3A_22 = arith.mulf %reshape3A, %mul3A : vector<256x32x128xf32>
    %broadcast_in_dim3A_23 = arith.constant 0.0883883461 : f32
    %broadcast_in_dim3A_24 = vector.broadcast %broadcast_in_dim3A_23 : f32 to vector<128x128xf32>
    %reshape3A_25 = vector.shape_cast %mul3A_22 : vector<256x32x128xf32> to vector<8192x128xf32>
    %dot_general3A = arith.constant dense<0.000000e+00> : vector<8192x128xf32>
    %dot_general3A_26 = tpu.matmul %reshape3A_25, %broadcast_in_dim3A_24, %dot_general3A {dimension_numbers = #tpu.dot_dimension_numbers<[1], [0], [0], [1], [0, 0, 1, 1], [], []>, transpose_lhs_hint = false} : vector<8192x128xf32>, vector<128x128xf32>, vector<8192x128xf32> -> vector<8192x128xf32>
    %reshape3A_27 = vector.shape_cast %dot_general3A_26 : vector<8192x128xf32> to vector<256x32x128xf32>
    %exp3A = math.exp %reshape3A_27 : vector<256x32x128xf32>
    %reduce_sum3A = arith.constant dense<0.000000e+00> : vector<256x128xf32>
    %reduce_sum3A_28 = vector.multi_reduction <add>, %exp3A, %reduce_sum3A [1] : vector<256x32x128xf32> to vector<256x128xf32>
    %reshape3A_29 = vector.shape_cast %concatenate3A_21 : vector<8192x128xf32> to vector<256x32x128xf32>
    %mul3A_30 = arith.mulf %exp3A, %reshape3A_29 : vector<256x32x128xf32>
    %reduce_sum3A_31 = arith.constant dense<0.000000e+00> : vector<256x128xf32>
    %reduce_sum3A_32 = vector.multi_reduction <add>, %mul3A_30, %reduce_sum3A_31 [1] : vector<256x32x128xf32> to vector<256x128xf32>
    %div3A = arith.divf %reduce_sum3A_32, %reduce_sum3A_28 : vector<256x128xf32>
    %add3A = arith.addf %div3A, %get3A_1 : vector<256x128xf32>
    %reduce_sum3A_33 = arith.constant dense<0.000000e+00> : vector<256xf32>
    %reduce_sum3A_34 = vector.multi_reduction <add>, %add3A, %reduce_sum3A_33 [1] : vector<256x128xf32> to vector<256xf32>
    %broadcast_in_dim3A_35 = vector.shape_cast %reduce_sum3A_34 : vector<256xf32> to vector<256x1xf32>
    %div3A_36 = arith.constant 1.280000e+02 : f32
    %div3A_37 = vector.broadcast %div3A_36 : f32 to vector<256x1xf32>
    %div3A_38 = arith.divf %broadcast_in_dim3A_35, %div3A_37 : vector<256x1xf32>
    %sub3A = vector.broadcast %div3A_38 : vector<256x1xf32> to vector<256x128xf32>
    %sub3A_39 = arith.subf %add3A, %sub3A : vector<256x128xf32>
    %mul3A_40 = arith.mulf %sub3A_39, %sub3A_39 : vector<256x128xf32>
    %reduce_sum3A_41 = arith.constant dense<0.000000e+00> : vector<256xf32>
    %reduce_sum3A_42 = vector.multi_reduction <add>, %mul3A_40, %reduce_sum3A_41 [1] : vector<256x128xf32> to vector<256xf32>
    %broadcast_in_dim3A_43 = vector.shape_cast %reduce_sum3A_42 : vector<256xf32> to vector<256x1xf32>
    %div3A_44 = arith.constant 1.280000e+02 : f32
    %div3A_45 = vector.broadcast %div3A_44 : f32 to vector<256x1xf32>
    %div3A_46 = arith.divf %broadcast_in_dim3A_43, %div3A_45 : vector<256x1xf32>
    %add3A_47 = arith.constant 9.99999974E-6 : f32
    %add3A_48 = vector.broadcast %add3A_47 : f32 to vector<256x1xf32>
    %add3A_49 = arith.addf %div3A_46, %add3A_48 : vector<256x1xf32>
    %rsqrt3A = math.rsqrt %add3A_49 : vector<256x1xf32>
    %get3A_50 = arith.constant 0 : index
    %get3A_51 = arith.constant 0 : index
    %get3A_52 = vector.load %arg3[%get3A_50, %get3A_51] : memref<2x128xf32, #tpu.memory_space<vmem>>, vector<1x128xf32>
    %get3A_53 = arith.constant 1 : index
    %get3A_54 = arith.constant 0 : index
    %get3A_55 = vector.load %arg3[%get3A_53, %get3A_54] : memref<2x128xf32, #tpu.memory_space<vmem>>, vector<1x128xf32>
    %mul3A_56 = vector.broadcast %rsqrt3A : vector<256x1xf32> to vector<256x128xf32>
    %mul3A_57 = arith.mulf %sub3A_39, %mul3A_56 : vector<256x128xf32>
    %mul3A_58 = vector.broadcast %get3A_52 : vector<1x128xf32> to vector<256x128xf32>
    %mul3A_59 = arith.mulf %mul3A_57, %mul3A_58 : vector<256x128xf32>
    %add3A_60 = vector.broadcast %get3A_55 : vector<1x128xf32> to vector<256x128xf32>
    %add3A_61 = arith.addf %mul3A_59, %add3A_60 : vector<256x128xf32>
    %swap3A = arith.constant 0 : index
    %swap3A_62 = arith.constant 0 : index
    %swap3A_63 = vector.load %arg4[%swap3A, %swap3A_62] : memref<256x128xf32, #tpu.memory_space<vmem>>, vector<256x128xf32>
    tpu.vector_store %arg4[%swap3A, %swap3A_62], %add3A_61 {strides = array<i32>} : memref<256x128xf32, #tpu.memory_space<vmem>>, vector<256x128xf32>,
    return
  }
  func.func @transform_0(%arg0: i32) -> (i32, i32) {
    %add3A = arith.constant 30 : i32
    %add3A_0 = arith.addi %arg0, %add3A : i32
    %c0_i32 = arith.constant 0 : i32
    %c0_i32_1 = arith.constant 0 : i32
    return %add3A_0, %c0_i32 : i32, i32
  }
  func.func @transform_1(%arg0: i32) -> (i32, i32) {
    %c0_i32 = arith.constant 0 : i32
    %c0_i32_0 = arith.constant 0 : i32
    return %arg0, %c0_i32 : i32, i32
  }
  func.func @transform_2(%arg0: i32) -> (i32, i32) {
    %c0_i32 = arith.constant 0 : i32
    %c0_i32_0 = arith.constant 0 : i32
    %c0_i32_1 = arith.constant 0 : i32
    return %c0_i32, %c0_i32_0 : i32, i32
  }
  func.func @transform_3(%arg0: i32) -> (i32, i32) {
    %c0_i32 = arith.constant 0 : i32
    %c0_i32_0 = arith.constant 0 : i32
    return %arg0, %c0_i32 : i32, i32
  }
}

module attributes {stable_mosaic.version = 14 : i64} {
  func.func @_attn_body(%arg0: i32, %arg1: memref<256x128xf32, #tpu.memory_space<vmem>>, %arg2: memref<8192x128xi32, #tpu.memory_space<vmem>>, %arg3: memref<2x128xf32, #tpu.memory_space<vmem>>, %arg4: memref<256x128xf32, #tpu.memory_space<vmem>>) attributes {dimension_semantics = [#tpu.dimension_semantics<arbitrary>], iteration_bounds = array<i64: 10>, scalar_prefetch = 0 : i64, scratch_operands = 0 : i64, tpu.core_type = #tpu.core_type<tc>, window_params = [{transform_indices = @transform_0, window_bounds = array<i64: 256, 128>}, {transform_indices = @transform_1, window_bounds = array<i64: 8192, 128>}, {pipeline_mode = #tpu.pipeline_mode<synchronous>, transform_indices = @transform_2, window_bounds = array<i64: 2, 128>}, {transform_indices = @transform_3, window_bounds = array<i64: 256, 128>}]} {
    %get3A = arith.constant 0 : index
    %get3A_0 = arith.constant 0 : index
    %get3A_1 = vector.load %arg1[%get3A, %get3A_0] : memref<256x128xf32, #tpu.memory_space<vmem>>, vector<256x128xf32>
    %get3A_2 = arith.constant 0 : index
    %get3A_3 = arith.constant 0 : index
    %get3A_4 = vector.load %arg2[%get3A_2, %get3A_3] : memref<8192x128xi32, #tpu.memory_space<vmem>>, vector<8192x64xi32>
    %get3A_5 = arith.constant 0 : index
    %get3A_6 = arith.constant 64 : index
    %get3A_7 = vector.load %arg2[%get3A_5, %get3A_6] : memref<8192x128xi32, #tpu.memory_space<vmem>>, vector<8192x64xi32>
    %shift_left3A = arith.constant 16 : i32
    %shift_left3A_8 = vector.broadcast %shift_left3A : i32 to vector<8192x64xi32>
    %shift_left3A_9 = arith.shli %get3A_4, %shift_left3A_8 : vector<8192x64xi32>
    %bitcast_convert_type3A = tpu.bitcast %shift_left3A_9 : vector<8192x64xi32> -> vector<8192x64xf32>
    %and3A = arith.constant -65536 : i32
    %and3A_10 = vector.broadcast %and3A : i32 to vector<8192x64xi32>
    %and3A_11 = arith.andi %get3A_4, %and3A_10 : vector<8192x64xi32>
    %bitcast_convert_type3A_12 = tpu.bitcast %and3A_11 : vector<8192x64xi32> -> vector<8192x64xf32>
    %concatenate3A = tpu.concatenate %bitcast_convert_type3A, %bitcast_convert_type3A_12 in 1 : vector<8192x64xf32>, vector<8192x64xf32> -> vector<8192x128xf32>
    %shift_left3A_13 = arith.constant 16 : i32
    %shift_left3A_14 = vector.broadcast %shift_left3A_13 : i32 to vector<8192x64xi32>
    %shift_left3A_15 = arith.shli %get3A_7, %shift_left3A_14 : vector<8192x64xi32>
    %bitcast_convert_type3A_16 = tpu.bitcast %shift_left3A_15 : vector<8192x64xi32> -> vector<8192x64xf32>
    %and3A_17 = arith.constant -65536 : i32
    %and3A_18 = vector.broadcast %and3A_17 : i32 to vector<8192x64xi32>
    %and3A_19 = arith.andi %get3A_7, %and3A_18 : vector<8192x64xi32>
    %bitcast_convert_type3A_20 = tpu.bitcast %and3A_19 : vector<8192x64xi32> -> vector<8192x64xf32>
    %concatenate3A_21 = tpu.concatenate %bitcast_convert_type3A_16, %bitcast_convert_type3A_20 in 1 : vector<8192x64xf32>, vector<8192x64xf32> -> vector<8192x128xf32>
    %reshape3A = vector.shape_cast %concatenate3A : vector<8192x128xf32> to vector<256x32x128xf32>
    %broadcast_in_dim3A = vector.shape_cast %get3A_1 : vector<256x128xf32> to vector<256x1x128xf32>
    %mul3A = vector.broadcast %broadcast_in_dim3A : vector<256x1x128xf32> to vector<256x32x128xf32>
    %mul3A_22 = arith.mulf %reshape3A, %mul3A : vector<256x32x128xf32>
    %broadcast_in_dim3A_23 = arith.constant 0.0883883461 : f32
    %broadcast_in_dim3A_24 = vector.broadcast %broadcast_in_dim3A_23 : f32 to vector<128x128xf32>
    %reshape3A_25 = vector.shape_cast %mul3A_22 : vector<256x32x128xf32> to vector<8192x128xf32>
    %dot_general3A = arith.constant dense<0.000000e+00> : vector<8192x128xf32>
    %dot_general3A_26 = tpu.matmul %reshape3A_25, %broadcast_in_dim3A_24, %dot_general3A {dimension_numbers = #tpu.dot_dimension_numbers<[1], [0], [0], [1], [0, 0, 1, 1], [], []>, transpose_lhs_hint = false} : vector<8192x128xf32>, vector<128x128xf32>, vector<8192x128xf32> -> vector<8192x128xf32>
    %reshape3A_27 = vector.shape_cast %dot_general3A_26 : vector<8192x128xf32> to vector<256x32x128xf32>
    %exp3A = math.exp %reshape3A_27 : vector<256x32x128xf32>
    %reduce_sum3A = arith.constant dense<0.000000e+00> : vector<256x128xf32>
    %reduce_sum3A_28 = vector.multi_reduction <add>, %exp3A, %reduce_sum3A [1] : vector<256x32x128xf32> to vector<256x128xf32>
    %reshape3A_29 = vector.shape_cast %concatenate3A_21 : vector<8192x128xf32> to vector<256x32x128xf32>
    %mul3A_30 = arith.mulf %exp3A, %reshape3A_29 : vector<256x32x128xf32>
    %reduce_sum3A_31 = arith.constant dense<0.000000e+00> : vector<256x128xf32>
    %reduce_sum3A_32 = vector.multi_reduction <add>, %mul3A_30, %reduce_sum3A_31 [1] : vector<256x32x128xf32> to vector<256x128xf32>
    %div3A = arith.divf %reduce_sum3A_32, %reduce_sum3A_28 : vector<256x128xf32>
    %add3A = arith.addf %div3A, %get3A_1 : vector<256x128xf32>
    %reduce_sum3A_33 = arith.constant dense<0.000000e+00> : vector<256xf32>
    %reduce_sum3A_34 = vector.multi_reduction <add>, %add3A, %reduce_sum3A_33 [1] : vector<256x128xf32> to vector<256xf32>
    %broadcast_in_dim3A_35 = vector.shape_cast %reduce_sum3A_34 : vector<256xf32> to vector<256x1xf32>
    %div3A_36 = arith.constant 1.280000e+02 : f32
    %div3A_37 = vector.broadcast %div3A_36 : f32 to vector<256x1xf32>
    %div3A_38 = arith.divf %broadcast_in_dim3A_35, %div3A_37 : vector<256x1xf32>
    %sub3A = vector.broadcast %div3A_38 : vector<256x1xf32> to vector<256x128xf32>
    %sub3A_39 = arith.subf %add3A, %sub3A : vector<256x128xf32>
    %mul3A_40 = arith.mulf %sub3A_39, %sub3A_39 : vector<256x128xf32>
    %reduce_sum3A_41 = arith.constant dense<0.000000e+00> : vector<256xf32>
    %reduce_sum3A_42 = vector.multi_reduction <add>, %mul3A_40, %reduce_sum3A_41 [1] : vector<256x128xf32> to vector<256xf32>
    %broadcast_in_dim3A_43 = vector.shape_cast %reduce_sum3A_42 : vector<256xf32> to vector<256x1xf32>
    %div3A_44 = arith.constant 1.280000e+02 : f32
    %div3A_45 = vector.broadcast %div3A_44 : f32 to vector<256x1xf32>
    %div3A_46 = arith.divf %broadcast_in_dim3A_43, %div3A_45 : vector<256x1xf32>
    %add3A_47 = arith.constant 9.99999974E-6 : f32
    %add3A_48 = vector.broadcast %add3A_47 : f32 to vector<256x1xf32>
    %add3A_49 = arith.addf %div3A_46, %add3A_48 : vector<256x1xf32>
    %rsqrt3A = math.rsqrt %add3A_49 : vector<256x1xf32>
    %get3A_50 = arith.constant 0 : index
    %get3A_51 = arith.constant 0 : index
    %get3A_52 = vector.load %arg3[%get3A_50, %get3A_51] : memref<2x128xf32, #tpu.memory_space<vmem>>, vector<1x128xf32>
    %get3A_53 = arith.constant 1 : index
    %get3A_54 = arith.constant 0 : index
    %get3A_55 = vector.load %arg3[%get3A_53, %get3A_54] : memref<2x128xf32, #tpu.memory_space<vmem>>, vector<1x128xf32>
    %mul3A_56 = vector.broadcast %rsqrt3A : vector<256x1xf32> to vector<256x128xf32>
    %mul3A_57 = arith.mulf %sub3A_39, %mul3A_56 : vector<256x128xf32>
    %mul3A_58 = vector.broadcast %get3A_52 : vector<1x128xf32> to vector<256x128xf32>
    %mul3A_59 = arith.mulf %mul3A_57, %mul3A_58 : vector<256x128xf32>
    %add3A_60 = vector.broadcast %get3A_55 : vector<1x128xf32> to vector<256x128xf32>
    %add3A_61 = arith.addf %mul3A_59, %add3A_60 : vector<256x128xf32>
    %swap3A = arith.constant 0 : index
    %swap3A_62 = arith.constant 0 : index
    %swap3A_63 = vector.load %arg4[%swap3A, %swap3A_62] : memref<256x128xf32, #tpu.memory_space<vmem>>, vector<256x128xf32>
    tpu.vector_store %arg4[%swap3A, %swap3A_62], %add3A_61 {strides = array<i32>} : memref<256x128xf32, #tpu.memory_space<vmem>>, vector<256x128xf32>,
    return
  }
  func.func @transform_0(%arg0: i32) -> (i32, i32) {
    %add3A = arith.constant 20 : i32
    %add3A_0 = arith.addi %arg0, %add3A : i32
    %c0_i32 = arith.constant 0 : i32
    %c0_i32_1 = arith.constant 0 : i32
    return %add3A_0, %c0_i32 : i32, i32
  }
  func.func @transform_1(%arg0: i32) -> (i32, i32) {
    %c0_i32 = arith.constant 0 : i32
    %c0_i32_0 = arith.constant 0 : i32
    return %arg0, %c0_i32 : i32, i32
  }
  func.func @transform_2(%arg0: i32) -> (i32, i32) {
    %c0_i32 = arith.constant 0 : i32
    %c0_i32_0 = arith.constant 0 : i32
    %c0_i32_1 = arith.constant 0 : i32
    return %c0_i32, %c0_i32_0 : i32, i32
  }
  func.func @transform_3(%arg0: i32) -> (i32, i32) {
    %c0_i32 = arith.constant 0 : i32
    %c0_i32_0 = arith.constant 0 : i32
    return %arg0, %c0_i32 : i32, i32
  }
}

module attributes {stable_mosaic.version = 14 : i64} {
  func.func @_attn_body(%arg0: i32, %arg1: memref<256x128xf32, #tpu.memory_space<vmem>>, %arg2: memref<8192x128xi32, #tpu.memory_space<vmem>>, %arg3: memref<2x128xf32, #tpu.memory_space<vmem>>, %arg4: memref<256x128xf32, #tpu.memory_space<vmem>>) attributes {dimension_semantics = [#tpu.dimension_semantics<arbitrary>], iteration_bounds = array<i64: 10>, scalar_prefetch = 0 : i64, scratch_operands = 0 : i64, tpu.core_type = #tpu.core_type<tc>, window_params = [{transform_indices = @transform_0, window_bounds = array<i64: 256, 128>}, {transform_indices = @transform_1, window_bounds = array<i64: 8192, 128>}, {pipeline_mode = #tpu.pipeline_mode<synchronous>, transform_indices = @transform_2, window_bounds = array<i64: 2, 128>}, {transform_indices = @transform_3, window_bounds = array<i64: 256, 128>}]} {
    %get3A = arith.constant 0 : index
    %get3A_0 = arith.constant 0 : index
    %get3A_1 = vector.load %arg1[%get3A, %get3A_0] : memref<256x128xf32, #tpu.memory_space<vmem>>, vector<256x128xf32>
    %get3A_2 = arith.constant 0 : index
    %get3A_3 = arith.constant 0 : index
    %get3A_4 = vector.load %arg2[%get3A_2, %get3A_3] : memref<8192x128xi32, #tpu.memory_space<vmem>>, vector<8192x64xi32>
    %get3A_5 = arith.constant 0 : index
    %get3A_6 = arith.constant 64 : index
    %get3A_7 = vector.load %arg2[%get3A_5, %get3A_6] : memref<8192x128xi32, #tpu.memory_space<vmem>>, vector<8192x64xi32>
    %shift_left3A = arith.constant 16 : i32
    %shift_left3A_8 = vector.broadcast %shift_left3A : i32 to vector<8192x64xi32>
    %shift_left3A_9 = arith.shli %get3A_4, %shift_left3A_8 : vector<8192x64xi32>
    %bitcast_convert_type3A = tpu.bitcast %shift_left3A_9 : vector<8192x64xi32> -> vector<8192x64xf32>
    %and3A = arith.constant -65536 : i32
    %and3A_10 = vector.broadcast %and3A : i32 to vector<8192x64xi32>
    %and3A_11 = arith.andi %get3A_4, %and3A_10 : vector<8192x64xi32>
    %bitcast_convert_type3A_12 = tpu.bitcast %and3A_11 : vector<8192x64xi32> -> vector<8192x64xf32>
    %concatenate3A = tpu.concatenate %bitcast_convert_type3A, %bitcast_convert_type3A_12 in 1 : vector<8192x64xf32>, vector<8192x64xf32> -> vector<8192x128xf32>
    %shift_left3A_13 = arith.constant 16 : i32
    %shift_left3A_14 = vector.broadcast %shift_left3A_13 : i32 to vector<8192x64xi32>
    %shift_left3A_15 = arith.shli %get3A_7, %shift_left3A_14 : vector<8192x64xi32>
    %bitcast_convert_type3A_16 = tpu.bitcast %shift_left3A_15 : vector<8192x64xi32> -> vector<8192x64xf32>
    %and3A_17 = arith.constant -65536 : i32
    %and3A_18 = vector.broadcast %and3A_17 : i32 to vector<8192x64xi32>
    %and3A_19 = arith.andi %get3A_7, %and3A_18 : vector<8192x64xi32>
    %bitcast_convert_type3A_20 = tpu.bitcast %and3A_19 : vector<8192x64xi32> -> vector<8192x64xf32>
    %concatenate3A_21 = tpu.concatenate %bitcast_convert_type3A_16, %bitcast_convert_type3A_20 in 1 : vector<8192x64xf32>, vector<8192x64xf32> -> vector<8192x128xf32>
    %reshape3A = vector.shape_cast %concatenate3A : vector<8192x128xf32> to vector<256x32x128xf32>
    %broadcast_in_dim3A = vector.shape_cast %get3A_1 : vector<256x128xf32> to vector<256x1x128xf32>
    %mul3A = vector.broadcast %broadcast_in_dim3A : vector<256x1x128xf32> to vector<256x32x128xf32>
    %mul3A_22 = arith.mulf %reshape3A, %mul3A : vector<256x32x128xf32>
    %broadcast_in_dim3A_23 = arith.constant 0.0883883461 : f32
    %broadcast_in_dim3A_24 = vector.broadcast %broadcast_in_dim3A_23 : f32 to vector<128x128xf32>
    %reshape3A_25 = vector.shape_cast %mul3A_22 : vector<256x32x128xf32> to vector<8192x128xf32>
    %dot_general3A = arith.constant dense<0.000000e+00> : vector<8192x128xf32>
    %dot_general3A_26 = tpu.matmul %reshape3A_25, %broadcast_in_dim3A_24, %dot_general3A {dimension_numbers = #tpu.dot_dimension_numbers<[1], [0], [0], [1], [0, 0, 1, 1], [], []>, transpose_lhs_hint = false} : vector<8192x128xf32>, vector<128x128xf32>, vector<8192x128xf32> -> vector<8192x128xf32>
    %reshape3A_27 = vector.shape_cast %dot_general3A_26 : vector<8192x128xf32> to vector<256x32x128xf32>
    %exp3A = math.exp %reshape3A_27 : vector<256x32x128xf32>
    %reduce_sum3A = arith.constant dense<0.000000e+00> : vector<256x128xf32>
    %reduce_sum3A_28 = vector.multi_reduction <add>, %exp3A, %reduce_sum3A [1] : vector<256x32x128xf32> to vector<256x128xf32>
    %reshape3A_29 = vector.shape_cast %concatenate3A_21 : vector<8192x128xf32> to vector<256x32x128xf32>
    %mul3A_30 = arith.mulf %exp3A, %reshape3A_29 : vector<256x32x128xf32>
    %reduce_sum3A_31 = arith.constant dense<0.000000e+00> : vector<256x128xf32>
    %reduce_sum3A_32 = vector.multi_reduction <add>, %mul3A_30, %reduce_sum3A_31 [1] : vector<256x32x128xf32> to vector<256x128xf32>
    %div3A = arith.divf %reduce_sum3A_32, %reduce_sum3A_28 : vector<256x128xf32>
    %add3A = arith.addf %div3A, %get3A_1 : vector<256x128xf32>
    %reduce_sum3A_33 = arith.constant dense<0.000000e+00> : vector<256xf32>
    %reduce_sum3A_34 = vector.multi_reduction <add>, %add3A, %reduce_sum3A_33 [1] : vector<256x128xf32> to vector<256xf32>
    %broadcast_in_dim3A_35 = vector.shape_cast %reduce_sum3A_34 : vector<256xf32> to vector<256x1xf32>
    %div3A_36 = arith.constant 1.280000e+02 : f32
    %div3A_37 = vector.broadcast %div3A_36 : f32 to vector<256x1xf32>
    %div3A_38 = arith.divf %broadcast_in_dim3A_35, %div3A_37 : vector<256x1xf32>
    %sub3A = vector.broadcast %div3A_38 : vector<256x1xf32> to vector<256x128xf32>
    %sub3A_39 = arith.subf %add3A, %sub3A : vector<256x128xf32>
    %mul3A_40 = arith.mulf %sub3A_39, %sub3A_39 : vector<256x128xf32>
    %reduce_sum3A_41 = arith.constant dense<0.000000e+00> : vector<256xf32>
    %reduce_sum3A_42 = vector.multi_reduction <add>, %mul3A_40, %reduce_sum3A_41 [1] : vector<256x128xf32> to vector<256xf32>
    %broadcast_in_dim3A_43 = vector.shape_cast %reduce_sum3A_42 : vector<256xf32> to vector<256x1xf32>
    %div3A_44 = arith.constant 1.280000e+02 : f32
    %div3A_45 = vector.broadcast %div3A_44 : f32 to vector<256x1xf32>
    %div3A_46 = arith.divf %broadcast_in_dim3A_43, %div3A_45 : vector<256x1xf32>
    %add3A_47 = arith.constant 9.99999974E-6 : f32
    %add3A_48 = vector.broadcast %add3A_47 : f32 to vector<256x1xf32>
    %add3A_49 = arith.addf %div3A_46, %add3A_48 : vector<256x1xf32>
    %rsqrt3A = math.rsqrt %add3A_49 : vector<256x1xf32>
    %get3A_50 = arith.constant 0 : index
    %get3A_51 = arith.constant 0 : index
    %get3A_52 = vector.load %arg3[%get3A_50, %get3A_51] : memref<2x128xf32, #tpu.memory_space<vmem>>, vector<1x128xf32>
    %get3A_53 = arith.constant 1 : index
    %get3A_54 = arith.constant 0 : index
    %get3A_55 = vector.load %arg3[%get3A_53, %get3A_54] : memref<2x128xf32, #tpu.memory_space<vmem>>, vector<1x128xf32>
    %mul3A_56 = vector.broadcast %rsqrt3A : vector<256x1xf32> to vector<256x128xf32>
    %mul3A_57 = arith.mulf %sub3A_39, %mul3A_56 : vector<256x128xf32>
    %mul3A_58 = vector.broadcast %get3A_52 : vector<1x128xf32> to vector<256x128xf32>
    %mul3A_59 = arith.mulf %mul3A_57, %mul3A_58 : vector<256x128xf32>
    %add3A_60 = vector.broadcast %get3A_55 : vector<1x128xf32> to vector<256x128xf32>
    %add3A_61 = arith.addf %mul3A_59, %add3A_60 : vector<256x128xf32>
    %swap3A = arith.constant 0 : index
    %swap3A_62 = arith.constant 0 : index
    %swap3A_63 = vector.load %arg4[%swap3A, %swap3A_62] : memref<256x128xf32, #tpu.memory_space<vmem>>, vector<256x128xf32>
    tpu.vector_store %arg4[%swap3A, %swap3A_62], %add3A_61 {strides = array<i32>} : memref<256x128xf32, #tpu.memory_space<vmem>>, vector<256x128xf32>,
    return
  }
  func.func @transform_0(%arg0: i32) -> (i32, i32) {
    %add3A = arith.constant 10 : i32
    %add3A_0 = arith.addi %arg0, %add3A : i32
    %c0_i32 = arith.constant 0 : i32
    %c0_i32_1 = arith.constant 0 : i32
    return %add3A_0, %c0_i32 : i32, i32
  }
  func.func @transform_1(%arg0: i32) -> (i32, i32) {
    %c0_i32 = arith.constant 0 : i32
    %c0_i32_0 = arith.constant 0 : i32
    return %arg0, %c0_i32 : i32, i32
  }
  func.func @transform_2(%arg0: i32) -> (i32, i32) {
    %c0_i32 = arith.constant 0 : i32
    %c0_i32_0 = arith.constant 0 : i32
    %c0_i32_1 = arith.constant 0 : i32
    return %c0_i32, %c0_i32_0 : i32, i32
  }
  func.func @transform_3(%arg0: i32) -> (i32, i32) {
    %c0_i32 = arith.constant 0 : i32
    %c0_i32_0 = arith.constant 0 : i32
    return %arg0, %c0_i32 : i32, i32
  }
}

module attributes {stable_mosaic.version = 14 : i64} {
  func.func @_attn_body(%arg0: i32, %arg1: memref<256x128xf32, #tpu.memory_space<vmem>>, %arg2: memref<8192x128xi32, #tpu.memory_space<vmem>>, %arg3: memref<2x128xf32, #tpu.memory_space<vmem>>, %arg4: memref<256x128xf32, #tpu.memory_space<vmem>>) attributes {dimension_semantics = [#tpu.dimension_semantics<arbitrary>], iteration_bounds = array<i64: 10>, scalar_prefetch = 0 : i64, scratch_operands = 0 : i64, tpu.core_type = #tpu.core_type<tc>, window_params = [{transform_indices = @transform_0, window_bounds = array<i64: 256, 128>}, {transform_indices = @transform_1, window_bounds = array<i64: 8192, 128>}, {pipeline_mode = #tpu.pipeline_mode<synchronous>, transform_indices = @transform_2, window_bounds = array<i64: 2, 128>}, {transform_indices = @transform_3, window_bounds = array<i64: 256, 128>}]} {
    %get3A = arith.constant 0 : index
    %get3A_0 = arith.constant 0 : index
    %get3A_1 = vector.load %arg1[%get3A, %get3A_0] : memref<256x128xf32, #tpu.memory_space<vmem>>, vector<256x128xf32>
    %get3A_2 = arith.constant 0 : index
    %get3A_3 = arith.constant 0 : index
    %get3A_4 = vector.load %arg2[%get3A_2, %get3A_3] : memref<8192x128xi32, #tpu.memory_space<vmem>>, vector<8192x64xi32>
    %get3A_5 = arith.constant 0 : index
    %get3A_6 = arith.constant 64 : index
    %get3A_7 = vector.load %arg2[%get3A_5, %get3A_6] : memref<8192x128xi32, #tpu.memory_space<vmem>>, vector<8192x64xi32>
    %shift_left3A = arith.constant 16 : i32
    %shift_left3A_8 = vector.broadcast %shift_left3A : i32 to vector<8192x64xi32>
    %shift_left3A_9 = arith.shli %get3A_4, %shift_left3A_8 : vector<8192x64xi32>
    %bitcast_convert_type3A = tpu.bitcast %shift_left3A_9 : vector<8192x64xi32> -> vector<8192x64xf32>
    %and3A = arith.constant -65536 : i32
    %and3A_10 = vector.broadcast %and3A : i32 to vector<8192x64xi32>
    %and3A_11 = arith.andi %get3A_4, %and3A_10 : vector<8192x64xi32>
    %bitcast_convert_type3A_12 = tpu.bitcast %and3A_11 : vector<8192x64xi32> -> vector<8192x64xf32>
    %concatenate3A = tpu.concatenate %bitcast_convert_type3A, %bitcast_convert_type3A_12 in 1 : vector<8192x64xf32>, vector<8192x64xf32> -> vector<8192x128xf32>
    %shift_left3A_13 = arith.constant 16 : i32
    %shift_left3A_14 = vector.broadcast %shift_left3A_13 : i32 to vector<8192x64xi32>
    %shift_left3A_15 = arith.shli %get3A_7, %shift_left3A_14 : vector<8192x64xi32>
    %bitcast_convert_type3A_16 = tpu.bitcast %shift_left3A_15 : vector<8192x64xi32> -> vector<8192x64xf32>
    %and3A_17 = arith.constant -65536 : i32
    %and3A_18 = vector.broadcast %and3A_17 : i32 to vector<8192x64xi32>
    %and3A_19 = arith.andi %get3A_7, %and3A_18 : vector<8192x64xi32>
    %bitcast_convert_type3A_20 = tpu.bitcast %and3A_19 : vector<8192x64xi32> -> vector<8192x64xf32>
    %concatenate3A_21 = tpu.concatenate %bitcast_convert_type3A_16, %bitcast_convert_type3A_20 in 1 : vector<8192x64xf32>, vector<8192x64xf32> -> vector<8192x128xf32>
    %reshape3A = vector.shape_cast %concatenate3A : vector<8192x128xf32> to vector<256x32x128xf32>
    %broadcast_in_dim3A = vector.shape_cast %get3A_1 : vector<256x128xf32> to vector<256x1x128xf32>
    %mul3A = vector.broadcast %broadcast_in_dim3A : vector<256x1x128xf32> to vector<256x32x128xf32>
    %mul3A_22 = arith.mulf %reshape3A, %mul3A : vector<256x32x128xf32>
    %broadcast_in_dim3A_23 = arith.constant 0.0883883461 : f32
    %broadcast_in_dim3A_24 = vector.broadcast %broadcast_in_dim3A_23 : f32 to vector<128x128xf32>
    %reshape3A_25 = vector.shape_cast %mul3A_22 : vector<256x32x128xf32> to vector<8192x128xf32>
    %dot_general3A = arith.constant dense<0.000000e+00> : vector<8192x128xf32>
    %dot_general3A_26 = tpu.matmul %reshape3A_25, %broadcast_in_dim3A_24, %dot_general3A {dimension_numbers = #tpu.dot_dimension_numbers<[1], [0], [0], [1], [0, 0, 1, 1], [], []>, transpose_lhs_hint = false} : vector<8192x128xf32>, vector<128x128xf32>, vector<8192x128xf32> -> vector<8192x128xf32>
    %reshape3A_27 = vector.shape_cast %dot_general3A_26 : vector<8192x128xf32> to vector<256x32x128xf32>
    %exp3A = math.exp %reshape3A_27 : vector<256x32x128xf32>
    %reduce_sum3A = arith.constant dense<0.000000e+00> : vector<256x128xf32>
    %reduce_sum3A_28 = vector.multi_reduction <add>, %exp3A, %reduce_sum3A [1] : vector<256x32x128xf32> to vector<256x128xf32>
    %reshape3A_29 = vector.shape_cast %concatenate3A_21 : vector<8192x128xf32> to vector<256x32x128xf32>
    %mul3A_30 = arith.mulf %exp3A, %reshape3A_29 : vector<256x32x128xf32>
    %reduce_sum3A_31 = arith.constant dense<0.000000e+00> : vector<256x128xf32>
    %reduce_sum3A_32 = vector.multi_reduction <add>, %mul3A_30, %reduce_sum3A_31 [1] : vector<256x32x128xf32> to vector<256x128xf32>
    %div3A = arith.divf %reduce_sum3A_32, %reduce_sum3A_28 : vector<256x128xf32>
    %add3A = arith.addf %div3A, %get3A_1 : vector<256x128xf32>
    %reduce_sum3A_33 = arith.constant dense<0.000000e+00> : vector<256xf32>
    %reduce_sum3A_34 = vector.multi_reduction <add>, %add3A, %reduce_sum3A_33 [1] : vector<256x128xf32> to vector<256xf32>
    %broadcast_in_dim3A_35 = vector.shape_cast %reduce_sum3A_34 : vector<256xf32> to vector<256x1xf32>
    %div3A_36 = arith.constant 1.280000e+02 : f32
    %div3A_37 = vector.broadcast %div3A_36 : f32 to vector<256x1xf32>
    %div3A_38 = arith.divf %broadcast_in_dim3A_35, %div3A_37 : vector<256x1xf32>
    %sub3A = vector.broadcast %div3A_38 : vector<256x1xf32> to vector<256x128xf32>
    %sub3A_39 = arith.subf %add3A, %sub3A : vector<256x128xf32>
    %mul3A_40 = arith.mulf %sub3A_39, %sub3A_39 : vector<256x128xf32>
    %reduce_sum3A_41 = arith.constant dense<0.000000e+00> : vector<256xf32>
    %reduce_sum3A_42 = vector.multi_reduction <add>, %mul3A_40, %reduce_sum3A_41 [1] : vector<256x128xf32> to vector<256xf32>
    %broadcast_in_dim3A_43 = vector.shape_cast %reduce_sum3A_42 : vector<256xf32> to vector<256x1xf32>
    %div3A_44 = arith.constant 1.280000e+02 : f32
    %div3A_45 = vector.broadcast %div3A_44 : f32 to vector<256x1xf32>
    %div3A_46 = arith.divf %broadcast_in_dim3A_43, %div3A_45 : vector<256x1xf32>
    %add3A_47 = arith.constant 9.99999974E-6 : f32
    %add3A_48 = vector.broadcast %add3A_47 : f32 to vector<256x1xf32>
    %add3A_49 = arith.addf %div3A_46, %add3A_48 : vector<256x1xf32>
    %rsqrt3A = math.rsqrt %add3A_49 : vector<256x1xf32>
    %get3A_50 = arith.constant 0 : index
    %get3A_51 = arith.constant 0 : index
    %get3A_52 = vector.load %arg3[%get3A_50, %get3A_51] : memref<2x128xf32, #tpu.memory_space<vmem>>, vector<1x128xf32>
    %get3A_53 = arith.constant 1 : index
    %get3A_54 = arith.constant 0 : index
    %get3A_55 = vector.load %arg3[%get3A_53, %get3A_54] : memref<2x128xf32, #tpu.memory_space<vmem>>, vector<1x128xf32>
    %mul3A_56 = vector.broadcast %rsqrt3A : vector<256x1xf32> to vector<256x128xf32>
    %mul3A_57 = arith.mulf %sub3A_39, %mul3A_56 : vector<256x128xf32>
    %mul3A_58 = vector.broadcast %get3A_52 : vector<1x128xf32> to vector<256x128xf32>
    %mul3A_59 = arith.mulf %mul3A_57, %mul3A_58 : vector<256x128xf32>
    %add3A_60 = vector.broadcast %get3A_55 : vector<1x128xf32> to vector<256x128xf32>
    %add3A_61 = arith.addf %mul3A_59, %add3A_60 : vector<256x128xf32>
    %swap3A = arith.constant 0 : index
    %swap3A_62 = arith.constant 0 : index
    %swap3A_63 = vector.load %arg4[%swap3A, %swap3A_62] : memref<256x128xf32, #tpu.memory_space<vmem>>, vector<256x128xf32>
    tpu.vector_store %arg4[%swap3A, %swap3A_62], %add3A_61 {strides = array<i32>} : memref<256x128xf32, #tpu.memory_space<vmem>>, vector<256x128xf32>,
    return
  }
  func.func @transform_0(%arg0: i32) -> (i32, i32) {
    %add3A = arith.constant 0 : i32
    %add3A_0 = arith.addi %arg0, %add3A : i32
    %c0_i32 = arith.constant 0 : i32
    %c0_i32_1 = arith.constant 0 : i32
    return %add3A_0, %c0_i32 : i32, i32
  }
  func.func @transform_1(%arg0: i32) -> (i32, i32) {
    %c0_i32 = arith.constant 0 : i32
    %c0_i32_0 = arith.constant 0 : i32
    return %arg0, %c0_i32 : i32, i32
  }
  func.func @transform_2(%arg0: i32) -> (i32, i32) {
    %c0_i32 = arith.constant 0 : i32
    %c0_i32_0 = arith.constant 0 : i32
    %c0_i32_1 = arith.constant 0 : i32
    return %c0_i32, %c0_i32_0 : i32, i32
  }
  func.func @transform_3(%arg0: i32) -> (i32, i32) {
    %c0_i32 = arith.constant 0 : i32
    %c0_i32_0 = arith.constant 0 : i32
    return %arg0, %c0_i32 : i32, i32
  }
}

</mosaic_0001>

<sc_bundles>
// kernel: kernel.11.cloned.1.call-start
scs
__scs_entry_jumppad:
0x0: {  	(pc) =	sbr.rel $0x88, $3  }
0x1: {  	(tag) =	ssettag $0x0;
	lr =	simm.s32 $0x1  }
0x2: {  	[smem:$0x3F95] =	sst lr;
	_ =	strace $0xD0000000  }
0x3: {  	_ = 	snop  }
0x4: {  	_ = 	snop  }
0x5: {  	_ = 	snop  }
0x6: {  	_ = 	snop  }
0x7: {  	_ = 	snop  }
__scs_overlays_trampoline_lowered:
0x8: {  	[smem:$0x3FA4] =	sst s0  }
0x9: {  	[smem:$0x3FA5] =	sst s1  }
0xa: {  	[smem:$0x3FA6] =	sst s2  }
0xb: {  	[smem:$0x3FA7] =	sst s3  }
0xc: {  	[smem:$0x3FA8] =	sst s4  }
0xd: {  	[smem:$0x3FA9] =	sst s5  }
0xe: {  	[smem:$0x3FAA] =	sst s6  }
0xf: {  	[smem:$0x3FAB] =	sst s7  }
0x10: {  	[smem:$0x3FAC] =	sst s8  }
0x11: {  	[smem:$0x3FAD] =	sst s9;
	s0 =	simm.s32 @!p0 $0x0  }
0x12: {  	s1 =	sld [smem:$0x3F93];
	s0 =	simm.s32 @p0 $0x1  }
0x13: {  	[smem:$0x3FAE] =	sst s0;
	s0 =	simm.s32 @!p1 $0x0  }
0x14: {  	s2 =	sld [smem:$0x3F92];
	s0 =	simm.s32 @p1 $0x1  }
0x15: {  	[smem:$0x3FAF] =	sst s0;
	s0 =	simm.s32 @!p2 $0x0  }
0x16: {  	s3 =	sld [smem:$0x3FDB];
	s0 =	simm.s32 @p2 $0x1  }
0x17: {  	s4 =	simm.s32 $0x1BF5;
	[smem:$0x3FB1] =	sst s0  }
0x18: {  	s0 =	sld [smem:$0x3F94];
	_ =	swait.ge [sflag:s4], $0x0  }
0x19: {  	s7 =	sld [smem:$0x3F95]  }
0x1a: {  	s8 =	sadd.s32 $0xFFFFE003, lr  }
0x1b: {  	s9 =	sadd.s32 $0xFFFFFEF7, lr;
	s5 =	simm.s32 $0xFFFFFFFF;
	p2 =	slt.u32 s8, $0xFFFFF086  }
0x1c: {  	p1 =	slt.u32 s9, $0xF7A;
	s5 =	simm.s32 @!p2 $0x0  }
0x1d: {  	s5 =	simm.s32 @p1 $0x1;
	p0 =	seq.s32 s7, s2  }
0x1e: {  	s7 =	smul.u32 @!p0 $0xF7A, s2;
	p2 =	seq.s32 @!p0 s5, $0x0  }
0x1f: {  	s9 =	smul.u32 $0xF7A, s1;
	s8 =	simm.s32 @!p0 $0x1BF5;
	p2 =	por !p2, p0  }
0x20: {  	[sflag:s8] =	ssyncset.s32 @!p0 $0xFFFFF086;
	s6 =	sadd.s32 @!p0 s3, s7;
	s7 =	simm.s32 @!p0 $0x108  }
0x21: {  	s3 =	sadd.s32 s3, s9;
	s6 =	sadd.s32 @!p0 $0x88, s6;
	s7 =	simm.s32 @p2 $0x1082  }
0x22: {  	[simem:s7], [sflag:s8] =	dma.local @!p0 [hbm:s6], $0xF7A  }
0x23: {  	s9 =	sor.u32 $0xD0000000, s2;
	s6 =	simm.s32 $0x108;
	_ =	swait.ge @!p0 [sflag:s8], $0x0  }
0x24: {  	s3 =	sadd.s32 $0x88, s3;
	s6 =	simm.s32 @!p1 $0x1082;
	[sflag:s4] =	ssyncset.s32 $0xFFFFF086  }
0x25: {  	[simem:s6], [sflag:s4] =	dma.local [hbm:s3], $0xF7A  }
0x26: {  	[smem:$0x3F95] =	sst s1;
	(tag) =	ssettag s2;
	_ =	strace s9  }
0x27: {  	s1 =	sld [smem:$0x3FA5]  }
0x28: {  	s2 =	sld [smem:$0x3FA6]  }
0x29: {  	s4 =	sld [smem:$0x3FA8]  }
0x2a: {  	p0 =	seq.s32 s5, $0x0;
	s5 =	sld [smem:$0x3FA9]  }
0x2b: {  	s6 =	sld [smem:$0x3FAA]  }
0x2c: {  	s7 =	sld [smem:$0x3FAB]  }
0x2d: {  	s3 =	simm.s32 $0x108;
	s8 =	sld [smem:$0x3FAC]  }
0x2e: {  	s3 =	simm.s32 @!p0 $0x1082;
	s9 =	sld [smem:$0x3FAD]  }
0x2f: {  	lr =	sadd.s32 s0, s3;
	s0 =	sld [smem:$0x3FA4]  }
0x30: {  	s3 =	sld [smem:$0x3FA7]  }
0x31: {  	[smem:$0x3FB0] =	sst s10  }
0x32: {  	s10 =	sld [smem:$0x3FAE];
	_ =	sdelay $0x3  }
0x33: {  	p0 =	seq.s32 s10, $0x1;
	s10 =	sld [smem:$0x3FB0];
	_ =	sdelay $0x3  }
0x34: {  	[smem:$0x3FB0] =	sst s10  }
0x35: {  	s10 =	sld [smem:$0x3FAF];
	_ =	sdelay $0x3  }
0x36: {  	p1 =	seq.s32 s10, $0x1;
	s10 =	sld [smem:$0x3FB0];
	_ =	sdelay $0x3  }
0x37: {  	[smem:$0x3FB0] =	sst s10  }
0x38: {  	s10 =	sld [smem:$0x3FB1]  }
0x39: {  	_ = 	snop;
	(pc) =	sbr.ind lr, $3  }
0x3a: {  	_ = 	snop  }
0x3b: {  	_ = 	snop  }
0x3c: {  	p2 =	seq.s32 s10, $0x1;
	s10 =	sld [smem:$0x3FB0]  }
0x3d: {  	_ =	shalt  }
0x3e: {  	_ =	shalt  }
0x3f: {  	_ =	shalt  }
0x40: {  	_ =	shalt  }
0x41: {  	_ =	shalt  }
0x42: {  	_ =	shalt  }
0x43: {  	_ =	shalt  }
0x44: {  	_ =	shalt  }
0x45: {  	_ =	shalt  }
0x46: {  	_ =	shalt  }
0x47: {  	_ =	shalt  }
0x48: {  	_ =	shalt  }
0x49: {  	_ =	shalt  }
0x4a: {  	_ =	shalt  }
0x4b: {  	_ =	shalt  }
0x4c: {  	_ =	shalt  }
0x4d: {  	_ =	shalt  }
0x4e: {  	_ =	shalt  }
0x4f: {  	_ =	shalt  }
0x50: {  	_ =	shalt  }
0x51: {  	_ =	shalt  }
0x52: {  	_ =	shalt  }
0x53: {  	_ =	shalt  }
0x54: {  	_ =	shalt  }
0x55: {  	_ =	shalt  }
0x56: {  	_ =	shalt  }
0x57: {  	_ =	shalt  }
0x58: {  	_ =	shalt  }
0x59: {  	_ =	shalt  }
0x5a: {  	_ =	shalt  }
0x5b: {  	_ =	shalt  }
0x5c: {  	_ =	shalt  }
0x5d: {  	_ =	shalt  }
0x5e: {  	_ =	shalt  }
0x5f: {  	_ =	shalt  }
0x60: {  	_ =	shalt  }
0x61: {  	_ =	shalt  }
0x62: {  	_ =	shalt  }
0x63: {  	_ =	shalt  }
0x64: {  	_ =	shalt  }
0x65: {  	_ =	shalt  }
0x66: {  	_ =	shalt  }
0x67: {  	_ =	shalt  }
0x68: {  	_ =	shalt  }
0x69: {  	_ =	shalt  }
0x6a: {  	_ =	shalt  }
0x6b: {  	_ =	shalt  }
0x6c: {  	_ =	shalt  }
0x6d: {  	_ =	shalt  }
0x6e: {  	_ =	shalt  }
0x6f: {  	_ =	shalt  }
0x70: {  	_ =	shalt  }
0x71: {  	_ =	shalt  }
0x72: {  	_ =	shalt  }
0x73: {  	_ =	shalt  }
0x74: {  	_ =	shalt  }
0x75: {  	_ =	shalt  }
0x76: {  	_ =	shalt  }
0x77: {  	_ =	shalt  }
0x78: {  	_ =	shalt  }
0x79: {  	_ =	shalt  }
0x7a: {  	_ =	shalt  }
0x7b: {  	_ =	shalt  }
0x7c: {  	_ =	shalt  }
0x7d: {  	_ =	shalt  }
0x7e: {  	_ =	shalt  }
0x7f: {  	_ =	shalt  }
0x80: {  	_ =	shalt  }
0x81: {  	_ =	shalt  }
0x82: {  	_ =	shalt  }
0x83: {  	_ =	shalt  }
0x84: {  	_ =	shalt  }
0x85: {  	_ =	shalt  }
0x86: {  	_ =	shalt  }
0x87: {  	_ =	shalt  }
.Lfunc_end0:
.L_simem_size_0:
called_computation_lowered:
.L_overlay_start_0:
0x88: {  	s2 =	sld [smem:$0x3FD9]  }
0x89: {  	s3 =	sld [smem:$0x3FFE];
	_ =	sdelay $0x1  }
0x8a: {  	s1 =	srdreg.scid  }
0x8b: {  	s0 =	sand.u32 $0x1, s1  }
0x8c: {  	s17 =	sshll.u32 s0, $0xA;
	s2 =	sadd.s32 s3, s2  }
0x8d: {  	s2 =	sadd.s32 s2, s17  }
0x8e: {  	[smem:$0x3FBC] =	sst s2  }
0x8f: {  	_ = 	snop  }
0x90: {  	s18 =	sld [smem:$0x3FD0];
	(tm) =	ssettm $0x1  }
0x91: {  	s19 =	sld [smem:$0x3FFB];
	_ =	sdelay $0x3  }
0x92: {  	_ =	strace s19  }
0x93: {  	s2 =	sld [smem:$0x3FFC];
	_ =	sdelay $0x3  }
0x94: {  	_ =	strace s2  }
0x95: {  	s2 =	sld [smem:$0x3FFD];
	_ =	sdelay $0x3  }
0x96: {  	_ =	strace s2  }
0x97: {  	_ =	strace $0x8FFFFFFF  }
0x98: {  	s20 =	sld [smem:$0x3FDB];
	_ =	sdelay $0x1  }
0x99: {  	s4 =	simm.s32 $_scs_section_size  }
0x9a: {  	s5 =	simm.s32 $_size__tile_overlayer_lowered;
	s6 =	simm.s32 $_tile_overlayer_lowered  }
0x9b: {  	s7 =	simm.s32 $0x1BFF;
	s21 =	sshll.u32 s6, $0x1;
	s4 =	sadd.s32 s4, s20  }
0x9c: {  	s22 =	simm.s32 $0x0;
	s5 =	sshll.u32 s5, $0x1;
	s6 =	sadd.s32 s21, s4  }
0x9d: {  	[timem:s22], [sflag:s7] =	dma.local [hbm:s6], s5  }
0x9e: {  	_ =	swait.ge [sflag:s7], s5  }
0x9f: {  	s5 =	ssub.s32 $0x0, s5;
	[sflag:s7] =	ssyncset.done $0x0  }
0xa0: {  	[sflag:s7] =	ssyncadd.s32 s5;
	_ =	sdelay $0x1  }
0xa1: {  	s23 =	simm.s32 $0x1B8B  }
0xa2: {  	_ =	swait.ge [sflag:s23], $0x1  }
0xa3: {  	[sflag:s23] =	ssyncset.done $0x0  }
0xa4: {  	[sflag:s23] =	ssyncadd.s32 $0xFFFFFFFF  }
0xa5: {  	s5 =	sld [smem:$0x0]  }
0xa6: {  	s6 =	sand.u32 $0xFFFFFFFE, s1  }
0xa7: {  	p0 =	sne.s32 s1, s6  }
0xa8: {  	s6 =	sshll.u32 @p0 s6, $0xE  }
0xa9: {  	s6 =	sadd.s32 @p0 $0x11B8D, s6;
	s7 =	sshll.u32 @p0 s5, $0x11  }
0xaa: {  	s6 =	sor.u32 @p0 s7, s6  }
0xab: {  	[sflag:s6] =	ssyncadd.remote.s32 @p0 $0x1;
	_ =	sdelay $0x1  }
0xac: {  	s6 =	simm.s32 @p0 $0x1B8D  }
0xad: {  	_ =	swait.eq @p0 [sflag:s6], $0x1  }
0xae: {  	[sflag:s6] =	ssyncadd.s32 @p0 $0xFFFFFFFF  }
0xaf: {  	s7 =	sshll.u32 @!p0 s1, $0xE  }
0xb0: {  	s7 =	sor.u32 @!p0 $0x4000, s7;
	s6 =	simm.s32 @!p0 $0x1B8D  }
0xb1: {  	s5 =	sshll.u32 @!p0 s5, $0x11;
	s7 =	sadd.s32 @!p0 $0x11B8D, s7;
	_ =	swait.eq @!p0 [sflag:s6], $0x1  }
0xb2: {  	s5 =	sor.u32 @!p0 s5, s7;
	[sflag:s6] =	ssyncadd.s32 @!p0 $0xFFFFFFFF  }
0xb3: {  	s25 =	simm.s32 $0x1B8E;
	s24 =	sld [smem:$0x3FFE];
	[sflag:s5] =	ssyncadd.remote.s32 @!p0 $0x1  }
0xb4: {  	s26 =	simm.s32 $execute0_lowered;
	[smem:$0x3FD2] =	sst s25  }
0xb5: {  	s6 =	sshll.u32 s26, $0x1;
	_ =	strace $0x8000004F;
	[dreg:$0x1] =	wrdreg $0xFFFFFFFF  }
0xb6: {  	s28 =	simm.s32 $_size_execute0_lowered;
	s4 =	sadd.s32 s4, s6;
	[dreg:$0x0] =	wrdreg $0x0  }
0xb7: {  	s6 =	sshll.u32 s28, $0x1;
	[dreg:$0x2] =	wrdreg s4  }
0xb8: {  	[dreg:$0x3] =	wrdreg s6  }
0xb9: {  	[dreg:$0x4] =	wrdreg $0xC0  }
0xba: {  	_ =	task [dreg:s22], $0x5FFFF  }
0xbb: {  	[dreg:$0x1] =	wrdreg $0xFFFFFFFF  }
0xbc: {  	[dreg:$0x0] =	wrdreg $0x60  }
0xbd: {  	[dreg:$0x2] =	wrdreg s18  }
0xbe: {  	[dreg:$0x3] =	wrdreg s24  }
0xbf: {  	[dreg:$0x4] =	wrdreg $0x9  }
0xc0: {  	_ =	task.clear_ibuf [dreg:s22], $0x5FFFF;
	_ =	strace $0x9000004F  }
0xc1: {  	s29 =	simm.s32 $0x9;
	_ =	strace $0x80000051  }
0xc2: {  	_ =	swait.ge [sflag:s29], $0x1  }
0xc3: {  	[sflag:s29] =	ssyncadd.s32 $0xFFFFFFFF  }
0xc4: {  	_ =	strace $0x90000051  }
0xc5: {  	_ =	sfence  }
0xc6: {  	s30 =	sld [smem:$0x0];
	_ =	sdelay $0x2  }
0xc7: {  	s31 =	sshll.u32 s1, $0xD;
	s1 =	sshrl.u32 s1, $0x2  }
0xc8: {  	s4 =	sand.u32 $0x4000, s31;
	s1 =	sadd.s32 s1, s30  }
0xc9: {  	s0 =	sor.u32 s4, s0;
	s1 =	sshll.u32 s1, $0x11  }
0xca: {  	s0 =	sor.u32 s1, s0  }
0xcb: {  	s0 =	sadd.s32 $0x8F2B, s0  }
0xcc: {  	[sflag:s0] =	ssyncadd.remote.s32 $0x1  }
0xcd: {  	_ =	sfence.sel $0xFFFF  }
0xce: {  	[dreg:$0x0] =	wrdreg $0xFFFFFFFF;
	(pc) =	sbr.abs _section_cstart, $3  }
0xcf: {  	[dreg:$0x1] =	wrdreg $0xFFFFFFFF  }
0xd0: {  	_ =	task.clear_ibuf [dreg:s22], $0x2FFFF;
	_ =	strace $0x9FFFFFFF  }
0xd1: {  	(tm) =	ssettm $0x7FFFFFFF  }
tec
execute0_lowered:
.L_overlay_start_1:
0x0: {  	(tag) =	ssettag $0x1  }
0x1: {  	s0 =	srdreg.scid;
	s2 =	rddreg [dreg:$0x0]  }
0x2: {  	s8 =	stileid.u32;
	s4 =	rddreg [dreg:$0x1]  }
0x3: {  	s3 =	simm.s32 $0x0;
	s13 =	simm.s32 $0x40;
	s18 =	simm.s32 $0x5400  }
0x4: {  	s20 =	simm.s32 $0x7400;
	s21 =	simm.s32 $0x1;
	s22 =	simm.s32 $0x9400  }
0x5: {  	s23 =	simm.s32 $0x2;
	s28 =	simm.s32 $0x4;
	s29 =	simm.s32 $0xF400  }
0x6: {  	s30 =	simm.s32 $0x5;
	s31 =	simm.s32 $0x6;
	s5 =	smul.u32 $0x50, s8  }
0x7: {  	s12 =	simm.s32 $0x0;
	s0 =	sand.u32 $0x1, s0;
	s25 =	smul.u32 $0x14000, s8  }
0x8: {  	s1 =	sshll.u32 s8, $0x1;
	[smem:$0x7FF] =	sst s3;
	s6 =	smul.u32 $0x28, s0  }
0x9: {  	s1 =	sor.u32 s0, s1;
	s24 =	ssub.s32 $0x2, s0;
	s0 =	smul.u32 $0xA000, s0  }
0xa: {  	_ =	strace $0x80000050;
	s1 =	smul.u32 $0x280, s1;
	s7 =	sshrl.u32 s24, $0x1  }
0xb: {  	s5 =	sadd.s32 s6, s5;
	s11 =	sadd.s32 s0, s25;
	s25 =	simm.s32 $0x3  }
0xc: {  	s0 =	simm.s32 $0x8;
	s1 =	sadd.s32 s1, s4;
	s4 =	sadd.s32 $0x400600, s4  }
.Ltmp0:
0xd: {  	s5 =	sshll.u32 s5, $0xA;
	[dreg:$0x3] =	wrdreg s4;
	(pc) =	sbr.rel .LBB2_1-.Ltmp0, $4  }
0xe: {  	s4 =	ssub.s32 s24, s7;
	s1 =	sadd.s32 $0x3FB600, s1;
	s8 =	sor.u32 $0x800, s5  }
0xf: {  	s9 =	sor.u32 $0x1800, s5;
	s10 =	sor.u32 $0x1000, s5;
	s24 =	simm.s32 $0xB400  }
0x10: {  	[dreg:$0x4] =	wrdreg s1;
	s26 =	smax.u32 s4, $0x1;
	s1 =	simm.s32 $0x7  }
0x11: {  	s4 =	simm.s32 $0xC;
	[dreg:$0x5] =	wrdreg s26;
	s26 =	simm.s32 $0xD400  }
.LBB2_4:
0x12: {  	s6 =	simm.s32 $0x9  }
0x13: {  	_ =	swait.ge [sflag:s6], $0x2000  }
0x14: {  	[sflag:s6] =	ssyncset.done $0x0  }
0x15: {  	s12 =	simm.s32 $0xA;
	[sflag:s6] =	ssyncadd.s32 $0xFFFFE000  }
0x16: {  	_ =	swait.ge [sflag:s12], $0x2000  }
0x17: {  	[sflag:s12] =	ssyncset.done $0x0  }
0x18: {  	s14 =	simm.s32 $0xB;
	[sflag:s12] =	ssyncadd.s32 $0xFFFFE000  }
0x19: {  	_ =	swait.ge [sflag:s14], $0x2000  }
0x1a: {  	[sflag:s14] =	ssyncset.done $0x0  }
0x1b: {  	[sflag:s14] =	ssyncadd.s32 $0xFFFFE000  }
0x1c: {  	_ =	swait.ge [sflag:s4], $0x2000  }
0x1d: {  	[sflag:s4] =	ssyncset.done $0x0  }
0x1e: {  	s15 =	simm.s32 $0xD;
	[sflag:s4] =	ssyncadd.s32 $0xFFFFE000  }
0x1f: {  	_ =	swait.ge [sflag:s15], $0x2000  }
0x20: {  	[sflag:s15] =	ssyncset.done $0x0  }
0x21: {  	s16 =	simm.s32 $0xE;
	[sflag:s15] =	ssyncadd.s32 $0xFFFFE000  }
0x22: {  	_ =	swait.ge [sflag:s16], $0x2000  }
0x23: {  	[sflag:s16] =	ssyncset.done $0x0  }
0x24: {  	s17 =	simm.s32 $0xF;
	[sflag:s16] =	ssyncadd.s32 $0xFFFFE000  }
0x25: {  	_ =	swait.ge [sflag:s17], $0x2000  }
0x26: {  	[sflag:s17] =	ssyncset.done $0x0  }
0x27: {  	s7 =	simm.s32 $0x10;
	[sflag:s17] =	ssyncadd.s32 $0xFFFFE000  }
0x28: {  	_ =	swait.ge [sflag:s7], $0x2000  }
0x29: {  	s12 =	rddreg [dreg:$0x6]  }
0x2a: {  	s19 =	rddreg [dreg:$0x5];
	s12 =	sadd.s32 $0x1, s12  }
0x2b: {  	p0 =	sne.s32 s12, s19  }
.Ltmp1:
0x2c: {  	_ = 	snop;
	(pc) =	sbr.rel @!p0 .LBB2_5-.Ltmp1, $3  }
0x2d: {  	_ =	sdelay $0x1  }
0x2e: {  	[sflag:s7] =	ssyncset.done $0x0  }
0x2f: {  	[sflag:s7] =	ssyncadd.s32 $0xFFFFE000  }
.LBB2_1:
0x30: {  	[dreg:$0x6] =	wrdreg s12  }
0x31: {  	s6 =	rddreg [dreg:$0x4];
	s14 =	simm.s32 $0x11  }
0x32: {  	[tilespmem:s3], [sflag:$0x11] =	stream.linear.gather [hbm4b:s6+s3], $0x1400, $0x38;
	[tilespmem:$0x11400] =	vst v63  }
0x33: {  	_ =	swait.ge [sflag:s14], $0x1400  }
0x34: {  	[sflag:s14] =	ssyncset.done $0x0  }
0x35: {  	s15 =	simm.s32 $0x1400;
	[sflag:s14] =	ssyncadd.s32 $0xFFFFEC00  }
0x36: {  	[tilespmem:s15], [sflag:$0x1] =	stream.indirect.gather [hbm4b:s2+s13], $0x80, s3, s13, $0xb8;
	[tilespmem:$0x11400] =	vst v63  }
0x37: {  	s16 =	simm.s32 $0x80;
	s7 =	simm.s32 $0x3400  }
0x38: {  	[tilespmem:s7], [sflag:$0x2] =	stream.indirect.gather [hbm4b:s2+s13], $0x80, s16, s13, $0xb8;
	[tilespmem:$0x11400] =	vst v63  }
0x39: {  	s17 =	simm.s32 $0x100  }
0x3a: {  	[tilespmem:s18], [sflag:$0x3] =	stream.indirect.gather [hbm4b:s2+s13], $0x80, s17, s13, $0xb8;
	[tilespmem:$0x11400] =	vst v63  }
0x3b: {  	s19 =	simm.s32 $0x180  }
0x3c: {  	[tilespmem:s20], [sflag:$0x4] =	stream.indirect.gather [hbm4b:s2+s13], $0x80, s19, s13, $0xb8;
	[tilespmem:$0x11400] =	vst v63  }
0x3d: {  	s6 =	simm.s32 $0x0;
	s19 =	rddreg [dreg:$0x3]  }
.LBB2_2:
0x3e: {  	_ =	swait.ge [sflag:s21], $0x2000  }
0x3f: {  	s7 =	sadd.s32 s19, s11;
	[sflag:s21] =	ssyncset.done $0x0  }
0x40: {  	s12 =	simm.s32 $0x1400;
	p0 =	seq.s32 s6, $0x0;
	[sflag:s21] =	ssyncadd.s32 $0xFFFFE000  }
0x41: {  	[hbm4b:s7+s3] =	stream.linear.scatter [tilespmem:s12], [sflag:$0x9], $0x2000, $0x38;
	[tilespmem:$0x11400] =	vst v63  }
0x42: {  	s12 =	simm.s32 @!p0 $0xD  }
0x43: {  	_ =	swait.ge @!p0 [sflag:s12], $0x2000  }
0x44: {  	s7 =	sshra.s32 s6, $0x2;
	[sflag:s12] =	ssyncset.done @!p0 $0x0  }
0x45: {  	s16 =	sadd.s32 $0x200, s7;
	[sflag:s12] =	ssyncadd.s32 @!p0 $0xFFFFE000  }
0x46: {  	[tilespmem:s22], [sflag:$0x5] =	stream.indirect.gather [hbm4b:s2+s13], $0x80, s16, s13, $0xb8;
	[tilespmem:$0x11400] =	vst v63  }
0x47: {  	_ =	swait.ge [sflag:s23], $0x2000  }
0x48: {  	s12 =	sadd.s32 s19, s5;
	[sflag:s23] =	ssyncset.done $0x0  }
0x49: {  	s14 =	simm.s32 $0x3400;
	s15 =	sadd.s32 $0x400, s12;
	[sflag:s23] =	ssyncadd.s32 $0xFFFFE000  }
0x4a: {  	[hbm4b:s15+s3] =	stream.linear.scatter [tilespmem:s14], [sflag:$0xA], $0x2000, $0x38;
	[tilespmem:$0x11400] =	vst v63  }
0x4b: {  	s15 =	simm.s32 @!p0 $0xE  }
0x4c: {  	_ =	swait.ge @!p0 [sflag:s15], $0x2000  }
0x4d: {  	[sflag:s15] =	ssyncset.done @!p0 $0x0  }
0x4e: {  	s17 =	sadd.s32 $0x280, s7;
	[sflag:s15] =	ssyncadd.s32 @!p0 $0xFFFFE000  }
0x4f: {  	[tilespmem:s24], [sflag:$0x6] =	stream.indirect.gather [hbm4b:s2+s13], $0x80, s17, s13, $0xb8;
	[tilespmem:$0x11400] =	vst v63  }
0x50: {  	_ =	swait.ge [sflag:s25], $0x2000  }
0x51: {  	[sflag:s25] =	ssyncset.done $0x0  }
0x52: {  	s14 =	sadd.s32 s19, s8;
	s15 =	simm.s32 @!p0 $0xF;
	[sflag:s25] =	ssyncadd.s32 $0xFFFFE000  }
0x53: {  	[hbm4b:s14+s3] =	stream.linear.scatter [tilespmem:s18], [sflag:$0xB], $0x2000, $0x38;
	[tilespmem:$0x11400] =	vst v63  }
0x54: {  	_ =	swait.ge @!p0 [sflag:s15], $0x2000  }
0x55: {  	[sflag:s15] =	ssyncset.done @!p0 $0x0  }
0x56: {  	s16 =	sadd.s32 $0x300, s7;
	[sflag:s15] =	ssyncadd.s32 @!p0 $0xFFFFE000  }
0x57: {  	[tilespmem:s26], [sflag:$0x7] =	stream.indirect.gather [hbm4b:s2+s13], $0x80, s16, s13, $0xb8;
	[tilespmem:$0x11400] =	vst v63  }
0x58: {  	_ =	swait.ge [sflag:s28], $0x2000  }
0x59: {  	[sflag:s28] =	ssyncset.done $0x0  }
0x5a: {  	s17 =	sadd.s32 $0xC00, s12;
	s15 =	simm.s32 @!p0 $0x10;
	[sflag:s28] =	ssyncadd.s32 $0xFFFFE000  }
0x5b: {  	[hbm4b:s17+s3] =	stream.linear.scatter [tilespmem:s20], [sflag:$0xC], $0x2000, $0x38;
	[tilespmem:$0x11400] =	vst v63  }
0x5c: {  	_ =	swait.ge @!p0 [sflag:s15], $0x2000  }
0x5d: {  	[sflag:s15] =	ssyncset.done @!p0 $0x0  }
0x5e: {  	s14 =	sadd.s32 $0x380, s7;
	[sflag:s15] =	ssyncadd.s32 @!p0 $0xFFFFE000  }
0x5f: {  	[tilespmem:s29], [sflag:$0x8] =	stream.indirect.gather [hbm4b:s2+s13], $0x80, s14, s13, $0xb8;
	[tilespmem:$0x11400] =	vst v63  }
0x60: {  	_ =	swait.ge [sflag:s30], $0x2000  }
0x61: {  	p0 =	seq.s32 s6, $0x4000;
	[sflag:s30] =	ssyncset.done $0x0  }
0x62: {  	s16 =	sadd.s32 s19, s10;
	s15 =	simm.s32 @!p0 $0x9;
	[sflag:s30] =	ssyncadd.s32 $0xFFFFE000  }
0x63: {  	[hbm4b:s16+s3] =	stream.linear.scatter [tilespmem:s22], [sflag:$0xD], $0x2000, $0x38;
	[tilespmem:$0x11400] =	vst v63  }
0x64: {  	_ =	swait.ge @!p0 [sflag:s15], $0x2000  }
0x65: {  	[sflag:s15] =	ssyncset.done @!p0 $0x0  }
0x66: {  	[sflag:s15] =	ssyncadd.s32 @!p0 $0xFFFFE000;
	s15 =	sshra.s32 @!p0 s6, $0x2  }
0x67: {  	s14 =	simm.s32 @!p0 $0x40;
	s16 =	simm.s32 @!p0 $0x1400;
	s17 =	sadd.s32 @!p0 $0x400, s15  }
0x68: {  	[tilespmem:s16], [sflag:$0x1] =	stream.indirect.gather @!p0 [hbm4b:s2+s14], $0x80, s17, s14, $0xb8;
	[tilespmem:$0x11400] =	vst v63  }
0x69: {  	_ =	swait.ge [sflag:s31], $0x2000  }
0x6a: {  	[sflag:s31] =	ssyncset.done $0x0  }
0x6b: {  	s17 =	sadd.s32 $0x1400, s12;
	s16 =	simm.s32 @!p0 $0xA;
	[sflag:s31] =	ssyncadd.s32 $0xFFFFE000  }
0x6c: {  	[hbm4b:s17+s3] =	stream.linear.scatter [tilespmem:s24], [sflag:$0xE], $0x2000, $0x38;
	[tilespmem:$0x11400] =	vst v63  }
0x6d: {  	_ =	swait.ge @!p0 [sflag:s16], $0x2000  }
0x6e: {  	[sflag:s16] =	ssyncset.done @!p0 $0x0  }
0x6f: {  	s17 =	simm.s32 @!p0 $0x3400;
	[sflag:s16] =	ssyncadd.s32 @!p0 $0xFFFFE000;
	s16 =	sadd.s32 @!p0 $0x480, s15  }
0x70: {  	[tilespmem:s17], [sflag:$0x2] =	stream.indirect.gather @!p0 [hbm4b:s2+s14], $0x80, s16, s14, $0xb8;
	[tilespmem:$0x11400] =	vst v63  }
0x71: {  	_ =	swait.ge [sflag:s1], $0x2000  }
0x72: {  	[sflag:s1] =	ssyncset.done $0x0  }
0x73: {  	s17 =	sadd.s32 s19, s9;
	s16 =	simm.s32 @!p0 $0xB;
	[sflag:s1] =	ssyncadd.s32 $0xFFFFE000  }
0x74: {  	[hbm4b:s17+s3] =	stream.linear.scatter [tilespmem:s26], [sflag:$0xF], $0x2000, $0x38;
	[tilespmem:$0x11400] =	vst v63  }
0x75: {  	_ =	swait.ge @!p0 [sflag:s16], $0x2000  }
0x76: {  	[sflag:s16] =	ssyncset.done @!p0 $0x0  }
0x77: {  	s15 =	sadd.s32 @!p0 $0x500, s15;
	[sflag:s16] =	ssyncadd.s32 @!p0 $0xFFFFE000;
	s16 =	simm.s32 @!p0 $0x5400  }
0x78: {  	[tilespmem:s16], [sflag:$0x3] =	stream.indirect.gather @!p0 [hbm4b:s2+s14], $0x80, s15, s14, $0xb8;
	[tilespmem:$0x11400] =	vst v63  }
.Ltmp2:
0x79: {  	_ = 	snop;
	(pc) =	sbr.rel @p0 .LBB2_4-.Ltmp2, $4  }
0x7a: {  	_ =	swait.ge [sflag:s0], $0x2000  }
0x7b: {  	[sflag:s0] =	ssyncset.done $0x0  }
0x7c: {  	s12 =	sadd.s32 $0x1C00, s12;
	[sflag:s0] =	ssyncadd.s32 $0xFFFFE000  }
0x7d: {  	[hbm4b:s12+s3] =	stream.linear.scatter [tilespmem:s29], [sflag:$0x10], $0x2000, $0x38;
	[tilespmem:$0x11400] =	vst v63  }
.Ltmp3:
0x7e: {  	(pc) =	sbr.rel .LBB2_2-.Ltmp3, $4  }
0x7f: {  	_ =	swait.ge [sflag:s4], $0x2000  }
0x80: {  	s7 =	sadd.s32 $0x580, s7;
	[sflag:s4] =	ssyncset.done $0x0  }
0x81: {  	s6 =	sadd.s32 $0x1000, s6;
	s19 =	sadd.s32 $0x2000, s19;
	[sflag:s4] =	ssyncadd.s32 $0xFFFFE000  }
0x82: {  	[tilespmem:s20], [sflag:$0x4] =	stream.indirect.gather [hbm4b:s2+s13], $0x80, s7, s13, $0xb8;
	[tilespmem:$0x11400] =	vst v63  }
.LBB2_5:
0x83: {  	_ =	sfence.sel $0x180000  }
0x84: {  	[bflag:$0x0] =	sbarrier.arrive $0xFFFF  }
0x85: {  	_ =	strace $0x90000050  }
0x86: {  	s0 =	stileid.u32;
	[bflag:$0x2] =	sbarrier.arrive $0xFFFF  }
0x87: {  	p0 =	sne.s32 s0, $0x0;
	s0 =	rddreg [dreg:$0x2]  }
0x88: {  	s0 =	sadd.s32 @!p0 $0x100000, s0  }
0x89: {  	[sflag:s0] =	ssyncadd.tile.s32 @!p0 $0x1;
	_ =	shalt  }
.Lfunc_end2:
_tile_overlayer_lowered:
.L_overlay_start_2:
0x8a: {  	(tag) =	ssettag $0x2  }
0x8b: {  	s0 =	rddreg [dreg:$0x0];
	s2 =	stileid.u32  }
0x8c: {  	s1 =	rddreg [dreg:$0x1];
	p0 =	sne.s32 s2, $0x0  }
0x8d: {  	s3 =	rddreg [dreg:$0x2];
	[bflag:$0x3] =	sbarrier.arrive $0xFFFF;
	s2 =	simm.s32 @!p0 $0x1C11  }
0x8e: {  	[timem:s3], [sflag:s2] =	dma.local @!p0 [hbm:s0], s1  }
0x8f: {  	s0 =	simm.s32 @!p0 $0x11  }
0x90: {  	_ =	swait.ge @!p0 [sflag:s0], s1  }
0x91: {  	s1 =	ssub.s32 @!p0 $0x0, s1;
	[sflag:s0] =	ssyncset.done @!p0 $0x0  }
0x92: {  	[sflag:s0] =	ssyncadd.s32 @!p0 s1  }
0x93: {  	[bflag:$0x3] =	sbarrier.arrive $0xFFFF  }
0x94: {  	_ =	shalt  }

// kernel: kernel.14.cloned.1.call-start
scs
__scs_entry_jumppad:
0x0: {  	(pc) =	sbr.rel $0x88, $3  }
0x1: {  	(tag) =	ssettag $0x0;
	lr =	simm.s32 $0x1  }
0x2: {  	[smem:$0x3F95] =	sst lr;
	_ =	strace $0xD0000000  }
0x3: {  	_ = 	snop  }
0x4: {  	_ = 	snop  }
0x5: {  	_ = 	snop  }
0x6: {  	_ = 	snop  }
0x7: {  	_ = 	snop  }
__scs_overlays_trampoline_lowered:
0x8: {  	[smem:$0x3FA4] =	sst s0  }
0x9: {  	[smem:$0x3FA5] =	sst s1  }
0xa: {  	[smem:$0x3FA6] =	sst s2  }
0xb: {  	[smem:$0x3FA7] =	sst s3  }
0xc: {  	[smem:$0x3FA8] =	sst s4  }
0xd: {  	[smem:$0x3FA9] =	sst s5  }
0xe: {  	[smem:$0x3FAA] =	sst s6  }
0xf: {  	[smem:$0x3FAB] =	sst s7  }
0x10: {  	[smem:$0x3FAC] =	sst s8  }
0x11: {  	[smem:$0x3FAD] =	sst s9;
	s0 =	simm.s32 @!p0 $0x0  }
0x12: {  	s1 =	sld [smem:$0x3F93];
	s0 =	simm.s32 @p0 $0x1  }
0x13: {  	[smem:$0x3FAE] =	sst s0;
	s0 =	simm.s32 @!p1 $0x0  }
0x14: {  	s2 =	sld [smem:$0x3F92];
	s0 =	simm.s32 @p1 $0x1  }
0x15: {  	[smem:$0x3FAF] =	sst s0;
	s0 =	simm.s32 @!p2 $0x0  }
0x16: {  	s3 =	sld [smem:$0x3FDB];
	s0 =	simm.s32 @p2 $0x1  }
0x17: {  	s4 =	simm.s32 $0x1BF5;
	[smem:$0x3FB1] =	sst s0  }
0x18: {  	s0 =	sld [smem:$0x3F94];
	_ =	swait.ge [sflag:s4], $0x0  }
0x19: {  	s7 =	sld [smem:$0x3F95]  }
0x1a: {  	s8 =	sadd.s32 $0xFFFFE003, lr  }
0x1b: {  	s9 =	sadd.s32 $0xFFFFFEF7, lr;
	s5 =	simm.s32 $0xFFFFFFFF;
	p2 =	slt.u32 s8, $0xFFFFF086  }
0x1c: {  	p1 =	slt.u32 s9, $0xF7A;
	s5 =	simm.s32 @!p2 $0x0  }
0x1d: {  	s5 =	simm.s32 @p1 $0x1;
	p0 =	seq.s32 s7, s2  }
0x1e: {  	s7 =	smul.u32 @!p0 $0xF7A, s2;
	p2 =	seq.s32 @!p0 s5, $0x0  }
0x1f: {  	s9 =	smul.u32 $0xF7A, s1;
	s8 =	simm.s32 @!p0 $0x1BF5;
	p2 =	por !p2, p0  }
0x20: {  	[sflag:s8] =	ssyncset.s32 @!p0 $0xFFFFF086;
	s6 =	sadd.s32 @!p0 s3, s7;
	s7 =	simm.s32 @!p0 $0x108  }
0x21: {  	s3 =	sadd.s32 s3, s9;
	s6 =	sadd.s32 @!p0 $0x88, s6;
	s7 =	simm.s32 @p2 $0x1082  }
0x22: {  	[simem:s7], [sflag:s8] =	dma.local @!p0 [hbm:s6], $0xF7A  }
0x23: {  	s9 =	sor.u32 $0xD0000000, s2;
	s6 =	simm.s32 $0x108;
	_ =	swait.ge @!p0 [sflag:s8], $0x0  }
0x24: {  	s3 =	sadd.s32 $0x88, s3;
	s6 =	simm.s32 @!p1 $0x1082;
	[sflag:s4] =	ssyncset.s32 $0xFFFFF086  }
0x25: {  	[simem:s6], [sflag:s4] =	dma.local [hbm:s3], $0xF7A  }
0x26: {  	[smem:$0x3F95] =	sst s1;
	(tag) =	ssettag s2;
	_ =	strace s9  }
0x27: {  	s1 =	sld [smem:$0x3FA5]  }
0x28: {  	s2 =	sld [smem:$0x3FA6]  }
0x29: {  	s4 =	sld [smem:$0x3FA8]  }
0x2a: {  	p0 =	seq.s32 s5, $0x0;
	s5 =	sld [smem:$0x3FA9]  }
0x2b: {  	s6 =	sld [smem:$0x3FAA]  }
0x2c: {  	s7 =	sld [smem:$0x3FAB]  }
0x2d: {  	s3 =	simm.s32 $0x108;
	s8 =	sld [smem:$0x3FAC]  }
0x2e: {  	s3 =	simm.s32 @!p0 $0x1082;
	s9 =	sld [smem:$0x3FAD]  }
0x2f: {  	lr =	sadd.s32 s0, s3;
	s0 =	sld [smem:$0x3FA4]  }
0x30: {  	s3 =	sld [smem:$0x3FA7]  }
0x31: {  	[smem:$0x3FB0] =	sst s10  }
0x32: {  	s10 =	sld [smem:$0x3FAE];
	_ =	sdelay $0x3  }
0x33: {  	p0 =	seq.s32 s10, $0x1;
	s10 =	sld [smem:$0x3FB0];
	_ =	sdelay $0x3  }
0x34: {  	[smem:$0x3FB0] =	sst s10  }
0x35: {  	s10 =	sld [smem:$0x3FAF];
	_ =	sdelay $0x3  }
0x36: {  	p1 =	seq.s32 s10, $0x1;
	s10 =	sld [smem:$0x3FB0];
	_ =	sdelay $0x3  }
0x37: {  	[smem:$0x3FB0] =	sst s10  }
0x38: {  	s10 =	sld [smem:$0x3FB1]  }
0x39: {  	_ = 	snop;
	(pc) =	sbr.ind lr, $3  }
0x3a: {  	_ = 	snop  }
0x3b: {  	_ = 	snop  }
0x3c: {  	p2 =	seq.s32 s10, $0x1;
	s10 =	sld [smem:$0x3FB0]  }
0x3d: {  	_ =	shalt  }
0x3e: {  	_ =	shalt  }
0x3f: {  	_ =	shalt  }
0x40: {  	_ =	shalt  }
0x41: {  	_ =	shalt  }
0x42: {  	_ =	shalt  }
0x43: {  	_ =	shalt  }
0x44: {  	_ =	shalt  }
0x45: {  	_ =	shalt  }
0x46: {  	_ =	shalt  }
0x47: {  	_ =	shalt  }
0x48: {  	_ =	shalt  }
0x49: {  	_ =	shalt  }
0x4a: {  	_ =	shalt  }
0x4b: {  	_ =	shalt  }
0x4c: {  	_ =	shalt  }
0x4d: {  	_ =	shalt  }
0x4e: {  	_ =	shalt  }
0x4f: {  	_ =	shalt  }
0x50: {  	_ =	shalt  }
0x51: {  	_ =	shalt  }
0x52: {  	_ =	shalt  }
0x53: {  	_ =	shalt  }
0x54: {  	_ =	shalt  }
0x55: {  	_ =	shalt  }
0x56: {  	_ =	shalt  }
0x57: {  	_ =	shalt  }
0x58: {  	_ =	shalt  }
0x59: {  	_ =	shalt  }
0x5a: {  	_ =	shalt  }
0x5b: {  	_ =	shalt  }
0x5c: {  	_ =	shalt  }
0x5d: {  	_ =	shalt  }
0x5e: {  	_ =	shalt  }
0x5f: {  	_ =	shalt  }
0x60: {  	_ =	shalt  }
0x61: {  	_ =	shalt  }
0x62: {  	_ =	shalt  }
0x63: {  	_ =	shalt  }
0x64: {  	_ =	shalt  }
0x65: {  	_ =	shalt  }
0x66: {  	_ =	shalt  }
0x67: {  	_ =	shalt  }
0x68: {  	_ =	shalt  }
0x69: {  	_ =	shalt  }
0x6a: {  	_ =	shalt  }
0x6b: {  	_ =	shalt  }
0x6c: {  	_ =	shalt  }
0x6d: {  	_ =	shalt  }
0x6e: {  	_ =	shalt  }
0x6f: {  	_ =	shalt  }
0x70: {  	_ =	shalt  }
0x71: {  	_ =	shalt  }
0x72: {  	_ =	shalt  }
0x73: {  	_ =	shalt  }
0x74: {  	_ =	shalt  }
0x75: {  	_ =	shalt  }
0x76: {  	_ =	shalt  }
0x77: {  	_ =	shalt  }
0x78: {  	_ =	shalt  }
0x79: {  	_ =	shalt  }
0x7a: {  	_ =	shalt  }
0x7b: {  	_ =	shalt  }
0x7c: {  	_ =	shalt  }
0x7d: {  	_ =	shalt  }
0x7e: {  	_ =	shalt  }
0x7f: {  	_ =	shalt  }
0x80: {  	_ =	shalt  }
0x81: {  	_ =	shalt  }
0x82: {  	_ =	shalt  }
0x83: {  	_ =	shalt  }
0x84: {  	_ =	shalt  }
0x85: {  	_ =	shalt  }
0x86: {  	_ =	shalt  }
0x87: {  	_ =	shalt  }
.Lfunc_end0:
.L_simem_size_0:
called_computation.1_lowered:
.L_overlay_start_0:
0x88: {  	s2 =	sld [smem:$0x3FD9]  }
0x89: {  	s3 =	sld [smem:$0x3FFE];
	_ =	sdelay $0x1  }
0x8a: {  	s1 =	srdreg.scid  }
0x8b: {  	s0 =	sand.u32 $0x1, s1  }
0x8c: {  	s17 =	sshll.u32 s0, $0xA;
	s2 =	sadd.s32 s3, s2  }
0x8d: {  	s2 =	sadd.s32 s2, s17  }
0x8e: {  	[smem:$0x3FBC] =	sst s2  }
0x8f: {  	_ = 	snop  }
0x90: {  	s18 =	sld [smem:$0x3FD0];
	(tm) =	ssettm $0x1  }
0x91: {  	s19 =	sld [smem:$0x3FFB];
	_ =	sdelay $0x3  }
0x92: {  	_ =	strace s19  }
0x93: {  	s2 =	sld [smem:$0x3FFC];
	_ =	sdelay $0x3  }
0x94: {  	_ =	strace s2  }
0x95: {  	s2 =	sld [smem:$0x3FFD];
	_ =	sdelay $0x3  }
0x96: {  	_ =	strace s2  }
0x97: {  	_ =	strace $0x8FFFFFFF  }
0x98: {  	s20 =	sld [smem:$0x3FDB];
	_ =	sdelay $0x1  }
0x99: {  	s4 =	simm.s32 $_scs_section_size  }
0x9a: {  	s5 =	simm.s32 $_size__tile_overlayer_lowered;
	s6 =	simm.s32 $_tile_overlayer_lowered  }
0x9b: {  	s7 =	simm.s32 $0x1BFF;
	s21 =	sshll.u32 s6, $0x1;
	s4 =	sadd.s32 s4, s20  }
0x9c: {  	s22 =	simm.s32 $0x0;
	s5 =	sshll.u32 s5, $0x1;
	s6 =	sadd.s32 s21, s4  }
0x9d: {  	[timem:s22], [sflag:s7] =	dma.local [hbm:s6], s5  }
0x9e: {  	_ =	swait.ge [sflag:s7], s5  }
0x9f: {  	s5 =	ssub.s32 $0x0, s5;
	[sflag:s7] =	ssyncset.done $0x0  }
0xa0: {  	[sflag:s7] =	ssyncadd.s32 s5;
	_ =	sdelay $0x1  }
0xa1: {  	s23 =	simm.s32 $0x1B8B  }
0xa2: {  	_ =	swait.ge [sflag:s23], $0x1  }
0xa3: {  	[sflag:s23] =	ssyncset.done $0x0  }
0xa4: {  	[sflag:s23] =	ssyncadd.s32 $0xFFFFFFFF  }
0xa5: {  	s5 =	sld [smem:$0x0]  }
0xa6: {  	s6 =	sand.u32 $0xFFFFFFFE, s1  }
0xa7: {  	p0 =	sne.s32 s1, s6  }
0xa8: {  	s6 =	sshll.u32 @p0 s6, $0xE  }
0xa9: {  	s6 =	sadd.s32 @p0 $0x11B8D, s6;
	s7 =	sshll.u32 @p0 s5, $0x11  }
0xaa: {  	s6 =	sor.u32 @p0 s7, s6  }
0xab: {  	[sflag:s6] =	ssyncadd.remote.s32 @p0 $0x1;
	_ =	sdelay $0x1  }
0xac: {  	s6 =	simm.s32 @p0 $0x1B8D  }
0xad: {  	_ =	swait.eq @p0 [sflag:s6], $0x1  }
0xae: {  	[sflag:s6] =	ssyncadd.s32 @p0 $0xFFFFFFFF  }
0xaf: {  	s7 =	sshll.u32 @!p0 s1, $0xE  }
0xb0: {  	s7 =	sor.u32 @!p0 $0x4000, s7;
	s6 =	simm.s32 @!p0 $0x1B8D  }
0xb1: {  	s5 =	sshll.u32 @!p0 s5, $0x11;
	s7 =	sadd.s32 @!p0 $0x11B8D, s7;
	_ =	swait.eq @!p0 [sflag:s6], $0x1  }
0xb2: {  	s5 =	sor.u32 @!p0 s5, s7;
	[sflag:s6] =	ssyncadd.s32 @!p0 $0xFFFFFFFF  }
0xb3: {  	s25 =	simm.s32 $0x1B8E;
	s24 =	sld [smem:$0x3FFE];
	[sflag:s5] =	ssyncadd.remote.s32 @!p0 $0x1  }
0xb4: {  	s26 =	simm.s32 $execute0_lowered;
	[smem:$0x3FD2] =	sst s25  }
0xb5: {  	s6 =	sshll.u32 s26, $0x1;
	_ =	strace $0x8000004C;
	[dreg:$0x1] =	wrdreg $0xFFFFFFFF  }
0xb6: {  	s28 =	simm.s32 $_size_execute0_lowered;
	s4 =	sadd.s32 s4, s6;
	[dreg:$0x0] =	wrdreg $0x0  }
0xb7: {  	s6 =	sshll.u32 s28, $0x1;
	[dreg:$0x2] =	wrdreg s4  }
0xb8: {  	[dreg:$0x3] =	wrdreg s6  }
0xb9: {  	[dreg:$0x4] =	wrdreg $0xC0  }
0xba: {  	_ =	task [dreg:s22], $0x5FFFF  }
0xbb: {  	[dreg:$0x1] =	wrdreg $0xFFFFFFFF  }
0xbc: {  	[dreg:$0x0] =	wrdreg $0x60  }
0xbd: {  	[dreg:$0x2] =	wrdreg s18  }
0xbe: {  	[dreg:$0x3] =	wrdreg s24  }
0xbf: {  	[dreg:$0x4] =	wrdreg $0xA  }
0xc0: {  	_ =	task.clear_ibuf [dreg:s22], $0x5FFFF;
	_ =	strace $0x9000004C  }
0xc1: {  	s29 =	simm.s32 $0xA;
	_ =	strace $0x8000004E  }
0xc2: {  	_ =	swait.ge [sflag:s29], $0x1  }
0xc3: {  	[sflag:s29] =	ssyncadd.s32 $0xFFFFFFFF  }
0xc4: {  	_ =	strace $0x9000004E  }
0xc5: {  	_ =	sfence  }
0xc6: {  	s30 =	sld [smem:$0x0];
	_ =	sdelay $0x2  }
0xc7: {  	s31 =	sshll.u32 s1, $0xD;
	s1 =	sshrl.u32 s1, $0x2  }
0xc8: {  	s4 =	sand.u32 $0x4000, s31;
	s1 =	sadd.s32 s1, s30  }
0xc9: {  	s0 =	sor.u32 s4, s0;
	s1 =	sshll.u32 s1, $0x11  }
0xca: {  	s0 =	sor.u32 s1, s0  }
0xcb: {  	s0 =	sadd.s32 $0x8F2B, s0  }
0xcc: {  	[sflag:s0] =	ssyncadd.remote.s32 $0x1  }
0xcd: {  	_ =	sfence.sel $0xFFFF  }
0xce: {  	[dreg:$0x0] =	wrdreg $0xFFFFFFFF;
	(pc) =	sbr.abs _section_cstart, $3  }
0xcf: {  	[dreg:$0x1] =	wrdreg $0xFFFFFFFF  }
0xd0: {  	_ =	task.clear_ibuf [dreg:s22], $0x2FFFF;
	_ =	strace $0x9FFFFFFF  }
0xd1: {  	(tm) =	ssettm $0x7FFFFFFF  }
tec
execute0_lowered:
.L_overlay_start_1:
0x0: {  	(tag) =	ssettag $0x1  }
0x1: {  	s0 =	srdreg.scid;
	s2 =	rddreg [dreg:$0x0]  }
0x2: {  	s8 =	stileid.u32;
	s4 =	rddreg [dreg:$0x1]  }
0x3: {  	s3 =	simm.s32 $0x0;
	s13 =	simm.s32 $0x40;
	s18 =	simm.s32 $0x5400  }
0x4: {  	s20 =	simm.s32 $0x7400;
	s21 =	simm.s32 $0x1;
	s22 =	simm.s32 $0x9400  }
0x5: {  	s23 =	simm.s32 $0x2;
	s28 =	simm.s32 $0x4;
	s29 =	simm.s32 $0xF400  }
0x6: {  	s30 =	simm.s32 $0x5;
	s31 =	simm.s32 $0x6;
	s5 =	smul.u32 $0x50, s8  }
0x7: {  	s12 =	simm.s32 $0x0;
	s0 =	sand.u32 $0x1, s0;
	s25 =	smul.u32 $0x14000, s8  }
0x8: {  	s1 =	sshll.u32 s8, $0x1;
	[smem:$0x7FF] =	sst s3;
	s6 =	smul.u32 $0x28, s0  }
0x9: {  	s1 =	sor.u32 s0, s1;
	s24 =	ssub.s32 $0x2, s0;
	s0 =	smul.u32 $0xA000, s0  }
0xa: {  	_ =	strace $0x8000004D;
	s1 =	smul.u32 $0x280, s1;
	s7 =	sshrl.u32 s24, $0x1  }
0xb: {  	s5 =	sadd.s32 s6, s5;
	s11 =	sadd.s32 s0, s25;
	s25 =	simm.s32 $0x3  }
0xc: {  	s0 =	simm.s32 $0x8;
	s1 =	sadd.s32 s1, s4;
	s4 =	sadd.s32 $0x2BB600, s4  }
.Ltmp0:
0xd: {  	s5 =	sshll.u32 s5, $0xA;
	[dreg:$0x3] =	wrdreg s4;
	(pc) =	sbr.rel .LBB2_1-.Ltmp0, $4  }
0xe: {  	s4 =	ssub.s32 s24, s7;
	s1 =	sadd.s32 $0xE600, s1;
	s8 =	sor.u32 $0x800, s5  }
0xf: {  	s9 =	sor.u32 $0x1800, s5;
	s10 =	sor.u32 $0x1000, s5;
	s24 =	simm.s32 $0xB400  }
0x10: {  	[dreg:$0x4] =	wrdreg s1;
	s26 =	smax.u32 s4, $0x1;
	s1 =	simm.s32 $0x7  }
0x11: {  	s4 =	simm.s32 $0xC;
	[dreg:$0x5] =	wrdreg s26;
	s26 =	simm.s32 $0xD400  }
.LBB2_4:
0x12: {  	s6 =	simm.s32 $0x9  }
0x13: {  	_ =	swait.ge [sflag:s6], $0x2000  }
0x14: {  	[sflag:s6] =	ssyncset.done $0x0  }
0x15: {  	s12 =	simm.s32 $0xA;
	[sflag:s6] =	ssyncadd.s32 $0xFFFFE000  }
0x16: {  	_ =	swait.ge [sflag:s12], $0x2000  }
0x17: {  	[sflag:s12] =	ssyncset.done $0x0  }
0x18: {  	s14 =	simm.s32 $0xB;
	[sflag:s12] =	ssyncadd.s32 $0xFFFFE000  }
0x19: {  	_ =	swait.ge [sflag:s14], $0x2000  }
0x1a: {  	[sflag:s14] =	ssyncset.done $0x0  }
0x1b: {  	[sflag:s14] =	ssyncadd.s32 $0xFFFFE000  }
0x1c: {  	_ =	swait.ge [sflag:s4], $0x2000  }
0x1d: {  	[sflag:s4] =	ssyncset.done $0x0  }
0x1e: {  	s15 =	simm.s32 $0xD;
	[sflag:s4] =	ssyncadd.s32 $0xFFFFE000  }
0x1f: {  	_ =	swait.ge [sflag:s15], $0x2000  }
0x20: {  	[sflag:s15] =	ssyncset.done $0x0  }
0x21: {  	s16 =	simm.s32 $0xE;
	[sflag:s15] =	ssyncadd.s32 $0xFFFFE000  }
0x22: {  	_ =	swait.ge [sflag:s16], $0x2000  }
0x23: {  	[sflag:s16] =	ssyncset.done $0x0  }
0x24: {  	s17 =	simm.s32 $0xF;
	[sflag:s16] =	ssyncadd.s32 $0xFFFFE000  }
0x25: {  	_ =	swait.ge [sflag:s17], $0x2000  }
0x26: {  	[sflag:s17] =	ssyncset.done $0x0  }
0x27: {  	s7 =	simm.s32 $0x10;
	[sflag:s17] =	ssyncadd.s32 $0xFFFFE000  }
0x28: {  	_ =	swait.ge [sflag:s7], $0x2000  }
0x29: {  	s12 =	rddreg [dreg:$0x6]  }
0x2a: {  	s19 =	rddreg [dreg:$0x5];
	s12 =	sadd.s32 $0x1, s12  }
0x2b: {  	p0 =	sne.s32 s12, s19  }
.Ltmp1:
0x2c: {  	_ = 	snop;
	(pc) =	sbr.rel @!p0 .LBB2_5-.Ltmp1, $3  }
0x2d: {  	_ =	sdelay $0x1  }
0x2e: {  	[sflag:s7] =	ssyncset.done $0x0  }
0x2f: {  	[sflag:s7] =	ssyncadd.s32 $0xFFFFE000  }
.LBB2_1:
0x30: {  	[dreg:$0x6] =	wrdreg s12  }
0x31: {  	s6 =	rddreg [dreg:$0x4];
	s14 =	simm.s32 $0x11  }
0x32: {  	[tilespmem:s3], [sflag:$0x11] =	stream.linear.gather [hbm4b:s6+s3], $0x1400, $0x38;
	[tilespmem:$0x11400] =	vst v63  }
0x33: {  	_ =	swait.ge [sflag:s14], $0x1400  }
0x34: {  	[sflag:s14] =	ssyncset.done $0x0  }
0x35: {  	s15 =	simm.s32 $0x1400;
	[sflag:s14] =	ssyncadd.s32 $0xFFFFEC00  }
0x36: {  	[tilespmem:s15], [sflag:$0x1] =	stream.indirect.gather [hbm4b:s2+s13], $0x80, s3, s13, $0xb8;
	[tilespmem:$0x11400] =	vst v63  }
0x37: {  	s16 =	simm.s32 $0x80;
	s7 =	simm.s32 $0x3400  }
0x38: {  	[tilespmem:s7], [sflag:$0x2] =	stream.indirect.gather [hbm4b:s2+s13], $0x80, s16, s13, $0xb8;
	[tilespmem:$0x11400] =	vst v63  }
0x39: {  	s17 =	simm.s32 $0x100  }
0x3a: {  	[tilespmem:s18], [sflag:$0x3] =	stream.indirect.gather [hbm4b:s2+s13], $0x80, s17, s13, $0xb8;
	[tilespmem:$0x11400] =	vst v63  }
0x3b: {  	s19 =	simm.s32 $0x180  }
0x3c: {  	[tilespmem:s20], [sflag:$0x4] =	stream.indirect.gather [hbm4b:s2+s13], $0x80, s19, s13, $0xb8;
	[tilespmem:$0x11400] =	vst v63  }
0x3d: {  	s6 =	simm.s32 $0x0;
	s19 =	rddreg [dreg:$0x3]  }
.LBB2_2:
0x3e: {  	_ =	swait.ge [sflag:s21], $0x2000  }
0x3f: {  	s7 =	sadd.s32 s19, s11;
	[sflag:s21] =	ssyncset.done $0x0  }
0x40: {  	s12 =	simm.s32 $0x1400;
	p0 =	seq.s32 s6, $0x0;
	[sflag:s21] =	ssyncadd.s32 $0xFFFFE000  }
0x41: {  	[hbm4b:s7+s3] =	stream.linear.scatter [tilespmem:s12], [sflag:$0x9], $0x2000, $0x38;
	[tilespmem:$0x11400] =	vst v63  }
0x42: {  	s12 =	simm.s32 @!p0 $0xD  }
0x43: {  	_ =	swait.ge @!p0 [sflag:s12], $0x2000  }
0x44: {  	s7 =	sshra.s32 s6, $0x2;
	[sflag:s12] =	ssyncset.done @!p0 $0x0  }
0x45: {  	s16 =	sadd.s32 $0x200, s7;
	[sflag:s12] =	ssyncadd.s32 @!p0 $0xFFFFE000  }
0x46: {  	[tilespmem:s22], [sflag:$0x5] =	stream.indirect.gather [hbm4b:s2+s13], $0x80, s16, s13, $0xb8;
	[tilespmem:$0x11400] =	vst v63  }
0x47: {  	_ =	swait.ge [sflag:s23], $0x2000  }
0x48: {  	s12 =	sadd.s32 s19, s5;
	[sflag:s23] =	ssyncset.done $0x0  }
0x49: {  	s14 =	simm.s32 $0x3400;
	s15 =	sadd.s32 $0x400, s12;
	[sflag:s23] =	ssyncadd.s32 $0xFFFFE000  }
0x4a: {  	[hbm4b:s15+s3] =	stream.linear.scatter [tilespmem:s14], [sflag:$0xA], $0x2000, $0x38;
	[tilespmem:$0x11400] =	vst v63  }
0x4b: {  	s15 =	simm.s32 @!p0 $0xE  }
0x4c: {  	_ =	swait.ge @!p0 [sflag:s15], $0x2000  }
0x4d: {  	[sflag:s15] =	ssyncset.done @!p0 $0x0  }
0x4e: {  	s17 =	sadd.s32 $0x280, s7;
	[sflag:s15] =	ssyncadd.s32 @!p0 $0xFFFFE000  }
0x4f: {  	[tilespmem:s24], [sflag:$0x6] =	stream.indirect.gather [hbm4b:s2+s13], $0x80, s17, s13, $0xb8;
	[tilespmem:$0x11400] =	vst v63  }
0x50: {  	_ =	swait.ge [sflag:s25], $0x2000  }
0x51: {  	[sflag:s25] =	ssyncset.done $0x0  }
0x52: {  	s14 =	sadd.s32 s19, s8;
	s15 =	simm.s32 @!p0 $0xF;
	[sflag:s25] =	ssyncadd.s32 $0xFFFFE000  }
0x53: {  	[hbm4b:s14+s3] =	stream.linear.scatter [tilespmem:s18], [sflag:$0xB], $0x2000, $0x38;
	[tilespmem:$0x11400] =	vst v63  }
0x54: {  	_ =	swait.ge @!p0 [sflag:s15], $0x2000  }
0x55: {  	[sflag:s15] =	ssyncset.done @!p0 $0x0  }
0x56: {  	s16 =	sadd.s32 $0x300, s7;
	[sflag:s15] =	ssyncadd.s32 @!p0 $0xFFFFE000  }
0x57: {  	[tilespmem:s26], [sflag:$0x7] =	stream.indirect.gather [hbm4b:s2+s13], $0x80, s16, s13, $0xb8;
	[tilespmem:$0x11400] =	vst v63  }
0x58: {  	_ =	swait.ge [sflag:s28], $0x2000  }
0x59: {  	[sflag:s28] =	ssyncset.done $0x0  }
0x5a: {  	s17 =	sadd.s32 $0xC00, s12;
	s15 =	simm.s32 @!p0 $0x10;
	[sflag:s28] =	ssyncadd.s32 $0xFFFFE000  }
0x5b: {  	[hbm4b:s17+s3] =	stream.linear.scatter [tilespmem:s20], [sflag:$0xC], $0x2000, $0x38;
	[tilespmem:$0x11400] =	vst v63  }
0x5c: {  	_ =	swait.ge @!p0 [sflag:s15], $0x2000  }
0x5d: {  	[sflag:s15] =	ssyncset.done @!p0 $0x0  }
0x5e: {  	s14 =	sadd.s32 $0x380, s7;
	[sflag:s15] =	ssyncadd.s32 @!p0 $0xFFFFE000  }
0x5f: {  	[tilespmem:s29], [sflag:$0x8] =	stream.indirect.gather [hbm4b:s2+s13], $0x80, s14, s13, $0xb8;
	[tilespmem:$0x11400] =	vst v63  }
0x60: {  	_ =	swait.ge [sflag:s30], $0x2000  }
0x61: {  	p0 =	seq.s32 s6, $0x4000;
	[sflag:s30] =	ssyncset.done $0x0  }
0x62: {  	s16 =	sadd.s32 s19, s10;
	s15 =	simm.s32 @!p0 $0x9;
	[sflag:s30] =	ssyncadd.s32 $0xFFFFE000  }
0x63: {  	[hbm4b:s16+s3] =	stream.linear.scatter [tilespmem:s22], [sflag:$0xD], $0x2000, $0x38;
	[tilespmem:$0x11400] =	vst v63  }
0x64: {  	_ =	swait.ge @!p0 [sflag:s15], $0x2000  }
0x65: {  	[sflag:s15] =	ssyncset.done @!p0 $0x0  }
0x66: {  	[sflag:s15] =	ssyncadd.s32 @!p0 $0xFFFFE000;
	s15 =	sshra.s32 @!p0 s6, $0x2  }
0x67: {  	s14 =	simm.s32 @!p0 $0x40;
	s16 =	simm.s32 @!p0 $0x1400;
	s17 =	sadd.s32 @!p0 $0x400, s15  }
0x68: {  	[tilespmem:s16], [sflag:$0x1] =	stream.indirect.gather @!p0 [hbm4b:s2+s14], $0x80, s17, s14, $0xb8;
	[tilespmem:$0x11400] =	vst v63  }
0x69: {  	_ =	swait.ge [sflag:s31], $0x2000  }
0x6a: {  	[sflag:s31] =	ssyncset.done $0x0  }
0x6b: {  	s17 =	sadd.s32 $0x1400, s12;
	s16 =	simm.s32 @!p0 $0xA;
	[sflag:s31] =	ssyncadd.s32 $0xFFFFE000  }
0x6c: {  	[hbm4b:s17+s3] =	stream.linear.scatter [tilespmem:s24], [sflag:$0xE], $0x2000, $0x38;
	[tilespmem:$0x11400] =	vst v63  }
0x6d: {  	_ =	swait.ge @!p0 [sflag:s16], $0x2000  }
0x6e: {  	[sflag:s16] =	ssyncset.done @!p0 $0x0  }
0x6f: {  	s17 =	simm.s32 @!p0 $0x3400;
	[sflag:s16] =	ssyncadd.s32 @!p0 $0xFFFFE000;
	s16 =	sadd.s32 @!p0 $0x480, s15  }
0x70: {  	[tilespmem:s17], [sflag:$0x2] =	stream.indirect.gather @!p0 [hbm4b:s2+s14], $0x80, s16, s14, $0xb8;
	[tilespmem:$0x11400] =	vst v63  }
0x71: {  	_ =	swait.ge [sflag:s1], $0x2000  }
0x72: {  	[sflag:s1] =	ssyncset.done $0x0  }
0x73: {  	s17 =	sadd.s32 s19, s9;
	s16 =	simm.s32 @!p0 $0xB;
	[sflag:s1] =	ssyncadd.s32 $0xFFFFE000  }
0x74: {  	[hbm4b:s17+s3] =	stream.linear.scatter [tilespmem:s26], [sflag:$0xF], $0x2000, $0x38;
	[tilespmem:$0x11400] =	vst v63  }
0x75: {  	_ =	swait.ge @!p0 [sflag:s16], $0x2000  }
0x76: {  	[sflag:s16] =	ssyncset.done @!p0 $0x0  }
0x77: {  	s15 =	sadd.s32 @!p0 $0x500, s15;
	[sflag:s16] =	ssyncadd.s32 @!p0 $0xFFFFE000;
	s16 =	simm.s32 @!p0 $0x5400  }
0x78: {  	[tilespmem:s16], [sflag:$0x3] =	stream.indirect.gather @!p0 [hbm4b:s2+s14], $0x80, s15, s14, $0xb8;
	[tilespmem:$0x11400] =	vst v63  }
.Ltmp2:
0x79: {  	_ = 	snop;
	(pc) =	sbr.rel @p0 .LBB2_4-.Ltmp2, $4  }
0x7a: {  	_ =	swait.ge [sflag:s0], $0x2000  }
0x7b: {  	[sflag:s0] =	ssyncset.done $0x0  }
0x7c: {  	s12 =	sadd.s32 $0x1C00, s12;
	[sflag:s0] =	ssyncadd.s32 $0xFFFFE000  }
0x7d: {  	[hbm4b:s12+s3] =	stream.linear.scatter [tilespmem:s29], [sflag:$0x10], $0x2000, $0x38;
	[tilespmem:$0x11400] =	vst v63  }
.Ltmp3:
0x7e: {  	(pc) =	sbr.rel .LBB2_2-.Ltmp3, $4  }
0x7f: {  	_ =	swait.ge [sflag:s4], $0x2000  }
0x80: {  	s7 =	sadd.s32 $0x580, s7;
	[sflag:s4] =	ssyncset.done $0x0  }
0x81: {  	s6 =	sadd.s32 $0x1000, s6;
	s19 =	sadd.s32 $0x2000, s19;
	[sflag:s4] =	ssyncadd.s32 $0xFFFFE000  }
0x82: {  	[tilespmem:s20], [sflag:$0x4] =	stream.indirect.gather [hbm4b:s2+s13], $0x80, s7, s13, $0xb8;
	[tilespmem:$0x11400] =	vst v63  }
.LBB2_5:
0x83: {  	_ =	sfence.sel $0x180000  }
0x84: {  	[bflag:$0x0] =	sbarrier.arrive $0xFFFF  }
0x85: {  	_ =	strace $0x9000004D  }
0x86: {  	s0 =	stileid.u32;
	[bflag:$0x2] =	sbarrier.arrive $0xFFFF  }
0x87: {  	p0 =	sne.s32 s0, $0x0;
	s0 =	rddreg [dreg:$0x2]  }
0x88: {  	s0 =	sadd.s32 @!p0 $0x100000, s0  }
0x89: {  	[sflag:s0] =	ssyncadd.tile.s32 @!p0 $0x1;
	_ =	shalt  }
.Lfunc_end2:
_tile_overlayer_lowered:
.L_overlay_start_2:
0x8a: {  	(tag) =	ssettag $0x2  }
0x8b: {  	s0 =	rddreg [dreg:$0x0];
	s2 =	stileid.u32  }
0x8c: {  	s1 =	rddreg [dreg:$0x1];
	p0 =	sne.s32 s2, $0x0  }
0x8d: {  	s3 =	rddreg [dreg:$0x2];
	[bflag:$0x3] =	sbarrier.arrive $0xFFFF;
	s2 =	simm.s32 @!p0 $0x1C11  }
0x8e: {  	[timem:s3], [sflag:s2] =	dma.local @!p0 [hbm:s0], s1  }
0x8f: {  	s0 =	simm.s32 @!p0 $0x11  }
0x90: {  	_ =	swait.ge @!p0 [sflag:s0], s1  }
0x91: {  	s1 =	ssub.s32 @!p0 $0x0, s1;
	[sflag:s0] =	ssyncset.done @!p0 $0x0  }
0x92: {  	[sflag:s0] =	ssyncadd.s32 @!p0 s1  }
0x93: {  	[bflag:$0x3] =	sbarrier.arrive $0xFFFF  }
0x94: {  	_ =	shalt  }

// kernel: kernel.17.cloned.1.call-start
scs
__scs_entry_jumppad:
0x0: {  	(pc) =	sbr.rel $0x88, $3  }
0x1: {  	(tag) =	ssettag $0x0;
	lr =	simm.s32 $0x1  }
0x2: {  	[smem:$0x3F95] =	sst lr;
	_ =	strace $0xD0000000  }
0x3: {  	_ = 	snop  }
0x4: {  	_ = 	snop  }
0x5: {  	_ = 	snop  }
0x6: {  	_ = 	snop  }
0x7: {  	_ = 	snop  }
__scs_overlays_trampoline_lowered:
0x8: {  	[smem:$0x3FA4] =	sst s0  }
0x9: {  	[smem:$0x3FA5] =	sst s1  }
0xa: {  	[smem:$0x3FA6] =	sst s2  }
0xb: {  	[smem:$0x3FA7] =	sst s3  }
0xc: {  	[smem:$0x3FA8] =	sst s4  }
0xd: {  	[smem:$0x3FA9] =	sst s5  }
0xe: {  	[smem:$0x3FAA] =	sst s6  }
0xf: {  	[smem:$0x3FAB] =	sst s7  }
0x10: {  	[smem:$0x3FAC] =	sst s8  }
0x11: {  	[smem:$0x3FAD] =	sst s9;
	s0 =	simm.s32 @!p0 $0x0  }
0x12: {  	s1 =	sld [smem:$0x3F93];
	s0 =	simm.s32 @p0 $0x1  }
0x13: {  	[smem:$0x3FAE] =	sst s0;
	s0 =	simm.s32 @!p1 $0x0  }
0x14: {  	s2 =	sld [smem:$0x3F92];
	s0 =	simm.s32 @p1 $0x1  }
0x15: {  	[smem:$0x3FAF] =	sst s0;
	s0 =	simm.s32 @!p2 $0x0  }
0x16: {  	s3 =	sld [smem:$0x3FDB];
	s0 =	simm.s32 @p2 $0x1  }
0x17: {  	s4 =	simm.s32 $0x1BF5;
	[smem:$0x3FB1] =	sst s0  }
0x18: {  	s0 =	sld [smem:$0x3F94];
	_ =	swait.ge [sflag:s4], $0x0  }
0x19: {  	s7 =	sld [smem:$0x3F95]  }
0x1a: {  	s8 =	sadd.s32 $0xFFFFE003, lr  }
0x1b: {  	s9 =	sadd.s32 $0xFFFFFEF7, lr;
	s5 =	simm.s32 $0xFFFFFFFF;
	p2 =	slt.u32 s8, $0xFFFFF086  }
0x1c: {  	p1 =	slt.u32 s9, $0xF7A;
	s5 =	simm.s32 @!p2 $0x0  }
0x1d: {  	s5 =	simm.s32 @p1 $0x1;
	p0 =	seq.s32 s7, s2  }
0x1e: {  	s7 =	smul.u32 @!p0 $0xF7A, s2;
	p2 =	seq.s32 @!p0 s5, $0x0  }
0x1f: {  	s9 =	smul.u32 $0xF7A, s1;
	s8 =	simm.s32 @!p0 $0x1BF5;
	p2 =	por !p2, p0  }
0x20: {  	[sflag:s8] =	ssyncset.s32 @!p0 $0xFFFFF086;
	s6 =	sadd.s32 @!p0 s3, s7;
	s7 =	simm.s32 @!p0 $0x108  }
0x21: {  	s3 =	sadd.s32 s3, s9;
	s6 =	sadd.s32 @!p0 $0x88, s6;
	s7 =	simm.s32 @p2 $0x1082  }
0x22: {  	[simem:s7], [sflag:s8] =	dma.local @!p0 [hbm:s6], $0xF7A  }
0x23: {  	s9 =	sor.u32 $0xD0000000, s2;
	s6 =	simm.s32 $0x108;
	_ =	swait.ge @!p0 [sflag:s8], $0x0  }
0x24: {  	s3 =	sadd.s32 $0x88, s3;
	s6 =	simm.s32 @!p1 $0x1082;
	[sflag:s4] =	ssyncset.s32 $0xFFFFF086  }
0x25: {  	[simem:s6], [sflag:s4] =	dma.local [hbm:s3], $0xF7A  }
0x26: {  	[smem:$0x3F95] =	sst s1;
	(tag) =	ssettag s2;
	_ =	strace s9  }
0x27: {  	s1 =	sld [smem:$0x3FA5]  }
0x28: {  	s2 =	sld [smem:$0x3FA6]  }
0x29: {  	s4 =	sld [smem:$0x3FA8]  }
0x2a: {  	p0 =	seq.s32 s5, $0x0;
	s5 =	sld [smem:$0x3FA9]  }
0x2b: {  	s6 =	sld [smem:$0x3FAA]  }
0x2c: {  	s7 =	sld [smem:$0x3FAB]  }
0x2d: {  	s3 =	simm.s32 $0x108;
	s8 =	sld [smem:$0x3FAC]  }
0x2e: {  	s3 =	simm.s32 @!p0 $0x1082;
	s9 =	sld [smem:$0x3FAD]  }
0x2f: {  	lr =	sadd.s32 s0, s3;
	s0 =	sld [smem:$0x3FA4]  }
0x30: {  	s3 =	sld [smem:$0x3FA7]  }
0x31: {  	[smem:$0x3FB0] =	sst s10  }
0x32: {  	s10 =	sld [smem:$0x3FAE];
	_ =	sdelay $0x3  }
0x33: {  	p0 =	seq.s32 s10, $0x1;
	s10 =	sld [smem:$0x3FB0];
	_ =	sdelay $0x3  }
0x34: {  	[smem:$0x3FB0] =	sst s10  }
0x35: {  	s10 =	sld [smem:$0x3FAF];
	_ =	sdelay $0x3  }
0x36: {  	p1 =	seq.s32 s10, $0x1;
	s10 =	sld [smem:$0x3FB0];
	_ =	sdelay $0x3  }
0x37: {  	[smem:$0x3FB0] =	sst s10  }
0x38: {  	s10 =	sld [smem:$0x3FB1]  }
0x39: {  	_ = 	snop;
	(pc) =	sbr.ind lr, $3  }
0x3a: {  	_ = 	snop  }
0x3b: {  	_ = 	snop  }
0x3c: {  	p2 =	seq.s32 s10, $0x1;
	s10 =	sld [smem:$0x3FB0]  }
0x3d: {  	_ =	shalt  }
0x3e: {  	_ =	shalt  }
0x3f: {  	_ =	shalt  }
0x40: {  	_ =	shalt  }
0x41: {  	_ =	shalt  }
0x42: {  	_ =	shalt  }
0x43: {  	_ =	shalt  }
0x44: {  	_ =	shalt  }
0x45: {  	_ =	shalt  }
0x46: {  	_ =	shalt  }
0x47: {  	_ =	shalt  }
0x48: {  	_ =	shalt  }
0x49: {  	_ =	shalt  }
0x4a: {  	_ =	shalt  }
0x4b: {  	_ =	shalt  }
0x4c: {  	_ =	shalt  }
0x4d: {  	_ =	shalt  }
0x4e: {  	_ =	shalt  }
0x4f: {  	_ =	shalt  }
0x50: {  	_ =	shalt  }
0x51: {  	_ =	shalt  }
0x52: {  	_ =	shalt  }
0x53: {  	_ =	shalt  }
0x54: {  	_ =	shalt  }
0x55: {  	_ =	shalt  }
0x56: {  	_ =	shalt  }
0x57: {  	_ =	shalt  }
0x58: {  	_ =	shalt  }
0x59: {  	_ =	shalt  }
0x5a: {  	_ =	shalt  }
0x5b: {  	_ =	shalt  }
0x5c: {  	_ =	shalt  }
0x5d: {  	_ =	shalt  }
0x5e: {  	_ =	shalt  }
0x5f: {  	_ =	shalt  }
0x60: {  	_ =	shalt  }
0x61: {  	_ =	shalt  }
0x62: {  	_ =	shalt  }
0x63: {  	_ =	shalt  }
0x64: {  	_ =	shalt  }
0x65: {  	_ =	shalt  }
0x66: {  	_ =	shalt  }
0x67: {  	_ =	shalt  }
0x68: {  	_ =	shalt  }
0x69: {  	_ =	shalt  }
0x6a: {  	_ =	shalt  }
0x6b: {  	_ =	shalt  }
0x6c: {  	_ =	shalt  }
0x6d: {  	_ =	shalt  }
0x6e: {  	_ =	shalt  }
0x6f: {  	_ =	shalt  }
0x70: {  	_ =	shalt  }
0x71: {  	_ =	shalt  }
0x72: {  	_ =	shalt  }
0x73: {  	_ =	shalt  }
0x74: {  	_ =	shalt  }
0x75: {  	_ =	shalt  }
0x76: {  	_ =	shalt  }
0x77: {  	_ =	shalt  }
0x78: {  	_ =	shalt  }
0x79: {  	_ =	shalt  }
0x7a: {  	_ =	shalt  }
0x7b: {  	_ =	shalt  }
0x7c: {  	_ =	shalt  }
0x7d: {  	_ =	shalt  }
0x7e: {  	_ =	shalt  }
0x7f: {  	_ =	shalt  }
0x80: {  	_ =	shalt  }
0x81: {  	_ =	shalt  }
0x82: {  	_ =	shalt  }
0x83: {  	_ =	shalt  }
0x84: {  	_ =	shalt  }
0x85: {  	_ =	shalt  }
0x86: {  	_ =	shalt  }
0x87: {  	_ =	shalt  }
.Lfunc_end0:
.L_simem_size_0:
called_computation.2_lowered:
.L_overlay_start_0:
0x88: {  	s2 =	sld [smem:$0x3FD9]  }
0x89: {  	s3 =	sld [smem:$0x3FFE];
	_ =	sdelay $0x1  }
0x8a: {  	s1 =	srdreg.scid  }
0x8b: {  	s0 =	sand.u32 $0x1, s1  }
0x8c: {  	s17 =	sshll.u32 s0, $0xA;
	s2 =	sadd.s32 s3, s2  }
0x8d: {  	s2 =	sadd.s32 s2, s17  }
0x8e: {  	[smem:$0x3FBC] =	sst s2  }
0x8f: {  	_ = 	snop  }
0x90: {  	s18 =	sld [smem:$0x3FD0];
	(tm) =	ssettm $0x1  }
0x91: {  	s19 =	sld [smem:$0x3FFB];
	_ =	sdelay $0x3  }
0x92: {  	_ =	strace s19  }
0x93: {  	s2 =	sld [smem:$0x3FFC];
	_ =	sdelay $0x3  }
0x94: {  	_ =	strace s2  }
0x95: {  	s2 =	sld [smem:$0x3FFD];
	_ =	sdelay $0x3  }
0x96: {  	_ =	strace s2  }
0x97: {  	_ =	strace $0x8FFFFFFF  }
0x98: {  	s20 =	sld [smem:$0x3FDB];
	_ =	sdelay $0x1  }
0x99: {  	s4 =	simm.s32 $_scs_section_size  }
0x9a: {  	s5 =	simm.s32 $_size__tile_overlayer_lowered;
	s6 =	simm.s32 $_tile_overlayer_lowered  }
0x9b: {  	s7 =	simm.s32 $0x1BFF;
	s21 =	sshll.u32 s6, $0x1;
	s4 =	sadd.s32 s4, s20  }
0x9c: {  	s22 =	simm.s32 $0x0;
	s5 =	sshll.u32 s5, $0x1;
	s6 =	sadd.s32 s21, s4  }
0x9d: {  	[timem:s22], [sflag:s7] =	dma.local [hbm:s6], s5  }
0x9e: {  	_ =	swait.ge [sflag:s7], s5  }
0x9f: {  	s5 =	ssub.s32 $0x0, s5;
	[sflag:s7] =	ssyncset.done $0x0  }
0xa0: {  	[sflag:s7] =	ssyncadd.s32 s5;
	_ =	sdelay $0x1  }
0xa1: {  	s23 =	simm.s32 $0x1B8B  }
0xa2: {  	_ =	swait.ge [sflag:s23], $0x1  }
0xa3: {  	[sflag:s23] =	ssyncset.done $0x0  }
0xa4: {  	[sflag:s23] =	ssyncadd.s32 $0xFFFFFFFF  }
0xa5: {  	s5 =	sld [smem:$0x0]  }
0xa6: {  	s6 =	sand.u32 $0xFFFFFFFE, s1  }
0xa7: {  	p0 =	sne.s32 s1, s6  }
0xa8: {  	s6 =	sshll.u32 @p0 s6, $0xE  }
0xa9: {  	s6 =	sadd.s32 @p0 $0x11B8D, s6;
	s7 =	sshll.u32 @p0 s5, $0x11  }
0xaa: {  	s6 =	sor.u32 @p0 s7, s6  }
0xab: {  	[sflag:s6] =	ssyncadd.remote.s32 @p0 $0x1;
	_ =	sdelay $0x1  }
0xac: {  	s6 =	simm.s32 @p0 $0x1B8D  }
0xad: {  	_ =	swait.eq @p0 [sflag:s6], $0x1  }
0xae: {  	[sflag:s6] =	ssyncadd.s32 @p0 $0xFFFFFFFF  }
0xaf: {  	s7 =	sshll.u32 @!p0 s1, $0xE  }
0xb0: {  	s7 =	sor.u32 @!p0 $0x4000, s7;
	s6 =	simm.s32 @!p0 $0x1B8D  }
0xb1: {  	s5 =	sshll.u32 @!p0 s5, $0x11;
	s7 =	sadd.s32 @!p0 $0x11B8D, s7;
	_ =	swait.eq @!p0 [sflag:s6], $0x1  }
0xb2: {  	s5 =	sor.u32 @!p0 s5, s7;
	[sflag:s6] =	ssyncadd.s32 @!p0 $0xFFFFFFFF  }
0xb3: {  	s25 =	simm.s32 $0x1B8E;
	s24 =	sld [smem:$0x3FFE];
	[sflag:s5] =	ssyncadd.remote.s32 @!p0 $0x1  }
0xb4: {  	s26 =	simm.s32 $execute0_lowered;
	[smem:$0x3FD2] =	sst s25  }
0xb5: {  	s6 =	sshll.u32 s26, $0x1;
	_ =	strace $0x80000049;
	[dreg:$0x1] =	wrdreg $0xFFFFFFFF  }
0xb6: {  	s28 =	simm.s32 $_size_execute0_lowered;
	s4 =	sadd.s32 s4, s6;
	[dreg:$0x0] =	wrdreg $0x0  }
0xb7: {  	s6 =	sshll.u32 s28, $0x1;
	[dreg:$0x2] =	wrdreg s4  }
0xb8: {  	[dreg:$0x3] =	wrdreg s6  }
0xb9: {  	[dreg:$0x4] =	wrdreg $0xC0  }
0xba: {  	_ =	task [dreg:s22], $0x5FFFF  }
0xbb: {  	[dreg:$0x1] =	wrdreg $0xFFFFFFFF  }
0xbc: {  	[dreg:$0x0] =	wrdreg $0x60  }
0xbd: {  	[dreg:$0x2] =	wrdreg s18  }
0xbe: {  	[dreg:$0x3] =	wrdreg s24  }
0xbf: {  	[dreg:$0x4] =	wrdreg $0xB  }
0xc0: {  	_ =	task.clear_ibuf [dreg:s22], $0x5FFFF;
	_ =	strace $0x90000049  }
0xc1: {  	s29 =	simm.s32 $0xB;
	_ =	strace $0x8000004B  }
0xc2: {  	_ =	swait.ge [sflag:s29], $0x1  }
0xc3: {  	[sflag:s29] =	ssyncadd.s32 $0xFFFFFFFF  }
0xc4: {  	_ =	strace $0x9000004B  }
0xc5: {  	_ =	sfence  }
0xc6: {  	s30 =	sld [smem:$0x0];
	_ =	sdelay $0x2  }
0xc7: {  	s31 =	sshll.u32 s1, $0xD;
	s1 =	sshrl.u32 s1, $0x2  }
0xc8: {  	s4 =	sand.u32 $0x4000, s31;
	s1 =	sadd.s32 s1, s30  }
0xc9: {  	s0 =	sor.u32 s4, s0;
	s1 =	sshll.u32 s1, $0x11  }
0xca: {  	s0 =	sor.u32 s1, s0  }
0xcb: {  	s0 =	sadd.s32 $0x8F2B, s0  }
0xcc: {  	[sflag:s0] =	ssyncadd.remote.s32 $0x1  }
0xcd: {  	_ =	sfence.sel $0xFFFF  }
0xce: {  	[dreg:$0x0] =	wrdreg $0xFFFFFFFF;
	(pc) =	sbr.abs _section_cstart, $3  }
0xcf: {  	[dreg:$0x1] =	wrdreg $0xFFFFFFFF  }
0xd0: {  	_ =	task.clear_ibuf [dreg:s22], $0x2FFFF;
	_ =	strace $0x9FFFFFFF  }
0xd1: {  	(tm) =	ssettm $0x7FFFFFFF  }
tec
execute0_lowered:
.L_overlay_start_1:
0x0: {  	(tag) =	ssettag $0x1  }
0x1: {  	s0 =	srdreg.scid;
	s2 =	rddreg [dreg:$0x0]  }
0x2: {  	s8 =	stileid.u32;
	s4 =	rddreg [dreg:$0x1]  }
0x3: {  	s3 =	simm.s32 $0x0;
	s13 =	simm.s32 $0x40;
	s18 =	simm.s32 $0x5400  }
0x4: {  	s20 =	simm.s32 $0x7400;
	s21 =	simm.s32 $0x1;
	s22 =	simm.s32 $0x9400  }
0x5: {  	s23 =	simm.s32 $0x2;
	s28 =	simm.s32 $0x4;
	s29 =	simm.s32 $0xF400  }
0x6: {  	s30 =	simm.s32 $0x5;
	s31 =	simm.s32 $0x6;
	s5 =	smul.u32 $0x50, s8  }
0x7: {  	s12 =	simm.s32 $0x0;
	s0 =	sand.u32 $0x1, s0;
	s25 =	smul.u32 $0x14000, s8  }
0x8: {  	s1 =	sshll.u32 s8, $0x1;
	[smem:$0x7FF] =	sst s3;
	s6 =	smul.u32 $0x28, s0  }
0x9: {  	s1 =	sor.u32 s0, s1;
	s24 =	ssub.s32 $0x2, s0;
	s0 =	smul.u32 $0xA000, s0  }
0xa: {  	_ =	strace $0x8000004A;
	s1 =	smul.u32 $0x280, s1;
	s7 =	sshrl.u32 s24, $0x1  }
0xb: {  	s5 =	sadd.s32 s6, s5;
	s11 =	sadd.s32 s0, s25;
	s25 =	simm.s32 $0x3  }
0xc: {  	s0 =	simm.s32 $0x8;
	s1 =	sadd.s32 s1, s4;
	s4 =	sadd.s32 $0x17B600, s4  }
.Ltmp0:
0xd: {  	s5 =	sshll.u32 s5, $0xA;
	[dreg:$0x3] =	wrdreg s4;
	(pc) =	sbr.rel .LBB2_1-.Ltmp0, $4  }
0xe: {  	s4 =	ssub.s32 s24, s7;
	s1 =	sadd.s32 $0x9600, s1;
	s8 =	sor.u32 $0x800, s5  }
0xf: {  	s9 =	sor.u32 $0x1800, s5;
	s10 =	sor.u32 $0x1000, s5;
	s24 =	simm.s32 $0xB400  }
0x10: {  	[dreg:$0x4] =	wrdreg s1;
	s26 =	smax.u32 s4, $0x1;
	s1 =	simm.s32 $0x7  }
0x11: {  	s4 =	simm.s32 $0xC;
	[dreg:$0x5] =	wrdreg s26;
	s26 =	simm.s32 $0xD400  }
.LBB2_4:
0x12: {  	s6 =	simm.s32 $0x9  }
0x13: {  	_ =	swait.ge [sflag:s6], $0x2000  }
0x14: {  	[sflag:s6] =	ssyncset.done $0x0  }
0x15: {  	s12 =	simm.s32 $0xA;
	[sflag:s6] =	ssyncadd.s32 $0xFFFFE000  }
0x16: {  	_ =	swait.ge [sflag:s12], $0x2000  }
0x17: {  	[sflag:s12] =	ssyncset.done $0x0  }
0x18: {  	s14 =	simm.s32 $0xB;
	[sflag:s12] =	ssyncadd.s32 $0xFFFFE000  }
0x19: {  	_ =	swait.ge [sflag:s14], $0x2000  }
0x1a: {  	[sflag:s14] =	ssyncset.done $0x0  }
0x1b: {  	[sflag:s14] =	ssyncadd.s32 $0xFFFFE000  }
0x1c: {  	_ =	swait.ge [sflag:s4], $0x2000  }
0x1d: {  	[sflag:s4] =	ssyncset.done $0x0  }
0x1e: {  	s15 =	simm.s32 $0xD;
	[sflag:s4] =	ssyncadd.s32 $0xFFFFE000  }
0x1f: {  	_ =	swait.ge [sflag:s15], $0x2000  }
0x20: {  	[sflag:s15] =	ssyncset.done $0x0  }
0x21: {  	s16 =	simm.s32 $0xE;
	[sflag:s15] =	ssyncadd.s32 $0xFFFFE000  }
0x22: {  	_ =	swait.ge [sflag:s16], $0x2000  }
0x23: {  	[sflag:s16] =	ssyncset.done $0x0  }
0x24: {  	s17 =	simm.s32 $0xF;
	[sflag:s16] =	ssyncadd.s32 $0xFFFFE000  }
0x25: {  	_ =	swait.ge [sflag:s17], $0x2000  }
0x26: {  	[sflag:s17] =	ssyncset.done $0x0  }
0x27: {  	s7 =	simm.s32 $0x10;
	[sflag:s17] =	ssyncadd.s32 $0xFFFFE000  }
0x28: {  	_ =	swait.ge [sflag:s7], $0x2000  }
0x29: {  	s12 =	rddreg [dreg:$0x6]  }
0x2a: {  	s19 =	rddreg [dreg:$0x5];
	s12 =	sadd.s32 $0x1, s12  }
0x2b: {  	p0 =	sne.s32 s12, s19  }
.Ltmp1:
0x2c: {  	_ = 	snop;
	(pc) =	sbr.rel @!p0 .LBB2_5-.Ltmp1, $3  }
0x2d: {  	_ =	sdelay $0x1  }
0x2e: {  	[sflag:s7] =	ssyncset.done $0x0  }
0x2f: {  	[sflag:s7] =	ssyncadd.s32 $0xFFFFE000  }
.LBB2_1:
0x30: {  	[dreg:$0x6] =	wrdreg s12  }
0x31: {  	s6 =	rddreg [dreg:$0x4];
	s14 =	simm.s32 $0x11  }
0x32: {  	[tilespmem:s3], [sflag:$0x11] =	stream.linear.gather [hbm4b:s6+s3], $0x1400, $0x38;
	[tilespmem:$0x11400] =	vst v63  }
0x33: {  	_ =	swait.ge [sflag:s14], $0x1400  }
0x34: {  	[sflag:s14] =	ssyncset.done $0x0  }
0x35: {  	s15 =	simm.s32 $0x1400;
	[sflag:s14] =	ssyncadd.s32 $0xFFFFEC00  }
0x36: {  	[tilespmem:s15], [sflag:$0x1] =	stream.indirect.gather [hbm4b:s2+s13], $0x80, s3, s13, $0xb8;
	[tilespmem:$0x11400] =	vst v63  }
0x37: {  	s16 =	simm.s32 $0x80;
	s7 =	simm.s32 $0x3400  }
0x38: {  	[tilespmem:s7], [sflag:$0x2] =	stream.indirect.gather [hbm4b:s2+s13], $0x80, s16, s13, $0xb8;
	[tilespmem:$0x11400] =	vst v63  }
0x39: {  	s17 =	simm.s32 $0x100  }
0x3a: {  	[tilespmem:s18], [sflag:$0x3] =	stream.indirect.gather [hbm4b:s2+s13], $0x80, s17, s13, $0xb8;
	[tilespmem:$0x11400] =	vst v63  }
0x3b: {  	s19 =	simm.s32 $0x180  }
0x3c: {  	[tilespmem:s20], [sflag:$0x4] =	stream.indirect.gather [hbm4b:s2+s13], $0x80, s19, s13, $0xb8;
	[tilespmem:$0x11400] =	vst v63  }
0x3d: {  	s6 =	simm.s32 $0x0;
	s19 =	rddreg [dreg:$0x3]  }
.LBB2_2:
0x3e: {  	_ =	swait.ge [sflag:s21], $0x2000  }
0x3f: {  	s7 =	sadd.s32 s19, s11;
	[sflag:s21] =	ssyncset.done $0x0  }
0x40: {  	s12 =	simm.s32 $0x1400;
	p0 =	seq.s32 s6, $0x0;
	[sflag:s21] =	ssyncadd.s32 $0xFFFFE000  }
0x41: {  	[hbm4b:s7+s3] =	stream.linear.scatter [tilespmem:s12], [sflag:$0x9], $0x2000, $0x38;
	[tilespmem:$0x11400] =	vst v63  }
0x42: {  	s12 =	simm.s32 @!p0 $0xD  }
0x43: {  	_ =	swait.ge @!p0 [sflag:s12], $0x2000  }
0x44: {  	s7 =	sshra.s32 s6, $0x2;
	[sflag:s12] =	ssyncset.done @!p0 $0x0  }
0x45: {  	s16 =	sadd.s32 $0x200, s7;
	[sflag:s12] =	ssyncadd.s32 @!p0 $0xFFFFE000  }
0x46: {  	[tilespmem:s22], [sflag:$0x5] =	stream.indirect.gather [hbm4b:s2+s13], $0x80, s16, s13, $0xb8;
	[tilespmem:$0x11400] =	vst v63  }
0x47: {  	_ =	swait.ge [sflag:s23], $0x2000  }
0x48: {  	s12 =	sadd.s32 s19, s5;
	[sflag:s23] =	ssyncset.done $0x0  }
0x49: {  	s14 =	simm.s32 $0x3400;
	s15 =	sadd.s32 $0x400, s12;
	[sflag:s23] =	ssyncadd.s32 $0xFFFFE000  }
0x4a: {  	[hbm4b:s15+s3] =	stream.linear.scatter [tilespmem:s14], [sflag:$0xA], $0x2000, $0x38;
	[tilespmem:$0x11400] =	vst v63  }
0x4b: {  	s15 =	simm.s32 @!p0 $0xE  }
0x4c: {  	_ =	swait.ge @!p0 [sflag:s15], $0x2000  }
0x4d: {  	[sflag:s15] =	ssyncset.done @!p0 $0x0  }
0x4e: {  	s17 =	sadd.s32 $0x280, s7;
	[sflag:s15] =	ssyncadd.s32 @!p0 $0xFFFFE000  }
0x4f: {  	[tilespmem:s24], [sflag:$0x6] =	stream.indirect.gather [hbm4b:s2+s13], $0x80, s17, s13, $0xb8;
	[tilespmem:$0x11400] =	vst v63  }
0x50: {  	_ =	swait.ge [sflag:s25], $0x2000  }
0x51: {  	[sflag:s25] =	ssyncset.done $0x0  }
0x52: {  	s14 =	sadd.s32 s19, s8;
	s15 =	simm.s32 @!p0 $0xF;
	[sflag:s25] =	ssyncadd.s32 $0xFFFFE000  }
0x53: {  	[hbm4b:s14+s3] =	stream.linear.scatter [tilespmem:s18], [sflag:$0xB], $0x2000, $0x38;
	[tilespmem:$0x11400] =	vst v63  }
0x54: {  	_ =	swait.ge @!p0 [sflag:s15], $0x2000  }
0x55: {  	[sflag:s15] =	ssyncset.done @!p0 $0x0  }
0x56: {  	s16 =	sadd.s32 $0x300, s7;
	[sflag:s15] =	ssyncadd.s32 @!p0 $0xFFFFE000  }
0x57: {  	[tilespmem:s26], [sflag:$0x7] =	stream.indirect.gather [hbm4b:s2+s13], $0x80, s16, s13, $0xb8;
	[tilespmem:$0x11400] =	vst v63  }
0x58: {  	_ =	swait.ge [sflag:s28], $0x2000  }
0x59: {  	[sflag:s28] =	ssyncset.done $0x0  }
0x5a: {  	s17 =	sadd.s32 $0xC00, s12;
	s15 =	simm.s32 @!p0 $0x10;
	[sflag:s28] =	ssyncadd.s32 $0xFFFFE000  }
0x5b: {  	[hbm4b:s17+s3] =	stream.linear.scatter [tilespmem:s20], [sflag:$0xC], $0x2000, $0x38;
	[tilespmem:$0x11400] =	vst v63  }
0x5c: {  	_ =	swait.ge @!p0 [sflag:s15], $0x2000  }
0x5d: {  	[sflag:s15] =	ssyncset.done @!p0 $0x0  }
0x5e: {  	s14 =	sadd.s32 $0x380, s7;
	[sflag:s15] =	ssyncadd.s32 @!p0 $0xFFFFE000  }
0x5f: {  	[tilespmem:s29], [sflag:$0x8] =	stream.indirect.gather [hbm4b:s2+s13], $0x80, s14, s13, $0xb8;
	[tilespmem:$0x11400] =	vst v63  }
0x60: {  	_ =	swait.ge [sflag:s30], $0x2000  }
0x61: {  	p0 =	seq.s32 s6, $0x4000;
	[sflag:s30] =	ssyncset.done $0x0  }
0x62: {  	s16 =	sadd.s32 s19, s10;
	s15 =	simm.s32 @!p0 $0x9;
	[sflag:s30] =	ssyncadd.s32 $0xFFFFE000  }
0x63: {  	[hbm4b:s16+s3] =	stream.linear.scatter [tilespmem:s22], [sflag:$0xD], $0x2000, $0x38;
	[tilespmem:$0x11400] =	vst v63  }
0x64: {  	_ =	swait.ge @!p0 [sflag:s15], $0x2000  }
0x65: {  	[sflag:s15] =	ssyncset.done @!p0 $0x0  }
0x66: {  	[sflag:s15] =	ssyncadd.s32 @!p0 $0xFFFFE000;
	s15 =	sshra.s32 @!p0 s6, $0x2  }
0x67: {  	s14 =	simm.s32 @!p0 $0x40;
	s16 =	simm.s32 @!p0 $0x1400;
	s17 =	sadd.s32 @!p0 $0x400, s15  }
0x68: {  	[tilespmem:s16], [sflag:$0x1] =	stream.indirect.gather @!p0 [hbm4b:s2+s14], $0x80, s17, s14, $0xb8;
	[tilespmem:$0x11400] =	vst v63  }
0x69: {  	_ =	swait.ge [sflag:s31], $0x2000  }
0x6a: {  	[sflag:s31] =	ssyncset.done $0x0  }
0x6b: {  	s17 =	sadd.s32 $0x1400, s12;
	s16 =	simm.s32 @!p0 $0xA;
	[sflag:s31] =	ssyncadd.s32 $0xFFFFE000  }
0x6c: {  	[hbm4b:s17+s3] =	stream.linear.scatter [tilespmem:s24], [sflag:$0xE], $0x2000, $0x38;
	[tilespmem:$0x11400] =	vst v63  }
0x6d: {  	_ =	swait.ge @!p0 [sflag:s16], $0x2000  }
0x6e: {  	[sflag:s16] =	ssyncset.done @!p0 $0x0  }
0x6f: {  	s17 =	simm.s32 @!p0 $0x3400;
	[sflag:s16] =	ssyncadd.s32 @!p0 $0xFFFFE000;
	s16 =	sadd.s32 @!p0 $0x480, s15  }
0x70: {  	[tilespmem:s17], [sflag:$0x2] =	stream.indirect.gather @!p0 [hbm4b:s2+s14], $0x80, s16, s14, $0xb8;
	[tilespmem:$0x11400] =	vst v63  }
0x71: {  	_ =	swait.ge [sflag:s1], $0x2000  }
0x72: {  	[sflag:s1] =	ssyncset.done $0x0  }
0x73: {  	s17 =	sadd.s32 s19, s9;
	s16 =	simm.s32 @!p0 $0xB;
	[sflag:s1] =	ssyncadd.s32 $0xFFFFE000  }
0x74: {  	[hbm4b:s17+s3] =	stream.linear.scatter [tilespmem:s26], [sflag:$0xF], $0x2000, $0x38;
	[tilespmem:$0x11400] =	vst v63  }
0x75: {  	_ =	swait.ge @!p0 [sflag:s16], $0x2000  }
0x76: {  	[sflag:s16] =	ssyncset.done @!p0 $0x0  }
0x77: {  	s15 =	sadd.s32 @!p0 $0x500, s15;
	[sflag:s16] =	ssyncadd.s32 @!p0 $0xFFFFE000;
	s16 =	simm.s32 @!p0 $0x5400  }
0x78: {  	[tilespmem:s16], [sflag:$0x3] =	stream.indirect.gather @!p0 [hbm4b:s2+s14], $0x80, s15, s14, $0xb8;
	[tilespmem:$0x11400] =	vst v63  }
.Ltmp2:
0x79: {  	_ = 	snop;
	(pc) =	sbr.rel @p0 .LBB2_4-.Ltmp2, $4  }
0x7a: {  	_ =	swait.ge [sflag:s0], $0x2000  }
0x7b: {  	[sflag:s0] =	ssyncset.done $0x0  }
0x7c: {  	s12 =	sadd.s32 $0x1C00, s12;
	[sflag:s0] =	ssyncadd.s32 $0xFFFFE000  }
0x7d: {  	[hbm4b:s12+s3] =	stream.linear.scatter [tilespmem:s29], [sflag:$0x10], $0x2000, $0x38;
	[tilespmem:$0x11400] =	vst v63  }
.Ltmp3:
0x7e: {  	(pc) =	sbr.rel .LBB2_2-.Ltmp3, $4  }
0x7f: {  	_ =	swait.ge [sflag:s4], $0x2000  }
0x80: {  	s7 =	sadd.s32 $0x580, s7;
	[sflag:s4] =	ssyncset.done $0x0  }
0x81: {  	s6 =	sadd.s32 $0x1000, s6;
	s19 =	sadd.s32 $0x2000, s19;
	[sflag:s4] =	ssyncadd.s32 $0xFFFFE000  }
0x82: {  	[tilespmem:s20], [sflag:$0x4] =	stream.indirect.gather [hbm4b:s2+s13], $0x80, s7, s13, $0xb8;
	[tilespmem:$0x11400] =	vst v63  }
.LBB2_5:
0x83: {  	_ =	sfence.sel $0x180000  }
0x84: {  	[bflag:$0x0] =	sbarrier.arrive $0xFFFF  }
0x85: {  	_ =	strace $0x9000004A  }
0x86: {  	s0 =	stileid.u32;
	[bflag:$0x2] =	sbarrier.arrive $0xFFFF  }
0x87: {  	p0 =	sne.s32 s0, $0x0;
	s0 =	rddreg [dreg:$0x2]  }
0x88: {  	s0 =	sadd.s32 @!p0 $0x100000, s0  }
0x89: {  	[sflag:s0] =	ssyncadd.tile.s32 @!p0 $0x1;
	_ =	shalt  }
.Lfunc_end2:
_tile_overlayer_lowered:
.L_overlay_start_2:
0x8a: {  	(tag) =	ssettag $0x2  }
0x8b: {  	s0 =	rddreg [dreg:$0x0];
	s2 =	stileid.u32  }
0x8c: {  	s1 =	rddreg [dreg:$0x1];
	p0 =	sne.s32 s2, $0x0  }
0x8d: {  	s3 =	rddreg [dreg:$0x2];
	[bflag:$0x3] =	sbarrier.arrive $0xFFFF;
	s2 =	simm.s32 @!p0 $0x1C11  }
0x8e: {  	[timem:s3], [sflag:s2] =	dma.local @!p0 [hbm:s0], s1  }
0x8f: {  	s0 =	simm.s32 @!p0 $0x11  }
0x90: {  	_ =	swait.ge @!p0 [sflag:s0], s1  }
0x91: {  	s1 =	ssub.s32 @!p0 $0x0, s1;
	[sflag:s0] =	ssyncset.done @!p0 $0x0  }
0x92: {  	[sflag:s0] =	ssyncadd.s32 @!p0 s1  }
0x93: {  	[bflag:$0x3] =	sbarrier.arrive $0xFFFF  }
0x94: {  	_ =	shalt  }

// kernel: kernel.20.cloned.1.call-start
scs
__scs_entry_jumppad:
0x0: {  	(pc) =	sbr.rel $0x88, $3  }
0x1: {  	(tag) =	ssettag $0x0;
	lr =	simm.s32 $0x1  }
0x2: {  	[smem:$0x3F95] =	sst lr;
	_ =	strace $0xD0000000  }
0x3: {  	_ = 	snop  }
0x4: {  	_ = 	snop  }
0x5: {  	_ = 	snop  }
0x6: {  	_ = 	snop  }
0x7: {  	_ = 	snop  }
__scs_overlays_trampoline_lowered:
0x8: {  	[smem:$0x3FA4] =	sst s0  }
0x9: {  	[smem:$0x3FA5] =	sst s1  }
0xa: {  	[smem:$0x3FA6] =	sst s2  }
0xb: {  	[smem:$0x3FA7] =	sst s3  }
0xc: {  	[smem:$0x3FA8] =	sst s4  }
0xd: {  	[smem:$0x3FA9] =	sst s5  }
0xe: {  	[smem:$0x3FAA] =	sst s6  }
0xf: {  	[smem:$0x3FAB] =	sst s7  }
0x10: {  	[smem:$0x3FAC] =	sst s8  }
0x11: {  	[smem:$0x3FAD] =	sst s9;
	s0 =	simm.s32 @!p0 $0x0  }
0x12: {  	s1 =	sld [smem:$0x3F93];
	s0 =	simm.s32 @p0 $0x1  }
0x13: {  	[smem:$0x3FAE] =	sst s0;
	s0 =	simm.s32 @!p1 $0x0  }
0x14: {  	s2 =	sld [smem:$0x3F92];
	s0 =	simm.s32 @p1 $0x1  }
0x15: {  	[smem:$0x3FAF] =	sst s0;
	s0 =	simm.s32 @!p2 $0x0  }
0x16: {  	s3 =	sld [smem:$0x3FDB];
	s0 =	simm.s32 @p2 $0x1  }
0x17: {  	s4 =	simm.s32 $0x1BF5;
	[smem:$0x3FB1] =	sst s0  }
0x18: {  	s0 =	sld [smem:$0x3F94];
	_ =	swait.ge [sflag:s4], $0x0  }
0x19: {  	s7 =	sld [smem:$0x3F95]  }
0x1a: {  	s8 =	sadd.s32 $0xFFFFE003, lr  }
0x1b: {  	s9 =	sadd.s32 $0xFFFFFEF7, lr;
	s5 =	simm.s32 $0xFFFFFFFF;
	p2 =	slt.u32 s8, $0xFFFFF086  }
0x1c: {  	p1 =	slt.u32 s9, $0xF7A;
	s5 =	simm.s32 @!p2 $0x0  }
0x1d: {  	s5 =	simm.s32 @p1 $0x1;
	p0 =	seq.s32 s7, s2  }
0x1e: {  	s7 =	smul.u32 @!p0 $0xF7A, s2;
	p2 =	seq.s32 @!p0 s5, $0x0  }
0x1f: {  	s9 =	smul.u32 $0xF7A, s1;
	s8 =	simm.s32 @!p0 $0x1BF5;
	p2 =	por !p2, p0  }
0x20: {  	[sflag:s8] =	ssyncset.s32 @!p0 $0xFFFFF086;
	s6 =	sadd.s32 @!p0 s3, s7;
	s7 =	simm.s32 @!p0 $0x108  }
0x21: {  	s3 =	sadd.s32 s3, s9;
	s6 =	sadd.s32 @!p0 $0x88, s6;
	s7 =	simm.s32 @p2 $0x1082  }
0x22: {  	[simem:s7], [sflag:s8] =	dma.local @!p0 [hbm:s6], $0xF7A  }
0x23: {  	s9 =	sor.u32 $0xD0000000, s2;
	s6 =	simm.s32 $0x108;
	_ =	swait.ge @!p0 [sflag:s8], $0x0  }
0x24: {  	s3 =	sadd.s32 $0x88, s3;
	s6 =	simm.s32 @!p1 $0x1082;
	[sflag:s4] =	ssyncset.s32 $0xFFFFF086  }
0x25: {  	[simem:s6], [sflag:s4] =	dma.local [hbm:s3], $0xF7A  }
0x26: {  	[smem:$0x3F95] =	sst s1;
	(tag) =	ssettag s2;
	_ =	strace s9  }
0x27: {  	s1 =	sld [smem:$0x3FA5]  }
0x28: {  	s2 =	sld [smem:$0x3FA6]  }
0x29: {  	s4 =	sld [smem:$0x3FA8]  }
0x2a: {  	p0 =	seq.s32 s5, $0x0;
	s5 =	sld [smem:$0x3FA9]  }
0x2b: {  	s6 =	sld [smem:$0x3FAA]  }
0x2c: {  	s7 =	sld [smem:$0x3FAB]  }
0x2d: {  	s3 =	simm.s32 $0x108;
	s8 =	sld [smem:$0x3FAC]  }
0x2e: {  	s3 =	simm.s32 @!p0 $0x1082;
	s9 =	sld [smem:$0x3FAD]  }
0x2f: {  	lr =	sadd.s32 s0, s3;
	s0 =	sld [smem:$0x3FA4]  }
0x30: {  	s3 =	sld [smem:$0x3FA7]  }
0x31: {  	[smem:$0x3FB0] =	sst s10  }
0x32: {  	s10 =	sld [smem:$0x3FAE];
	_ =	sdelay $0x3  }
0x33: {  	p0 =	seq.s32 s10, $0x1;
	s10 =	sld [smem:$0x3FB0];
	_ =	sdelay $0x3  }
0x34: {  	[smem:$0x3FB0] =	sst s10  }
0x35: {  	s10 =	sld [smem:$0x3FAF];
	_ =	sdelay $0x3  }
0x36: {  	p1 =	seq.s32 s10, $0x1;
	s10 =	sld [smem:$0x3FB0];
	_ =	sdelay $0x3  }
0x37: {  	[smem:$0x3FB0] =	sst s10  }
0x38: {  	s10 =	sld [smem:$0x3FB1]  }
0x39: {  	_ = 	snop;
	(pc) =	sbr.ind lr, $3  }
0x3a: {  	_ = 	snop  }
0x3b: {  	_ = 	snop  }
0x3c: {  	p2 =	seq.s32 s10, $0x1;
	s10 =	sld [smem:$0x3FB0]  }
0x3d: {  	_ =	shalt  }
0x3e: {  	_ =	shalt  }
0x3f: {  	_ =	shalt  }
0x40: {  	_ =	shalt  }
0x41: {  	_ =	shalt  }
0x42: {  	_ =	shalt  }
0x43: {  	_ =	shalt  }
0x44: {  	_ =	shalt  }
0x45: {  	_ =	shalt  }
0x46: {  	_ =	shalt  }
0x47: {  	_ =	shalt  }
0x48: {  	_ =	shalt  }
0x49: {  	_ =	shalt  }
0x4a: {  	_ =	shalt  }
0x4b: {  	_ =	shalt  }
0x4c: {  	_ =	shalt  }
0x4d: {  	_ =	shalt  }
0x4e: {  	_ =	shalt  }
0x4f: {  	_ =	shalt  }
0x50: {  	_ =	shalt  }
0x51: {  	_ =	shalt  }
0x52: {  	_ =	shalt  }
0x53: {  	_ =	shalt  }
0x54: {  	_ =	shalt  }
0x55: {  	_ =	shalt  }
0x56: {  	_ =	shalt  }
0x57: {  	_ =	shalt  }
0x58: {  	_ =	shalt  }
0x59: {  	_ =	shalt  }
0x5a: {  	_ =	shalt  }
0x5b: {  	_ =	shalt  }
0x5c: {  	_ =	shalt  }
0x5d: {  	_ =	shalt  }
0x5e: {  	_ =	shalt  }
0x5f: {  	_ =	shalt  }
0x60: {  	_ =	shalt  }
0x61: {  	_ =	shalt  }
0x62: {  	_ =	shalt  }
0x63: {  	_ =	shalt  }
0x64: {  	_ =	shalt  }
0x65: {  	_ =	shalt  }
0x66: {  	_ =	shalt  }
0x67: {  	_ =	shalt  }
0x68: {  	_ =	shalt  }
0x69: {  	_ =	shalt  }
0x6a: {  	_ =	shalt  }
0x6b: {  	_ =	shalt  }
0x6c: {  	_ =	shalt  }
0x6d: {  	_ =	shalt  }
0x6e: {  	_ =	shalt  }
0x6f: {  	_ =	shalt  }
0x70: {  	_ =	shalt  }
0x71: {  	_ =	shalt  }
0x72: {  	_ =	shalt  }
0x73: {  	_ =	shalt  }
0x74: {  	_ =	shalt  }
0x75: {  	_ =	shalt  }
0x76: {  	_ =	shalt  }
0x77: {  	_ =	shalt  }
0x78: {  	_ =	shalt  }
0x79: {  	_ =	shalt  }
0x7a: {  	_ =	shalt  }
0x7b: {  	_ =	shalt  }
0x7c: {  	_ =	shalt  }
0x7d: {  	_ =	shalt  }
0x7e: {  	_ =	shalt  }
0x7f: {  	_ =	shalt  }
0x80: {  	_ =	shalt  }
0x81: {  	_ =	shalt  }
0x82: {  	_ =	shalt  }
0x83: {  	_ =	shalt  }
0x84: {  	_ =	shalt  }
0x85: {  	_ =	shalt  }
0x86: {  	_ =	shalt  }
0x87: {  	_ =	shalt  }
.Lfunc_end0:
.L_simem_size_0:
called_computation.3_lowered:
.L_overlay_start_0:
0x88: {  	s2 =	sld [smem:$0x3FD9]  }
0x89: {  	s3 =	sld [smem:$0x3FFE];
	_ =	sdelay $0x1  }
0x8a: {  	s1 =	srdreg.scid  }
0x8b: {  	s0 =	sand.u32 $0x1, s1  }
0x8c: {  	s17 =	sshll.u32 s0, $0xA;
	s2 =	sadd.s32 s3, s2  }
0x8d: {  	s2 =	sadd.s32 s2, s17  }
0x8e: {  	[smem:$0x3FBC] =	sst s2  }
0x8f: {  	_ = 	snop  }
0x90: {  	s2 =	sld [smem:$0x3FD0];
	(tm) =	ssettm $0x1  }
0x91: {  	s18 =	sld [smem:$0x3FFB];
	_ =	sdelay $0x3  }
0x92: {  	_ =	strace s18  }
0x93: {  	s3 =	sld [smem:$0x3FFC];
	_ =	sdelay $0x3  }
0x94: {  	_ =	strace s3  }
0x95: {  	s3 =	sld [smem:$0x3FFD];
	_ =	sdelay $0x3  }
0x96: {  	_ =	strace s3  }
0x97: {  	_ =	strace $0x8FFFFFFF  }
0x98: {  	s19 =	sld [smem:$0x3FDB];
	_ =	sdelay $0x1  }
0x99: {  	s4 =	simm.s32 $_scs_section_size  }
0x9a: {  	s5 =	simm.s32 $_size__tile_overlayer_lowered;
	s6 =	simm.s32 $_tile_overlayer_lowered  }
0x9b: {  	s22 =	simm.s32 $0x1BFF;
	s21 =	sshll.u32 s6, $0x1;
	s3 =	sadd.s32 s4, s19  }
0x9c: {  	s7 =	simm.s32 $0x0;
	s20 =	sshll.u32 s5, $0x1;
	s5 =	sadd.s32 s21, s3  }
0x9d: {  	[timem:s7], [sflag:s22] =	dma.local [hbm:s5], s20  }
0x9e: {  	_ =	swait.ge [sflag:s22], s20  }
0x9f: {  	s4 =	ssub.s32 $0x0, s20;
	[sflag:s22] =	ssyncset.done $0x0  }
0xa0: {  	[sflag:s22] =	ssyncadd.s32 s4;
	_ =	sdelay $0x1  }
0xa1: {  	s23 =	simm.s32 $0x1B8B  }
0xa2: {  	_ =	swait.ge [sflag:s23], $0x1  }
0xa3: {  	[sflag:s23] =	ssyncset.done $0x0  }
0xa4: {  	s25 =	simm.s32 $0x1B8E;
	s24 =	sld [smem:$0x3FFE];
	[sflag:s23] =	ssyncadd.s32 $0xFFFFFFFF  }
0xa5: {  	s26 =	simm.s32 $execute0_lowered;
	[smem:$0x3FD2] =	sst s25  }
0xa6: {  	s5 =	sshll.u32 s26, $0x1;
	_ =	strace $0x80000046;
	[dreg:$0x1] =	wrdreg $0xFFFFFFFF  }
0xa7: {  	s28 =	simm.s32 $_size_execute0_lowered;
	s3 =	sadd.s32 s3, s5;
	[dreg:$0x0] =	wrdreg $0x0  }
0xa8: {  	s5 =	sshll.u32 s28, $0x1;
	[dreg:$0x2] =	wrdreg s3  }
0xa9: {  	[dreg:$0x3] =	wrdreg s5  }
0xaa: {  	[dreg:$0x4] =	wrdreg $0xC0  }
0xab: {  	_ =	task [dreg:s7], $0x5FFFF  }
0xac: {  	[dreg:$0x1] =	wrdreg $0xFFFFFFFF  }
0xad: {  	[dreg:$0x0] =	wrdreg $0x60  }
0xae: {  	[dreg:$0x2] =	wrdreg s2  }
0xaf: {  	[dreg:$0x3] =	wrdreg s24  }
0xb0: {  	[dreg:$0x4] =	wrdreg $0xC  }
0xb1: {  	_ =	task.clear_ibuf [dreg:s7], $0x5FFFF;
	_ =	strace $0x90000046  }
0xb2: {  	s29 =	simm.s32 $0xC;
	_ =	strace $0x80000048  }
0xb3: {  	_ =	swait.ge [sflag:s29], $0x1  }
0xb4: {  	[sflag:s29] =	ssyncadd.s32 $0xFFFFFFFF  }
0xb5: {  	_ =	strace $0x90000048  }
0xb6: {  	_ =	sfence  }
0xb7: {  	s30 =	sld [smem:$0x0];
	_ =	sdelay $0x2  }
0xb8: {  	s31 =	sshll.u32 s1, $0xD;
	s1 =	sshrl.u32 s1, $0x2  }
0xb9: {  	s3 =	sand.u32 $0x4000, s31;
	s1 =	sadd.s32 s1, s30  }
0xba: {  	s0 =	sor.u32 s3, s0;
	s1 =	sshll.u32 s1, $0x11  }
0xbb: {  	s0 =	sor.u32 s1, s0  }
0xbc: {  	s0 =	sadd.s32 $0x8F2B, s0  }
0xbd: {  	[sflag:s0] =	ssyncadd.remote.s32 $0x1  }
0xbe: {  	_ =	sfence.sel $0xFFFF  }
0xbf: {  	[dreg:$0x0] =	wrdreg $0xFFFFFFFF;
	(pc) =	sbr.abs _section_cstart, $3  }
0xc0: {  	[dreg:$0x1] =	wrdreg $0xFFFFFFFF  }
0xc1: {  	_ =	task.clear_ibuf [dreg:s7], $0x2FFFF;
	_ =	strace $0x9FFFFFFF  }
0xc2: {  	(tm) =	ssettm $0x7FFFFFFF  }
0xc3: {  	_ =	shalt  }
tec
execute0_lowered:
.L_overlay_start_1:
0x0: {  	(tag) =	ssettag $0x1  }
0x1: {  	s0 =	srdreg.scid;
	s2 =	rddreg [dreg:$0x0]  }
0x2: {  	s8 =	stileid.u32;
	s4 =	rddreg [dreg:$0x1]  }
0x3: {  	s3 =	simm.s32 $0x0;
	s13 =	simm.s32 $0x40;
	s18 =	simm.s32 $0x5400  }
0x4: {  	s20 =	simm.s32 $0x7400;
	s21 =	simm.s32 $0x1;
	s22 =	simm.s32 $0x9400  }
0x5: {  	s23 =	simm.s32 $0x2;
	s28 =	simm.s32 $0x4;
	s29 =	simm.s32 $0xF400  }
0x6: {  	s30 =	simm.s32 $0x5;
	s31 =	simm.s32 $0x6;
	s5 =	smul.u32 $0x50, s8  }
0x7: {  	s12 =	simm.s32 $0x0;
	s0 =	sand.u32 $0x1, s0;
	s25 =	smul.u32 $0x14000, s8  }
0x8: {  	s1 =	sshll.u32 s8, $0x1;
	[smem:$0x7FF] =	sst s3;
	s6 =	smul.u32 $0x28, s0  }
0x9: {  	s1 =	sor.u32 s0, s1;
	s24 =	ssub.s32 $0x2, s0;
	s0 =	smul.u32 $0xA000, s0  }
0xa: {  	_ =	strace $0x80000047;
	s1 =	smul.u32 $0x280, s1;
	s7 =	sshrl.u32 s24, $0x1  }
0xb: {  	s5 =	sadd.s32 s6, s5;
	s11 =	sadd.s32 s0, s25;
	s25 =	simm.s32 $0x3  }
0xc: {  	s0 =	simm.s32 $0x8;
	s1 =	sadd.s32 s1, s4;
	s4 =	sadd.s32 $0x3B600, s4  }
.Ltmp0:
0xd: {  	s5 =	sshll.u32 s5, $0xA;
	[dreg:$0x3] =	wrdreg s4;
	(pc) =	sbr.rel .LBB2_1-.Ltmp0, $4  }
0xe: {  	s4 =	ssub.s32 s24, s7;
	s1 =	sadd.s32 $0x4600, s1;
	s8 =	sor.u32 $0x800, s5  }
0xf: {  	s9 =	sor.u32 $0x1800, s5;
	s10 =	sor.u32 $0x1000, s5;
	s24 =	simm.s32 $0xB400  }
0x10: {  	[dreg:$0x4] =	wrdreg s1;
	s26 =	smax.u32 s4, $0x1;
	s1 =	simm.s32 $0x7  }
0x11: {  	s4 =	simm.s32 $0xC;
	[dreg:$0x5] =	wrdreg s26;
	s26 =	simm.s32 $0xD400  }
.LBB2_4:
0x12: {  	s6 =	simm.s32 $0x9  }
0x13: {  	_ =	swait.ge [sflag:s6], $0x2000  }
0x14: {  	[sflag:s6] =	ssyncset.done $0x0  }
0x15: {  	s12 =	simm.s32 $0xA;
	[sflag:s6] =	ssyncadd.s32 $0xFFFFE000  }
0x16: {  	_ =	swait.ge [sflag:s12], $0x2000  }
0x17: {  	[sflag:s12] =	ssyncset.done $0x0  }
0x18: {  	s14 =	simm.s32 $0xB;
	[sflag:s12] =	ssyncadd.s32 $0xFFFFE000  }
0x19: {  	_ =	swait.ge [sflag:s14], $0x2000  }
0x1a: {  	[sflag:s14] =	ssyncset.done $0x0  }
0x1b: {  	[sflag:s14] =	ssyncadd.s32 $0xFFFFE000  }
0x1c: {  	_ =	swait.ge [sflag:s4], $0x2000  }
0x1d: {  	[sflag:s4] =	ssyncset.done $0x0  }
0x1e: {  	s15 =	simm.s32 $0xD;
	[sflag:s4] =	ssyncadd.s32 $0xFFFFE000  }
0x1f: {  	_ =	swait.ge [sflag:s15], $0x2000  }
0x20: {  	[sflag:s15] =	ssyncset.done $0x0  }
0x21: {  	s16 =	simm.s32 $0xE;
	[sflag:s15] =	ssyncadd.s32 $0xFFFFE000  }
0x22: {  	_ =	swait.ge [sflag:s16], $0x2000  }
0x23: {  	[sflag:s16] =	ssyncset.done $0x0  }
0x24: {  	s17 =	simm.s32 $0xF;
	[sflag:s16] =	ssyncadd.s32 $0xFFFFE000  }
0x25: {  	_ =	swait.ge [sflag:s17], $0x2000  }
0x26: {  	[sflag:s17] =	ssyncset.done $0x0  }
0x27: {  	s7 =	simm.s32 $0x10;
	[sflag:s17] =	ssyncadd.s32 $0xFFFFE000  }
0x28: {  	_ =	swait.ge [sflag:s7], $0x2000  }
0x29: {  	s12 =	rddreg [dreg:$0x6]  }
0x2a: {  	s19 =	rddreg [dreg:$0x5];
	s12 =	sadd.s32 $0x1, s12  }
0x2b: {  	p0 =	sne.s32 s12, s19  }
.Ltmp1:
0x2c: {  	_ = 	snop;
	(pc) =	sbr.rel @!p0 .LBB2_5-.Ltmp1, $3  }
0x2d: {  	_ =	sdelay $0x1  }
0x2e: {  	[sflag:s7] =	ssyncset.done $0x0  }
0x2f: {  	[sflag:s7] =	ssyncadd.s32 $0xFFFFE000  }
.LBB2_1:
0x30: {  	[dreg:$0x6] =	wrdreg s12  }
0x31: {  	s6 =	rddreg [dreg:$0x4];
	s14 =	simm.s32 $0x11  }
0x32: {  	[tilespmem:s3], [sflag:$0x11] =	stream.linear.gather [hbm4b:s6+s3], $0x1400, $0x38;
	[tilespmem:$0x11400] =	vst v63  }
0x33: {  	_ =	swait.ge [sflag:s14], $0x1400  }
0x34: {  	[sflag:s14] =	ssyncset.done $0x0  }
0x35: {  	s15 =	simm.s32 $0x1400;
	[sflag:s14] =	ssyncadd.s32 $0xFFFFEC00  }
0x36: {  	[tilespmem:s15], [sflag:$0x1] =	stream.indirect.gather [hbm4b:s2+s13], $0x80, s3, s13, $0xb8;
	[tilespmem:$0x11400] =	vst v63  }
0x37: {  	s16 =	simm.s32 $0x80;
	s7 =	simm.s32 $0x3400  }
0x38: {  	[tilespmem:s7], [sflag:$0x2] =	stream.indirect.gather [hbm4b:s2+s13], $0x80, s16, s13, $0xb8;
	[tilespmem:$0x11400] =	vst v63  }
0x39: {  	s17 =	simm.s32 $0x100  }
0x3a: {  	[tilespmem:s18], [sflag:$0x3] =	stream.indirect.gather [hbm4b:s2+s13], $0x80, s17, s13, $0xb8;
	[tilespmem:$0x11400] =	vst v63  }
0x3b: {  	s19 =	simm.s32 $0x180  }
0x3c: {  	[tilespmem:s20], [sflag:$0x4] =	stream.indirect.gather [hbm4b:s2+s13], $0x80, s19, s13, $0xb8;
	[tilespmem:$0x11400] =	vst v63  }
0x3d: {  	s6 =	simm.s32 $0x0;
	s19 =	rddreg [dreg:$0x3]  }
.LBB2_2:
0x3e: {  	_ =	swait.ge [sflag:s21], $0x2000  }
0x3f: {  	s7 =	sadd.s32 s19, s11;
	[sflag:s21] =	ssyncset.done $0x0  }
0x40: {  	s12 =	simm.s32 $0x1400;
	p0 =	seq.s32 s6, $0x0;
	[sflag:s21] =	ssyncadd.s32 $0xFFFFE000  }
0x41: {  	[hbm4b:s7+s3] =	stream.linear.scatter [tilespmem:s12], [sflag:$0x9], $0x2000, $0x38;
	[tilespmem:$0x11400] =	vst v63  }
0x42: {  	s12 =	simm.s32 @!p0 $0xD  }
0x43: {  	_ =	swait.ge @!p0 [sflag:s12], $0x2000  }
0x44: {  	s7 =	sshra.s32 s6, $0x2;
	[sflag:s12] =	ssyncset.done @!p0 $0x0  }
0x45: {  	s16 =	sadd.s32 $0x200, s7;
	[sflag:s12] =	ssyncadd.s32 @!p0 $0xFFFFE000  }
0x46: {  	[tilespmem:s22], [sflag:$0x5] =	stream.indirect.gather [hbm4b:s2+s13], $0x80, s16, s13, $0xb8;
	[tilespmem:$0x11400] =	vst v63  }
0x47: {  	_ =	swait.ge [sflag:s23], $0x2000  }
0x48: {  	s12 =	sadd.s32 s19, s5;
	[sflag:s23] =	ssyncset.done $0x0  }
0x49: {  	s14 =	simm.s32 $0x3400;
	s15 =	sadd.s32 $0x400, s12;
	[sflag:s23] =	ssyncadd.s32 $0xFFFFE000  }
0x4a: {  	[hbm4b:s15+s3] =	stream.linear.scatter [tilespmem:s14], [sflag:$0xA], $0x2000, $0x38;
	[tilespmem:$0x11400] =	vst v63  }
0x4b: {  	s15 =	simm.s32 @!p0 $0xE  }
0x4c: {  	_ =	swait.ge @!p0 [sflag:s15], $0x2000  }
0x4d: {  	[sflag:s15] =	ssyncset.done @!p0 $0x0  }
0x4e: {  	s17 =	sadd.s32 $0x280, s7;
	[sflag:s15] =	ssyncadd.s32 @!p0 $0xFFFFE000  }
0x4f: {  	[tilespmem:s24], [sflag:$0x6] =	stream.indirect.gather [hbm4b:s2+s13], $0x80, s17, s13, $0xb8;
	[tilespmem:$0x11400] =	vst v63  }
0x50: {  	_ =	swait.ge [sflag:s25], $0x2000  }
0x51: {  	[sflag:s25] =	ssyncset.done $0x0  }
0x52: {  	s14 =	sadd.s32 s19, s8;
	s15 =	simm.s32 @!p0 $0xF;
	[sflag:s25] =	ssyncadd.s32 $0xFFFFE000  }
0x53: {  	[hbm4b:s14+s3] =	stream.linear.scatter [tilespmem:s18], [sflag:$0xB], $0x2000, $0x38;
	[tilespmem:$0x11400] =	vst v63  }
0x54: {  	_ =	swait.ge @!p0 [sflag:s15], $0x2000  }
0x55: {  	[sflag:s15] =	ssyncset.done @!p0 $0x0  }
0x56: {  	s16 =	sadd.s32 $0x300, s7;
	[sflag:s15] =	ssyncadd.s32 @!p0 $0xFFFFE000  }
0x57: {  	[tilespmem:s26], [sflag:$0x7] =	stream.indirect.gather [hbm4b:s2+s13], $0x80, s16, s13, $0xb8;
	[tilespmem:$0x11400] =	vst v63  }
0x58: {  	_ =	swait.ge [sflag:s28], $0x2000  }
0x59: {  	[sflag:s28] =	ssyncset.done $0x0  }
0x5a: {  	s17 =	sadd.s32 $0xC00, s12;
	s15 =	simm.s32 @!p0 $0x10;
	[sflag:s28] =	ssyncadd.s32 $0xFFFFE000  }
0x5b: {  	[hbm4b:s17+s3] =	stream.linear.scatter [tilespmem:s20], [sflag:$0xC], $0x2000, $0x38;
	[tilespmem:$0x11400] =	vst v63  }
0x5c: {  	_ =	swait.ge @!p0 [sflag:s15], $0x2000  }
0x5d: {  	[sflag:s15] =	ssyncset.done @!p0 $0x0  }
0x5e: {  	s14 =	sadd.s32 $0x380, s7;
	[sflag:s15] =	ssyncadd.s32 @!p0 $0xFFFFE000  }
0x5f: {  	[tilespmem:s29], [sflag:$0x8] =	stream.indirect.gather [hbm4b:s2+s13], $0x80, s14, s13, $0xb8;
	[tilespmem:$0x11400] =	vst v63  }
0x60: {  	_ =	swait.ge [sflag:s30], $0x2000  }
0x61: {  	p0 =	seq.s32 s6, $0x4000;
	[sflag:s30] =	ssyncset.done $0x0  }
0x62: {  	s16 =	sadd.s32 s19, s10;
	s15 =	simm.s32 @!p0 $0x9;
	[sflag:s30] =	ssyncadd.s32 $0xFFFFE000  }
0x63: {  	[hbm4b:s16+s3] =	stream.linear.scatter [tilespmem:s22], [sflag:$0xD], $0x2000, $0x38;
	[tilespmem:$0x11400] =	vst v63  }
0x64: {  	_ =	swait.ge @!p0 [sflag:s15], $0x2000  }
0x65: {  	[sflag:s15] =	ssyncset.done @!p0 $0x0  }
0x66: {  	[sflag:s15] =	ssyncadd.s32 @!p0 $0xFFFFE000;
	s15 =	sshra.s32 @!p0 s6, $0x2  }
0x67: {  	s14 =	simm.s32 @!p0 $0x40;
	s16 =	simm.s32 @!p0 $0x1400;
	s17 =	sadd.s32 @!p0 $0x400, s15  }
0x68: {  	[tilespmem:s16], [sflag:$0x1] =	stream.indirect.gather @!p0 [hbm4b:s2+s14], $0x80, s17, s14, $0xb8;
	[tilespmem:$0x11400] =	vst v63  }
0x69: {  	_ =	swait.ge [sflag:s31], $0x2000  }
0x6a: {  	[sflag:s31] =	ssyncset.done $0x0  }
0x6b: {  	s17 =	sadd.s32 $0x1400, s12;
	s16 =	simm.s32 @!p0 $0xA;
	[sflag:s31] =	ssyncadd.s32 $0xFFFFE000  }
0x6c: {  	[hbm4b:s17+s3] =	stream.linear.scatter [tilespmem:s24], [sflag:$0xE], $0x2000, $0x38;
	[tilespmem:$0x11400] =	vst v63  }
0x6d: {  	_ =	swait.ge @!p0 [sflag:s16], $0x2000  }
0x6e: {  	[sflag:s16] =	ssyncset.done @!p0 $0x0  }
0x6f: {  	s17 =	simm.s32 @!p0 $0x3400;
	[sflag:s16] =	ssyncadd.s32 @!p0 $0xFFFFE000;
	s16 =	sadd.s32 @!p0 $0x480, s15  }
0x70: {  	[tilespmem:s17], [sflag:$0x2] =	stream.indirect.gather @!p0 [hbm4b:s2+s14], $0x80, s16, s14, $0xb8;
	[tilespmem:$0x11400] =	vst v63  }
0x71: {  	_ =	swait.ge [sflag:s1], $0x2000  }
0x72: {  	[sflag:s1] =	ssyncset.done $0x0  }
0x73: {  	s17 =	sadd.s32 s19, s9;
	s16 =	simm.s32 @!p0 $0xB;
	[sflag:s1] =	ssyncadd.s32 $0xFFFFE000  }
0x74: {  	[hbm4b:s17+s3] =	stream.linear.scatter [tilespmem:s26], [sflag:$0xF], $0x2000, $0x38;
	[tilespmem:$0x11400] =	vst v63  }
0x75: {  	_ =	swait.ge @!p0 [sflag:s16], $0x2000  }
0x76: {  	[sflag:s16] =	ssyncset.done @!p0 $0x0  }
0x77: {  	s15 =	sadd.s32 @!p0 $0x500, s15;
	[sflag:s16] =	ssyncadd.s32 @!p0 $0xFFFFE000;
	s16 =	simm.s32 @!p0 $0x5400  }
0x78: {  	[tilespmem:s16], [sflag:$0x3] =	stream.indirect.gather @!p0 [hbm4b:s2+s14], $0x80, s15, s14, $0xb8;
	[tilespmem:$0x11400] =	vst v63  }
.Ltmp2:
0x79: {  	_ = 	snop;
	(pc) =	sbr.rel @p0 .LBB2_4-.Ltmp2, $4  }
0x7a: {  	_ =	swait.ge [sflag:s0], $0x2000  }
0x7b: {  	[sflag:s0] =	ssyncset.done $0x0  }
0x7c: {  	s12 =	sadd.s32 $0x1C00, s12;
	[sflag:s0] =	ssyncadd.s32 $0xFFFFE000  }
0x7d: {  	[hbm4b:s12+s3] =	stream.linear.scatter [tilespmem:s29], [sflag:$0x10], $0x2000, $0x38;
	[tilespmem:$0x11400] =	vst v63  }
.Ltmp3:
0x7e: {  	(pc) =	sbr.rel .LBB2_2-.Ltmp3, $4  }
0x7f: {  	_ =	swait.ge [sflag:s4], $0x2000  }
0x80: {  	s7 =	sadd.s32 $0x580, s7;
	[sflag:s4] =	ssyncset.done $0x0  }
0x81: {  	s6 =	sadd.s32 $0x1000, s6;
	s19 =	sadd.s32 $0x2000, s19;
	[sflag:s4] =	ssyncadd.s32 $0xFFFFE000  }
0x82: {  	[tilespmem:s20], [sflag:$0x4] =	stream.indirect.gather [hbm4b:s2+s13], $0x80, s7, s13, $0xb8;
	[tilespmem:$0x11400] =	vst v63  }
.LBB2_5:
0x83: {  	_ =	sfence.sel $0x180000  }
0x84: {  	[bflag:$0x0] =	sbarrier.arrive $0xFFFF  }
0x85: {  	_ =	strace $0x90000047  }
0x86: {  	s0 =	stileid.u32;
	[bflag:$0x2] =	sbarrier.arrive $0xFFFF  }
0x87: {  	p0 =	sne.s32 s0, $0x0;
	s0 =	rddreg [dreg:$0x2]  }
0x88: {  	s0 =	sadd.s32 @!p0 $0x100000, s0  }
0x89: {  	[sflag:s0] =	ssyncadd.tile.s32 @!p0 $0x1;
	_ =	shalt  }
.Lfunc_end2:
_tile_overlayer_lowered:
.L_overlay_start_2:
0x8a: {  	(tag) =	ssettag $0x2  }
0x8b: {  	s0 =	rddreg [dreg:$0x0];
	s2 =	stileid.u32  }
0x8c: {  	s1 =	rddreg [dreg:$0x1];
	p0 =	sne.s32 s2, $0x0  }
0x8d: {  	s3 =	rddreg [dreg:$0x2];
	[bflag:$0x3] =	sbarrier.arrive $0xFFFF;
	s2 =	simm.s32 @!p0 $0x1C11  }
0x8e: {  	[timem:s3], [sflag:s2] =	dma.local @!p0 [hbm:s0], s1  }
0x8f: {  	s0 =	simm.s32 @!p0 $0x11  }
0x90: {  	_ =	swait.ge @!p0 [sflag:s0], s1  }
0x91: {  	s1 =	ssub.s32 @!p0 $0x0, s1;
	[sflag:s0] =	ssyncset.done @!p0 $0x0  }
0x92: {  	[sflag:s0] =	ssyncadd.s32 @!p0 s1  }
0x93: {  	[bflag:$0x3] =	sbarrier.arrive $0xFFFF  }
0x94: {  	_ =	shalt  }

</sc_bundles>
